<compile_context>
chip_gen: v7x
topology: tpu7x:2x2x1
jax: 0.10.2.dev20260603
libtpu: 0.0.44.dev20260713+nightly
codegen_flags: <defaults>
</compile_context>

<pallas_src>
import functools

import jax
import jax.numpy as jnp
from jax import lax
from jax.experimental import pallas as pl
from jax.experimental.pallas import tpu as pltpu
from jax.experimental.pallas import tpu_sc as plsc

VOCAB = 100
EMB = 8
B = 16384
L = 200
TOK = B * L

NS = 16
HB = B // 2
ROWS_W = HB // NS
NB = 2
BLK = NB * L
NBLK = ROWS_W // NB
NPAIR = NBLK // 2
GRP = 16
GPB = BLK // GRP


def _fuse_table_body(emb_ref, w_ref, b_ref, out_ref):
    out_ref[...] = lax.dot_general(
        emb_ref[...], w_ref[...],
        dimension_numbers=(((1,), (1,)), ((), ())),
        preferred_element_type=jnp.float32) + b_ref[...]


def _fused_table(emb_table, W, b):
    return pl.pallas_call(
        _fuse_table_body,
        out_shape=jax.ShapeDtypeStruct((VOCAB, EMB), jnp.float32),
    )(emb_table, W, b.reshape(1, EMB))


_sc_mesh = plsc.VectorSubcoreMesh(
    core_axis_name="c", subcore_axis_name="s", num_cores=1)


@functools.partial(
    pl.kernel,
    out_type=jax.ShapeDtypeStruct((HB, L, EMB), jnp.float32),
    mesh=_sc_mesh,
    scratch_types=[
        pltpu.VMEM((VOCAB * EMB,), jnp.float32),
        pltpu.VMEM((BLK,), jnp.int32),
        pltpu.VMEM((BLK,), jnp.int32),
        pltpu.VMEM((NB, L, EMB), jnp.float32),
        pltpu.VMEM((NB, L, EMB), jnp.float32),
        pltpu.SemaphoreType.DMA,
        pltpu.SemaphoreType.DMA,
        pltpu.SemaphoreType.DMA,
        pltpu.SemaphoreType.DMA,
    ],
    compiler_params=pltpu.CompilerParams(needs_layout_passes=False),
)
def _gather_kernel(table_hbm, ids_hbm, out_hbm, table_v,
                   ids_a, ids_b, stg_a, stg_b, sem_a, sem_b, isem_a, isem_b):
    wid = lax.axis_index("s")
    row0 = wid * ROWS_W

    pltpu.sync_copy(table_hbm, table_v)

    iota = lax.iota(jnp.int32, GRP)
    cols = [jnp.full((GRP,), j, jnp.int32) for j in range(EMB)]
    bufs = ((ids_a, stg_a, sem_a, isem_a), (ids_b, stg_b, sem_b, isem_b))

    def ids_window(blk):
        return ids_hbm.at[pl.ds((row0 + blk * NB) * L, BLK)]

    def out_window(blk):
        return out_hbm.at[pl.ds(row0 + blk * NB, NB), :, :]

    def fill(ids_v, stg_v):
        def group(g, _):
            ids = ids_v[pl.ds(g * GRP, GRP)]
            flat = ids * EMB
            t = iota + g * GRP
            bl = jnp.where(t >= L, 1, 0).astype(jnp.int32)
            ll = t - bl * L
            for j in range(EMB):
                col = plsc.load_gather(table_v, [flat + j])
                plsc.store_scatter(stg_v, [bl, ll, cols[j]], col)
            return ()

        lax.fori_loop(0, GPB, group, (), unroll=5)

    for p, (ids_v, _, _, isem) in enumerate(bufs):
        pltpu.async_copy(ids_window(p), ids_v, isem)
    for p, (ids_v, stg_v, sem, isem) in enumerate(bufs):
        pltpu.make_async_copy(ids_window(p), ids_v, isem).wait()
        fill(ids_v, stg_v)
        pltpu.async_copy(stg_v, out_window(p), sem)
        pltpu.async_copy(ids_window(p + 2), ids_v, isem)

    def pair(i, _):
        for p, (ids_v, stg_v, sem, isem) in enumerate(bufs):
            blk = 2 * i + p
            pltpu.make_async_copy(ids_window(blk), ids_v, isem).wait()
            pltpu.make_async_copy(stg_v, out_window(blk), sem).wait()
            fill(ids_v, stg_v)
            pltpu.async_copy(stg_v, out_window(blk), sem)
            nxt = jnp.minimum(blk + 2, NBLK - 2 + p)
            pltpu.async_copy(ids_window(nxt), ids_v, isem)
        return ()

    lax.fori_loop(1, NPAIR, pair, ())

    for p, (ids_v, stg_v, sem, isem) in enumerate(bufs):
        pltpu.make_async_copy(stg_v, out_window(NBLK - 2 + p), sem).wait()
        pltpu.make_async_copy(ids_window(p), ids_v, isem).wait()


def kernel(input_ids, emb_table, W, b):
    table = _fused_table(emb_table, W, b).reshape(VOCAB * EMB)
    ids = input_ids.reshape(TOK).astype(jnp.int32)
    half = HB * L
    lo = _gather_kernel(table, ids[:half])
    hi = _gather_kernel(table, ids[half:])
    return jnp.concatenate([lo, hi], axis=0)

# --- scband reference (transcript-rebuilt; emitter-appended) ---
"""Pipeline reference for scband-mock-model-56135222558744 (READ-ONLY COPY).

The authoritative reference and input builder live on the scoring server;
editing this copy changes nothing except your own understanding.
"""

import jax, jax.numpy as jnp
import numpy as np

VOCAB = 100
EMB = 8

def setup_inputs(seed: int = 0) -> dict:
    key = jax.random.key(seed)
    k1, k2, k3, k4 = jax.random.split(key, 4)
    input_ids = jax.random.randint(k1, (16384, 200), 0, VOCAB, dtype=jnp.int64 if jax.config.read('jax_enable_x64') else jnp.int32)
    emb_table = jax.random.normal(k2, (VOCAB, EMB), dtype=jnp.float32)
    W = jax.random.normal(k3, (EMB, EMB), dtype=jnp.float32) * (1.0 / np.sqrt(EMB))
    b = jax.random.normal(k4, (EMB,), dtype=jnp.float32) * 0.01
    return {"input_ids": input_ids, "emb_table": emb_table, "W": W, "b": b}

def reference(input_ids, emb_table, W, b):
    # x = embedding(input_ids)
    x = jnp.take(emb_table, input_ids, axis=0)  # [B, L, EMB]
    # return linear(x) ; torch Linear computes x @ W.T + b
    out = jnp.einsum('ble,oe->blo', x, W) + b
    return out

if __name__ == "__main__":
    import jax
    _d = setup_inputs()
    print(jax.jit(kernel)(*tuple(_d.values())))

</pallas_src>

<mosaic_0001>
#map = affine_map<(d0, d1) -> (0)>
#map1 = affine_map<(d0, d1) -> (0, 0, 0)>
module attributes {stable_mosaic.version = 14 : i64} {
  func.func @_gather_kernel(%arg0: i32, %arg1: i32, %arg2: memref<800xf32, #tpu.memory_space<hbm>>, %arg3: memref<1638400xi32, #tpu.memory_space<hbm>>, %arg4: memref<8192x200x8xf32, #tpu.memory_space<hbm>>, %arg5: memref<800xf32, #tpu.memory_space<vmem>>, %arg6: memref<400xi32, #tpu.memory_space<vmem>>, %arg7: memref<400xi32, #tpu.memory_space<vmem>>, %arg8: memref<2x200x8xf32, #tpu.memory_space<vmem>>, %arg9: memref<2x200x8xf32, #tpu.memory_space<vmem>>, %arg10: memref<!tpu.dma_semaphore, #tpu.memory_space<semaphore_mem>>, %arg11: memref<!tpu.dma_semaphore, #tpu.memory_space<semaphore_mem>>, %arg12: memref<!tpu.dma_semaphore, #tpu.memory_space<semaphore_mem>>, %arg13: memref<!tpu.dma_semaphore, #tpu.memory_space<semaphore_mem>>) attributes {dimension_semantics = [#tpu.dimension_semantics<core_parallel>, #tpu.dimension_semantics<subcore_parallel>], iteration_bounds = array<i64: 1, 16>, scalar_prefetch = 0 : i64, scratch_operands = 9 : i64, tpu.core_type = #tpu.core_type<sc_vector_subcore>, window_params = [{transform_indices = #map}, {transform_indices = #map}, {transform_indices = #map1}]} {
    %mul3A = arith.constant 512 : i32
    %mul3A_0 = arith.muli %arg1, %mul3A : i32
    "tpu.region"() ({
      %run_scoped3A = tpu.sem_alloc : memref<!tpu.dma_semaphore, #tpu.memory_space<semaphore_mem>>
      tpu.enqueue_dma source(%arg2 : memref<800xf32, #tpu.memory_space<hbm>>) target(%arg5 : memref<800xf32, #tpu.memory_space<vmem>>) target_semaphore(%run_scoped3A : memref<!tpu.dma_semaphore, #tpu.memory_space<semaphore_mem>>)
      tpu.wait_dma2 semaphore(%run_scoped3A : memref<!tpu.dma_semaphore, #tpu.memory_space<semaphore_mem>>) src(%arg2 : memref<800xf32, #tpu.memory_space<hbm>>) dst(%arg5 : memref<800xf32, #tpu.memory_space<vmem>>)
      tpu.yield
    }) : () -> ()
    %iota3A = tpu.iota {dimensions = array<i32: 0>} : vector<16xi32>
    %broadcast_in_dim3A = arith.constant 0 : i32
    %broadcast_in_dim3A_1 = vector.broadcast %broadcast_in_dim3A : i32 to vector<16xi32>
    %broadcast_in_dim3A_2 = arith.constant 1 : i32
    %broadcast_in_dim3A_3 = vector.broadcast %broadcast_in_dim3A_2 : i32 to vector<16xi32>
    %broadcast_in_dim3A_4 = arith.constant 2 : i32
    %broadcast_in_dim3A_5 = vector.broadcast %broadcast_in_dim3A_4 : i32 to vector<16xi32>
    %broadcast_in_dim3A_6 = arith.constant 3 : i32
    %broadcast_in_dim3A_7 = vector.broadcast %broadcast_in_dim3A_6 : i32 to vector<16xi32>
    %broadcast_in_dim3A_8 = arith.constant 4 : i32
    %broadcast_in_dim3A_9 = vector.broadcast %broadcast_in_dim3A_8 : i32 to vector<16xi32>
    %broadcast_in_dim3A_10 = arith.constant 5 : i32
    %broadcast_in_dim3A_11 = vector.broadcast %broadcast_in_dim3A_10 : i32 to vector<16xi32>
    %broadcast_in_dim3A_12 = arith.constant 6 : i32
    %broadcast_in_dim3A_13 = vector.broadcast %broadcast_in_dim3A_12 : i32 to vector<16xi32>
    %broadcast_in_dim3A_14 = arith.constant 7 : i32
    %broadcast_in_dim3A_15 = vector.broadcast %broadcast_in_dim3A_14 : i32 to vector<16xi32>
    %add3A = arith.constant 0 : i32
    %add3A_16 = arith.addi %mul3A_0, %add3A : i32
    %mul3A_17 = arith.constant 200 : i32
    %mul3A_18 = arith.muli %add3A_16, %mul3A_17 : i32
    %dma_start3A = tpu.memref_slice %arg3[%mul3A_18] : memref<1638400xi32, #tpu.memory_space<hbm>> -> memref<400xi32, #tpu.memory_space<hbm>>
    %dma_start3A_19 = tpu.memref_slice %arg3[%mul3A_18] : memref<1638400xi32, #tpu.memory_space<hbm>> -> memref<400xi32, #tpu.memory_space<hbm>>
    tpu.enqueue_dma source(%dma_start3A_19 : memref<400xi32, #tpu.memory_space<hbm>>) target(%arg6 : memref<400xi32, #tpu.memory_space<vmem>>) target_semaphore(%arg12 : memref<!tpu.dma_semaphore, #tpu.memory_space<semaphore_mem>>)
    %add3A_20 = arith.constant 2 : i32
    %add3A_21 = arith.addi %mul3A_0, %add3A_20 : i32
    %mul3A_22 = arith.constant 200 : i32
    %mul3A_23 = arith.muli %add3A_21, %mul3A_22 : i32
    %dma_start3A_24 = tpu.memref_slice %arg3[%mul3A_23] : memref<1638400xi32, #tpu.memory_space<hbm>> -> memref<400xi32, #tpu.memory_space<hbm>>
    %dma_start3A_25 = tpu.memref_slice %arg3[%mul3A_23] : memref<1638400xi32, #tpu.memory_space<hbm>> -> memref<400xi32, #tpu.memory_space<hbm>>
    tpu.enqueue_dma source(%dma_start3A_25 : memref<400xi32, #tpu.memory_space<hbm>>) target(%arg7 : memref<400xi32, #tpu.memory_space<vmem>>) target_semaphore(%arg13 : memref<!tpu.dma_semaphore, #tpu.memory_space<semaphore_mem>>)
    %add3A_26 = arith.constant 0 : i32
    %add3A_27 = arith.addi %mul3A_0, %add3A_26 : i32
    %mul3A_28 = arith.constant 200 : i32
    %mul3A_29 = arith.muli %add3A_27, %mul3A_28 : i32
    %dma_wait3A = tpu.memref_slice %arg3[%mul3A_29] : memref<1638400xi32, #tpu.memory_space<hbm>> -> memref<400xi32, #tpu.memory_space<hbm>>
    %dma_wait3A_30 = tpu.memref_slice %arg3[%mul3A_29] : memref<1638400xi32, #tpu.memory_space<hbm>> -> memref<400xi32, #tpu.memory_space<hbm>>
    tpu.wait_dma2 semaphore(%arg12 : memref<!tpu.dma_semaphore, #tpu.memory_space<semaphore_mem>>) src(%dma_wait3A_30 : memref<400xi32, #tpu.memory_space<hbm>>) dst(%arg6 : memref<400xi32, #tpu.memory_space<vmem>>)
    %scan3A = arith.constant 0 : i32
    %scan3A_31 = arith.constant 25 : i32
    %scan3A_32 = arith.addi %scan3A, %scan3A_31 : i32
    %scan3A_33 = arith.constant 5 : i32
    scf.for %scan3A_107 = %scan3A to %scan3A_32 step %scan3A_33  : i32 {
      %mul3A_108 = arith.constant 16 : i32
      %mul3A_109 = arith.muli %scan3A_107, %mul3A_108 : i32
      %get3A = arith.index_cast %mul3A_109 : i32 to index
      %get3A_110 = tpu.vector_load %arg6[%get3A] {strides = array<i32>} : memref<400xi32, #tpu.memory_space<vmem>>, vector<16xi32>,
      %mul3A_111 = arith.constant 8 : i32
      %mul3A_112 = vector.broadcast %mul3A_111 : i32 to vector<16xi32>
      %mul3A_113 = arith.muli %get3A_110, %mul3A_112 : vector<16xi32>
      %mul3A_114 = arith.constant 16 : i32
      %mul3A_115 = arith.muli %scan3A_107, %mul3A_114 : i32
      %add3A_116 = vector.broadcast %mul3A_115 : i32 to vector<16xi32>
      %add3A_117 = arith.addi %iota3A, %add3A_116 : vector<16xi32>
      %ge3A = arith.constant 200 : i32
      %ge3A_118 = vector.broadcast %ge3A : i32 to vector<16xi32>
      %ge3A_119 = arith.cmpi sge, %add3A_117, %ge3A_118 : vector<16xi32>
      %jit3A = arith.constant 1 : i32
      %jit3A_120 = arith.constant 0 : i32
      %broadcast_in_dim3A_121 = vector.broadcast %jit3A : i32 to vector<16xi32>
      %broadcast_in_dim3A_122 = vector.broadcast %jit3A_120 : i32 to vector<16xi32>
      %select_n3A = arith.select %ge3A_119, %broadcast_in_dim3A_121, %broadcast_in_dim3A_122 : vector<16xi1>, vector<16xi32>
      %mul3A_123 = arith.constant 200 : i32
      %mul3A_124 = vector.broadcast %mul3A_123 : i32 to vector<16xi32>
      %mul3A_125 = arith.muli %select_n3A, %mul3A_124 : vector<16xi32>
      %sub3A = arith.subi %add3A_117, %mul3A_125 : vector<16xi32>
      %add3A_126 = arith.constant 0 : i32
      %add3A_127 = vector.broadcast %add3A_126 : i32 to vector<16xi32>
      %add3A_128 = arith.addi %mul3A_113, %add3A_127 : vector<16xi32>
      %gather3A = tpu.vector_load_idx %arg5[%add3A_128] : memref<800xf32, #tpu.memory_space<vmem>>[vector<16xi32>], vector<16xf32>,
      tpu.vector_store_idx %arg8[%select_n3A, %sub3A, %broadcast_in_dim3A_1], %gather3A : memref<2x200x8xf32, #tpu.memory_space<vmem>>[vector<16xi32>, vector<16xi32>, vector<16xi32>], vector<16xf32>,
      %add3A_129 = arith.constant 1 : i32
      %add3A_130 = vector.broadcast %add3A_129 : i32 to vector<16xi32>
      %add3A_131 = arith.addi %mul3A_113, %add3A_130 : vector<16xi32>
      %gather3A_132 = tpu.vector_load_idx %arg5[%add3A_131] : memref<800xf32, #tpu.memory_space<vmem>>[vector<16xi32>], vector<16xf32>,
      tpu.vector_store_idx %arg8[%select_n3A, %sub3A, %broadcast_in_dim3A_3], %gather3A_132 : memref<2x200x8xf32, #tpu.memory_space<vmem>>[vector<16xi32>, vector<16xi32>, vector<16xi32>], vector<16xf32>,
      %add3A_133 = arith.constant 2 : i32
      %add3A_134 = vector.broadcast %add3A_133 : i32 to vector<16xi32>
      %add3A_135 = arith.addi %mul3A_113, %add3A_134 : vector<16xi32>
      %gather3A_136 = tpu.vector_load_idx %arg5[%add3A_135] : memref<800xf32, #tpu.memory_space<vmem>>[vector<16xi32>], vector<16xf32>,
      tpu.vector_store_idx %arg8[%select_n3A, %sub3A, %broadcast_in_dim3A_5], %gather3A_136 : memref<2x200x8xf32, #tpu.memory_space<vmem>>[vector<16xi32>, vector<16xi32>, vector<16xi32>], vector<16xf32>,
      %add3A_137 = arith.constant 3 : i32
      %add3A_138 = vector.broadcast %add3A_137 : i32 to vector<16xi32>
      %add3A_139 = arith.addi %mul3A_113, %add3A_138 : vector<16xi32>
      %gather3A_140 = tpu.vector_load_idx %arg5[%add3A_139] : memref<800xf32, #tpu.memory_space<vmem>>[vector<16xi32>], vector<16xf32>,
      tpu.vector_store_idx %arg8[%select_n3A, %sub3A, %broadcast_in_dim3A_7], %gather3A_140 : memref<2x200x8xf32, #tpu.memory_space<vmem>>[vector<16xi32>, vector<16xi32>, vector<16xi32>], vector<16xf32>,
      %add3A_141 = arith.constant 4 : i32
      %add3A_142 = vector.broadcast %add3A_141 : i32 to vector<16xi32>
      %add3A_143 = arith.addi %mul3A_113, %add3A_142 : vector<16xi32>
      %gather3A_144 = tpu.vector_load_idx %arg5[%add3A_143] : memref<800xf32, #tpu.memory_space<vmem>>[vector<16xi32>], vector<16xf32>,
      tpu.vector_store_idx %arg8[%select_n3A, %sub3A, %broadcast_in_dim3A_9], %gather3A_144 : memref<2x200x8xf32, #tpu.memory_space<vmem>>[vector<16xi32>, vector<16xi32>, vector<16xi32>], vector<16xf32>,
      %add3A_145 = arith.constant 5 : i32
      %add3A_146 = vector.broadcast %add3A_145 : i32 to vector<16xi32>
      %add3A_147 = arith.addi %mul3A_113, %add3A_146 : vector<16xi32>
      %gather3A_148 = tpu.vector_load_idx %arg5[%add3A_147] : memref<800xf32, #tpu.memory_space<vmem>>[vector<16xi32>], vector<16xf32>,
      tpu.vector_store_idx %arg8[%select_n3A, %sub3A, %broadcast_in_dim3A_11], %gather3A_148 : memref<2x200x8xf32, #tpu.memory_space<vmem>>[vector<16xi32>, vector<16xi32>, vector<16xi32>], vector<16xf32>,
      %add3A_149 = arith.constant 6 : i32
      %add3A_150 = vector.broadcast %add3A_149 : i32 to vector<16xi32>
      %add3A_151 = arith.addi %mul3A_113, %add3A_150 : vector<16xi32>
      %gather3A_152 = tpu.vector_load_idx %arg5[%add3A_151] : memref<800xf32, #tpu.memory_space<vmem>>[vector<16xi32>], vector<16xf32>,
      tpu.vector_store_idx %arg8[%select_n3A, %sub3A, %broadcast_in_dim3A_13], %gather3A_152 : memref<2x200x8xf32, #tpu.memory_space<vmem>>[vector<16xi32>, vector<16xi32>, vector<16xi32>], vector<16xf32>,
      %add3A_153 = arith.constant 7 : i32
      %add3A_154 = vector.broadcast %add3A_153 : i32 to vector<16xi32>
      %add3A_155 = arith.addi %mul3A_113, %add3A_154 : vector<16xi32>
      %gather3A_156 = tpu.vector_load_idx %arg5[%add3A_155] : memref<800xf32, #tpu.memory_space<vmem>>[vector<16xi32>], vector<16xf32>,
      tpu.vector_store_idx %arg8[%select_n3A, %sub3A, %broadcast_in_dim3A_15], %gather3A_156 : memref<2x200x8xf32, #tpu.memory_space<vmem>>[vector<16xi32>, vector<16xi32>, vector<16xi32>], vector<16xf32>,
      %scan3A_157 = arith.constant 1 : i32
      %scan3A_158 = arith.addi %scan3A_107, %scan3A_157 : i32
      %mul3A_159 = arith.constant 16 : i32
      %mul3A_160 = arith.muli %scan3A_158, %mul3A_159 : i32
      %get3A_161 = arith.index_cast %mul3A_160 : i32 to index
      %get3A_162 = tpu.vector_load %arg6[%get3A_161] {strides = array<i32>} : memref<400xi32, #tpu.memory_space<vmem>>, vector<16xi32>,
      %mul3A_163 = arith.constant 8 : i32
      %mul3A_164 = vector.broadcast %mul3A_163 : i32 to vector<16xi32>
      %mul3A_165 = arith.muli %get3A_162, %mul3A_164 : vector<16xi32>
      %mul3A_166 = arith.constant 16 : i32
      %mul3A_167 = arith.muli %scan3A_158, %mul3A_166 : i32
      %add3A_168 = vector.broadcast %mul3A_167 : i32 to vector<16xi32>
      %add3A_169 = arith.addi %iota3A, %add3A_168 : vector<16xi32>
      %ge3A_170 = arith.constant 200 : i32
      %ge3A_171 = vector.broadcast %ge3A_170 : i32 to vector<16xi32>
      %ge3A_172 = arith.cmpi sge, %add3A_169, %ge3A_171 : vector<16xi32>
      %jit3A_173 = arith.constant 1 : i32
      %jit3A_174 = arith.constant 0 : i32
      %broadcast_in_dim3A_175 = vector.broadcast %jit3A_173 : i32 to vector<16xi32>
      %broadcast_in_dim3A_176 = vector.broadcast %jit3A_174 : i32 to vector<16xi32>
      %select_n3A_177 = arith.select %ge3A_172, %broadcast_in_dim3A_175, %broadcast_in_dim3A_176 : vector<16xi1>, vector<16xi32>
      %mul3A_178 = arith.constant 200 : i32
      %mul3A_179 = vector.broadcast %mul3A_178 : i32 to vector<16xi32>
      %mul3A_180 = arith.muli %select_n3A_177, %mul3A_179 : vector<16xi32>
      %sub3A_181 = arith.subi %add3A_169, %mul3A_180 : vector<16xi32>
      %add3A_182 = arith.constant 0 : i32
      %add3A_183 = vector.broadcast %add3A_182 : i32 to vector<16xi32>
      %add3A_184 = arith.addi %mul3A_165, %add3A_183 : vector<16xi32>
      %gather3A_185 = tpu.vector_load_idx %arg5[%add3A_184] : memref<800xf32, #tpu.memory_space<vmem>>[vector<16xi32>], vector<16xf32>,
      tpu.vector_store_idx %arg8[%select_n3A_177, %sub3A_181, %broadcast_in_dim3A_1], %gather3A_185 : memref<2x200x8xf32, #tpu.memory_space<vmem>>[vector<16xi32>, vector<16xi32>, vector<16xi32>], vector<16xf32>,
      %add3A_186 = arith.constant 1 : i32
      %add3A_187 = vector.broadcast %add3A_186 : i32 to vector<16xi32>
      %add3A_188 = arith.addi %mul3A_165, %add3A_187 : vector<16xi32>
      %gather3A_189 = tpu.vector_load_idx %arg5[%add3A_188] : memref<800xf32, #tpu.memory_space<vmem>>[vector<16xi32>], vector<16xf32>,
      tpu.vector_store_idx %arg8[%select_n3A_177, %sub3A_181, %broadcast_in_dim3A_3], %gather3A_189 : memref<2x200x8xf32, #tpu.memory_space<vmem>>[vector<16xi32>, vector<16xi32>, vector<16xi32>], vector<16xf32>,
      %add3A_190 = arith.constant 2 : i32
      %add3A_191 = vector.broadcast %add3A_190 : i32 to vector<16xi32>
      %add3A_192 = arith.addi %mul3A_165, %add3A_191 : vector<16xi32>
      %gather3A_193 = tpu.vector_load_idx %arg5[%add3A_192] : memref<800xf32, #tpu.memory_space<vmem>>[vector<16xi32>], vector<16xf32>,
      tpu.vector_store_idx %arg8[%select_n3A_177, %sub3A_181, %broadcast_in_dim3A_5], %gather3A_193 : memref<2x200x8xf32, #tpu.memory_space<vmem>>[vector<16xi32>, vector<16xi32>, vector<16xi32>], vector<16xf32>,
      %add3A_194 = arith.constant 3 : i32
      %add3A_195 = vector.broadcast %add3A_194 : i32 to vector<16xi32>
      %add3A_196 = arith.addi %mul3A_165, %add3A_195 : vector<16xi32>
      %gather3A_197 = tpu.vector_load_idx %arg5[%add3A_196] : memref<800xf32, #tpu.memory_space<vmem>>[vector<16xi32>], vector<16xf32>,
      tpu.vector_store_idx %arg8[%select_n3A_177, %sub3A_181, %broadcast_in_dim3A_7], %gather3A_197 : memref<2x200x8xf32, #tpu.memory_space<vmem>>[vector<16xi32>, vector<16xi32>, vector<16xi32>], vector<16xf32>,
      %add3A_198 = arith.constant 4 : i32
      %add3A_199 = vector.broadcast %add3A_198 : i32 to vector<16xi32>
      %add3A_200 = arith.addi %mul3A_165, %add3A_199 : vector<16xi32>
      %gather3A_201 = tpu.vector_load_idx %arg5[%add3A_200] : memref<800xf32, #tpu.memory_space<vmem>>[vector<16xi32>], vector<16xf32>,
      tpu.vector_store_idx %arg8[%select_n3A_177, %sub3A_181, %broadcast_in_dim3A_9], %gather3A_201 : memref<2x200x8xf32, #tpu.memory_space<vmem>>[vector<16xi32>, vector<16xi32>, vector<16xi32>], vector<16xf32>,
      %add3A_202 = arith.constant 5 : i32
      %add3A_203 = vector.broadcast %add3A_202 : i32 to vector<16xi32>
      %add3A_204 = arith.addi %mul3A_165, %add3A_203 : vector<16xi32>
      %gather3A_205 = tpu.vector_load_idx %arg5[%add3A_204] : memref<800xf32, #tpu.memory_space<vmem>>[vector<16xi32>], vector<16xf32>,
      tpu.vector_store_idx %arg8[%select_n3A_177, %sub3A_181, %broadcast_in_dim3A_11], %gather3A_205 : memref<2x200x8xf32, #tpu.memory_space<vmem>>[vector<16xi32>, vector<16xi32>, vector<16xi32>], vector<16xf32>,
      %add3A_206 = arith.constant 6 : i32
      %add3A_207 = vector.broadcast %add3A_206 : i32 to vector<16xi32>
      %add3A_208 = arith.addi %mul3A_165, %add3A_207 : vector<16xi32>
      %gather3A_209 = tpu.vector_load_idx %arg5[%add3A_208] : memref<800xf32, #tpu.memory_space<vmem>>[vector<16xi32>], vector<16xf32>,
      tpu.vector_store_idx %arg8[%select_n3A_177, %sub3A_181, %broadcast_in_dim3A_13], %gather3A_209 : memref<2x200x8xf32, #tpu.memory_space<vmem>>[vector<16xi32>, vector<16xi32>, vector<16xi32>], vector<16xf32>,
      %add3A_210 = arith.constant 7 : i32
      %add3A_211 = vector.broadcast %add3A_210 : i32 to vector<16xi32>
      %add3A_212 = arith.addi %mul3A_165, %add3A_211 : vector<16xi32>
      %gather3A_213 = tpu.vector_load_idx %arg5[%add3A_212] : memref<800xf32, #tpu.memory_space<vmem>>[vector<16xi32>], vector<16xf32>,
      tpu.vector_store_idx %arg8[%select_n3A_177, %sub3A_181, %broadcast_in_dim3A_15], %gather3A_213 : memref<2x200x8xf32, #tpu.memory_space<vmem>>[vector<16xi32>, vector<16xi32>, vector<16xi32>], vector<16xf32>,
      %scan3A_214 = arith.constant 2 : i32
      %scan3A_215 = arith.addi %scan3A_107, %scan3A_214 : i32
      %mul3A_216 = arith.constant 16 : i32
      %mul3A_217 = arith.muli %scan3A_215, %mul3A_216 : i32
      %get3A_218 = arith.index_cast %mul3A_217 : i32 to index
      %get3A_219 = tpu.vector_load %arg6[%get3A_218] {strides = array<i32>} : memref<400xi32, #tpu.memory_space<vmem>>, vector<16xi32>,
      %mul3A_220 = arith.constant 8 : i32
      %mul3A_221 = vector.broadcast %mul3A_220 : i32 to vector<16xi32>
      %mul3A_222 = arith.muli %get3A_219, %mul3A_221 : vector<16xi32>
      %mul3A_223 = arith.constant 16 : i32
      %mul3A_224 = arith.muli %scan3A_215, %mul3A_223 : i32
      %add3A_225 = vector.broadcast %mul3A_224 : i32 to vector<16xi32>
      %add3A_226 = arith.addi %iota3A, %add3A_225 : vector<16xi32>
      %ge3A_227 = arith.constant 200 : i32
      %ge3A_228 = vector.broadcast %ge3A_227 : i32 to vector<16xi32>
      %ge3A_229 = arith.cmpi sge, %add3A_226, %ge3A_228 : vector<16xi32>
      %jit3A_230 = arith.constant 1 : i32
      %jit3A_231 = arith.constant 0 : i32
      %broadcast_in_dim3A_232 = vector.broadcast %jit3A_230 : i32 to vector<16xi32>
      %broadcast_in_dim3A_233 = vector.broadcast %jit3A_231 : i32 to vector<16xi32>
      %select_n3A_234 = arith.select %ge3A_229, %broadcast_in_dim3A_232, %broadcast_in_dim3A_233 : vector<16xi1>, vector<16xi32>
      %mul3A_235 = arith.constant 200 : i32
      %mul3A_236 = vector.broadcast %mul3A_235 : i32 to vector<16xi32>
      %mul3A_237 = arith.muli %select_n3A_234, %mul3A_236 : vector<16xi32>
      %sub3A_238 = arith.subi %add3A_226, %mul3A_237 : vector<16xi32>
      %add3A_239 = arith.constant 0 : i32
      %add3A_240 = vector.broadcast %add3A_239 : i32 to vector<16xi32>
      %add3A_241 = arith.addi %mul3A_222, %add3A_240 : vector<16xi32>
      %gather3A_242 = tpu.vector_load_idx %arg5[%add3A_241] : memref<800xf32, #tpu.memory_space<vmem>>[vector<16xi32>], vector<16xf32>,
      tpu.vector_store_idx %arg8[%select_n3A_234, %sub3A_238, %broadcast_in_dim3A_1], %gather3A_242 : memref<2x200x8xf32, #tpu.memory_space<vmem>>[vector<16xi32>, vector<16xi32>, vector<16xi32>], vector<16xf32>,
      %add3A_243 = arith.constant 1 : i32
      %add3A_244 = vector.broadcast %add3A_243 : i32 to vector<16xi32>
      %add3A_245 = arith.addi %mul3A_222, %add3A_244 : vector<16xi32>
      %gather3A_246 = tpu.vector_load_idx %arg5[%add3A_245] : memref<800xf32, #tpu.memory_space<vmem>>[vector<16xi32>], vector<16xf32>,
      tpu.vector_store_idx %arg8[%select_n3A_234, %sub3A_238, %broadcast_in_dim3A_3], %gather3A_246 : memref<2x200x8xf32, #tpu.memory_space<vmem>>[vector<16xi32>, vector<16xi32>, vector<16xi32>], vector<16xf32>,
      %add3A_247 = arith.constant 2 : i32
      %add3A_248 = vector.broadcast %add3A_247 : i32 to vector<16xi32>
      %add3A_249 = arith.addi %mul3A_222, %add3A_248 : vector<16xi32>
      %gather3A_250 = tpu.vector_load_idx %arg5[%add3A_249] : memref<800xf32, #tpu.memory_space<vmem>>[vector<16xi32>], vector<16xf32>,
      tpu.vector_store_idx %arg8[%select_n3A_234, %sub3A_238, %broadcast_in_dim3A_5], %gather3A_250 : memref<2x200x8xf32, #tpu.memory_space<vmem>>[vector<16xi32>, vector<16xi32>, vector<16xi32>], vector<16xf32>,
      %add3A_251 = arith.constant 3 : i32
      %add3A_252 = vector.broadcast %add3A_251 : i32 to vector<16xi32>
      %add3A_253 = arith.addi %mul3A_222, %add3A_252 : vector<16xi32>
      %gather3A_254 = tpu.vector_load_idx %arg5[%add3A_253] : memref<800xf32, #tpu.memory_space<vmem>>[vector<16xi32>], vector<16xf32>,
      tpu.vector_store_idx %arg8[%select_n3A_234, %sub3A_238, %broadcast_in_dim3A_7], %gather3A_254 : memref<2x200x8xf32, #tpu.memory_space<vmem>>[vector<16xi32>, vector<16xi32>, vector<16xi32>], vector<16xf32>,
      %add3A_255 = arith.constant 4 : i32
      %add3A_256 = vector.broadcast %add3A_255 : i32 to vector<16xi32>
      %add3A_257 = arith.addi %mul3A_222, %add3A_256 : vector<16xi32>
      %gather3A_258 = tpu.vector_load_idx %arg5[%add3A_257] : memref<800xf32, #tpu.memory_space<vmem>>[vector<16xi32>], vector<16xf32>,
      tpu.vector_store_idx %arg8[%select_n3A_234, %sub3A_238, %broadcast_in_dim3A_9], %gather3A_258 : memref<2x200x8xf32, #tpu.memory_space<vmem>>[vector<16xi32>, vector<16xi32>, vector<16xi32>], vector<16xf32>,
      %add3A_259 = arith.constant 5 : i32
      %add3A_260 = vector.broadcast %add3A_259 : i32 to vector<16xi32>
      %add3A_261 = arith.addi %mul3A_222, %add3A_260 : vector<16xi32>
      %gather3A_262 = tpu.vector_load_idx %arg5[%add3A_261] : memref<800xf32, #tpu.memory_space<vmem>>[vector<16xi32>], vector<16xf32>,
      tpu.vector_store_idx %arg8[%select_n3A_234, %sub3A_238, %broadcast_in_dim3A_11], %gather3A_262 : memref<2x200x8xf32, #tpu.memory_space<vmem>>[vector<16xi32>, vector<16xi32>, vector<16xi32>], vector<16xf32>,
      %add3A_263 = arith.constant 6 : i32
      %add3A_264 = vector.broadcast %add3A_263 : i32 to vector<16xi32>
      %add3A_265 = arith.addi %mul3A_222, %add3A_264 : vector<16xi32>
      %gather3A_266 = tpu.vector_load_idx %arg5[%add3A_265] : memref<800xf32, #tpu.memory_space<vmem>>[vector<16xi32>], vector<16xf32>,
      tpu.vector_store_idx %arg8[%select_n3A_234, %sub3A_238, %broadcast_in_dim3A_13], %gather3A_266 : memref<2x200x8xf32, #tpu.memory_space<vmem>>[vector<16xi32>, vector<16xi32>, vector<16xi32>], vector<16xf32>,
      %add3A_267 = arith.constant 7 : i32
      %add3A_268 = vector.broadcast %add3A_267 : i32 to vector<16xi32>
      %add3A_269 = arith.addi %mul3A_222, %add3A_268 : vector<16xi32>
      %gather3A_270 = tpu.vector_load_idx %arg5[%add3A_269] : memref<800xf32, #tpu.memory_space<vmem>>[vector<16xi32>], vector<16xf32>,
      tpu.vector_store_idx %arg8[%select_n3A_234, %sub3A_238, %broadcast_in_dim3A_15], %gather3A_270 : memref<2x200x8xf32, #tpu.memory_space<vmem>>[vector<16xi32>, vector<16xi32>, vector<16xi32>], vector<16xf32>,
      %scan3A_271 = arith.constant 3 : i32
      %scan3A_272 = arith.addi %scan3A_107, %scan3A_271 : i32
      %mul3A_273 = arith.constant 16 : i32
      %mul3A_274 = arith.muli %scan3A_272, %mul3A_273 : i32
      %get3A_275 = arith.index_cast %mul3A_274 : i32 to index
      %get3A_276 = tpu.vector_load %arg6[%get3A_275] {strides = array<i32>} : memref<400xi32, #tpu.memory_space<vmem>>, vector<16xi32>,
      %mul3A_277 = arith.constant 8 : i32
      %mul3A_278 = vector.broadcast %mul3A_277 : i32 to vector<16xi32>
      %mul3A_279 = arith.muli %get3A_276, %mul3A_278 : vector<16xi32>
      %mul3A_280 = arith.constant 16 : i32
      %mul3A_281 = arith.muli %scan3A_272, %mul3A_280 : i32
      %add3A_282 = vector.broadcast %mul3A_281 : i32 to vector<16xi32>
      %add3A_283 = arith.addi %iota3A, %add3A_282 : vector<16xi32>
      %ge3A_284 = arith.constant 200 : i32
      %ge3A_285 = vector.broadcast %ge3A_284 : i32 to vector<16xi32>
      %ge3A_286 = arith.cmpi sge, %add3A_283, %ge3A_285 : vector<16xi32>
      %jit3A_287 = arith.constant 1 : i32
      %jit3A_288 = arith.constant 0 : i32
      %broadcast_in_dim3A_289 = vector.broadcast %jit3A_287 : i32 to vector<16xi32>
      %broadcast_in_dim3A_290 = vector.broadcast %jit3A_288 : i32 to vector<16xi32>
      %select_n3A_291 = arith.select %ge3A_286, %broadcast_in_dim3A_289, %broadcast_in_dim3A_290 : vector<16xi1>, vector<16xi32>
      %mul3A_292 = arith.constant 200 : i32
      %mul3A_293 = vector.broadcast %mul3A_292 : i32 to vector<16xi32>
      %mul3A_294 = arith.muli %select_n3A_291, %mul3A_293 : vector<16xi32>
      %sub3A_295 = arith.subi %add3A_283, %mul3A_294 : vector<16xi32>
      %add3A_296 = arith.constant 0 : i32
      %add3A_297 = vector.broadcast %add3A_296 : i32 to vector<16xi32>
      %add3A_298 = arith.addi %mul3A_279, %add3A_297 : vector<16xi32>
      %gather3A_299 = tpu.vector_load_idx %arg5[%add3A_298] : memref<800xf32, #tpu.memory_space<vmem>>[vector<16xi32>], vector<16xf32>,
      tpu.vector_store_idx %arg8[%select_n3A_291, %sub3A_295, %broadcast_in_dim3A_1], %gather3A_299 : memref<2x200x8xf32, #tpu.memory_space<vmem>>[vector<16xi32>, vector<16xi32>, vector<16xi32>], vector<16xf32>,
      %add3A_300 = arith.constant 1 : i32
      %add3A_301 = vector.broadcast %add3A_300 : i32 to vector<16xi32>
      %add3A_302 = arith.addi %mul3A_279, %add3A_301 : vector<16xi32>
      %gather3A_303 = tpu.vector_load_idx %arg5[%add3A_302] : memref<800xf32, #tpu.memory_space<vmem>>[vector<16xi32>], vector<16xf32>,
      tpu.vector_store_idx %arg8[%select_n3A_291, %sub3A_295, %broadcast_in_dim3A_3], %gather3A_303 : memref<2x200x8xf32, #tpu.memory_space<vmem>>[vector<16xi32>, vector<16xi32>, vector<16xi32>], vector<16xf32>,
      %add3A_304 = arith.constant 2 : i32
      %add3A_305 = vector.broadcast %add3A_304 : i32 to vector<16xi32>
      %add3A_306 = arith.addi %mul3A_279, %add3A_305 : vector<16xi32>
      %gather3A_307 = tpu.vector_load_idx %arg5[%add3A_306] : memref<800xf32, #tpu.memory_space<vmem>>[vector<16xi32>], vector<16xf32>,
      tpu.vector_store_idx %arg8[%select_n3A_291, %sub3A_295, %broadcast_in_dim3A_5], %gather3A_307 : memref<2x200x8xf32, #tpu.memory_space<vmem>>[vector<16xi32>, vector<16xi32>, vector<16xi32>], vector<16xf32>,
      %add3A_308 = arith.constant 3 : i32
      %add3A_309 = vector.broadcast %add3A_308 : i32 to vector<16xi32>
      %add3A_310 = arith.addi %mul3A_279, %add3A_309 : vector<16xi32>
      %gather3A_311 = tpu.vector_load_idx %arg5[%add3A_310] : memref<800xf32, #tpu.memory_space<vmem>>[vector<16xi32>], vector<16xf32>,
      tpu.vector_store_idx %arg8[%select_n3A_291, %sub3A_295, %broadcast_in_dim3A_7], %gather3A_311 : memref<2x200x8xf32, #tpu.memory_space<vmem>>[vector<16xi32>, vector<16xi32>, vector<16xi32>], vector<16xf32>,
      %add3A_312 = arith.constant 4 : i32
      %add3A_313 = vector.broadcast %add3A_312 : i32 to vector<16xi32>
      %add3A_314 = arith.addi %mul3A_279, %add3A_313 : vector<16xi32>
      %gather3A_315 = tpu.vector_load_idx %arg5[%add3A_314] : memref<800xf32, #tpu.memory_space<vmem>>[vector<16xi32>], vector<16xf32>,
      tpu.vector_store_idx %arg8[%select_n3A_291, %sub3A_295, %broadcast_in_dim3A_9], %gather3A_315 : memref<2x200x8xf32, #tpu.memory_space<vmem>>[vector<16xi32>, vector<16xi32>, vector<16xi32>], vector<16xf32>,
      %add3A_316 = arith.constant 5 : i32
      %add3A_317 = vector.broadcast %add3A_316 : i32 to vector<16xi32>
      %add3A_318 = arith.addi %mul3A_279, %add3A_317 : vector<16xi32>
      %gather3A_319 = tpu.vector_load_idx %arg5[%add3A_318] : memref<800xf32, #tpu.memory_space<vmem>>[vector<16xi32>], vector<16xf32>,
      tpu.vector_store_idx %arg8[%select_n3A_291, %sub3A_295, %broadcast_in_dim3A_11], %gather3A_319 : memref<2x200x8xf32, #tpu.memory_space<vmem>>[vector<16xi32>, vector<16xi32>, vector<16xi32>], vector<16xf32>,
      %add3A_320 = arith.constant 6 : i32
      %add3A_321 = vector.broadcast %add3A_320 : i32 to vector<16xi32>
      %add3A_322 = arith.addi %mul3A_279, %add3A_321 : vector<16xi32>
      %gather3A_323 = tpu.vector_load_idx %arg5[%add3A_322] : memref<800xf32, #tpu.memory_space<vmem>>[vector<16xi32>], vector<16xf32>,
      tpu.vector_store_idx %arg8[%select_n3A_291, %sub3A_295, %broadcast_in_dim3A_13], %gather3A_323 : memref<2x200x8xf32, #tpu.memory_space<vmem>>[vector<16xi32>, vector<16xi32>, vector<16xi32>], vector<16xf32>,
      %add3A_324 = arith.constant 7 : i32
      %add3A_325 = vector.broadcast %add3A_324 : i32 to vector<16xi32>
      %add3A_326 = arith.addi %mul3A_279, %add3A_325 : vector<16xi32>
      %gather3A_327 = tpu.vector_load_idx %arg5[%add3A_326] : memref<800xf32, #tpu.memory_space<vmem>>[vector<16xi32>], vector<16xf32>,
      tpu.vector_store_idx %arg8[%select_n3A_291, %sub3A_295, %broadcast_in_dim3A_15], %gather3A_327 : memref<2x200x8xf32, #tpu.memory_space<vmem>>[vector<16xi32>, vector<16xi32>, vector<16xi32>], vector<16xf32>,
      %scan3A_328 = arith.constant 4 : i32
      %scan3A_329 = arith.addi %scan3A_107, %scan3A_328 : i32
      %mul3A_330 = arith.constant 16 : i32
      %mul3A_331 = arith.muli %scan3A_329, %mul3A_330 : i32
      %get3A_332 = arith.index_cast %mul3A_331 : i32 to index
      %get3A_333 = tpu.vector_load %arg6[%get3A_332] {strides = array<i32>} : memref<400xi32, #tpu.memory_space<vmem>>, vector<16xi32>,
      %mul3A_334 = arith.constant 8 : i32
      %mul3A_335 = vector.broadcast %mul3A_334 : i32 to vector<16xi32>
      %mul3A_336 = arith.muli %get3A_333, %mul3A_335 : vector<16xi32>
      %mul3A_337 = arith.constant 16 : i32
      %mul3A_338 = arith.muli %scan3A_329, %mul3A_337 : i32
      %add3A_339 = vector.broadcast %mul3A_338 : i32 to vector<16xi32>
      %add3A_340 = arith.addi %iota3A, %add3A_339 : vector<16xi32>
      %ge3A_341 = arith.constant 200 : i32
      %ge3A_342 = vector.broadcast %ge3A_341 : i32 to vector<16xi32>
      %ge3A_343 = arith.cmpi sge, %add3A_340, %ge3A_342 : vector<16xi32>
      %jit3A_344 = arith.constant 1 : i32
      %jit3A_345 = arith.constant 0 : i32
      %broadcast_in_dim3A_346 = vector.broadcast %jit3A_344 : i32 to vector<16xi32>
      %broadcast_in_dim3A_347 = vector.broadcast %jit3A_345 : i32 to vector<16xi32>
      %select_n3A_348 = arith.select %ge3A_343, %broadcast_in_dim3A_346, %broadcast_in_dim3A_347 : vector<16xi1>, vector<16xi32>
      %mul3A_349 = arith.constant 200 : i32
      %mul3A_350 = vector.broadcast %mul3A_349 : i32 to vector<16xi32>
      %mul3A_351 = arith.muli %select_n3A_348, %mul3A_350 : vector<16xi32>
      %sub3A_352 = arith.subi %add3A_340, %mul3A_351 : vector<16xi32>
      %add3A_353 = arith.constant 0 : i32
      %add3A_354 = vector.broadcast %add3A_353 : i32 to vector<16xi32>
      %add3A_355 = arith.addi %mul3A_336, %add3A_354 : vector<16xi32>
      %gather3A_356 = tpu.vector_load_idx %arg5[%add3A_355] : memref<800xf32, #tpu.memory_space<vmem>>[vector<16xi32>], vector<16xf32>,
      tpu.vector_store_idx %arg8[%select_n3A_348, %sub3A_352, %broadcast_in_dim3A_1], %gather3A_356 : memref<2x200x8xf32, #tpu.memory_space<vmem>>[vector<16xi32>, vector<16xi32>, vector<16xi32>], vector<16xf32>,
      %add3A_357 = arith.constant 1 : i32
      %add3A_358 = vector.broadcast %add3A_357 : i32 to vector<16xi32>
      %add3A_359 = arith.addi %mul3A_336, %add3A_358 : vector<16xi32>
      %gather3A_360 = tpu.vector_load_idx %arg5[%add3A_359] : memref<800xf32, #tpu.memory_space<vmem>>[vector<16xi32>], vector<16xf32>,
      tpu.vector_store_idx %arg8[%select_n3A_348, %sub3A_352, %broadcast_in_dim3A_3], %gather3A_360 : memref<2x200x8xf32, #tpu.memory_space<vmem>>[vector<16xi32>, vector<16xi32>, vector<16xi32>], vector<16xf32>,
      %add3A_361 = arith.constant 2 : i32
      %add3A_362 = vector.broadcast %add3A_361 : i32 to vector<16xi32>
      %add3A_363 = arith.addi %mul3A_336, %add3A_362 : vector<16xi32>
      %gather3A_364 = tpu.vector_load_idx %arg5[%add3A_363] : memref<800xf32, #tpu.memory_space<vmem>>[vector<16xi32>], vector<16xf32>,
      tpu.vector_store_idx %arg8[%select_n3A_348, %sub3A_352, %broadcast_in_dim3A_5], %gather3A_364 : memref<2x200x8xf32, #tpu.memory_space<vmem>>[vector<16xi32>, vector<16xi32>, vector<16xi32>], vector<16xf32>,
      %add3A_365 = arith.constant 3 : i32
      %add3A_366 = vector.broadcast %add3A_365 : i32 to vector<16xi32>
      %add3A_367 = arith.addi %mul3A_336, %add3A_366 : vector<16xi32>
      %gather3A_368 = tpu.vector_load_idx %arg5[%add3A_367] : memref<800xf32, #tpu.memory_space<vmem>>[vector<16xi32>], vector<16xf32>,
      tpu.vector_store_idx %arg8[%select_n3A_348, %sub3A_352, %broadcast_in_dim3A_7], %gather3A_368 : memref<2x200x8xf32, #tpu.memory_space<vmem>>[vector<16xi32>, vector<16xi32>, vector<16xi32>], vector<16xf32>,
      %add3A_369 = arith.constant 4 : i32
      %add3A_370 = vector.broadcast %add3A_369 : i32 to vector<16xi32>
      %add3A_371 = arith.addi %mul3A_336, %add3A_370 : vector<16xi32>
      %gather3A_372 = tpu.vector_load_idx %arg5[%add3A_371] : memref<800xf32, #tpu.memory_space<vmem>>[vector<16xi32>], vector<16xf32>,
      tpu.vector_store_idx %arg8[%select_n3A_348, %sub3A_352, %broadcast_in_dim3A_9], %gather3A_372 : memref<2x200x8xf32, #tpu.memory_space<vmem>>[vector<16xi32>, vector<16xi32>, vector<16xi32>], vector<16xf32>,
      %add3A_373 = arith.constant 5 : i32
      %add3A_374 = vector.broadcast %add3A_373 : i32 to vector<16xi32>
      %add3A_375 = arith.addi %mul3A_336, %add3A_374 : vector<16xi32>
      %gather3A_376 = tpu.vector_load_idx %arg5[%add3A_375] : memref<800xf32, #tpu.memory_space<vmem>>[vector<16xi32>], vector<16xf32>,
      tpu.vector_store_idx %arg8[%select_n3A_348, %sub3A_352, %broadcast_in_dim3A_11], %gather3A_376 : memref<2x200x8xf32, #tpu.memory_space<vmem>>[vector<16xi32>, vector<16xi32>, vector<16xi32>], vector<16xf32>,
      %add3A_377 = arith.constant 6 : i32
      %add3A_378 = vector.broadcast %add3A_377 : i32 to vector<16xi32>
      %add3A_379 = arith.addi %mul3A_336, %add3A_378 : vector<16xi32>
      %gather3A_380 = tpu.vector_load_idx %arg5[%add3A_379] : memref<800xf32, #tpu.memory_space<vmem>>[vector<16xi32>], vector<16xf32>,
      tpu.vector_store_idx %arg8[%select_n3A_348, %sub3A_352, %broadcast_in_dim3A_13], %gather3A_380 : memref<2x200x8xf32, #tpu.memory_space<vmem>>[vector<16xi32>, vector<16xi32>, vector<16xi32>], vector<16xf32>,
      %add3A_381 = arith.constant 7 : i32
      %add3A_382 = vector.broadcast %add3A_381 : i32 to vector<16xi32>
      %add3A_383 = arith.addi %mul3A_336, %add3A_382 : vector<16xi32>
      %gather3A_384 = tpu.vector_load_idx %arg5[%add3A_383] : memref<800xf32, #tpu.memory_space<vmem>>[vector<16xi32>], vector<16xf32>,
      tpu.vector_store_idx %arg8[%select_n3A_348, %sub3A_352, %broadcast_in_dim3A_15], %gather3A_384 : memref<2x200x8xf32, #tpu.memory_space<vmem>>[vector<16xi32>, vector<16xi32>, vector<16xi32>], vector<16xf32>,
    }
    %scan3A_34 = arith.constant 25 : i32
    %add3A_35 = arith.constant 0 : i32
    %add3A_36 = arith.addi %mul3A_0, %add3A_35 : i32
    %dma_start3A_37 = arith.constant 0 : i32
    %dma_start3A_38 = arith.constant 0 : i32
    %dma_start3A_39 = tpu.memref_slice %arg4[%add3A_36, %dma_start3A_37, %dma_start3A_38] : memref<8192x200x8xf32, #tpu.memory_space<hbm>> -> memref<2x200x8xf32, #tpu.memory_space<hbm>>
    %dma_start3A_40 = arith.constant 0 : i32
    %dma_start3A_41 = arith.constant 0 : i32
    %dma_start3A_42 = tpu.memref_slice %arg4[%add3A_36, %dma_start3A_40, %dma_start3A_41] : memref<8192x200x8xf32, #tpu.memory_space<hbm>> -> memref<2x200x8xf32, #tpu.memory_space<hbm>>
    tpu.enqueue_dma source(%arg8 : memref<2x200x8xf32, #tpu.memory_space<vmem>>) target(%dma_start3A_42 : memref<2x200x8xf32, #tpu.memory_space<hbm>>) target_semaphore(%arg10 : memref<!tpu.dma_semaphore, #tpu.memory_space<semaphore_mem>>)
    %add3A_43 = arith.constant 4 : i32
    %add3A_44 = arith.addi %mul3A_0, %add3A_43 : i32
    %mul3A_45 = arith.constant 200 : i32
    %mul3A_46 = arith.muli %add3A_44, %mul3A_45 : i32
    %dma_start3A_47 = tpu.memref_slice %arg3[%mul3A_46] : memref<1638400xi32, #tpu.memory_space<hbm>> -> memref<400xi32, #tpu.memory_space<hbm>>
    %dma_start3A_48 = tpu.memref_slice %arg3[%mul3A_46] : memref<1638400xi32, #tpu.memory_space<hbm>> -> memref<400xi32, #tpu.memory_space<hbm>>
    tpu.enqueue_dma source(%dma_start3A_48 : memref<400xi32, #tpu.memory_space<hbm>>) target(%arg6 : memref<400xi32, #tpu.memory_space<vmem>>) target_semaphore(%arg12 : memref<!tpu.dma_semaphore, #tpu.memory_space<semaphore_mem>>)
    %add3A_49 = arith.constant 2 : i32
    %add3A_50 = arith.addi %mul3A_0, %add3A_49 : i32
    %mul3A_51 = arith.constant 200 : i32
    %mul3A_52 = arith.muli %add3A_50, %mul3A_51 : i32
    %dma_wait3A_53 = tpu.memref_slice %arg3[%mul3A_52] : memref<1638400xi32, #tpu.memory_space<hbm>> -> memref<400xi32, #tpu.memory_space<hbm>>
    %dma_wait3A_54 = tpu.memref_slice %arg3[%mul3A_52] : memref<1638400xi32, #tpu.memory_space<hbm>> -> memref<400xi32, #tpu.memory_space<hbm>>
    tpu.wait_dma2 semaphore(%arg13 : memref<!tpu.dma_semaphore, #tpu.memory_space<semaphore_mem>>) src(%dma_wait3A_54 : memref<400xi32, #tpu.memory_space<hbm>>) dst(%arg7 : memref<400xi32, #tpu.memory_space<vmem>>)
    %scan3A_55 = arith.constant 0 : i32
    %scan3A_56 = arith.constant 25 : i32
    %scan3A_57 = arith.addi %scan3A_55, %scan3A_56 : i32
    %scan3A_58 = arith.constant 5 : i32
    scf.for %scan3A_107 = %scan3A_55 to %scan3A_57 step %scan3A_58  : i32 {
      %mul3A_108 = arith.constant 16 : i32
      %mul3A_109 = arith.muli %scan3A_107, %mul3A_108 : i32
      %get3A = arith.index_cast %mul3A_109 : i32 to index
      %get3A_110 = tpu.vector_load %arg7[%get3A] {strides = array<i32>} : memref<400xi32, #tpu.memory_space<vmem>>, vector<16xi32>,
      %mul3A_111 = arith.constant 8 : i32
      %mul3A_112 = vector.broadcast %mul3A_111 : i32 to vector<16xi32>
      %mul3A_113 = arith.muli %get3A_110, %mul3A_112 : vector<16xi32>
      %mul3A_114 = arith.constant 16 : i32
      %mul3A_115 = arith.muli %scan3A_107, %mul3A_114 : i32
      %add3A_116 = vector.broadcast %mul3A_115 : i32 to vector<16xi32>
      %add3A_117 = arith.addi %iota3A, %add3A_116 : vector<16xi32>
      %ge3A = arith.constant 200 : i32
      %ge3A_118 = vector.broadcast %ge3A : i32 to vector<16xi32>
      %ge3A_119 = arith.cmpi sge, %add3A_117, %ge3A_118 : vector<16xi32>
      %jit3A = arith.constant 1 : i32
      %jit3A_120 = arith.constant 0 : i32
      %broadcast_in_dim3A_121 = vector.broadcast %jit3A : i32 to vector<16xi32>
      %broadcast_in_dim3A_122 = vector.broadcast %jit3A_120 : i32 to vector<16xi32>
      %select_n3A = arith.select %ge3A_119, %broadcast_in_dim3A_121, %broadcast_in_dim3A_122 : vector<16xi1>, vector<16xi32>
      %mul3A_123 = arith.constant 200 : i32
      %mul3A_124 = vector.broadcast %mul3A_123 : i32 to vector<16xi32>
      %mul3A_125 = arith.muli %select_n3A, %mul3A_124 : vector<16xi32>
      %sub3A = arith.subi %add3A_117, %mul3A_125 : vector<16xi32>
      %add3A_126 = arith.constant 0 : i32
      %add3A_127 = vector.broadcast %add3A_126 : i32 to vector<16xi32>
      %add3A_128 = arith.addi %mul3A_113, %add3A_127 : vector<16xi32>
      %gather3A = tpu.vector_load_idx %arg5[%add3A_128] : memref<800xf32, #tpu.memory_space<vmem>>[vector<16xi32>], vector<16xf32>,
      tpu.vector_store_idx %arg9[%select_n3A, %sub3A, %broadcast_in_dim3A_1], %gather3A : memref<2x200x8xf32, #tpu.memory_space<vmem>>[vector<16xi32>, vector<16xi32>, vector<16xi32>], vector<16xf32>,
      %add3A_129 = arith.constant 1 : i32
      %add3A_130 = vector.broadcast %add3A_129 : i32 to vector<16xi32>
      %add3A_131 = arith.addi %mul3A_113, %add3A_130 : vector<16xi32>
      %gather3A_132 = tpu.vector_load_idx %arg5[%add3A_131] : memref<800xf32, #tpu.memory_space<vmem>>[vector<16xi32>], vector<16xf32>,
      tpu.vector_store_idx %arg9[%select_n3A, %sub3A, %broadcast_in_dim3A_3], %gather3A_132 : memref<2x200x8xf32, #tpu.memory_space<vmem>>[vector<16xi32>, vector<16xi32>, vector<16xi32>], vector<16xf32>,
      %add3A_133 = arith.constant 2 : i32
      %add3A_134 = vector.broadcast %add3A_133 : i32 to vector<16xi32>
      %add3A_135 = arith.addi %mul3A_113, %add3A_134 : vector<16xi32>
      %gather3A_136 = tpu.vector_load_idx %arg5[%add3A_135] : memref<800xf32, #tpu.memory_space<vmem>>[vector<16xi32>], vector<16xf32>,
      tpu.vector_store_idx %arg9[%select_n3A, %sub3A, %broadcast_in_dim3A_5], %gather3A_136 : memref<2x200x8xf32, #tpu.memory_space<vmem>>[vector<16xi32>, vector<16xi32>, vector<16xi32>], vector<16xf32>,
      %add3A_137 = arith.constant 3 : i32
      %add3A_138 = vector.broadcast %add3A_137 : i32 to vector<16xi32>
      %add3A_139 = arith.addi %mul3A_113, %add3A_138 : vector<16xi32>
      %gather3A_140 = tpu.vector_load_idx %arg5[%add3A_139] : memref<800xf32, #tpu.memory_space<vmem>>[vector<16xi32>], vector<16xf32>,
      tpu.vector_store_idx %arg9[%select_n3A, %sub3A, %broadcast_in_dim3A_7], %gather3A_140 : memref<2x200x8xf32, #tpu.memory_space<vmem>>[vector<16xi32>, vector<16xi32>, vector<16xi32>], vector<16xf32>,
      %add3A_141 = arith.constant 4 : i32
      %add3A_142 = vector.broadcast %add3A_141 : i32 to vector<16xi32>
      %add3A_143 = arith.addi %mul3A_113, %add3A_142 : vector<16xi32>
      %gather3A_144 = tpu.vector_load_idx %arg5[%add3A_143] : memref<800xf32, #tpu.memory_space<vmem>>[vector<16xi32>], vector<16xf32>,
      tpu.vector_store_idx %arg9[%select_n3A, %sub3A, %broadcast_in_dim3A_9], %gather3A_144 : memref<2x200x8xf32, #tpu.memory_space<vmem>>[vector<16xi32>, vector<16xi32>, vector<16xi32>], vector<16xf32>,
      %add3A_145 = arith.constant 5 : i32
      %add3A_146 = vector.broadcast %add3A_145 : i32 to vector<16xi32>
      %add3A_147 = arith.addi %mul3A_113, %add3A_146 : vector<16xi32>
      %gather3A_148 = tpu.vector_load_idx %arg5[%add3A_147] : memref<800xf32, #tpu.memory_space<vmem>>[vector<16xi32>], vector<16xf32>,
      tpu.vector_store_idx %arg9[%select_n3A, %sub3A, %broadcast_in_dim3A_11], %gather3A_148 : memref<2x200x8xf32, #tpu.memory_space<vmem>>[vector<16xi32>, vector<16xi32>, vector<16xi32>], vector<16xf32>,
      %add3A_149 = arith.constant 6 : i32
      %add3A_150 = vector.broadcast %add3A_149 : i32 to vector<16xi32>
      %add3A_151 = arith.addi %mul3A_113, %add3A_150 : vector<16xi32>
      %gather3A_152 = tpu.vector_load_idx %arg5[%add3A_151] : memref<800xf32, #tpu.memory_space<vmem>>[vector<16xi32>], vector<16xf32>,
      tpu.vector_store_idx %arg9[%select_n3A, %sub3A, %broadcast_in_dim3A_13], %gather3A_152 : memref<2x200x8xf32, #tpu.memory_space<vmem>>[vector<16xi32>, vector<16xi32>, vector<16xi32>], vector<16xf32>,
      %add3A_153 = arith.constant 7 : i32
      %add3A_154 = vector.broadcast %add3A_153 : i32 to vector<16xi32>
      %add3A_155 = arith.addi %mul3A_113, %add3A_154 : vector<16xi32>
      %gather3A_156 = tpu.vector_load_idx %arg5[%add3A_155] : memref<800xf32, #tpu.memory_space<vmem>>[vector<16xi32>], vector<16xf32>,
      tpu.vector_store_idx %arg9[%select_n3A, %sub3A, %broadcast_in_dim3A_15], %gather3A_156 : memref<2x200x8xf32, #tpu.memory_space<vmem>>[vector<16xi32>, vector<16xi32>, vector<16xi32>], vector<16xf32>,
      %scan3A_157 = arith.constant 1 : i32
      %scan3A_158 = arith.addi %scan3A_107, %scan3A_157 : i32
      %mul3A_159 = arith.constant 16 : i32
      %mul3A_160 = arith.muli %scan3A_158, %mul3A_159 : i32
      %get3A_161 = arith.index_cast %mul3A_160 : i32 to index
      %get3A_162 = tpu.vector_load %arg7[%get3A_161] {strides = array<i32>} : memref<400xi32, #tpu.memory_space<vmem>>, vector<16xi32>,
      %mul3A_163 = arith.constant 8 : i32
      %mul3A_164 = vector.broadcast %mul3A_163 : i32 to vector<16xi32>
      %mul3A_165 = arith.muli %get3A_162, %mul3A_164 : vector<16xi32>
      %mul3A_166 = arith.constant 16 : i32
      %mul3A_167 = arith.muli %scan3A_158, %mul3A_166 : i32
      %add3A_168 = vector.broadcast %mul3A_167 : i32 to vector<16xi32>
      %add3A_169 = arith.addi %iota3A, %add3A_168 : vector<16xi32>
      %ge3A_170 = arith.constant 200 : i32
      %ge3A_171 = vector.broadcast %ge3A_170 : i32 to vector<16xi32>
      %ge3A_172 = arith.cmpi sge, %add3A_169, %ge3A_171 : vector<16xi32>
      %jit3A_173 = arith.constant 1 : i32
      %jit3A_174 = arith.constant 0 : i32
      %broadcast_in_dim3A_175 = vector.broadcast %jit3A_173 : i32 to vector<16xi32>
      %broadcast_in_dim3A_176 = vector.broadcast %jit3A_174 : i32 to vector<16xi32>
      %select_n3A_177 = arith.select %ge3A_172, %broadcast_in_dim3A_175, %broadcast_in_dim3A_176 : vector<16xi1>, vector<16xi32>
      %mul3A_178 = arith.constant 200 : i32
      %mul3A_179 = vector.broadcast %mul3A_178 : i32 to vector<16xi32>
      %mul3A_180 = arith.muli %select_n3A_177, %mul3A_179 : vector<16xi32>
      %sub3A_181 = arith.subi %add3A_169, %mul3A_180 : vector<16xi32>
      %add3A_182 = arith.constant 0 : i32
      %add3A_183 = vector.broadcast %add3A_182 : i32 to vector<16xi32>
      %add3A_184 = arith.addi %mul3A_165, %add3A_183 : vector<16xi32>
      %gather3A_185 = tpu.vector_load_idx %arg5[%add3A_184] : memref<800xf32, #tpu.memory_space<vmem>>[vector<16xi32>], vector<16xf32>,
      tpu.vector_store_idx %arg9[%select_n3A_177, %sub3A_181, %broadcast_in_dim3A_1], %gather3A_185 : memref<2x200x8xf32, #tpu.memory_space<vmem>>[vector<16xi32>, vector<16xi32>, vector<16xi32>], vector<16xf32>,
      %add3A_186 = arith.constant 1 : i32
      %add3A_187 = vector.broadcast %add3A_186 : i32 to vector<16xi32>
      %add3A_188 = arith.addi %mul3A_165, %add3A_187 : vector<16xi32>
      %gather3A_189 = tpu.vector_load_idx %arg5[%add3A_188] : memref<800xf32, #tpu.memory_space<vmem>>[vector<16xi32>], vector<16xf32>,
      tpu.vector_store_idx %arg9[%select_n3A_177, %sub3A_181, %broadcast_in_dim3A_3], %gather3A_189 : memref<2x200x8xf32, #tpu.memory_space<vmem>>[vector<16xi32>, vector<16xi32>, vector<16xi32>], vector<16xf32>,
      %add3A_190 = arith.constant 2 : i32
      %add3A_191 = vector.broadcast %add3A_190 : i32 to vector<16xi32>
      %add3A_192 = arith.addi %mul3A_165, %add3A_191 : vector<16xi32>
      %gather3A_193 = tpu.vector_load_idx %arg5[%add3A_192] : memref<800xf32, #tpu.memory_space<vmem>>[vector<16xi32>], vector<16xf32>,
      tpu.vector_store_idx %arg9[%select_n3A_177, %sub3A_181, %broadcast_in_dim3A_5], %gather3A_193 : memref<2x200x8xf32, #tpu.memory_space<vmem>>[vector<16xi32>, vector<16xi32>, vector<16xi32>], vector<16xf32>,
      %add3A_194 = arith.constant 3 : i32
      %add3A_195 = vector.broadcast %add3A_194 : i32 to vector<16xi32>
      %add3A_196 = arith.addi %mul3A_165, %add3A_195 : vector<16xi32>
      %gather3A_197 = tpu.vector_load_idx %arg5[%add3A_196] : memref<800xf32, #tpu.memory_space<vmem>>[vector<16xi32>], vector<16xf32>,
      tpu.vector_store_idx %arg9[%select_n3A_177, %sub3A_181, %broadcast_in_dim3A_7], %gather3A_197 : memref<2x200x8xf32, #tpu.memory_space<vmem>>[vector<16xi32>, vector<16xi32>, vector<16xi32>], vector<16xf32>,
      %add3A_198 = arith.constant 4 : i32
      %add3A_199 = vector.broadcast %add3A_198 : i32 to vector<16xi32>
      %add3A_200 = arith.addi %mul3A_165, %add3A_199 : vector<16xi32>
      %gather3A_201 = tpu.vector_load_idx %arg5[%add3A_200] : memref<800xf32, #tpu.memory_space<vmem>>[vector<16xi32>], vector<16xf32>,
      tpu.vector_store_idx %arg9[%select_n3A_177, %sub3A_181, %broadcast_in_dim3A_9], %gather3A_201 : memref<2x200x8xf32, #tpu.memory_space<vmem>>[vector<16xi32>, vector<16xi32>, vector<16xi32>], vector<16xf32>,
      %add3A_202 = arith.constant 5 : i32
      %add3A_203 = vector.broadcast %add3A_202 : i32 to vector<16xi32>
      %add3A_204 = arith.addi %mul3A_165, %add3A_203 : vector<16xi32>
      %gather3A_205 = tpu.vector_load_idx %arg5[%add3A_204] : memref<800xf32, #tpu.memory_space<vmem>>[vector<16xi32>], vector<16xf32>,
      tpu.vector_store_idx %arg9[%select_n3A_177, %sub3A_181, %broadcast_in_dim3A_11], %gather3A_205 : memref<2x200x8xf32, #tpu.memory_space<vmem>>[vector<16xi32>, vector<16xi32>, vector<16xi32>], vector<16xf32>,
      %add3A_206 = arith.constant 6 : i32
      %add3A_207 = vector.broadcast %add3A_206 : i32 to vector<16xi32>
      %add3A_208 = arith.addi %mul3A_165, %add3A_207 : vector<16xi32>
      %gather3A_209 = tpu.vector_load_idx %arg5[%add3A_208] : memref<800xf32, #tpu.memory_space<vmem>>[vector<16xi32>], vector<16xf32>,
      tpu.vector_store_idx %arg9[%select_n3A_177, %sub3A_181, %broadcast_in_dim3A_13], %gather3A_209 : memref<2x200x8xf32, #tpu.memory_space<vmem>>[vector<16xi32>, vector<16xi32>, vector<16xi32>], vector<16xf32>,
      %add3A_210 = arith.constant 7 : i32
      %add3A_211 = vector.broadcast %add3A_210 : i32 to vector<16xi32>
      %add3A_212 = arith.addi %mul3A_165, %add3A_211 : vector<16xi32>
      %gather3A_213 = tpu.vector_load_idx %arg5[%add3A_212] : memref<800xf32, #tpu.memory_space<vmem>>[vector<16xi32>], vector<16xf32>,
      tpu.vector_store_idx %arg9[%select_n3A_177, %sub3A_181, %broadcast_in_dim3A_15], %gather3A_213 : memref<2x200x8xf32, #tpu.memory_space<vmem>>[vector<16xi32>, vector<16xi32>, vector<16xi32>], vector<16xf32>,
      %scan3A_214 = arith.constant 2 : i32
      %scan3A_215 = arith.addi %scan3A_107, %scan3A_214 : i32
      %mul3A_216 = arith.constant 16 : i32
      %mul3A_217 = arith.muli %scan3A_215, %mul3A_216 : i32
      %get3A_218 = arith.index_cast %mul3A_217 : i32 to index
      %get3A_219 = tpu.vector_load %arg7[%get3A_218] {strides = array<i32>} : memref<400xi32, #tpu.memory_space<vmem>>, vector<16xi32>,
      %mul3A_220 = arith.constant 8 : i32
      %mul3A_221 = vector.broadcast %mul3A_220 : i32 to vector<16xi32>
      %mul3A_222 = arith.muli %get3A_219, %mul3A_221 : vector<16xi32>
      %mul3A_223 = arith.constant 16 : i32
      %mul3A_224 = arith.muli %scan3A_215, %mul3A_223 : i32
      %add3A_225 = vector.broadcast %mul3A_224 : i32 to vector<16xi32>
      %add3A_226 = arith.addi %iota3A, %add3A_225 : vector<16xi32>
      %ge3A_227 = arith.constant 200 : i32
      %ge3A_228 = vector.broadcast %ge3A_227 : i32 to vector<16xi32>
      %ge3A_229 = arith.cmpi sge, %add3A_226, %ge3A_228 : vector<16xi32>
      %jit3A_230 = arith.constant 1 : i32
      %jit3A_231 = arith.constant 0 : i32
      %broadcast_in_dim3A_232 = vector.broadcast %jit3A_230 : i32 to vector<16xi32>
      %broadcast_in_dim3A_233 = vector.broadcast %jit3A_231 : i32 to vector<16xi32>
      %select_n3A_234 = arith.select %ge3A_229, %broadcast_in_dim3A_232, %broadcast_in_dim3A_233 : vector<16xi1>, vector<16xi32>
      %mul3A_235 = arith.constant 200 : i32
      %mul3A_236 = vector.broadcast %mul3A_235 : i32 to vector<16xi32>
      %mul3A_237 = arith.muli %select_n3A_234, %mul3A_236 : vector<16xi32>
      %sub3A_238 = arith.subi %add3A_226, %mul3A_237 : vector<16xi32>
      %add3A_239 = arith.constant 0 : i32
      %add3A_240 = vector.broadcast %add3A_239 : i32 to vector<16xi32>
      %add3A_241 = arith.addi %mul3A_222, %add3A_240 : vector<16xi32>
      %gather3A_242 = tpu.vector_load_idx %arg5[%add3A_241] : memref<800xf32, #tpu.memory_space<vmem>>[vector<16xi32>], vector<16xf32>,
      tpu.vector_store_idx %arg9[%select_n3A_234, %sub3A_238, %broadcast_in_dim3A_1], %gather3A_242 : memref<2x200x8xf32, #tpu.memory_space<vmem>>[vector<16xi32>, vector<16xi32>, vector<16xi32>], vector<16xf32>,
      %add3A_243 = arith.constant 1 : i32
      %add3A_244 = vector.broadcast %add3A_243 : i32 to vector<16xi32>
      %add3A_245 = arith.addi %mul3A_222, %add3A_244 : vector<16xi32>
      %gather3A_246 = tpu.vector_load_idx %arg5[%add3A_245] : memref<800xf32, #tpu.memory_space<vmem>>[vector<16xi32>], vector<16xf32>,
      tpu.vector_store_idx %arg9[%select_n3A_234, %sub3A_238, %broadcast_in_dim3A_3], %gather3A_246 : memref<2x200x8xf32, #tpu.memory_space<vmem>>[vector<16xi32>, vector<16xi32>, vector<16xi32>], vector<16xf32>,
      %add3A_247 = arith.constant 2 : i32
      %add3A_248 = vector.broadcast %add3A_247 : i32 to vector<16xi32>
      %add3A_249 = arith.addi %mul3A_222, %add3A_248 : vector<16xi32>
      %gather3A_250 = tpu.vector_load_idx %arg5[%add3A_249] : memref<800xf32, #tpu.memory_space<vmem>>[vector<16xi32>], vector<16xf32>,
      tpu.vector_store_idx %arg9[%select_n3A_234, %sub3A_238, %broadcast_in_dim3A_5], %gather3A_250 : memref<2x200x8xf32, #tpu.memory_space<vmem>>[vector<16xi32>, vector<16xi32>, vector<16xi32>], vector<16xf32>,
      %add3A_251 = arith.constant 3 : i32
      %add3A_252 = vector.broadcast %add3A_251 : i32 to vector<16xi32>
      %add3A_253 = arith.addi %mul3A_222, %add3A_252 : vector<16xi32>
      %gather3A_254 = tpu.vector_load_idx %arg5[%add3A_253] : memref<800xf32, #tpu.memory_space<vmem>>[vector<16xi32>], vector<16xf32>,
      tpu.vector_store_idx %arg9[%select_n3A_234, %sub3A_238, %broadcast_in_dim3A_7], %gather3A_254 : memref<2x200x8xf32, #tpu.memory_space<vmem>>[vector<16xi32>, vector<16xi32>, vector<16xi32>], vector<16xf32>,
      %add3A_255 = arith.constant 4 : i32
      %add3A_256 = vector.broadcast %add3A_255 : i32 to vector<16xi32>
      %add3A_257 = arith.addi %mul3A_222, %add3A_256 : vector<16xi32>
      %gather3A_258 = tpu.vector_load_idx %arg5[%add3A_257] : memref<800xf32, #tpu.memory_space<vmem>>[vector<16xi32>], vector<16xf32>,
      tpu.vector_store_idx %arg9[%select_n3A_234, %sub3A_238, %broadcast_in_dim3A_9], %gather3A_258 : memref<2x200x8xf32, #tpu.memory_space<vmem>>[vector<16xi32>, vector<16xi32>, vector<16xi32>], vector<16xf32>,
      %add3A_259 = arith.constant 5 : i32
      %add3A_260 = vector.broadcast %add3A_259 : i32 to vector<16xi32>
      %add3A_261 = arith.addi %mul3A_222, %add3A_260 : vector<16xi32>
      %gather3A_262 = tpu.vector_load_idx %arg5[%add3A_261] : memref<800xf32, #tpu.memory_space<vmem>>[vector<16xi32>], vector<16xf32>,
      tpu.vector_store_idx %arg9[%select_n3A_234, %sub3A_238, %broadcast_in_dim3A_11], %gather3A_262 : memref<2x200x8xf32, #tpu.memory_space<vmem>>[vector<16xi32>, vector<16xi32>, vector<16xi32>], vector<16xf32>,
      %add3A_263 = arith.constant 6 : i32
      %add3A_264 = vector.broadcast %add3A_263 : i32 to vector<16xi32>
      %add3A_265 = arith.addi %mul3A_222, %add3A_264 : vector<16xi32>
      %gather3A_266 = tpu.vector_load_idx %arg5[%add3A_265] : memref<800xf32, #tpu.memory_space<vmem>>[vector<16xi32>], vector<16xf32>,
      tpu.vector_store_idx %arg9[%select_n3A_234, %sub3A_238, %broadcast_in_dim3A_13], %gather3A_266 : memref<2x200x8xf32, #tpu.memory_space<vmem>>[vector<16xi32>, vector<16xi32>, vector<16xi32>], vector<16xf32>,
      %add3A_267 = arith.constant 7 : i32
      %add3A_268 = vector.broadcast %add3A_267 : i32 to vector<16xi32>
      %add3A_269 = arith.addi %mul3A_222, %add3A_268 : vector<16xi32>
      %gather3A_270 = tpu.vector_load_idx %arg5[%add3A_269] : memref<800xf32, #tpu.memory_space<vmem>>[vector<16xi32>], vector<16xf32>,
      tpu.vector_store_idx %arg9[%select_n3A_234, %sub3A_238, %broadcast_in_dim3A_15], %gather3A_270 : memref<2x200x8xf32, #tpu.memory_space<vmem>>[vector<16xi32>, vector<16xi32>, vector<16xi32>], vector<16xf32>,
      %scan3A_271 = arith.constant 3 : i32
      %scan3A_272 = arith.addi %scan3A_107, %scan3A_271 : i32
      %mul3A_273 = arith.constant 16 : i32
      %mul3A_274 = arith.muli %scan3A_272, %mul3A_273 : i32
      %get3A_275 = arith.index_cast %mul3A_274 : i32 to index
      %get3A_276 = tpu.vector_load %arg7[%get3A_275] {strides = array<i32>} : memref<400xi32, #tpu.memory_space<vmem>>, vector<16xi32>,
      %mul3A_277 = arith.constant 8 : i32
      %mul3A_278 = vector.broadcast %mul3A_277 : i32 to vector<16xi32>
      %mul3A_279 = arith.muli %get3A_276, %mul3A_278 : vector<16xi32>
      %mul3A_280 = arith.constant 16 : i32
      %mul3A_281 = arith.muli %scan3A_272, %mul3A_280 : i32
      %add3A_282 = vector.broadcast %mul3A_281 : i32 to vector<16xi32>
      %add3A_283 = arith.addi %iota3A, %add3A_282 : vector<16xi32>
      %ge3A_284 = arith.constant 200 : i32
      %ge3A_285 = vector.broadcast %ge3A_284 : i32 to vector<16xi32>
      %ge3A_286 = arith.cmpi sge, %add3A_283, %ge3A_285 : vector<16xi32>
      %jit3A_287 = arith.constant 1 : i32
      %jit3A_288 = arith.constant 0 : i32
      %broadcast_in_dim3A_289 = vector.broadcast %jit3A_287 : i32 to vector<16xi32>
      %broadcast_in_dim3A_290 = vector.broadcast %jit3A_288 : i32 to vector<16xi32>
      %select_n3A_291 = arith.select %ge3A_286, %broadcast_in_dim3A_289, %broadcast_in_dim3A_290 : vector<16xi1>, vector<16xi32>
      %mul3A_292 = arith.constant 200 : i32
      %mul3A_293 = vector.broadcast %mul3A_292 : i32 to vector<16xi32>
      %mul3A_294 = arith.muli %select_n3A_291, %mul3A_293 : vector<16xi32>
      %sub3A_295 = arith.subi %add3A_283, %mul3A_294 : vector<16xi32>
      %add3A_296 = arith.constant 0 : i32
      %add3A_297 = vector.broadcast %add3A_296 : i32 to vector<16xi32>
      %add3A_298 = arith.addi %mul3A_279, %add3A_297 : vector<16xi32>
      %gather3A_299 = tpu.vector_load_idx %arg5[%add3A_298] : memref<800xf32, #tpu.memory_space<vmem>>[vector<16xi32>], vector<16xf32>,
      tpu.vector_store_idx %arg9[%select_n3A_291, %sub3A_295, %broadcast_in_dim3A_1], %gather3A_299 : memref<2x200x8xf32, #tpu.memory_space<vmem>>[vector<16xi32>, vector<16xi32>, vector<16xi32>], vector<16xf32>,
      %add3A_300 = arith.constant 1 : i32
      %add3A_301 = vector.broadcast %add3A_300 : i32 to vector<16xi32>
      %add3A_302 = arith.addi %mul3A_279, %add3A_301 : vector<16xi32>
      %gather3A_303 = tpu.vector_load_idx %arg5[%add3A_302] : memref<800xf32, #tpu.memory_space<vmem>>[vector<16xi32>], vector<16xf32>,
      tpu.vector_store_idx %arg9[%select_n3A_291, %sub3A_295, %broadcast_in_dim3A_3], %gather3A_303 : memref<2x200x8xf32, #tpu.memory_space<vmem>>[vector<16xi32>, vector<16xi32>, vector<16xi32>], vector<16xf32>,
      %add3A_304 = arith.constant 2 : i32
      %add3A_305 = vector.broadcast %add3A_304 : i32 to vector<16xi32>
      %add3A_306 = arith.addi %mul3A_279, %add3A_305 : vector<16xi32>
      %gather3A_307 = tpu.vector_load_idx %arg5[%add3A_306] : memref<800xf32, #tpu.memory_space<vmem>>[vector<16xi32>], vector<16xf32>,
      tpu.vector_store_idx %arg9[%select_n3A_291, %sub3A_295, %broadcast_in_dim3A_5], %gather3A_307 : memref<2x200x8xf32, #tpu.memory_space<vmem>>[vector<16xi32>, vector<16xi32>, vector<16xi32>], vector<16xf32>,
      %add3A_308 = arith.constant 3 : i32
      %add3A_309 = vector.broadcast %add3A_308 : i32 to vector<16xi32>
      %add3A_310 = arith.addi %mul3A_279, %add3A_309 : vector<16xi32>
      %gather3A_311 = tpu.vector_load_idx %arg5[%add3A_310] : memref<800xf32, #tpu.memory_space<vmem>>[vector<16xi32>], vector<16xf32>,
      tpu.vector_store_idx %arg9[%select_n3A_291, %sub3A_295, %broadcast_in_dim3A_7], %gather3A_311 : memref<2x200x8xf32, #tpu.memory_space<vmem>>[vector<16xi32>, vector<16xi32>, vector<16xi32>], vector<16xf32>,
      %add3A_312 = arith.constant 4 : i32
      %add3A_313 = vector.broadcast %add3A_312 : i32 to vector<16xi32>
      %add3A_314 = arith.addi %mul3A_279, %add3A_313 : vector<16xi32>
      %gather3A_315 = tpu.vector_load_idx %arg5[%add3A_314] : memref<800xf32, #tpu.memory_space<vmem>>[vector<16xi32>], vector<16xf32>,
      tpu.vector_store_idx %arg9[%select_n3A_291, %sub3A_295, %broadcast_in_dim3A_9], %gather3A_315 : memref<2x200x8xf32, #tpu.memory_space<vmem>>[vector<16xi32>, vector<16xi32>, vector<16xi32>], vector<16xf32>,
      %add3A_316 = arith.constant 5 : i32
      %add3A_317 = vector.broadcast %add3A_316 : i32 to vector<16xi32>
      %add3A_318 = arith.addi %mul3A_279, %add3A_317 : vector<16xi32>
      %gather3A_319 = tpu.vector_load_idx %arg5[%add3A_318] : memref<800xf32, #tpu.memory_space<vmem>>[vector<16xi32>], vector<16xf32>,
      tpu.vector_store_idx %arg9[%select_n3A_291, %sub3A_295, %broadcast_in_dim3A_11], %gather3A_319 : memref<2x200x8xf32, #tpu.memory_space<vmem>>[vector<16xi32>, vector<16xi32>, vector<16xi32>], vector<16xf32>,
      %add3A_320 = arith.constant 6 : i32
      %add3A_321 = vector.broadcast %add3A_320 : i32 to vector<16xi32>
      %add3A_322 = arith.addi %mul3A_279, %add3A_321 : vector<16xi32>
      %gather3A_323 = tpu.vector_load_idx %arg5[%add3A_322] : memref<800xf32, #tpu.memory_space<vmem>>[vector<16xi32>], vector<16xf32>,
      tpu.vector_store_idx %arg9[%select_n3A_291, %sub3A_295, %broadcast_in_dim3A_13], %gather3A_323 : memref<2x200x8xf32, #tpu.memory_space<vmem>>[vector<16xi32>, vector<16xi32>, vector<16xi32>], vector<16xf32>,
      %add3A_324 = arith.constant 7 : i32
      %add3A_325 = vector.broadcast %add3A_324 : i32 to vector<16xi32>
      %add3A_326 = arith.addi %mul3A_279, %add3A_325 : vector<16xi32>
      %gather3A_327 = tpu.vector_load_idx %arg5[%add3A_326] : memref<800xf32, #tpu.memory_space<vmem>>[vector<16xi32>], vector<16xf32>,
      tpu.vector_store_idx %arg9[%select_n3A_291, %sub3A_295, %broadcast_in_dim3A_15], %gather3A_327 : memref<2x200x8xf32, #tpu.memory_space<vmem>>[vector<16xi32>, vector<16xi32>, vector<16xi32>], vector<16xf32>,
      %scan3A_328 = arith.constant 4 : i32
      %scan3A_329 = arith.addi %scan3A_107, %scan3A_328 : i32
      %mul3A_330 = arith.constant 16 : i32
      %mul3A_331 = arith.muli %scan3A_329, %mul3A_330 : i32
      %get3A_332 = arith.index_cast %mul3A_331 : i32 to index
      %get3A_333 = tpu.vector_load %arg7[%get3A_332] {strides = array<i32>} : memref<400xi32, #tpu.memory_space<vmem>>, vector<16xi32>,
      %mul3A_334 = arith.constant 8 : i32
      %mul3A_335 = vector.broadcast %mul3A_334 : i32 to vector<16xi32>
      %mul3A_336 = arith.muli %get3A_333, %mul3A_335 : vector<16xi32>
      %mul3A_337 = arith.constant 16 : i32
      %mul3A_338 = arith.muli %scan3A_329, %mul3A_337 : i32
      %add3A_339 = vector.broadcast %mul3A_338 : i32 to vector<16xi32>
      %add3A_340 = arith.addi %iota3A, %add3A_339 : vector<16xi32>
      %ge3A_341 = arith.constant 200 : i32
      %ge3A_342 = vector.broadcast %ge3A_341 : i32 to vector<16xi32>
      %ge3A_343 = arith.cmpi sge, %add3A_340, %ge3A_342 : vector<16xi32>
      %jit3A_344 = arith.constant 1 : i32
      %jit3A_345 = arith.constant 0 : i32
      %broadcast_in_dim3A_346 = vector.broadcast %jit3A_344 : i32 to vector<16xi32>
      %broadcast_in_dim3A_347 = vector.broadcast %jit3A_345 : i32 to vector<16xi32>
      %select_n3A_348 = arith.select %ge3A_343, %broadcast_in_dim3A_346, %broadcast_in_dim3A_347 : vector<16xi1>, vector<16xi32>
      %mul3A_349 = arith.constant 200 : i32
      %mul3A_350 = vector.broadcast %mul3A_349 : i32 to vector<16xi32>
      %mul3A_351 = arith.muli %select_n3A_348, %mul3A_350 : vector<16xi32>
      %sub3A_352 = arith.subi %add3A_340, %mul3A_351 : vector<16xi32>
      %add3A_353 = arith.constant 0 : i32
      %add3A_354 = vector.broadcast %add3A_353 : i32 to vector<16xi32>
      %add3A_355 = arith.addi %mul3A_336, %add3A_354 : vector<16xi32>
      %gather3A_356 = tpu.vector_load_idx %arg5[%add3A_355] : memref<800xf32, #tpu.memory_space<vmem>>[vector<16xi32>], vector<16xf32>,
      tpu.vector_store_idx %arg9[%select_n3A_348, %sub3A_352, %broadcast_in_dim3A_1], %gather3A_356 : memref<2x200x8xf32, #tpu.memory_space<vmem>>[vector<16xi32>, vector<16xi32>, vector<16xi32>], vector<16xf32>,
      %add3A_357 = arith.constant 1 : i32
      %add3A_358 = vector.broadcast %add3A_357 : i32 to vector<16xi32>
      %add3A_359 = arith.addi %mul3A_336, %add3A_358 : vector<16xi32>
      %gather3A_360 = tpu.vector_load_idx %arg5[%add3A_359] : memref<800xf32, #tpu.memory_space<vmem>>[vector<16xi32>], vector<16xf32>,
      tpu.vector_store_idx %arg9[%select_n3A_348, %sub3A_352, %broadcast_in_dim3A_3], %gather3A_360 : memref<2x200x8xf32, #tpu.memory_space<vmem>>[vector<16xi32>, vector<16xi32>, vector<16xi32>], vector<16xf32>,
      %add3A_361 = arith.constant 2 : i32
      %add3A_362 = vector.broadcast %add3A_361 : i32 to vector<16xi32>
      %add3A_363 = arith.addi %mul3A_336, %add3A_362 : vector<16xi32>
      %gather3A_364 = tpu.vector_load_idx %arg5[%add3A_363] : memref<800xf32, #tpu.memory_space<vmem>>[vector<16xi32>], vector<16xf32>,
      tpu.vector_store_idx %arg9[%select_n3A_348, %sub3A_352, %broadcast_in_dim3A_5], %gather3A_364 : memref<2x200x8xf32, #tpu.memory_space<vmem>>[vector<16xi32>, vector<16xi32>, vector<16xi32>], vector<16xf32>,
      %add3A_365 = arith.constant 3 : i32
      %add3A_366 = vector.broadcast %add3A_365 : i32 to vector<16xi32>
      %add3A_367 = arith.addi %mul3A_336, %add3A_366 : vector<16xi32>
      %gather3A_368 = tpu.vector_load_idx %arg5[%add3A_367] : memref<800xf32, #tpu.memory_space<vmem>>[vector<16xi32>], vector<16xf32>,
      tpu.vector_store_idx %arg9[%select_n3A_348, %sub3A_352, %broadcast_in_dim3A_7], %gather3A_368 : memref<2x200x8xf32, #tpu.memory_space<vmem>>[vector<16xi32>, vector<16xi32>, vector<16xi32>], vector<16xf32>,
      %add3A_369 = arith.constant 4 : i32
      %add3A_370 = vector.broadcast %add3A_369 : i32 to vector<16xi32>
      %add3A_371 = arith.addi %mul3A_336, %add3A_370 : vector<16xi32>
      %gather3A_372 = tpu.vector_load_idx %arg5[%add3A_371] : memref<800xf32, #tpu.memory_space<vmem>>[vector<16xi32>], vector<16xf32>,
      tpu.vector_store_idx %arg9[%select_n3A_348, %sub3A_352, %broadcast_in_dim3A_9], %gather3A_372 : memref<2x200x8xf32, #tpu.memory_space<vmem>>[vector<16xi32>, vector<16xi32>, vector<16xi32>], vector<16xf32>,
      %add3A_373 = arith.constant 5 : i32
      %add3A_374 = vector.broadcast %add3A_373 : i32 to vector<16xi32>
      %add3A_375 = arith.addi %mul3A_336, %add3A_374 : vector<16xi32>
      %gather3A_376 = tpu.vector_load_idx %arg5[%add3A_375] : memref<800xf32, #tpu.memory_space<vmem>>[vector<16xi32>], vector<16xf32>,
      tpu.vector_store_idx %arg9[%select_n3A_348, %sub3A_352, %broadcast_in_dim3A_11], %gather3A_376 : memref<2x200x8xf32, #tpu.memory_space<vmem>>[vector<16xi32>, vector<16xi32>, vector<16xi32>], vector<16xf32>,
      %add3A_377 = arith.constant 6 : i32
      %add3A_378 = vector.broadcast %add3A_377 : i32 to vector<16xi32>
      %add3A_379 = arith.addi %mul3A_336, %add3A_378 : vector<16xi32>
      %gather3A_380 = tpu.vector_load_idx %arg5[%add3A_379] : memref<800xf32, #tpu.memory_space<vmem>>[vector<16xi32>], vector<16xf32>,
      tpu.vector_store_idx %arg9[%select_n3A_348, %sub3A_352, %broadcast_in_dim3A_13], %gather3A_380 : memref<2x200x8xf32, #tpu.memory_space<vmem>>[vector<16xi32>, vector<16xi32>, vector<16xi32>], vector<16xf32>,
      %add3A_381 = arith.constant 7 : i32
      %add3A_382 = vector.broadcast %add3A_381 : i32 to vector<16xi32>
      %add3A_383 = arith.addi %mul3A_336, %add3A_382 : vector<16xi32>
      %gather3A_384 = tpu.vector_load_idx %arg5[%add3A_383] : memref<800xf32, #tpu.memory_space<vmem>>[vector<16xi32>], vector<16xf32>,
      tpu.vector_store_idx %arg9[%select_n3A_348, %sub3A_352, %broadcast_in_dim3A_15], %gather3A_384 : memref<2x200x8xf32, #tpu.memory_space<vmem>>[vector<16xi32>, vector<16xi32>, vector<16xi32>], vector<16xf32>,
    }
    %scan3A_59 = arith.constant 25 : i32
    %add3A_60 = arith.constant 2 : i32
    %add3A_61 = arith.addi %mul3A_0, %add3A_60 : i32
    %dma_start3A_62 = arith.constant 0 : i32
    %dma_start3A_63 = arith.constant 0 : i32
    %dma_start3A_64 = tpu.memref_slice %arg4[%add3A_61, %dma_start3A_62, %dma_start3A_63] : memref<8192x200x8xf32, #tpu.memory_space<hbm>> -> memref<2x200x8xf32, #tpu.memory_space<hbm>>
    %dma_start3A_65 = arith.constant 0 : i32
    %dma_start3A_66 = arith.constant 0 : i32
    %dma_start3A_67 = tpu.memref_slice %arg4[%add3A_61, %dma_start3A_65, %dma_start3A_66] : memref<8192x200x8xf32, #tpu.memory_space<hbm>> -> memref<2x200x8xf32, #tpu.memory_space<hbm>>
    tpu.enqueue_dma source(%arg9 : memref<2x200x8xf32, #tpu.memory_space<vmem>>) target(%dma_start3A_67 : memref<2x200x8xf32, #tpu.memory_space<hbm>>) target_semaphore(%arg11 : memref<!tpu.dma_semaphore, #tpu.memory_space<semaphore_mem>>)
    %add3A_68 = arith.constant 6 : i32
    %add3A_69 = arith.addi %mul3A_0, %add3A_68 : i32
    %mul3A_70 = arith.constant 200 : i32
    %mul3A_71 = arith.muli %add3A_69, %mul3A_70 : i32
    %dma_start3A_72 = tpu.memref_slice %arg3[%mul3A_71] : memref<1638400xi32, #tpu.memory_space<hbm>> -> memref<400xi32, #tpu.memory_space<hbm>>
    %dma_start3A_73 = tpu.memref_slice %arg3[%mul3A_71] : memref<1638400xi32, #tpu.memory_space<hbm>> -> memref<400xi32, #tpu.memory_space<hbm>>
    tpu.enqueue_dma source(%dma_start3A_73 : memref<400xi32, #tpu.memory_space<hbm>>) target(%arg7 : memref<400xi32, #tpu.memory_space<vmem>>) target_semaphore(%arg13 : memref<!tpu.dma_semaphore, #tpu.memory_space<semaphore_mem>>)
    %scan3A_74 = arith.constant 1 : i32
    %scan3A_75 = arith.constant 127 : i32
    %scan3A_76 = arith.addi %scan3A_74, %scan3A_75 : i32
    %scan3A_77 = arith.constant 1 : i32
    scf.for %scan3A_107 = %scan3A_74 to %scan3A_76 step %scan3A_77  : i32 {
      %mul3A_108 = arith.constant 2 : i32
      %mul3A_109 = arith.muli %mul3A_108, %scan3A_107 : i32
      %add3A_110 = arith.constant 0 : i32
      %add3A_111 = arith.addi %mul3A_109, %add3A_110 : i32
      %mul3A_112 = arith.constant 2 : i32
      %mul3A_113 = arith.muli %add3A_111, %mul3A_112 : i32
      %add3A_114 = arith.addi %mul3A_0, %mul3A_113 : i32
      %mul3A_115 = arith.constant 200 : i32
      %mul3A_116 = arith.muli %add3A_114, %mul3A_115 : i32
      %dma_wait3A_117 = tpu.memref_slice %arg3[%mul3A_116] : memref<1638400xi32, #tpu.memory_space<hbm>> -> memref<400xi32, #tpu.memory_space<hbm>>
      %dma_wait3A_118 = tpu.memref_slice %arg3[%mul3A_116] : memref<1638400xi32, #tpu.memory_space<hbm>> -> memref<400xi32, #tpu.memory_space<hbm>>
      tpu.wait_dma2 semaphore(%arg12 : memref<!tpu.dma_semaphore, #tpu.memory_space<semaphore_mem>>) src(%dma_wait3A_118 : memref<400xi32, #tpu.memory_space<hbm>>) dst(%arg6 : memref<400xi32, #tpu.memory_space<vmem>>)
      %mul3A_119 = arith.constant 2 : i32
      %mul3A_120 = arith.muli %add3A_111, %mul3A_119 : i32
      %add3A_121 = arith.addi %mul3A_0, %mul3A_120 : i32
      %dma_wait3A_122 = arith.constant 0 : i32
      %dma_wait3A_123 = arith.constant 0 : i32
      %dma_wait3A_124 = tpu.memref_slice %arg4[%add3A_121, %dma_wait3A_122, %dma_wait3A_123] : memref<8192x200x8xf32, #tpu.memory_space<hbm>> -> memref<2x200x8xf32, #tpu.memory_space<hbm>>
      %dma_wait3A_125 = arith.constant 0 : i32
      %dma_wait3A_126 = arith.constant 0 : i32
      %dma_wait3A_127 = tpu.memref_slice %arg4[%add3A_121, %dma_wait3A_125, %dma_wait3A_126] : memref<8192x200x8xf32, #tpu.memory_space<hbm>> -> memref<2x200x8xf32, #tpu.memory_space<hbm>>
      tpu.wait_dma2 semaphore(%arg10 : memref<!tpu.dma_semaphore, #tpu.memory_space<semaphore_mem>>) src(%arg8 : memref<2x200x8xf32, #tpu.memory_space<vmem>>) dst(%dma_wait3A_127 : memref<2x200x8xf32, #tpu.memory_space<hbm>>)
      %scan3A_128 = arith.constant 0 : i32
      %scan3A_129 = arith.constant 25 : i32
      %scan3A_130 = arith.addi %scan3A_128, %scan3A_129 : i32
      %scan3A_131 = arith.constant 5 : i32
      scf.for %scan3A_197 = %scan3A_128 to %scan3A_130 step %scan3A_131  : i32 {
        %mul3A_198 = arith.constant 16 : i32
        %mul3A_199 = arith.muli %scan3A_197, %mul3A_198 : i32
        %get3A = arith.index_cast %mul3A_199 : i32 to index
        %get3A_200 = tpu.vector_load %arg6[%get3A] {strides = array<i32>} : memref<400xi32, #tpu.memory_space<vmem>>, vector<16xi32>,
        %mul3A_201 = arith.constant 8 : i32
        %mul3A_202 = vector.broadcast %mul3A_201 : i32 to vector<16xi32>
        %mul3A_203 = arith.muli %get3A_200, %mul3A_202 : vector<16xi32>
        %mul3A_204 = arith.constant 16 : i32
        %mul3A_205 = arith.muli %scan3A_197, %mul3A_204 : i32
        %add3A_206 = vector.broadcast %mul3A_205 : i32 to vector<16xi32>
        %add3A_207 = arith.addi %iota3A, %add3A_206 : vector<16xi32>
        %ge3A = arith.constant 200 : i32
        %ge3A_208 = vector.broadcast %ge3A : i32 to vector<16xi32>
        %ge3A_209 = arith.cmpi sge, %add3A_207, %ge3A_208 : vector<16xi32>
        %jit3A = arith.constant 1 : i32
        %jit3A_210 = arith.constant 0 : i32
        %broadcast_in_dim3A_211 = vector.broadcast %jit3A : i32 to vector<16xi32>
        %broadcast_in_dim3A_212 = vector.broadcast %jit3A_210 : i32 to vector<16xi32>
        %select_n3A = arith.select %ge3A_209, %broadcast_in_dim3A_211, %broadcast_in_dim3A_212 : vector<16xi1>, vector<16xi32>
        %mul3A_213 = arith.constant 200 : i32
        %mul3A_214 = vector.broadcast %mul3A_213 : i32 to vector<16xi32>
        %mul3A_215 = arith.muli %select_n3A, %mul3A_214 : vector<16xi32>
        %sub3A = arith.subi %add3A_207, %mul3A_215 : vector<16xi32>
        %add3A_216 = arith.constant 0 : i32
        %add3A_217 = vector.broadcast %add3A_216 : i32 to vector<16xi32>
        %add3A_218 = arith.addi %mul3A_203, %add3A_217 : vector<16xi32>
        %gather3A = tpu.vector_load_idx %arg5[%add3A_218] : memref<800xf32, #tpu.memory_space<vmem>>[vector<16xi32>], vector<16xf32>,
        tpu.vector_store_idx %arg8[%select_n3A, %sub3A, %broadcast_in_dim3A_1], %gather3A : memref<2x200x8xf32, #tpu.memory_space<vmem>>[vector<16xi32>, vector<16xi32>, vector<16xi32>], vector<16xf32>,
        %add3A_219 = arith.constant 1 : i32
        %add3A_220 = vector.broadcast %add3A_219 : i32 to vector<16xi32>
        %add3A_221 = arith.addi %mul3A_203, %add3A_220 : vector<16xi32>
        %gather3A_222 = tpu.vector_load_idx %arg5[%add3A_221] : memref<800xf32, #tpu.memory_space<vmem>>[vector<16xi32>], vector<16xf32>,
        tpu.vector_store_idx %arg8[%select_n3A, %sub3A, %broadcast_in_dim3A_3], %gather3A_222 : memref<2x200x8xf32, #tpu.memory_space<vmem>>[vector<16xi32>, vector<16xi32>, vector<16xi32>], vector<16xf32>,
        %add3A_223 = arith.constant 2 : i32
        %add3A_224 = vector.broadcast %add3A_223 : i32 to vector<16xi32>
        %add3A_225 = arith.addi %mul3A_203, %add3A_224 : vector<16xi32>
        %gather3A_226 = tpu.vector_load_idx %arg5[%add3A_225] : memref<800xf32, #tpu.memory_space<vmem>>[vector<16xi32>], vector<16xf32>,
        tpu.vector_store_idx %arg8[%select_n3A, %sub3A, %broadcast_in_dim3A_5], %gather3A_226 : memref<2x200x8xf32, #tpu.memory_space<vmem>>[vector<16xi32>, vector<16xi32>, vector<16xi32>], vector<16xf32>,
        %add3A_227 = arith.constant 3 : i32
        %add3A_228 = vector.broadcast %add3A_227 : i32 to vector<16xi32>
        %add3A_229 = arith.addi %mul3A_203, %add3A_228 : vector<16xi32>
        %gather3A_230 = tpu.vector_load_idx %arg5[%add3A_229] : memref<800xf32, #tpu.memory_space<vmem>>[vector<16xi32>], vector<16xf32>,
        tpu.vector_store_idx %arg8[%select_n3A, %sub3A, %broadcast_in_dim3A_7], %gather3A_230 : memref<2x200x8xf32, #tpu.memory_space<vmem>>[vector<16xi32>, vector<16xi32>, vector<16xi32>], vector<16xf32>,
        %add3A_231 = arith.constant 4 : i32
        %add3A_232 = vector.broadcast %add3A_231 : i32 to vector<16xi32>
        %add3A_233 = arith.addi %mul3A_203, %add3A_232 : vector<16xi32>
        %gather3A_234 = tpu.vector_load_idx %arg5[%add3A_233] : memref<800xf32, #tpu.memory_space<vmem>>[vector<16xi32>], vector<16xf32>,
        tpu.vector_store_idx %arg8[%select_n3A, %sub3A, %broadcast_in_dim3A_9], %gather3A_234 : memref<2x200x8xf32, #tpu.memory_space<vmem>>[vector<16xi32>, vector<16xi32>, vector<16xi32>], vector<16xf32>,
        %add3A_235 = arith.constant 5 : i32
        %add3A_236 = vector.broadcast %add3A_235 : i32 to vector<16xi32>
        %add3A_237 = arith.addi %mul3A_203, %add3A_236 : vector<16xi32>
        %gather3A_238 = tpu.vector_load_idx %arg5[%add3A_237] : memref<800xf32, #tpu.memory_space<vmem>>[vector<16xi32>], vector<16xf32>,
        tpu.vector_store_idx %arg8[%select_n3A, %sub3A, %broadcast_in_dim3A_11], %gather3A_238 : memref<2x200x8xf32, #tpu.memory_space<vmem>>[vector<16xi32>, vector<16xi32>, vector<16xi32>], vector<16xf32>,
        %add3A_239 = arith.constant 6 : i32
        %add3A_240 = vector.broadcast %add3A_239 : i32 to vector<16xi32>
        %add3A_241 = arith.addi %mul3A_203, %add3A_240 : vector<16xi32>
        %gather3A_242 = tpu.vector_load_idx %arg5[%add3A_241] : memref<800xf32, #tpu.memory_space<vmem>>[vector<16xi32>], vector<16xf32>,
        tpu.vector_store_idx %arg8[%select_n3A, %sub3A, %broadcast_in_dim3A_13], %gather3A_242 : memref<2x200x8xf32, #tpu.memory_space<vmem>>[vector<16xi32>, vector<16xi32>, vector<16xi32>], vector<16xf32>,
        %add3A_243 = arith.constant 7 : i32
        %add3A_244 = vector.broadcast %add3A_243 : i32 to vector<16xi32>
        %add3A_245 = arith.addi %mul3A_203, %add3A_244 : vector<16xi32>
        %gather3A_246 = tpu.vector_load_idx %arg5[%add3A_245] : memref<800xf32, #tpu.memory_space<vmem>>[vector<16xi32>], vector<16xf32>,
        tpu.vector_store_idx %arg8[%select_n3A, %sub3A, %broadcast_in_dim3A_15], %gather3A_246 : memref<2x200x8xf32, #tpu.memory_space<vmem>>[vector<16xi32>, vector<16xi32>, vector<16xi32>], vector<16xf32>,
        %scan3A_247 = arith.constant 1 : i32
        %scan3A_248 = arith.addi %scan3A_197, %scan3A_247 : i32
        %mul3A_249 = arith.constant 16 : i32
        %mul3A_250 = arith.muli %scan3A_248, %mul3A_249 : i32
        %get3A_251 = arith.index_cast %mul3A_250 : i32 to index
        %get3A_252 = tpu.vector_load %arg6[%get3A_251] {strides = array<i32>} : memref<400xi32, #tpu.memory_space<vmem>>, vector<16xi32>,
        %mul3A_253 = arith.constant 8 : i32
        %mul3A_254 = vector.broadcast %mul3A_253 : i32 to vector<16xi32>
        %mul3A_255 = arith.muli %get3A_252, %mul3A_254 : vector<16xi32>
        %mul3A_256 = arith.constant 16 : i32
        %mul3A_257 = arith.muli %scan3A_248, %mul3A_256 : i32
        %add3A_258 = vector.broadcast %mul3A_257 : i32 to vector<16xi32>
        %add3A_259 = arith.addi %iota3A, %add3A_258 : vector<16xi32>
        %ge3A_260 = arith.constant 200 : i32
        %ge3A_261 = vector.broadcast %ge3A_260 : i32 to vector<16xi32>
        %ge3A_262 = arith.cmpi sge, %add3A_259, %ge3A_261 : vector<16xi32>
        %jit3A_263 = arith.constant 1 : i32
        %jit3A_264 = arith.constant 0 : i32
        %broadcast_in_dim3A_265 = vector.broadcast %jit3A_263 : i32 to vector<16xi32>
        %broadcast_in_dim3A_266 = vector.broadcast %jit3A_264 : i32 to vector<16xi32>
        %select_n3A_267 = arith.select %ge3A_262, %broadcast_in_dim3A_265, %broadcast_in_dim3A_266 : vector<16xi1>, vector<16xi32>
        %mul3A_268 = arith.constant 200 : i32
        %mul3A_269 = vector.broadcast %mul3A_268 : i32 to vector<16xi32>
        %mul3A_270 = arith.muli %select_n3A_267, %mul3A_269 : vector<16xi32>
        %sub3A_271 = arith.subi %add3A_259, %mul3A_270 : vector<16xi32>
        %add3A_272 = arith.constant 0 : i32
        %add3A_273 = vector.broadcast %add3A_272 : i32 to vector<16xi32>
        %add3A_274 = arith.addi %mul3A_255, %add3A_273 : vector<16xi32>
        %gather3A_275 = tpu.vector_load_idx %arg5[%add3A_274] : memref<800xf32, #tpu.memory_space<vmem>>[vector<16xi32>], vector<16xf32>,
        tpu.vector_store_idx %arg8[%select_n3A_267, %sub3A_271, %broadcast_in_dim3A_1], %gather3A_275 : memref<2x200x8xf32, #tpu.memory_space<vmem>>[vector<16xi32>, vector<16xi32>, vector<16xi32>], vector<16xf32>,
        %add3A_276 = arith.constant 1 : i32
        %add3A_277 = vector.broadcast %add3A_276 : i32 to vector<16xi32>
        %add3A_278 = arith.addi %mul3A_255, %add3A_277 : vector<16xi32>
        %gather3A_279 = tpu.vector_load_idx %arg5[%add3A_278] : memref<800xf32, #tpu.memory_space<vmem>>[vector<16xi32>], vector<16xf32>,
        tpu.vector_store_idx %arg8[%select_n3A_267, %sub3A_271, %broadcast_in_dim3A_3], %gather3A_279 : memref<2x200x8xf32, #tpu.memory_space<vmem>>[vector<16xi32>, vector<16xi32>, vector<16xi32>], vector<16xf32>,
        %add3A_280 = arith.constant 2 : i32
        %add3A_281 = vector.broadcast %add3A_280 : i32 to vector<16xi32>
        %add3A_282 = arith.addi %mul3A_255, %add3A_281 : vector<16xi32>
        %gather3A_283 = tpu.vector_load_idx %arg5[%add3A_282] : memref<800xf32, #tpu.memory_space<vmem>>[vector<16xi32>], vector<16xf32>,
        tpu.vector_store_idx %arg8[%select_n3A_267, %sub3A_271, %broadcast_in_dim3A_5], %gather3A_283 : memref<2x200x8xf32, #tpu.memory_space<vmem>>[vector<16xi32>, vector<16xi32>, vector<16xi32>], vector<16xf32>,
        %add3A_284 = arith.constant 3 : i32
        %add3A_285 = vector.broadcast %add3A_284 : i32 to vector<16xi32>
        %add3A_286 = arith.addi %mul3A_255, %add3A_285 : vector<16xi32>
        %gather3A_287 = tpu.vector_load_idx %arg5[%add3A_286] : memref<800xf32, #tpu.memory_space<vmem>>[vector<16xi32>], vector<16xf32>,
        tpu.vector_store_idx %arg8[%select_n3A_267, %sub3A_271, %broadcast_in_dim3A_7], %gather3A_287 : memref<2x200x8xf32, #tpu.memory_space<vmem>>[vector<16xi32>, vector<16xi32>, vector<16xi32>], vector<16xf32>,
        %add3A_288 = arith.constant 4 : i32
        %add3A_289 = vector.broadcast %add3A_288 : i32 to vector<16xi32>
        %add3A_290 = arith.addi %mul3A_255, %add3A_289 : vector<16xi32>
        %gather3A_291 = tpu.vector_load_idx %arg5[%add3A_290] : memref<800xf32, #tpu.memory_space<vmem>>[vector<16xi32>], vector<16xf32>,
        tpu.vector_store_idx %arg8[%select_n3A_267, %sub3A_271, %broadcast_in_dim3A_9], %gather3A_291 : memref<2x200x8xf32, #tpu.memory_space<vmem>>[vector<16xi32>, vector<16xi32>, vector<16xi32>], vector<16xf32>,
        %add3A_292 = arith.constant 5 : i32
        %add3A_293 = vector.broadcast %add3A_292 : i32 to vector<16xi32>
        %add3A_294 = arith.addi %mul3A_255, %add3A_293 : vector<16xi32>
        %gather3A_295 = tpu.vector_load_idx %arg5[%add3A_294] : memref<800xf32, #tpu.memory_space<vmem>>[vector<16xi32>], vector<16xf32>,
        tpu.vector_store_idx %arg8[%select_n3A_267, %sub3A_271, %broadcast_in_dim3A_11], %gather3A_295 : memref<2x200x8xf32, #tpu.memory_space<vmem>>[vector<16xi32>, vector<16xi32>, vector<16xi32>], vector<16xf32>,
        %add3A_296 = arith.constant 6 : i32
        %add3A_297 = vector.broadcast %add3A_296 : i32 to vector<16xi32>
        %add3A_298 = arith.addi %mul3A_255, %add3A_297 : vector<16xi32>
        %gather3A_299 = tpu.vector_load_idx %arg5[%add3A_298] : memref<800xf32, #tpu.memory_space<vmem>>[vector<16xi32>], vector<16xf32>,
        tpu.vector_store_idx %arg8[%select_n3A_267, %sub3A_271, %broadcast_in_dim3A_13], %gather3A_299 : memref<2x200x8xf32, #tpu.memory_space<vmem>>[vector<16xi32>, vector<16xi32>, vector<16xi32>], vector<16xf32>,
        %add3A_300 = arith.constant 7 : i32
        %add3A_301 = vector.broadcast %add3A_300 : i32 to vector<16xi32>
        %add3A_302 = arith.addi %mul3A_255, %add3A_301 : vector<16xi32>
        %gather3A_303 = tpu.vector_load_idx %arg5[%add3A_302] : memref<800xf32, #tpu.memory_space<vmem>>[vector<16xi32>], vector<16xf32>,
        tpu.vector_store_idx %arg8[%select_n3A_267, %sub3A_271, %broadcast_in_dim3A_15], %gather3A_303 : memref<2x200x8xf32, #tpu.memory_space<vmem>>[vector<16xi32>, vector<16xi32>, vector<16xi32>], vector<16xf32>,
        %scan3A_304 = arith.constant 2 : i32
        %scan3A_305 = arith.addi %scan3A_197, %scan3A_304 : i32
        %mul3A_306 = arith.constant 16 : i32
        %mul3A_307 = arith.muli %scan3A_305, %mul3A_306 : i32
        %get3A_308 = arith.index_cast %mul3A_307 : i32 to index
        %get3A_309 = tpu.vector_load %arg6[%get3A_308] {strides = array<i32>} : memref<400xi32, #tpu.memory_space<vmem>>, vector<16xi32>,
        %mul3A_310 = arith.constant 8 : i32
        %mul3A_311 = vector.broadcast %mul3A_310 : i32 to vector<16xi32>
        %mul3A_312 = arith.muli %get3A_309, %mul3A_311 : vector<16xi32>
        %mul3A_313 = arith.constant 16 : i32
        %mul3A_314 = arith.muli %scan3A_305, %mul3A_313 : i32
        %add3A_315 = vector.broadcast %mul3A_314 : i32 to vector<16xi32>
        %add3A_316 = arith.addi %iota3A, %add3A_315 : vector<16xi32>
        %ge3A_317 = arith.constant 200 : i32
        %ge3A_318 = vector.broadcast %ge3A_317 : i32 to vector<16xi32>
        %ge3A_319 = arith.cmpi sge, %add3A_316, %ge3A_318 : vector<16xi32>
        %jit3A_320 = arith.constant 1 : i32
        %jit3A_321 = arith.constant 0 : i32
        %broadcast_in_dim3A_322 = vector.broadcast %jit3A_320 : i32 to vector<16xi32>
        %broadcast_in_dim3A_323 = vector.broadcast %jit3A_321 : i32 to vector<16xi32>
        %select_n3A_324 = arith.select %ge3A_319, %broadcast_in_dim3A_322, %broadcast_in_dim3A_323 : vector<16xi1>, vector<16xi32>
        %mul3A_325 = arith.constant 200 : i32
        %mul3A_326 = vector.broadcast %mul3A_325 : i32 to vector<16xi32>
        %mul3A_327 = arith.muli %select_n3A_324, %mul3A_326 : vector<16xi32>
        %sub3A_328 = arith.subi %add3A_316, %mul3A_327 : vector<16xi32>
        %add3A_329 = arith.constant 0 : i32
        %add3A_330 = vector.broadcast %add3A_329 : i32 to vector<16xi32>
        %add3A_331 = arith.addi %mul3A_312, %add3A_330 : vector<16xi32>
        %gather3A_332 = tpu.vector_load_idx %arg5[%add3A_331] : memref<800xf32, #tpu.memory_space<vmem>>[vector<16xi32>], vector<16xf32>,
        tpu.vector_store_idx %arg8[%select_n3A_324, %sub3A_328, %broadcast_in_dim3A_1], %gather3A_332 : memref<2x200x8xf32, #tpu.memory_space<vmem>>[vector<16xi32>, vector<16xi32>, vector<16xi32>], vector<16xf32>,
        %add3A_333 = arith.constant 1 : i32
        %add3A_334 = vector.broadcast %add3A_333 : i32 to vector<16xi32>
        %add3A_335 = arith.addi %mul3A_312, %add3A_334 : vector<16xi32>
        %gather3A_336 = tpu.vector_load_idx %arg5[%add3A_335] : memref<800xf32, #tpu.memory_space<vmem>>[vector<16xi32>], vector<16xf32>,
        tpu.vector_store_idx %arg8[%select_n3A_324, %sub3A_328, %broadcast_in_dim3A_3], %gather3A_336 : memref<2x200x8xf32, #tpu.memory_space<vmem>>[vector<16xi32>, vector<16xi32>, vector<16xi32>], vector<16xf32>,
        %add3A_337 = arith.constant 2 : i32
        %add3A_338 = vector.broadcast %add3A_337 : i32 to vector<16xi32>
        %add3A_339 = arith.addi %mul3A_312, %add3A_338 : vector<16xi32>
        %gather3A_340 = tpu.vector_load_idx %arg5[%add3A_339] : memref<800xf32, #tpu.memory_space<vmem>>[vector<16xi32>], vector<16xf32>,
        tpu.vector_store_idx %arg8[%select_n3A_324, %sub3A_328, %broadcast_in_dim3A_5], %gather3A_340 : memref<2x200x8xf32, #tpu.memory_space<vmem>>[vector<16xi32>, vector<16xi32>, vector<16xi32>], vector<16xf32>,
        %add3A_341 = arith.constant 3 : i32
        %add3A_342 = vector.broadcast %add3A_341 : i32 to vector<16xi32>
        %add3A_343 = arith.addi %mul3A_312, %add3A_342 : vector<16xi32>
        %gather3A_344 = tpu.vector_load_idx %arg5[%add3A_343] : memref<800xf32, #tpu.memory_space<vmem>>[vector<16xi32>], vector<16xf32>,
        tpu.vector_store_idx %arg8[%select_n3A_324, %sub3A_328, %broadcast_in_dim3A_7], %gather3A_344 : memref<2x200x8xf32, #tpu.memory_space<vmem>>[vector<16xi32>, vector<16xi32>, vector<16xi32>], vector<16xf32>,
        %add3A_345 = arith.constant 4 : i32
        %add3A_346 = vector.broadcast %add3A_345 : i32 to vector<16xi32>
        %add3A_347 = arith.addi %mul3A_312, %add3A_346 : vector<16xi32>
        %gather3A_348 = tpu.vector_load_idx %arg5[%add3A_347] : memref<800xf32, #tpu.memory_space<vmem>>[vector<16xi32>], vector<16xf32>,
        tpu.vector_store_idx %arg8[%select_n3A_324, %sub3A_328, %broadcast_in_dim3A_9], %gather3A_348 : memref<2x200x8xf32, #tpu.memory_space<vmem>>[vector<16xi32>, vector<16xi32>, vector<16xi32>], vector<16xf32>,
        %add3A_349 = arith.constant 5 : i32
        %add3A_350 = vector.broadcast %add3A_349 : i32 to vector<16xi32>
        %add3A_351 = arith.addi %mul3A_312, %add3A_350 : vector<16xi32>
        %gather3A_352 = tpu.vector_load_idx %arg5[%add3A_351] : memref<800xf32, #tpu.memory_space<vmem>>[vector<16xi32>], vector<16xf32>,
        tpu.vector_store_idx %arg8[%select_n3A_324, %sub3A_328, %broadcast_in_dim3A_11], %gather3A_352 : memref<2x200x8xf32, #tpu.memory_space<vmem>>[vector<16xi32>, vector<16xi32>, vector<16xi32>], vector<16xf32>,
        %add3A_353 = arith.constant 6 : i32
        %add3A_354 = vector.broadcast %add3A_353 : i32 to vector<16xi32>
        %add3A_355 = arith.addi %mul3A_312, %add3A_354 : vector<16xi32>
        %gather3A_356 = tpu.vector_load_idx %arg5[%add3A_355] : memref<800xf32, #tpu.memory_space<vmem>>[vector<16xi32>], vector<16xf32>,
        tpu.vector_store_idx %arg8[%select_n3A_324, %sub3A_328, %broadcast_in_dim3A_13], %gather3A_356 : memref<2x200x8xf32, #tpu.memory_space<vmem>>[vector<16xi32>, vector<16xi32>, vector<16xi32>], vector<16xf32>,
        %add3A_357 = arith.constant 7 : i32
        %add3A_358 = vector.broadcast %add3A_357 : i32 to vector<16xi32>
        %add3A_359 = arith.addi %mul3A_312, %add3A_358 : vector<16xi32>
        %gather3A_360 = tpu.vector_load_idx %arg5[%add3A_359] : memref<800xf32, #tpu.memory_space<vmem>>[vector<16xi32>], vector<16xf32>,
        tpu.vector_store_idx %arg8[%select_n3A_324, %sub3A_328, %broadcast_in_dim3A_15], %gather3A_360 : memref<2x200x8xf32, #tpu.memory_space<vmem>>[vector<16xi32>, vector<16xi32>, vector<16xi32>], vector<16xf32>,
        %scan3A_361 = arith.constant 3 : i32
        %scan3A_362 = arith.addi %scan3A_197, %scan3A_361 : i32
        %mul3A_363 = arith.constant 16 : i32
        %mul3A_364 = arith.muli %scan3A_362, %mul3A_363 : i32
        %get3A_365 = arith.index_cast %mul3A_364 : i32 to index
        %get3A_366 = tpu.vector_load %arg6[%get3A_365] {strides = array<i32>} : memref<400xi32, #tpu.memory_space<vmem>>, vector<16xi32>,
        %mul3A_367 = arith.constant 8 : i32
        %mul3A_368 = vector.broadcast %mul3A_367 : i32 to vector<16xi32>
        %mul3A_369 = arith.muli %get3A_366, %mul3A_368 : vector<16xi32>
        %mul3A_370 = arith.constant 16 : i32
        %mul3A_371 = arith.muli %scan3A_362, %mul3A_370 : i32
        %add3A_372 = vector.broadcast %mul3A_371 : i32 to vector<16xi32>
        %add3A_373 = arith.addi %iota3A, %add3A_372 : vector<16xi32>
        %ge3A_374 = arith.constant 200 : i32
        %ge3A_375 = vector.broadcast %ge3A_374 : i32 to vector<16xi32>
        %ge3A_376 = arith.cmpi sge, %add3A_373, %ge3A_375 : vector<16xi32>
        %jit3A_377 = arith.constant 1 : i32
        %jit3A_378 = arith.constant 0 : i32
        %broadcast_in_dim3A_379 = vector.broadcast %jit3A_377 : i32 to vector<16xi32>
        %broadcast_in_dim3A_380 = vector.broadcast %jit3A_378 : i32 to vector<16xi32>
        %select_n3A_381 = arith.select %ge3A_376, %broadcast_in_dim3A_379, %broadcast_in_dim3A_380 : vector<16xi1>, vector<16xi32>
        %mul3A_382 = arith.constant 200 : i32
        %mul3A_383 = vector.broadcast %mul3A_382 : i32 to vector<16xi32>
        %mul3A_384 = arith.muli %select_n3A_381, %mul3A_383 : vector<16xi32>
        %sub3A_385 = arith.subi %add3A_373, %mul3A_384 : vector<16xi32>
        %add3A_386 = arith.constant 0 : i32
        %add3A_387 = vector.broadcast %add3A_386 : i32 to vector<16xi32>
        %add3A_388 = arith.addi %mul3A_369, %add3A_387 : vector<16xi32>
        %gather3A_389 = tpu.vector_load_idx %arg5[%add3A_388] : memref<800xf32, #tpu.memory_space<vmem>>[vector<16xi32>], vector<16xf32>,
        tpu.vector_store_idx %arg8[%select_n3A_381, %sub3A_385, %broadcast_in_dim3A_1], %gather3A_389 : memref<2x200x8xf32, #tpu.memory_space<vmem>>[vector<16xi32>, vector<16xi32>, vector<16xi32>], vector<16xf32>,
        %add3A_390 = arith.constant 1 : i32
        %add3A_391 = vector.broadcast %add3A_390 : i32 to vector<16xi32>
        %add3A_392 = arith.addi %mul3A_369, %add3A_391 : vector<16xi32>
        %gather3A_393 = tpu.vector_load_idx %arg5[%add3A_392] : memref<800xf32, #tpu.memory_space<vmem>>[vector<16xi32>], vector<16xf32>,
        tpu.vector_store_idx %arg8[%select_n3A_381, %sub3A_385, %broadcast_in_dim3A_3], %gather3A_393 : memref<2x200x8xf32, #tpu.memory_space<vmem>>[vector<16xi32>, vector<16xi32>, vector<16xi32>], vector<16xf32>,
        %add3A_394 = arith.constant 2 : i32
        %add3A_395 = vector.broadcast %add3A_394 : i32 to vector<16xi32>
        %add3A_396 = arith.addi %mul3A_369, %add3A_395 : vector<16xi32>
        %gather3A_397 = tpu.vector_load_idx %arg5[%add3A_396] : memref<800xf32, #tpu.memory_space<vmem>>[vector<16xi32>], vector<16xf32>,
        tpu.vector_store_idx %arg8[%select_n3A_381, %sub3A_385, %broadcast_in_dim3A_5], %gather3A_397 : memref<2x200x8xf32, #tpu.memory_space<vmem>>[vector<16xi32>, vector<16xi32>, vector<16xi32>], vector<16xf32>,
        %add3A_398 = arith.constant 3 : i32
        %add3A_399 = vector.broadcast %add3A_398 : i32 to vector<16xi32>
        %add3A_400 = arith.addi %mul3A_369, %add3A_399 : vector<16xi32>
        %gather3A_401 = tpu.vector_load_idx %arg5[%add3A_400] : memref<800xf32, #tpu.memory_space<vmem>>[vector<16xi32>], vector<16xf32>,
        tpu.vector_store_idx %arg8[%select_n3A_381, %sub3A_385, %broadcast_in_dim3A_7], %gather3A_401 : memref<2x200x8xf32, #tpu.memory_space<vmem>>[vector<16xi32>, vector<16xi32>, vector<16xi32>], vector<16xf32>,
        %add3A_402 = arith.constant 4 : i32
        %add3A_403 = vector.broadcast %add3A_402 : i32 to vector<16xi32>
        %add3A_404 = arith.addi %mul3A_369, %add3A_403 : vector<16xi32>
        %gather3A_405 = tpu.vector_load_idx %arg5[%add3A_404] : memref<800xf32, #tpu.memory_space<vmem>>[vector<16xi32>], vector<16xf32>,
        tpu.vector_store_idx %arg8[%select_n3A_381, %sub3A_385, %broadcast_in_dim3A_9], %gather3A_405 : memref<2x200x8xf32, #tpu.memory_space<vmem>>[vector<16xi32>, vector<16xi32>, vector<16xi32>], vector<16xf32>,
        %add3A_406 = arith.constant 5 : i32
        %add3A_407 = vector.broadcast %add3A_406 : i32 to vector<16xi32>
        %add3A_408 = arith.addi %mul3A_369, %add3A_407 : vector<16xi32>
        %gather3A_409 = tpu.vector_load_idx %arg5[%add3A_408] : memref<800xf32, #tpu.memory_space<vmem>>[vector<16xi32>], vector<16xf32>,
        tpu.vector_store_idx %arg8[%select_n3A_381, %sub3A_385, %broadcast_in_dim3A_11], %gather3A_409 : memref<2x200x8xf32, #tpu.memory_space<vmem>>[vector<16xi32>, vector<16xi32>, vector<16xi32>], vector<16xf32>,
        %add3A_410 = arith.constant 6 : i32
        %add3A_411 = vector.broadcast %add3A_410 : i32 to vector<16xi32>
        %add3A_412 = arith.addi %mul3A_369, %add3A_411 : vector<16xi32>
        %gather3A_413 = tpu.vector_load_idx %arg5[%add3A_412] : memref<800xf32, #tpu.memory_space<vmem>>[vector<16xi32>], vector<16xf32>,
        tpu.vector_store_idx %arg8[%select_n3A_381, %sub3A_385, %broadcast_in_dim3A_13], %gather3A_413 : memref<2x200x8xf32, #tpu.memory_space<vmem>>[vector<16xi32>, vector<16xi32>, vector<16xi32>], vector<16xf32>,
        %add3A_414 = arith.constant 7 : i32
        %add3A_415 = vector.broadcast %add3A_414 : i32 to vector<16xi32>
        %add3A_416 = arith.addi %mul3A_369, %add3A_415 : vector<16xi32>
        %gather3A_417 = tpu.vector_load_idx %arg5[%add3A_416] : memref<800xf32, #tpu.memory_space<vmem>>[vector<16xi32>], vector<16xf32>,
        tpu.vector_store_idx %arg8[%select_n3A_381, %sub3A_385, %broadcast_in_dim3A_15], %gather3A_417 : memref<2x200x8xf32, #tpu.memory_space<vmem>>[vector<16xi32>, vector<16xi32>, vector<16xi32>], vector<16xf32>,
        %scan3A_418 = arith.constant 4 : i32
        %scan3A_419 = arith.addi %scan3A_197, %scan3A_418 : i32
        %mul3A_420 = arith.constant 16 : i32
        %mul3A_421 = arith.muli %scan3A_419, %mul3A_420 : i32
        %get3A_422 = arith.index_cast %mul3A_421 : i32 to index
        %get3A_423 = tpu.vector_load %arg6[%get3A_422] {strides = array<i32>} : memref<400xi32, #tpu.memory_space<vmem>>, vector<16xi32>,
        %mul3A_424 = arith.constant 8 : i32
        %mul3A_425 = vector.broadcast %mul3A_424 : i32 to vector<16xi32>
        %mul3A_426 = arith.muli %get3A_423, %mul3A_425 : vector<16xi32>
        %mul3A_427 = arith.constant 16 : i32
        %mul3A_428 = arith.muli %scan3A_419, %mul3A_427 : i32
        %add3A_429 = vector.broadcast %mul3A_428 : i32 to vector<16xi32>
        %add3A_430 = arith.addi %iota3A, %add3A_429 : vector<16xi32>
        %ge3A_431 = arith.constant 200 : i32
        %ge3A_432 = vector.broadcast %ge3A_431 : i32 to vector<16xi32>
        %ge3A_433 = arith.cmpi sge, %add3A_430, %ge3A_432 : vector<16xi32>
        %jit3A_434 = arith.constant 1 : i32
        %jit3A_435 = arith.constant 0 : i32
        %broadcast_in_dim3A_436 = vector.broadcast %jit3A_434 : i32 to vector<16xi32>
        %broadcast_in_dim3A_437 = vector.broadcast %jit3A_435 : i32 to vector<16xi32>
        %select_n3A_438 = arith.select %ge3A_433, %broadcast_in_dim3A_436, %broadcast_in_dim3A_437 : vector<16xi1>, vector<16xi32>
        %mul3A_439 = arith.constant 200 : i32
        %mul3A_440 = vector.broadcast %mul3A_439 : i32 to vector<16xi32>
        %mul3A_441 = arith.muli %select_n3A_438, %mul3A_440 : vector<16xi32>
        %sub3A_442 = arith.subi %add3A_430, %mul3A_441 : vector<16xi32>
        %add3A_443 = arith.constant 0 : i32
        %add3A_444 = vector.broadcast %add3A_443 : i32 to vector<16xi32>
        %add3A_445 = arith.addi %mul3A_426, %add3A_444 : vector<16xi32>
        %gather3A_446 = tpu.vector_load_idx %arg5[%add3A_445] : memref<800xf32, #tpu.memory_space<vmem>>[vector<16xi32>], vector<16xf32>,
        tpu.vector_store_idx %arg8[%select_n3A_438, %sub3A_442, %broadcast_in_dim3A_1], %gather3A_446 : memref<2x200x8xf32, #tpu.memory_space<vmem>>[vector<16xi32>, vector<16xi32>, vector<16xi32>], vector<16xf32>,
        %add3A_447 = arith.constant 1 : i32
        %add3A_448 = vector.broadcast %add3A_447 : i32 to vector<16xi32>
        %add3A_449 = arith.addi %mul3A_426, %add3A_448 : vector<16xi32>
        %gather3A_450 = tpu.vector_load_idx %arg5[%add3A_449] : memref<800xf32, #tpu.memory_space<vmem>>[vector<16xi32>], vector<16xf32>,
        tpu.vector_store_idx %arg8[%select_n3A_438, %sub3A_442, %broadcast_in_dim3A_3], %gather3A_450 : memref<2x200x8xf32, #tpu.memory_space<vmem>>[vector<16xi32>, vector<16xi32>, vector<16xi32>], vector<16xf32>,
        %add3A_451 = arith.constant 2 : i32
        %add3A_452 = vector.broadcast %add3A_451 : i32 to vector<16xi32>
        %add3A_453 = arith.addi %mul3A_426, %add3A_452 : vector<16xi32>
        %gather3A_454 = tpu.vector_load_idx %arg5[%add3A_453] : memref<800xf32, #tpu.memory_space<vmem>>[vector<16xi32>], vector<16xf32>,
        tpu.vector_store_idx %arg8[%select_n3A_438, %sub3A_442, %broadcast_in_dim3A_5], %gather3A_454 : memref<2x200x8xf32, #tpu.memory_space<vmem>>[vector<16xi32>, vector<16xi32>, vector<16xi32>], vector<16xf32>,
        %add3A_455 = arith.constant 3 : i32
        %add3A_456 = vector.broadcast %add3A_455 : i32 to vector<16xi32>
        %add3A_457 = arith.addi %mul3A_426, %add3A_456 : vector<16xi32>
        %gather3A_458 = tpu.vector_load_idx %arg5[%add3A_457] : memref<800xf32, #tpu.memory_space<vmem>>[vector<16xi32>], vector<16xf32>,
        tpu.vector_store_idx %arg8[%select_n3A_438, %sub3A_442, %broadcast_in_dim3A_7], %gather3A_458 : memref<2x200x8xf32, #tpu.memory_space<vmem>>[vector<16xi32>, vector<16xi32>, vector<16xi32>], vector<16xf32>,
        %add3A_459 = arith.constant 4 : i32
        %add3A_460 = vector.broadcast %add3A_459 : i32 to vector<16xi32>
        %add3A_461 = arith.addi %mul3A_426, %add3A_460 : vector<16xi32>
        %gather3A_462 = tpu.vector_load_idx %arg5[%add3A_461] : memref<800xf32, #tpu.memory_space<vmem>>[vector<16xi32>], vector<16xf32>,
        tpu.vector_store_idx %arg8[%select_n3A_438, %sub3A_442, %broadcast_in_dim3A_9], %gather3A_462 : memref<2x200x8xf32, #tpu.memory_space<vmem>>[vector<16xi32>, vector<16xi32>, vector<16xi32>], vector<16xf32>,
        %add3A_463 = arith.constant 5 : i32
        %add3A_464 = vector.broadcast %add3A_463 : i32 to vector<16xi32>
        %add3A_465 = arith.addi %mul3A_426, %add3A_464 : vector<16xi32>
        %gather3A_466 = tpu.vector_load_idx %arg5[%add3A_465] : memref<800xf32, #tpu.memory_space<vmem>>[vector<16xi32>], vector<16xf32>,
        tpu.vector_store_idx %arg8[%select_n3A_438, %sub3A_442, %broadcast_in_dim3A_11], %gather3A_466 : memref<2x200x8xf32, #tpu.memory_space<vmem>>[vector<16xi32>, vector<16xi32>, vector<16xi32>], vector<16xf32>,
        %add3A_467 = arith.constant 6 : i32
        %add3A_468 = vector.broadcast %add3A_467 : i32 to vector<16xi32>
        %add3A_469 = arith.addi %mul3A_426, %add3A_468 : vector<16xi32>
        %gather3A_470 = tpu.vector_load_idx %arg5[%add3A_469] : memref<800xf32, #tpu.memory_space<vmem>>[vector<16xi32>], vector<16xf32>,
        tpu.vector_store_idx %arg8[%select_n3A_438, %sub3A_442, %broadcast_in_dim3A_13], %gather3A_470 : memref<2x200x8xf32, #tpu.memory_space<vmem>>[vector<16xi32>, vector<16xi32>, vector<16xi32>], vector<16xf32>,
        %add3A_471 = arith.constant 7 : i32
        %add3A_472 = vector.broadcast %add3A_471 : i32 to vector<16xi32>
        %add3A_473 = arith.addi %mul3A_426, %add3A_472 : vector<16xi32>
        %gather3A_474 = tpu.vector_load_idx %arg5[%add3A_473] : memref<800xf32, #tpu.memory_space<vmem>>[vector<16xi32>], vector<16xf32>,
        tpu.vector_store_idx %arg8[%select_n3A_438, %sub3A_442, %broadcast_in_dim3A_15], %gather3A_474 : memref<2x200x8xf32, #tpu.memory_space<vmem>>[vector<16xi32>, vector<16xi32>, vector<16xi32>], vector<16xf32>,
      }
      %scan3A_132 = arith.constant 25 : i32
      %mul3A_133 = arith.constant 2 : i32
      %mul3A_134 = arith.muli %add3A_111, %mul3A_133 : i32
      %add3A_135 = arith.addi %mul3A_0, %mul3A_134 : i32
      %dma_start3A_136 = arith.constant 0 : i32
      %dma_start3A_137 = arith.constant 0 : i32
      %dma_start3A_138 = tpu.memref_slice %arg4[%add3A_135, %dma_start3A_136, %dma_start3A_137] : memref<8192x200x8xf32, #tpu.memory_space<hbm>> -> memref<2x200x8xf32, #tpu.memory_space<hbm>>
      %dma_start3A_139 = arith.constant 0 : i32
      %dma_start3A_140 = arith.constant 0 : i32
      %dma_start3A_141 = tpu.memref_slice %arg4[%add3A_135, %dma_start3A_139, %dma_start3A_140] : memref<8192x200x8xf32, #tpu.memory_space<hbm>> -> memref<2x200x8xf32, #tpu.memory_space<hbm>>
      tpu.enqueue_dma source(%arg8 : memref<2x200x8xf32, #tpu.memory_space<vmem>>) target(%dma_start3A_141 : memref<2x200x8xf32, #tpu.memory_space<hbm>>) target_semaphore(%arg10 : memref<!tpu.dma_semaphore, #tpu.memory_space<semaphore_mem>>)
      %add3A_142 = arith.constant 2 : i32
      %add3A_143 = arith.addi %add3A_111, %add3A_142 : i32
      %min3A = arith.constant 254 : i32
      %min3A_144 = arith.minsi %add3A_143, %min3A : i32
      %mul3A_145 = arith.constant 2 : i32
      %mul3A_146 = arith.muli %min3A_144, %mul3A_145 : i32
      %add3A_147 = arith.addi %mul3A_0, %mul3A_146 : i32
      %mul3A_148 = arith.constant 200 : i32
      %mul3A_149 = arith.muli %add3A_147, %mul3A_148 : i32
      %dma_start3A_150 = tpu.memref_slice %arg3[%mul3A_149] : memref<1638400xi32, #tpu.memory_space<hbm>> -> memref<400xi32, #tpu.memory_space<hbm>>
      %dma_start3A_151 = tpu.memref_slice %arg3[%mul3A_149] : memref<1638400xi32, #tpu.memory_space<hbm>> -> memref<400xi32, #tpu.memory_space<hbm>>
      tpu.enqueue_dma source(%dma_start3A_151 : memref<400xi32, #tpu.memory_space<hbm>>) target(%arg6 : memref<400xi32, #tpu.memory_space<vmem>>) target_semaphore(%arg12 : memref<!tpu.dma_semaphore, #tpu.memory_space<semaphore_mem>>)
      %mul3A_152 = arith.constant 2 : i32
      %mul3A_153 = arith.muli %mul3A_152, %scan3A_107 : i32
      %add3A_154 = arith.constant 1 : i32
      %add3A_155 = arith.addi %mul3A_153, %add3A_154 : i32
      %mul3A_156 = arith.constant 2 : i32
      %mul3A_157 = arith.muli %add3A_155, %mul3A_156 : i32
      %add3A_158 = arith.addi %mul3A_0, %mul3A_157 : i32
      %mul3A_159 = arith.constant 200 : i32
      %mul3A_160 = arith.muli %add3A_158, %mul3A_159 : i32
      %dma_wait3A_161 = tpu.memref_slice %arg3[%mul3A_160] : memref<1638400xi32, #tpu.memory_space<hbm>> -> memref<400xi32, #tpu.memory_space<hbm>>
      %dma_wait3A_162 = tpu.memref_slice %arg3[%mul3A_160] : memref<1638400xi32, #tpu.memory_space<hbm>> -> memref<400xi32, #tpu.memory_space<hbm>>
      tpu.wait_dma2 semaphore(%arg13 : memref<!tpu.dma_semaphore, #tpu.memory_space<semaphore_mem>>) src(%dma_wait3A_162 : memref<400xi32, #tpu.memory_space<hbm>>) dst(%arg7 : memref<400xi32, #tpu.memory_space<vmem>>)
      %mul3A_163 = arith.constant 2 : i32
      %mul3A_164 = arith.muli %add3A_155, %mul3A_163 : i32
      %add3A_165 = arith.addi %mul3A_0, %mul3A_164 : i32
      %dma_wait3A_166 = arith.constant 0 : i32
      %dma_wait3A_167 = arith.constant 0 : i32
      %dma_wait3A_168 = tpu.memref_slice %arg4[%add3A_165, %dma_wait3A_166, %dma_wait3A_167] : memref<8192x200x8xf32, #tpu.memory_space<hbm>> -> memref<2x200x8xf32, #tpu.memory_space<hbm>>
      %dma_wait3A_169 = arith.constant 0 : i32
      %dma_wait3A_170 = arith.constant 0 : i32
      %dma_wait3A_171 = tpu.memref_slice %arg4[%add3A_165, %dma_wait3A_169, %dma_wait3A_170] : memref<8192x200x8xf32, #tpu.memory_space<hbm>> -> memref<2x200x8xf32, #tpu.memory_space<hbm>>
      tpu.wait_dma2 semaphore(%arg11 : memref<!tpu.dma_semaphore, #tpu.memory_space<semaphore_mem>>) src(%arg9 : memref<2x200x8xf32, #tpu.memory_space<vmem>>) dst(%dma_wait3A_171 : memref<2x200x8xf32, #tpu.memory_space<hbm>>)
      %scan3A_172 = arith.constant 0 : i32
      %scan3A_173 = arith.constant 25 : i32
      %scan3A_174 = arith.addi %scan3A_172, %scan3A_173 : i32
      %scan3A_175 = arith.constant 5 : i32
      scf.for %scan3A_197 = %scan3A_172 to %scan3A_174 step %scan3A_175  : i32 {
        %mul3A_198 = arith.constant 16 : i32
        %mul3A_199 = arith.muli %scan3A_197, %mul3A_198 : i32
        %get3A = arith.index_cast %mul3A_199 : i32 to index
        %get3A_200 = tpu.vector_load %arg7[%get3A] {strides = array<i32>} : memref<400xi32, #tpu.memory_space<vmem>>, vector<16xi32>,
        %mul3A_201 = arith.constant 8 : i32
        %mul3A_202 = vector.broadcast %mul3A_201 : i32 to vector<16xi32>
        %mul3A_203 = arith.muli %get3A_200, %mul3A_202 : vector<16xi32>
        %mul3A_204 = arith.constant 16 : i32
        %mul3A_205 = arith.muli %scan3A_197, %mul3A_204 : i32
        %add3A_206 = vector.broadcast %mul3A_205 : i32 to vector<16xi32>
        %add3A_207 = arith.addi %iota3A, %add3A_206 : vector<16xi32>
        %ge3A = arith.constant 200 : i32
        %ge3A_208 = vector.broadcast %ge3A : i32 to vector<16xi32>
        %ge3A_209 = arith.cmpi sge, %add3A_207, %ge3A_208 : vector<16xi32>
        %jit3A = arith.constant 1 : i32
        %jit3A_210 = arith.constant 0 : i32
        %broadcast_in_dim3A_211 = vector.broadcast %jit3A : i32 to vector<16xi32>
        %broadcast_in_dim3A_212 = vector.broadcast %jit3A_210 : i32 to vector<16xi32>
        %select_n3A = arith.select %ge3A_209, %broadcast_in_dim3A_211, %broadcast_in_dim3A_212 : vector<16xi1>, vector<16xi32>
        %mul3A_213 = arith.constant 200 : i32
        %mul3A_214 = vector.broadcast %mul3A_213 : i32 to vector<16xi32>
        %mul3A_215 = arith.muli %select_n3A, %mul3A_214 : vector<16xi32>
        %sub3A = arith.subi %add3A_207, %mul3A_215 : vector<16xi32>
        %add3A_216 = arith.constant 0 : i32
        %add3A_217 = vector.broadcast %add3A_216 : i32 to vector<16xi32>
        %add3A_218 = arith.addi %mul3A_203, %add3A_217 : vector<16xi32>
        %gather3A = tpu.vector_load_idx %arg5[%add3A_218] : memref<800xf32, #tpu.memory_space<vmem>>[vector<16xi32>], vector<16xf32>,
        tpu.vector_store_idx %arg9[%select_n3A, %sub3A, %broadcast_in_dim3A_1], %gather3A : memref<2x200x8xf32, #tpu.memory_space<vmem>>[vector<16xi32>, vector<16xi32>, vector<16xi32>], vector<16xf32>,
        %add3A_219 = arith.constant 1 : i32
        %add3A_220 = vector.broadcast %add3A_219 : i32 to vector<16xi32>
        %add3A_221 = arith.addi %mul3A_203, %add3A_220 : vector<16xi32>
        %gather3A_222 = tpu.vector_load_idx %arg5[%add3A_221] : memref<800xf32, #tpu.memory_space<vmem>>[vector<16xi32>], vector<16xf32>,
        tpu.vector_store_idx %arg9[%select_n3A, %sub3A, %broadcast_in_dim3A_3], %gather3A_222 : memref<2x200x8xf32, #tpu.memory_space<vmem>>[vector<16xi32>, vector<16xi32>, vector<16xi32>], vector<16xf32>,
        %add3A_223 = arith.constant 2 : i32
        %add3A_224 = vector.broadcast %add3A_223 : i32 to vector<16xi32>
        %add3A_225 = arith.addi %mul3A_203, %add3A_224 : vector<16xi32>
        %gather3A_226 = tpu.vector_load_idx %arg5[%add3A_225] : memref<800xf32, #tpu.memory_space<vmem>>[vector<16xi32>], vector<16xf32>,
        tpu.vector_store_idx %arg9[%select_n3A, %sub3A, %broadcast_in_dim3A_5], %gather3A_226 : memref<2x200x8xf32, #tpu.memory_space<vmem>>[vector<16xi32>, vector<16xi32>, vector<16xi32>], vector<16xf32>,
        %add3A_227 = arith.constant 3 : i32
        %add3A_228 = vector.broadcast %add3A_227 : i32 to vector<16xi32>
        %add3A_229 = arith.addi %mul3A_203, %add3A_228 : vector<16xi32>
        %gather3A_230 = tpu.vector_load_idx %arg5[%add3A_229] : memref<800xf32, #tpu.memory_space<vmem>>[vector<16xi32>], vector<16xf32>,
        tpu.vector_store_idx %arg9[%select_n3A, %sub3A, %broadcast_in_dim3A_7], %gather3A_230 : memref<2x200x8xf32, #tpu.memory_space<vmem>>[vector<16xi32>, vector<16xi32>, vector<16xi32>], vector<16xf32>,
        %add3A_231 = arith.constant 4 : i32
        %add3A_232 = vector.broadcast %add3A_231 : i32 to vector<16xi32>
        %add3A_233 = arith.addi %mul3A_203, %add3A_232 : vector<16xi32>
        %gather3A_234 = tpu.vector_load_idx %arg5[%add3A_233] : memref<800xf32, #tpu.memory_space<vmem>>[vector<16xi32>], vector<16xf32>,
        tpu.vector_store_idx %arg9[%select_n3A, %sub3A, %broadcast_in_dim3A_9], %gather3A_234 : memref<2x200x8xf32, #tpu.memory_space<vmem>>[vector<16xi32>, vector<16xi32>, vector<16xi32>], vector<16xf32>,
        %add3A_235 = arith.constant 5 : i32
        %add3A_236 = vector.broadcast %add3A_235 : i32 to vector<16xi32>
        %add3A_237 = arith.addi %mul3A_203, %add3A_236 : vector<16xi32>
        %gather3A_238 = tpu.vector_load_idx %arg5[%add3A_237] : memref<800xf32, #tpu.memory_space<vmem>>[vector<16xi32>], vector<16xf32>,
        tpu.vector_store_idx %arg9[%select_n3A, %sub3A, %broadcast_in_dim3A_11], %gather3A_238 : memref<2x200x8xf32, #tpu.memory_space<vmem>>[vector<16xi32>, vector<16xi32>, vector<16xi32>], vector<16xf32>,
        %add3A_239 = arith.constant 6 : i32
        %add3A_240 = vector.broadcast %add3A_239 : i32 to vector<16xi32>
        %add3A_241 = arith.addi %mul3A_203, %add3A_240 : vector<16xi32>
        %gather3A_242 = tpu.vector_load_idx %arg5[%add3A_241] : memref<800xf32, #tpu.memory_space<vmem>>[vector<16xi32>], vector<16xf32>,
        tpu.vector_store_idx %arg9[%select_n3A, %sub3A, %broadcast_in_dim3A_13], %gather3A_242 : memref<2x200x8xf32, #tpu.memory_space<vmem>>[vector<16xi32>, vector<16xi32>, vector<16xi32>], vector<16xf32>,
        %add3A_243 = arith.constant 7 : i32
        %add3A_244 = vector.broadcast %add3A_243 : i32 to vector<16xi32>
        %add3A_245 = arith.addi %mul3A_203, %add3A_244 : vector<16xi32>
        %gather3A_246 = tpu.vector_load_idx %arg5[%add3A_245] : memref<800xf32, #tpu.memory_space<vmem>>[vector<16xi32>], vector<16xf32>,
        tpu.vector_store_idx %arg9[%select_n3A, %sub3A, %broadcast_in_dim3A_15], %gather3A_246 : memref<2x200x8xf32, #tpu.memory_space<vmem>>[vector<16xi32>, vector<16xi32>, vector<16xi32>], vector<16xf32>,
        %scan3A_247 = arith.constant 1 : i32
        %scan3A_248 = arith.addi %scan3A_197, %scan3A_247 : i32
        %mul3A_249 = arith.constant 16 : i32
        %mul3A_250 = arith.muli %scan3A_248, %mul3A_249 : i32
        %get3A_251 = arith.index_cast %mul3A_250 : i32 to index
        %get3A_252 = tpu.vector_load %arg7[%get3A_251] {strides = array<i32>} : memref<400xi32, #tpu.memory_space<vmem>>, vector<16xi32>,
        %mul3A_253 = arith.constant 8 : i32
        %mul3A_254 = vector.broadcast %mul3A_253 : i32 to vector<16xi32>
        %mul3A_255 = arith.muli %get3A_252, %mul3A_254 : vector<16xi32>
        %mul3A_256 = arith.constant 16 : i32
        %mul3A_257 = arith.muli %scan3A_248, %mul3A_256 : i32
        %add3A_258 = vector.broadcast %mul3A_257 : i32 to vector<16xi32>
        %add3A_259 = arith.addi %iota3A, %add3A_258 : vector<16xi32>
        %ge3A_260 = arith.constant 200 : i32
        %ge3A_261 = vector.broadcast %ge3A_260 : i32 to vector<16xi32>
        %ge3A_262 = arith.cmpi sge, %add3A_259, %ge3A_261 : vector<16xi32>
        %jit3A_263 = arith.constant 1 : i32
        %jit3A_264 = arith.constant 0 : i32
        %broadcast_in_dim3A_265 = vector.broadcast %jit3A_263 : i32 to vector<16xi32>
        %broadcast_in_dim3A_266 = vector.broadcast %jit3A_264 : i32 to vector<16xi32>
        %select_n3A_267 = arith.select %ge3A_262, %broadcast_in_dim3A_265, %broadcast_in_dim3A_266 : vector<16xi1>, vector<16xi32>
        %mul3A_268 = arith.constant 200 : i32
        %mul3A_269 = vector.broadcast %mul3A_268 : i32 to vector<16xi32>
        %mul3A_270 = arith.muli %select_n3A_267, %mul3A_269 : vector<16xi32>
        %sub3A_271 = arith.subi %add3A_259, %mul3A_270 : vector<16xi32>
        %add3A_272 = arith.constant 0 : i32
        %add3A_273 = vector.broadcast %add3A_272 : i32 to vector<16xi32>
        %add3A_274 = arith.addi %mul3A_255, %add3A_273 : vector<16xi32>
        %gather3A_275 = tpu.vector_load_idx %arg5[%add3A_274] : memref<800xf32, #tpu.memory_space<vmem>>[vector<16xi32>], vector<16xf32>,
        tpu.vector_store_idx %arg9[%select_n3A_267, %sub3A_271, %broadcast_in_dim3A_1], %gather3A_275 : memref<2x200x8xf32, #tpu.memory_space<vmem>>[vector<16xi32>, vector<16xi32>, vector<16xi32>], vector<16xf32>,
        %add3A_276 = arith.constant 1 : i32
        %add3A_277 = vector.broadcast %add3A_276 : i32 to vector<16xi32>
        %add3A_278 = arith.addi %mul3A_255, %add3A_277 : vector<16xi32>
        %gather3A_279 = tpu.vector_load_idx %arg5[%add3A_278] : memref<800xf32, #tpu.memory_space<vmem>>[vector<16xi32>], vector<16xf32>,
        tpu.vector_store_idx %arg9[%select_n3A_267, %sub3A_271, %broadcast_in_dim3A_3], %gather3A_279 : memref<2x200x8xf32, #tpu.memory_space<vmem>>[vector<16xi32>, vector<16xi32>, vector<16xi32>], vector<16xf32>,
        %add3A_280 = arith.constant 2 : i32
        %add3A_281 = vector.broadcast %add3A_280 : i32 to vector<16xi32>
        %add3A_282 = arith.addi %mul3A_255, %add3A_281 : vector<16xi32>
        %gather3A_283 = tpu.vector_load_idx %arg5[%add3A_282] : memref<800xf32, #tpu.memory_space<vmem>>[vector<16xi32>], vector<16xf32>,
        tpu.vector_store_idx %arg9[%select_n3A_267, %sub3A_271, %broadcast_in_dim3A_5], %gather3A_283 : memref<2x200x8xf32, #tpu.memory_space<vmem>>[vector<16xi32>, vector<16xi32>, vector<16xi32>], vector<16xf32>,
        %add3A_284 = arith.constant 3 : i32
        %add3A_285 = vector.broadcast %add3A_284 : i32 to vector<16xi32>
        %add3A_286 = arith.addi %mul3A_255, %add3A_285 : vector<16xi32>
        %gather3A_287 = tpu.vector_load_idx %arg5[%add3A_286] : memref<800xf32, #tpu.memory_space<vmem>>[vector<16xi32>], vector<16xf32>,
        tpu.vector_store_idx %arg9[%select_n3A_267, %sub3A_271, %broadcast_in_dim3A_7], %gather3A_287 : memref<2x200x8xf32, #tpu.memory_space<vmem>>[vector<16xi32>, vector<16xi32>, vector<16xi32>], vector<16xf32>,
        %add3A_288 = arith.constant 4 : i32
        %add3A_289 = vector.broadcast %add3A_288 : i32 to vector<16xi32>
        %add3A_290 = arith.addi %mul3A_255, %add3A_289 : vector<16xi32>
        %gather3A_291 = tpu.vector_load_idx %arg5[%add3A_290] : memref<800xf32, #tpu.memory_space<vmem>>[vector<16xi32>], vector<16xf32>,
        tpu.vector_store_idx %arg9[%select_n3A_267, %sub3A_271, %broadcast_in_dim3A_9], %gather3A_291 : memref<2x200x8xf32, #tpu.memory_space<vmem>>[vector<16xi32>, vector<16xi32>, vector<16xi32>], vector<16xf32>,
        %add3A_292 = arith.constant 5 : i32
        %add3A_293 = vector.broadcast %add3A_292 : i32 to vector<16xi32>
        %add3A_294 = arith.addi %mul3A_255, %add3A_293 : vector<16xi32>
        %gather3A_295 = tpu.vector_load_idx %arg5[%add3A_294] : memref<800xf32, #tpu.memory_space<vmem>>[vector<16xi32>], vector<16xf32>,
        tpu.vector_store_idx %arg9[%select_n3A_267, %sub3A_271, %broadcast_in_dim3A_11], %gather3A_295 : memref<2x200x8xf32, #tpu.memory_space<vmem>>[vector<16xi32>, vector<16xi32>, vector<16xi32>], vector<16xf32>,
        %add3A_296 = arith.constant 6 : i32
        %add3A_297 = vector.broadcast %add3A_296 : i32 to vector<16xi32>
        %add3A_298 = arith.addi %mul3A_255, %add3A_297 : vector<16xi32>
        %gather3A_299 = tpu.vector_load_idx %arg5[%add3A_298] : memref<800xf32, #tpu.memory_space<vmem>>[vector<16xi32>], vector<16xf32>,
        tpu.vector_store_idx %arg9[%select_n3A_267, %sub3A_271, %broadcast_in_dim3A_13], %gather3A_299 : memref<2x200x8xf32, #tpu.memory_space<vmem>>[vector<16xi32>, vector<16xi32>, vector<16xi32>], vector<16xf32>,
        %add3A_300 = arith.constant 7 : i32
        %add3A_301 = vector.broadcast %add3A_300 : i32 to vector<16xi32>
        %add3A_302 = arith.addi %mul3A_255, %add3A_301 : vector<16xi32>
        %gather3A_303 = tpu.vector_load_idx %arg5[%add3A_302] : memref<800xf32, #tpu.memory_space<vmem>>[vector<16xi32>], vector<16xf32>,
        tpu.vector_store_idx %arg9[%select_n3A_267, %sub3A_271, %broadcast_in_dim3A_15], %gather3A_303 : memref<2x200x8xf32, #tpu.memory_space<vmem>>[vector<16xi32>, vector<16xi32>, vector<16xi32>], vector<16xf32>,
        %scan3A_304 = arith.constant 2 : i32
        %scan3A_305 = arith.addi %scan3A_197, %scan3A_304 : i32
        %mul3A_306 = arith.constant 16 : i32
        %mul3A_307 = arith.muli %scan3A_305, %mul3A_306 : i32
        %get3A_308 = arith.index_cast %mul3A_307 : i32 to index
        %get3A_309 = tpu.vector_load %arg7[%get3A_308] {strides = array<i32>} : memref<400xi32, #tpu.memory_space<vmem>>, vector<16xi32>,
        %mul3A_310 = arith.constant 8 : i32
        %mul3A_311 = vector.broadcast %mul3A_310 : i32 to vector<16xi32>
        %mul3A_312 = arith.muli %get3A_309, %mul3A_311 : vector<16xi32>
        %mul3A_313 = arith.constant 16 : i32
        %mul3A_314 = arith.muli %scan3A_305, %mul3A_313 : i32
        %add3A_315 = vector.broadcast %mul3A_314 : i32 to vector<16xi32>
        %add3A_316 = arith.addi %iota3A, %add3A_315 : vector<16xi32>
        %ge3A_317 = arith.constant 200 : i32
        %ge3A_318 = vector.broadcast %ge3A_317 : i32 to vector<16xi32>
        %ge3A_319 = arith.cmpi sge, %add3A_316, %ge3A_318 : vector<16xi32>
        %jit3A_320 = arith.constant 1 : i32
        %jit3A_321 = arith.constant 0 : i32
        %broadcast_in_dim3A_322 = vector.broadcast %jit3A_320 : i32 to vector<16xi32>
        %broadcast_in_dim3A_323 = vector.broadcast %jit3A_321 : i32 to vector<16xi32>
        %select_n3A_324 = arith.select %ge3A_319, %broadcast_in_dim3A_322, %broadcast_in_dim3A_323 : vector<16xi1>, vector<16xi32>
        %mul3A_325 = arith.constant 200 : i32
        %mul3A_326 = vector.broadcast %mul3A_325 : i32 to vector<16xi32>
        %mul3A_327 = arith.muli %select_n3A_324, %mul3A_326 : vector<16xi32>
        %sub3A_328 = arith.subi %add3A_316, %mul3A_327 : vector<16xi32>
        %add3A_329 = arith.constant 0 : i32
        %add3A_330 = vector.broadcast %add3A_329 : i32 to vector<16xi32>
        %add3A_331 = arith.addi %mul3A_312, %add3A_330 : vector<16xi32>
        %gather3A_332 = tpu.vector_load_idx %arg5[%add3A_331] : memref<800xf32, #tpu.memory_space<vmem>>[vector<16xi32>], vector<16xf32>,
        tpu.vector_store_idx %arg9[%select_n3A_324, %sub3A_328, %broadcast_in_dim3A_1], %gather3A_332 : memref<2x200x8xf32, #tpu.memory_space<vmem>>[vector<16xi32>, vector<16xi32>, vector<16xi32>], vector<16xf32>,
        %add3A_333 = arith.constant 1 : i32
        %add3A_334 = vector.broadcast %add3A_333 : i32 to vector<16xi32>
        %add3A_335 = arith.addi %mul3A_312, %add3A_334 : vector<16xi32>
        %gather3A_336 = tpu.vector_load_idx %arg5[%add3A_335] : memref<800xf32, #tpu.memory_space<vmem>>[vector<16xi32>], vector<16xf32>,
        tpu.vector_store_idx %arg9[%select_n3A_324, %sub3A_328, %broadcast_in_dim3A_3], %gather3A_336 : memref<2x200x8xf32, #tpu.memory_space<vmem>>[vector<16xi32>, vector<16xi32>, vector<16xi32>], vector<16xf32>,
        %add3A_337 = arith.constant 2 : i32
        %add3A_338 = vector.broadcast %add3A_337 : i32 to vector<16xi32>
        %add3A_339 = arith.addi %mul3A_312, %add3A_338 : vector<16xi32>
        %gather3A_340 = tpu.vector_load_idx %arg5[%add3A_339] : memref<800xf32, #tpu.memory_space<vmem>>[vector<16xi32>], vector<16xf32>,
        tpu.vector_store_idx %arg9[%select_n3A_324, %sub3A_328, %broadcast_in_dim3A_5], %gather3A_340 : memref<2x200x8xf32, #tpu.memory_space<vmem>>[vector<16xi32>, vector<16xi32>, vector<16xi32>], vector<16xf32>,
        %add3A_341 = arith.constant 3 : i32
        %add3A_342 = vector.broadcast %add3A_341 : i32 to vector<16xi32>
        %add3A_343 = arith.addi %mul3A_312, %add3A_342 : vector<16xi32>
        %gather3A_344 = tpu.vector_load_idx %arg5[%add3A_343] : memref<800xf32, #tpu.memory_space<vmem>>[vector<16xi32>], vector<16xf32>,
        tpu.vector_store_idx %arg9[%select_n3A_324, %sub3A_328, %broadcast_in_dim3A_7], %gather3A_344 : memref<2x200x8xf32, #tpu.memory_space<vmem>>[vector<16xi32>, vector<16xi32>, vector<16xi32>], vector<16xf32>,
        %add3A_345 = arith.constant 4 : i32
        %add3A_346 = vector.broadcast %add3A_345 : i32 to vector<16xi32>
        %add3A_347 = arith.addi %mul3A_312, %add3A_346 : vector<16xi32>
        %gather3A_348 = tpu.vector_load_idx %arg5[%add3A_347] : memref<800xf32, #tpu.memory_space<vmem>>[vector<16xi32>], vector<16xf32>,
        tpu.vector_store_idx %arg9[%select_n3A_324, %sub3A_328, %broadcast_in_dim3A_9], %gather3A_348 : memref<2x200x8xf32, #tpu.memory_space<vmem>>[vector<16xi32>, vector<16xi32>, vector<16xi32>], vector<16xf32>,
        %add3A_349 = arith.constant 5 : i32
        %add3A_350 = vector.broadcast %add3A_349 : i32 to vector<16xi32>
        %add3A_351 = arith.addi %mul3A_312, %add3A_350 : vector<16xi32>
        %gather3A_352 = tpu.vector_load_idx %arg5[%add3A_351] : memref<800xf32, #tpu.memory_space<vmem>>[vector<16xi32>], vector<16xf32>,
        tpu.vector_store_idx %arg9[%select_n3A_324, %sub3A_328, %broadcast_in_dim3A_11], %gather3A_352 : memref<2x200x8xf32, #tpu.memory_space<vmem>>[vector<16xi32>, vector<16xi32>, vector<16xi32>], vector<16xf32>,
        %add3A_353 = arith.constant 6 : i32
        %add3A_354 = vector.broadcast %add3A_353 : i32 to vector<16xi32>
        %add3A_355 = arith.addi %mul3A_312, %add3A_354 : vector<16xi32>
        %gather3A_356 = tpu.vector_load_idx %arg5[%add3A_355] : memref<800xf32, #tpu.memory_space<vmem>>[vector<16xi32>], vector<16xf32>,
        tpu.vector_store_idx %arg9[%select_n3A_324, %sub3A_328, %broadcast_in_dim3A_13], %gather3A_356 : memref<2x200x8xf32, #tpu.memory_space<vmem>>[vector<16xi32>, vector<16xi32>, vector<16xi32>], vector<16xf32>,
        %add3A_357 = arith.constant 7 : i32
        %add3A_358 = vector.broadcast %add3A_357 : i32 to vector<16xi32>
        %add3A_359 = arith.addi %mul3A_312, %add3A_358 : vector<16xi32>
        %gather3A_360 = tpu.vector_load_idx %arg5[%add3A_359] : memref<800xf32, #tpu.memory_space<vmem>>[vector<16xi32>], vector<16xf32>,
        tpu.vector_store_idx %arg9[%select_n3A_324, %sub3A_328, %broadcast_in_dim3A_15], %gather3A_360 : memref<2x200x8xf32, #tpu.memory_space<vmem>>[vector<16xi32>, vector<16xi32>, vector<16xi32>], vector<16xf32>,
        %scan3A_361 = arith.constant 3 : i32
        %scan3A_362 = arith.addi %scan3A_197, %scan3A_361 : i32
        %mul3A_363 = arith.constant 16 : i32
        %mul3A_364 = arith.muli %scan3A_362, %mul3A_363 : i32
        %get3A_365 = arith.index_cast %mul3A_364 : i32 to index
        %get3A_366 = tpu.vector_load %arg7[%get3A_365] {strides = array<i32>} : memref<400xi32, #tpu.memory_space<vmem>>, vector<16xi32>,
        %mul3A_367 = arith.constant 8 : i32
        %mul3A_368 = vector.broadcast %mul3A_367 : i32 to vector<16xi32>
        %mul3A_369 = arith.muli %get3A_366, %mul3A_368 : vector<16xi32>
        %mul3A_370 = arith.constant 16 : i32
        %mul3A_371 = arith.muli %scan3A_362, %mul3A_370 : i32
        %add3A_372 = vector.broadcast %mul3A_371 : i32 to vector<16xi32>
        %add3A_373 = arith.addi %iota3A, %add3A_372 : vector<16xi32>
        %ge3A_374 = arith.constant 200 : i32
        %ge3A_375 = vector.broadcast %ge3A_374 : i32 to vector<16xi32>
        %ge3A_376 = arith.cmpi sge, %add3A_373, %ge3A_375 : vector<16xi32>
        %jit3A_377 = arith.constant 1 : i32
        %jit3A_378 = arith.constant 0 : i32
        %broadcast_in_dim3A_379 = vector.broadcast %jit3A_377 : i32 to vector<16xi32>
        %broadcast_in_dim3A_380 = vector.broadcast %jit3A_378 : i32 to vector<16xi32>
        %select_n3A_381 = arith.select %ge3A_376, %broadcast_in_dim3A_379, %broadcast_in_dim3A_380 : vector<16xi1>, vector<16xi32>
        %mul3A_382 = arith.constant 200 : i32
        %mul3A_383 = vector.broadcast %mul3A_382 : i32 to vector<16xi32>
        %mul3A_384 = arith.muli %select_n3A_381, %mul3A_383 : vector<16xi32>
        %sub3A_385 = arith.subi %add3A_373, %mul3A_384 : vector<16xi32>
        %add3A_386 = arith.constant 0 : i32
        %add3A_387 = vector.broadcast %add3A_386 : i32 to vector<16xi32>
        %add3A_388 = arith.addi %mul3A_369, %add3A_387 : vector<16xi32>
        %gather3A_389 = tpu.vector_load_idx %arg5[%add3A_388] : memref<800xf32, #tpu.memory_space<vmem>>[vector<16xi32>], vector<16xf32>,
        tpu.vector_store_idx %arg9[%select_n3A_381, %sub3A_385, %broadcast_in_dim3A_1], %gather3A_389 : memref<2x200x8xf32, #tpu.memory_space<vmem>>[vector<16xi32>, vector<16xi32>, vector<16xi32>], vector<16xf32>,
        %add3A_390 = arith.constant 1 : i32
        %add3A_391 = vector.broadcast %add3A_390 : i32 to vector<16xi32>
        %add3A_392 = arith.addi %mul3A_369, %add3A_391 : vector<16xi32>
        %gather3A_393 = tpu.vector_load_idx %arg5[%add3A_392] : memref<800xf32, #tpu.memory_space<vmem>>[vector<16xi32>], vector<16xf32>,
        tpu.vector_store_idx %arg9[%select_n3A_381, %sub3A_385, %broadcast_in_dim3A_3], %gather3A_393 : memref<2x200x8xf32, #tpu.memory_space<vmem>>[vector<16xi32>, vector<16xi32>, vector<16xi32>], vector<16xf32>,
        %add3A_394 = arith.constant 2 : i32
        %add3A_395 = vector.broadcast %add3A_394 : i32 to vector<16xi32>
        %add3A_396 = arith.addi %mul3A_369, %add3A_395 : vector<16xi32>
        %gather3A_397 = tpu.vector_load_idx %arg5[%add3A_396] : memref<800xf32, #tpu.memory_space<vmem>>[vector<16xi32>], vector<16xf32>,
        tpu.vector_store_idx %arg9[%select_n3A_381, %sub3A_385, %broadcast_in_dim3A_5], %gather3A_397 : memref<2x200x8xf32, #tpu.memory_space<vmem>>[vector<16xi32>, vector<16xi32>, vector<16xi32>], vector<16xf32>,
        %add3A_398 = arith.constant 3 : i32
        %add3A_399 = vector.broadcast %add3A_398 : i32 to vector<16xi32>
        %add3A_400 = arith.addi %mul3A_369, %add3A_399 : vector<16xi32>
        %gather3A_401 = tpu.vector_load_idx %arg5[%add3A_400] : memref<800xf32, #tpu.memory_space<vmem>>[vector<16xi32>], vector<16xf32>,
        tpu.vector_store_idx %arg9[%select_n3A_381, %sub3A_385, %broadcast_in_dim3A_7], %gather3A_401 : memref<2x200x8xf32, #tpu.memory_space<vmem>>[vector<16xi32>, vector<16xi32>, vector<16xi32>], vector<16xf32>,
        %add3A_402 = arith.constant 4 : i32
        %add3A_403 = vector.broadcast %add3A_402 : i32 to vector<16xi32>
        %add3A_404 = arith.addi %mul3A_369, %add3A_403 : vector<16xi32>
        %gather3A_405 = tpu.vector_load_idx %arg5[%add3A_404] : memref<800xf32, #tpu.memory_space<vmem>>[vector<16xi32>], vector<16xf32>,
        tpu.vector_store_idx %arg9[%select_n3A_381, %sub3A_385, %broadcast_in_dim3A_9], %gather3A_405 : memref<2x200x8xf32, #tpu.memory_space<vmem>>[vector<16xi32>, vector<16xi32>, vector<16xi32>], vector<16xf32>,
        %add3A_406 = arith.constant 5 : i32
        %add3A_407 = vector.broadcast %add3A_406 : i32 to vector<16xi32>
        %add3A_408 = arith.addi %mul3A_369, %add3A_407 : vector<16xi32>
        %gather3A_409 = tpu.vector_load_idx %arg5[%add3A_408] : memref<800xf32, #tpu.memory_space<vmem>>[vector<16xi32>], vector<16xf32>,
        tpu.vector_store_idx %arg9[%select_n3A_381, %sub3A_385, %broadcast_in_dim3A_11], %gather3A_409 : memref<2x200x8xf32, #tpu.memory_space<vmem>>[vector<16xi32>, vector<16xi32>, vector<16xi32>], vector<16xf32>,
        %add3A_410 = arith.constant 6 : i32
        %add3A_411 = vector.broadcast %add3A_410 : i32 to vector<16xi32>
        %add3A_412 = arith.addi %mul3A_369, %add3A_411 : vector<16xi32>
        %gather3A_413 = tpu.vector_load_idx %arg5[%add3A_412] : memref<800xf32, #tpu.memory_space<vmem>>[vector<16xi32>], vector<16xf32>,
        tpu.vector_store_idx %arg9[%select_n3A_381, %sub3A_385, %broadcast_in_dim3A_13], %gather3A_413 : memref<2x200x8xf32, #tpu.memory_space<vmem>>[vector<16xi32>, vector<16xi32>, vector<16xi32>], vector<16xf32>,
        %add3A_414 = arith.constant 7 : i32
        %add3A_415 = vector.broadcast %add3A_414 : i32 to vector<16xi32>
        %add3A_416 = arith.addi %mul3A_369, %add3A_415 : vector<16xi32>
        %gather3A_417 = tpu.vector_load_idx %arg5[%add3A_416] : memref<800xf32, #tpu.memory_space<vmem>>[vector<16xi32>], vector<16xf32>,
        tpu.vector_store_idx %arg9[%select_n3A_381, %sub3A_385, %broadcast_in_dim3A_15], %gather3A_417 : memref<2x200x8xf32, #tpu.memory_space<vmem>>[vector<16xi32>, vector<16xi32>, vector<16xi32>], vector<16xf32>,
        %scan3A_418 = arith.constant 4 : i32
        %scan3A_419 = arith.addi %scan3A_197, %scan3A_418 : i32
        %mul3A_420 = arith.constant 16 : i32
        %mul3A_421 = arith.muli %scan3A_419, %mul3A_420 : i32
        %get3A_422 = arith.index_cast %mul3A_421 : i32 to index
        %get3A_423 = tpu.vector_load %arg7[%get3A_422] {strides = array<i32>} : memref<400xi32, #tpu.memory_space<vmem>>, vector<16xi32>,
        %mul3A_424 = arith.constant 8 : i32
        %mul3A_425 = vector.broadcast %mul3A_424 : i32 to vector<16xi32>
        %mul3A_426 = arith.muli %get3A_423, %mul3A_425 : vector<16xi32>
        %mul3A_427 = arith.constant 16 : i32
        %mul3A_428 = arith.muli %scan3A_419, %mul3A_427 : i32
        %add3A_429 = vector.broadcast %mul3A_428 : i32 to vector<16xi32>
        %add3A_430 = arith.addi %iota3A, %add3A_429 : vector<16xi32>
        %ge3A_431 = arith.constant 200 : i32
        %ge3A_432 = vector.broadcast %ge3A_431 : i32 to vector<16xi32>
        %ge3A_433 = arith.cmpi sge, %add3A_430, %ge3A_432 : vector<16xi32>
        %jit3A_434 = arith.constant 1 : i32
        %jit3A_435 = arith.constant 0 : i32
        %broadcast_in_dim3A_436 = vector.broadcast %jit3A_434 : i32 to vector<16xi32>
        %broadcast_in_dim3A_437 = vector.broadcast %jit3A_435 : i32 to vector<16xi32>
        %select_n3A_438 = arith.select %ge3A_433, %broadcast_in_dim3A_436, %broadcast_in_dim3A_437 : vector<16xi1>, vector<16xi32>
        %mul3A_439 = arith.constant 200 : i32
        %mul3A_440 = vector.broadcast %mul3A_439 : i32 to vector<16xi32>
        %mul3A_441 = arith.muli %select_n3A_438, %mul3A_440 : vector<16xi32>
        %sub3A_442 = arith.subi %add3A_430, %mul3A_441 : vector<16xi32>
        %add3A_443 = arith.constant 0 : i32
        %add3A_444 = vector.broadcast %add3A_443 : i32 to vector<16xi32>
        %add3A_445 = arith.addi %mul3A_426, %add3A_444 : vector<16xi32>
        %gather3A_446 = tpu.vector_load_idx %arg5[%add3A_445] : memref<800xf32, #tpu.memory_space<vmem>>[vector<16xi32>], vector<16xf32>,
        tpu.vector_store_idx %arg9[%select_n3A_438, %sub3A_442, %broadcast_in_dim3A_1], %gather3A_446 : memref<2x200x8xf32, #tpu.memory_space<vmem>>[vector<16xi32>, vector<16xi32>, vector<16xi32>], vector<16xf32>,
        %add3A_447 = arith.constant 1 : i32
        %add3A_448 = vector.broadcast %add3A_447 : i32 to vector<16xi32>
        %add3A_449 = arith.addi %mul3A_426, %add3A_448 : vector<16xi32>
        %gather3A_450 = tpu.vector_load_idx %arg5[%add3A_449] : memref<800xf32, #tpu.memory_space<vmem>>[vector<16xi32>], vector<16xf32>,
        tpu.vector_store_idx %arg9[%select_n3A_438, %sub3A_442, %broadcast_in_dim3A_3], %gather3A_450 : memref<2x200x8xf32, #tpu.memory_space<vmem>>[vector<16xi32>, vector<16xi32>, vector<16xi32>], vector<16xf32>,
        %add3A_451 = arith.constant 2 : i32
        %add3A_452 = vector.broadcast %add3A_451 : i32 to vector<16xi32>
        %add3A_453 = arith.addi %mul3A_426, %add3A_452 : vector<16xi32>
        %gather3A_454 = tpu.vector_load_idx %arg5[%add3A_453] : memref<800xf32, #tpu.memory_space<vmem>>[vector<16xi32>], vector<16xf32>,
        tpu.vector_store_idx %arg9[%select_n3A_438, %sub3A_442, %broadcast_in_dim3A_5], %gather3A_454 : memref<2x200x8xf32, #tpu.memory_space<vmem>>[vector<16xi32>, vector<16xi32>, vector<16xi32>], vector<16xf32>,
        %add3A_455 = arith.constant 3 : i32
        %add3A_456 = vector.broadcast %add3A_455 : i32 to vector<16xi32>
        %add3A_457 = arith.addi %mul3A_426, %add3A_456 : vector<16xi32>
        %gather3A_458 = tpu.vector_load_idx %arg5[%add3A_457] : memref<800xf32, #tpu.memory_space<vmem>>[vector<16xi32>], vector<16xf32>,
        tpu.vector_store_idx %arg9[%select_n3A_438, %sub3A_442, %broadcast_in_dim3A_7], %gather3A_458 : memref<2x200x8xf32, #tpu.memory_space<vmem>>[vector<16xi32>, vector<16xi32>, vector<16xi32>], vector<16xf32>,
        %add3A_459 = arith.constant 4 : i32
        %add3A_460 = vector.broadcast %add3A_459 : i32 to vector<16xi32>
        %add3A_461 = arith.addi %mul3A_426, %add3A_460 : vector<16xi32>
        %gather3A_462 = tpu.vector_load_idx %arg5[%add3A_461] : memref<800xf32, #tpu.memory_space<vmem>>[vector<16xi32>], vector<16xf32>,
        tpu.vector_store_idx %arg9[%select_n3A_438, %sub3A_442, %broadcast_in_dim3A_9], %gather3A_462 : memref<2x200x8xf32, #tpu.memory_space<vmem>>[vector<16xi32>, vector<16xi32>, vector<16xi32>], vector<16xf32>,
        %add3A_463 = arith.constant 5 : i32
        %add3A_464 = vector.broadcast %add3A_463 : i32 to vector<16xi32>
        %add3A_465 = arith.addi %mul3A_426, %add3A_464 : vector<16xi32>
        %gather3A_466 = tpu.vector_load_idx %arg5[%add3A_465] : memref<800xf32, #tpu.memory_space<vmem>>[vector<16xi32>], vector<16xf32>,
        tpu.vector_store_idx %arg9[%select_n3A_438, %sub3A_442, %broadcast_in_dim3A_11], %gather3A_466 : memref<2x200x8xf32, #tpu.memory_space<vmem>>[vector<16xi32>, vector<16xi32>, vector<16xi32>], vector<16xf32>,
        %add3A_467 = arith.constant 6 : i32
        %add3A_468 = vector.broadcast %add3A_467 : i32 to vector<16xi32>
        %add3A_469 = arith.addi %mul3A_426, %add3A_468 : vector<16xi32>
        %gather3A_470 = tpu.vector_load_idx %arg5[%add3A_469] : memref<800xf32, #tpu.memory_space<vmem>>[vector<16xi32>], vector<16xf32>,
        tpu.vector_store_idx %arg9[%select_n3A_438, %sub3A_442, %broadcast_in_dim3A_13], %gather3A_470 : memref<2x200x8xf32, #tpu.memory_space<vmem>>[vector<16xi32>, vector<16xi32>, vector<16xi32>], vector<16xf32>,
        %add3A_471 = arith.constant 7 : i32
        %add3A_472 = vector.broadcast %add3A_471 : i32 to vector<16xi32>
        %add3A_473 = arith.addi %mul3A_426, %add3A_472 : vector<16xi32>
        %gather3A_474 = tpu.vector_load_idx %arg5[%add3A_473] : memref<800xf32, #tpu.memory_space<vmem>>[vector<16xi32>], vector<16xf32>,
        tpu.vector_store_idx %arg9[%select_n3A_438, %sub3A_442, %broadcast_in_dim3A_15], %gather3A_474 : memref<2x200x8xf32, #tpu.memory_space<vmem>>[vector<16xi32>, vector<16xi32>, vector<16xi32>], vector<16xf32>,
      }
      %scan3A_176 = arith.constant 25 : i32
      %mul3A_177 = arith.constant 2 : i32
      %mul3A_178 = arith.muli %add3A_155, %mul3A_177 : i32
      %add3A_179 = arith.addi %mul3A_0, %mul3A_178 : i32
      %dma_start3A_180 = arith.constant 0 : i32
      %dma_start3A_181 = arith.constant 0 : i32
      %dma_start3A_182 = tpu.memref_slice %arg4[%add3A_179, %dma_start3A_180, %dma_start3A_181] : memref<8192x200x8xf32, #tpu.memory_space<hbm>> -> memref<2x200x8xf32, #tpu.memory_space<hbm>>
      %dma_start3A_183 = arith.constant 0 : i32
      %dma_start3A_184 = arith.constant 0 : i32
      %dma_start3A_185 = tpu.memref_slice %arg4[%add3A_179, %dma_start3A_183, %dma_start3A_184] : memref<8192x200x8xf32, #tpu.memory_space<hbm>> -> memref<2x200x8xf32, #tpu.memory_space<hbm>>
      tpu.enqueue_dma source(%arg9 : memref<2x200x8xf32, #tpu.memory_space<vmem>>) target(%dma_start3A_185 : memref<2x200x8xf32, #tpu.memory_space<hbm>>) target_semaphore(%arg11 : memref<!tpu.dma_semaphore, #tpu.memory_space<semaphore_mem>>)
      %add3A_186 = arith.constant 2 : i32
      %add3A_187 = arith.addi %add3A_155, %add3A_186 : i32
      %min3A_188 = arith.constant 255 : i32
      %min3A_189 = arith.minsi %add3A_187, %min3A_188 : i32
      %mul3A_190 = arith.constant 2 : i32
      %mul3A_191 = arith.muli %min3A_189, %mul3A_190 : i32
      %add3A_192 = arith.addi %mul3A_0, %mul3A_191 : i32
      %mul3A_193 = arith.constant 200 : i32
      %mul3A_194 = arith.muli %add3A_192, %mul3A_193 : i32
      %dma_start3A_195 = tpu.memref_slice %arg3[%mul3A_194] : memref<1638400xi32, #tpu.memory_space<hbm>> -> memref<400xi32, #tpu.memory_space<hbm>>
      %dma_start3A_196 = tpu.memref_slice %arg3[%mul3A_194] : memref<1638400xi32, #tpu.memory_space<hbm>> -> memref<400xi32, #tpu.memory_space<hbm>>
      tpu.enqueue_dma source(%dma_start3A_196 : memref<400xi32, #tpu.memory_space<hbm>>) target(%arg7 : memref<400xi32, #tpu.memory_space<vmem>>) target_semaphore(%arg13 : memref<!tpu.dma_semaphore, #tpu.memory_space<semaphore_mem>>)
    }
    %scan3A_78 = arith.constant 127 : i32
    %add3A_79 = arith.constant 508 : i32
    %add3A_80 = arith.addi %mul3A_0, %add3A_79 : i32
    %dma_wait3A_81 = arith.constant 0 : i32
    %dma_wait3A_82 = arith.constant 0 : i32
    %dma_wait3A_83 = tpu.memref_slice %arg4[%add3A_80, %dma_wait3A_81, %dma_wait3A_82] : memref<8192x200x8xf32, #tpu.memory_space<hbm>> -> memref<2x200x8xf32, #tpu.memory_space<hbm>>
    %dma_wait3A_84 = arith.constant 0 : i32
    %dma_wait3A_85 = arith.constant 0 : i32
    %dma_wait3A_86 = tpu.memref_slice %arg4[%add3A_80, %dma_wait3A_84, %dma_wait3A_85] : memref<8192x200x8xf32, #tpu.memory_space<hbm>> -> memref<2x200x8xf32, #tpu.memory_space<hbm>>
    tpu.wait_dma2 semaphore(%arg10 : memref<!tpu.dma_semaphore, #tpu.memory_space<semaphore_mem>>) src(%arg8 : memref<2x200x8xf32, #tpu.memory_space<vmem>>) dst(%dma_wait3A_86 : memref<2x200x8xf32, #tpu.memory_space<hbm>>)
    %add3A_87 = arith.constant 0 : i32
    %add3A_88 = arith.addi %mul3A_0, %add3A_87 : i32
    %mul3A_89 = arith.constant 200 : i32
    %mul3A_90 = arith.muli %add3A_88, %mul3A_89 : i32
    %dma_wait3A_91 = tpu.memref_slice %arg3[%mul3A_90] : memref<1638400xi32, #tpu.memory_space<hbm>> -> memref<400xi32, #tpu.memory_space<hbm>>
    %dma_wait3A_92 = tpu.memref_slice %arg3[%mul3A_90] : memref<1638400xi32, #tpu.memory_space<hbm>> -> memref<400xi32, #tpu.memory_space<hbm>>
    tpu.wait_dma2 semaphore(%arg12 : memref<!tpu.dma_semaphore, #tpu.memory_space<semaphore_mem>>) src(%dma_wait3A_92 : memref<400xi32, #tpu.memory_space<hbm>>) dst(%arg6 : memref<400xi32, #tpu.memory_space<vmem>>)
    %add3A_93 = arith.constant 510 : i32
    %add3A_94 = arith.addi %mul3A_0, %add3A_93 : i32
    %dma_wait3A_95 = arith.constant 0 : i32
    %dma_wait3A_96 = arith.constant 0 : i32
    %dma_wait3A_97 = tpu.memref_slice %arg4[%add3A_94, %dma_wait3A_95, %dma_wait3A_96] : memref<8192x200x8xf32, #tpu.memory_space<hbm>> -> memref<2x200x8xf32, #tpu.memory_space<hbm>>
    %dma_wait3A_98 = arith.constant 0 : i32
    %dma_wait3A_99 = arith.constant 0 : i32
    %dma_wait3A_100 = tpu.memref_slice %arg4[%add3A_94, %dma_wait3A_98, %dma_wait3A_99] : memref<8192x200x8xf32, #tpu.memory_space<hbm>> -> memref<2x200x8xf32, #tpu.memory_space<hbm>>
    tpu.wait_dma2 semaphore(%arg11 : memref<!tpu.dma_semaphore, #tpu.memory_space<semaphore_mem>>) src(%arg9 : memref<2x200x8xf32, #tpu.memory_space<vmem>>) dst(%dma_wait3A_100 : memref<2x200x8xf32, #tpu.memory_space<hbm>>)
    %add3A_101 = arith.constant 2 : i32
    %add3A_102 = arith.addi %mul3A_0, %add3A_101 : i32
    %mul3A_103 = arith.constant 200 : i32
    %mul3A_104 = arith.muli %add3A_102, %mul3A_103 : i32
    %dma_wait3A_105 = tpu.memref_slice %arg3[%mul3A_104] : memref<1638400xi32, #tpu.memory_space<hbm>> -> memref<400xi32, #tpu.memory_space<hbm>>
    %dma_wait3A_106 = tpu.memref_slice %arg3[%mul3A_104] : memref<1638400xi32, #tpu.memory_space<hbm>> -> memref<400xi32, #tpu.memory_space<hbm>>
    tpu.wait_dma2 semaphore(%arg13 : memref<!tpu.dma_semaphore, #tpu.memory_space<semaphore_mem>>) src(%dma_wait3A_106 : memref<400xi32, #tpu.memory_space<hbm>>) dst(%arg7 : memref<400xi32, #tpu.memory_space<vmem>>)
    return
  }
}

#map = affine_map<(d0, d1) -> (0)>
#map1 = affine_map<(d0, d1) -> (0, 0, 0)>
module attributes {stable_mosaic.version = 14 : i64} {
  func.func @_gather_kernel(%arg0: i32, %arg1: i32, %arg2: memref<800xf32, #tpu.memory_space<hbm>>, %arg3: memref<1638400xi32, #tpu.memory_space<hbm>>, %arg4: memref<8192x200x8xf32, #tpu.memory_space<hbm>>, %arg5: memref<800xf32, #tpu.memory_space<vmem>>, %arg6: memref<400xi32, #tpu.memory_space<vmem>>, %arg7: memref<400xi32, #tpu.memory_space<vmem>>, %arg8: memref<2x200x8xf32, #tpu.memory_space<vmem>>, %arg9: memref<2x200x8xf32, #tpu.memory_space<vmem>>, %arg10: memref<!tpu.dma_semaphore, #tpu.memory_space<semaphore_mem>>, %arg11: memref<!tpu.dma_semaphore, #tpu.memory_space<semaphore_mem>>, %arg12: memref<!tpu.dma_semaphore, #tpu.memory_space<semaphore_mem>>, %arg13: memref<!tpu.dma_semaphore, #tpu.memory_space<semaphore_mem>>) attributes {dimension_semantics = [#tpu.dimension_semantics<core_parallel>, #tpu.dimension_semantics<subcore_parallel>], iteration_bounds = array<i64: 1, 16>, scalar_prefetch = 0 : i64, scratch_operands = 9 : i64, tpu.core_type = #tpu.core_type<sc_vector_subcore>, window_params = [{transform_indices = #map}, {transform_indices = #map}, {transform_indices = #map1}]} {
    %mul3A = arith.constant 512 : i32
    %mul3A_0 = arith.muli %arg1, %mul3A : i32
    "tpu.region"() ({
      %run_scoped3A = tpu.sem_alloc : memref<!tpu.dma_semaphore, #tpu.memory_space<semaphore_mem>>
      tpu.enqueue_dma source(%arg2 : memref<800xf32, #tpu.memory_space<hbm>>) target(%arg5 : memref<800xf32, #tpu.memory_space<vmem>>) target_semaphore(%run_scoped3A : memref<!tpu.dma_semaphore, #tpu.memory_space<semaphore_mem>>)
      tpu.wait_dma2 semaphore(%run_scoped3A : memref<!tpu.dma_semaphore, #tpu.memory_space<semaphore_mem>>) src(%arg2 : memref<800xf32, #tpu.memory_space<hbm>>) dst(%arg5 : memref<800xf32, #tpu.memory_space<vmem>>)
      tpu.yield
    }) : () -> ()
    %iota3A = tpu.iota {dimensions = array<i32: 0>} : vector<16xi32>
    %broadcast_in_dim3A = arith.constant 0 : i32
    %broadcast_in_dim3A_1 = vector.broadcast %broadcast_in_dim3A : i32 to vector<16xi32>
    %broadcast_in_dim3A_2 = arith.constant 1 : i32
    %broadcast_in_dim3A_3 = vector.broadcast %broadcast_in_dim3A_2 : i32 to vector<16xi32>
    %broadcast_in_dim3A_4 = arith.constant 2 : i32
    %broadcast_in_dim3A_5 = vector.broadcast %broadcast_in_dim3A_4 : i32 to vector<16xi32>
    %broadcast_in_dim3A_6 = arith.constant 3 : i32
    %broadcast_in_dim3A_7 = vector.broadcast %broadcast_in_dim3A_6 : i32 to vector<16xi32>
    %broadcast_in_dim3A_8 = arith.constant 4 : i32
    %broadcast_in_dim3A_9 = vector.broadcast %broadcast_in_dim3A_8 : i32 to vector<16xi32>
    %broadcast_in_dim3A_10 = arith.constant 5 : i32
    %broadcast_in_dim3A_11 = vector.broadcast %broadcast_in_dim3A_10 : i32 to vector<16xi32>
    %broadcast_in_dim3A_12 = arith.constant 6 : i32
    %broadcast_in_dim3A_13 = vector.broadcast %broadcast_in_dim3A_12 : i32 to vector<16xi32>
    %broadcast_in_dim3A_14 = arith.constant 7 : i32
    %broadcast_in_dim3A_15 = vector.broadcast %broadcast_in_dim3A_14 : i32 to vector<16xi32>
    %add3A = arith.constant 0 : i32
    %add3A_16 = arith.addi %mul3A_0, %add3A : i32
    %mul3A_17 = arith.constant 200 : i32
    %mul3A_18 = arith.muli %add3A_16, %mul3A_17 : i32
    %dma_start3A = tpu.memref_slice %arg3[%mul3A_18] : memref<1638400xi32, #tpu.memory_space<hbm>> -> memref<400xi32, #tpu.memory_space<hbm>>
    %dma_start3A_19 = tpu.memref_slice %arg3[%mul3A_18] : memref<1638400xi32, #tpu.memory_space<hbm>> -> memref<400xi32, #tpu.memory_space<hbm>>
    tpu.enqueue_dma source(%dma_start3A_19 : memref<400xi32, #tpu.memory_space<hbm>>) target(%arg6 : memref<400xi32, #tpu.memory_space<vmem>>) target_semaphore(%arg12 : memref<!tpu.dma_semaphore, #tpu.memory_space<semaphore_mem>>)
    %add3A_20 = arith.constant 2 : i32
    %add3A_21 = arith.addi %mul3A_0, %add3A_20 : i32
    %mul3A_22 = arith.constant 200 : i32
    %mul3A_23 = arith.muli %add3A_21, %mul3A_22 : i32
    %dma_start3A_24 = tpu.memref_slice %arg3[%mul3A_23] : memref<1638400xi32, #tpu.memory_space<hbm>> -> memref<400xi32, #tpu.memory_space<hbm>>
    %dma_start3A_25 = tpu.memref_slice %arg3[%mul3A_23] : memref<1638400xi32, #tpu.memory_space<hbm>> -> memref<400xi32, #tpu.memory_space<hbm>>
    tpu.enqueue_dma source(%dma_start3A_25 : memref<400xi32, #tpu.memory_space<hbm>>) target(%arg7 : memref<400xi32, #tpu.memory_space<vmem>>) target_semaphore(%arg13 : memref<!tpu.dma_semaphore, #tpu.memory_space<semaphore_mem>>)
    %add3A_26 = arith.constant 0 : i32
    %add3A_27 = arith.addi %mul3A_0, %add3A_26 : i32
    %mul3A_28 = arith.constant 200 : i32
    %mul3A_29 = arith.muli %add3A_27, %mul3A_28 : i32
    %dma_wait3A = tpu.memref_slice %arg3[%mul3A_29] : memref<1638400xi32, #tpu.memory_space<hbm>> -> memref<400xi32, #tpu.memory_space<hbm>>
    %dma_wait3A_30 = tpu.memref_slice %arg3[%mul3A_29] : memref<1638400xi32, #tpu.memory_space<hbm>> -> memref<400xi32, #tpu.memory_space<hbm>>
    tpu.wait_dma2 semaphore(%arg12 : memref<!tpu.dma_semaphore, #tpu.memory_space<semaphore_mem>>) src(%dma_wait3A_30 : memref<400xi32, #tpu.memory_space<hbm>>) dst(%arg6 : memref<400xi32, #tpu.memory_space<vmem>>)
    %scan3A = arith.constant 0 : i32
    %scan3A_31 = arith.constant 25 : i32
    %scan3A_32 = arith.addi %scan3A, %scan3A_31 : i32
    %scan3A_33 = arith.constant 5 : i32
    scf.for %scan3A_107 = %scan3A to %scan3A_32 step %scan3A_33  : i32 {
      %mul3A_108 = arith.constant 16 : i32
      %mul3A_109 = arith.muli %scan3A_107, %mul3A_108 : i32
      %get3A = arith.index_cast %mul3A_109 : i32 to index
      %get3A_110 = tpu.vector_load %arg6[%get3A] {strides = array<i32>} : memref<400xi32, #tpu.memory_space<vmem>>, vector<16xi32>,
      %mul3A_111 = arith.constant 8 : i32
      %mul3A_112 = vector.broadcast %mul3A_111 : i32 to vector<16xi32>
      %mul3A_113 = arith.muli %get3A_110, %mul3A_112 : vector<16xi32>
      %mul3A_114 = arith.constant 16 : i32
      %mul3A_115 = arith.muli %scan3A_107, %mul3A_114 : i32
      %add3A_116 = vector.broadcast %mul3A_115 : i32 to vector<16xi32>
      %add3A_117 = arith.addi %iota3A, %add3A_116 : vector<16xi32>
      %ge3A = arith.constant 200 : i32
      %ge3A_118 = vector.broadcast %ge3A : i32 to vector<16xi32>
      %ge3A_119 = arith.cmpi sge, %add3A_117, %ge3A_118 : vector<16xi32>
      %jit3A = arith.constant 1 : i32
      %jit3A_120 = arith.constant 0 : i32
      %broadcast_in_dim3A_121 = vector.broadcast %jit3A : i32 to vector<16xi32>
      %broadcast_in_dim3A_122 = vector.broadcast %jit3A_120 : i32 to vector<16xi32>
      %select_n3A = arith.select %ge3A_119, %broadcast_in_dim3A_121, %broadcast_in_dim3A_122 : vector<16xi1>, vector<16xi32>
      %mul3A_123 = arith.constant 200 : i32
      %mul3A_124 = vector.broadcast %mul3A_123 : i32 to vector<16xi32>
      %mul3A_125 = arith.muli %select_n3A, %mul3A_124 : vector<16xi32>
      %sub3A = arith.subi %add3A_117, %mul3A_125 : vector<16xi32>
      %add3A_126 = arith.constant 0 : i32
      %add3A_127 = vector.broadcast %add3A_126 : i32 to vector<16xi32>
      %add3A_128 = arith.addi %mul3A_113, %add3A_127 : vector<16xi32>
      %gather3A = tpu.vector_load_idx %arg5[%add3A_128] : memref<800xf32, #tpu.memory_space<vmem>>[vector<16xi32>], vector<16xf32>,
      tpu.vector_store_idx %arg8[%select_n3A, %sub3A, %broadcast_in_dim3A_1], %gather3A : memref<2x200x8xf32, #tpu.memory_space<vmem>>[vector<16xi32>, vector<16xi32>, vector<16xi32>], vector<16xf32>,
      %add3A_129 = arith.constant 1 : i32
      %add3A_130 = vector.broadcast %add3A_129 : i32 to vector<16xi32>
      %add3A_131 = arith.addi %mul3A_113, %add3A_130 : vector<16xi32>
      %gather3A_132 = tpu.vector_load_idx %arg5[%add3A_131] : memref<800xf32, #tpu.memory_space<vmem>>[vector<16xi32>], vector<16xf32>,
      tpu.vector_store_idx %arg8[%select_n3A, %sub3A, %broadcast_in_dim3A_3], %gather3A_132 : memref<2x200x8xf32, #tpu.memory_space<vmem>>[vector<16xi32>, vector<16xi32>, vector<16xi32>], vector<16xf32>,
      %add3A_133 = arith.constant 2 : i32
      %add3A_134 = vector.broadcast %add3A_133 : i32 to vector<16xi32>
      %add3A_135 = arith.addi %mul3A_113, %add3A_134 : vector<16xi32>
      %gather3A_136 = tpu.vector_load_idx %arg5[%add3A_135] : memref<800xf32, #tpu.memory_space<vmem>>[vector<16xi32>], vector<16xf32>,
      tpu.vector_store_idx %arg8[%select_n3A, %sub3A, %broadcast_in_dim3A_5], %gather3A_136 : memref<2x200x8xf32, #tpu.memory_space<vmem>>[vector<16xi32>, vector<16xi32>, vector<16xi32>], vector<16xf32>,
      %add3A_137 = arith.constant 3 : i32
      %add3A_138 = vector.broadcast %add3A_137 : i32 to vector<16xi32>
      %add3A_139 = arith.addi %mul3A_113, %add3A_138 : vector<16xi32>
      %gather3A_140 = tpu.vector_load_idx %arg5[%add3A_139] : memref<800xf32, #tpu.memory_space<vmem>>[vector<16xi32>], vector<16xf32>,
      tpu.vector_store_idx %arg8[%select_n3A, %sub3A, %broadcast_in_dim3A_7], %gather3A_140 : memref<2x200x8xf32, #tpu.memory_space<vmem>>[vector<16xi32>, vector<16xi32>, vector<16xi32>], vector<16xf32>,
      %add3A_141 = arith.constant 4 : i32
      %add3A_142 = vector.broadcast %add3A_141 : i32 to vector<16xi32>
      %add3A_143 = arith.addi %mul3A_113, %add3A_142 : vector<16xi32>
      %gather3A_144 = tpu.vector_load_idx %arg5[%add3A_143] : memref<800xf32, #tpu.memory_space<vmem>>[vector<16xi32>], vector<16xf32>,
      tpu.vector_store_idx %arg8[%select_n3A, %sub3A, %broadcast_in_dim3A_9], %gather3A_144 : memref<2x200x8xf32, #tpu.memory_space<vmem>>[vector<16xi32>, vector<16xi32>, vector<16xi32>], vector<16xf32>,
      %add3A_145 = arith.constant 5 : i32
      %add3A_146 = vector.broadcast %add3A_145 : i32 to vector<16xi32>
      %add3A_147 = arith.addi %mul3A_113, %add3A_146 : vector<16xi32>
      %gather3A_148 = tpu.vector_load_idx %arg5[%add3A_147] : memref<800xf32, #tpu.memory_space<vmem>>[vector<16xi32>], vector<16xf32>,
      tpu.vector_store_idx %arg8[%select_n3A, %sub3A, %broadcast_in_dim3A_11], %gather3A_148 : memref<2x200x8xf32, #tpu.memory_space<vmem>>[vector<16xi32>, vector<16xi32>, vector<16xi32>], vector<16xf32>,
      %add3A_149 = arith.constant 6 : i32
      %add3A_150 = vector.broadcast %add3A_149 : i32 to vector<16xi32>
      %add3A_151 = arith.addi %mul3A_113, %add3A_150 : vector<16xi32>
      %gather3A_152 = tpu.vector_load_idx %arg5[%add3A_151] : memref<800xf32, #tpu.memory_space<vmem>>[vector<16xi32>], vector<16xf32>,
      tpu.vector_store_idx %arg8[%select_n3A, %sub3A, %broadcast_in_dim3A_13], %gather3A_152 : memref<2x200x8xf32, #tpu.memory_space<vmem>>[vector<16xi32>, vector<16xi32>, vector<16xi32>], vector<16xf32>,
      %add3A_153 = arith.constant 7 : i32
      %add3A_154 = vector.broadcast %add3A_153 : i32 to vector<16xi32>
      %add3A_155 = arith.addi %mul3A_113, %add3A_154 : vector<16xi32>
      %gather3A_156 = tpu.vector_load_idx %arg5[%add3A_155] : memref<800xf32, #tpu.memory_space<vmem>>[vector<16xi32>], vector<16xf32>,
      tpu.vector_store_idx %arg8[%select_n3A, %sub3A, %broadcast_in_dim3A_15], %gather3A_156 : memref<2x200x8xf32, #tpu.memory_space<vmem>>[vector<16xi32>, vector<16xi32>, vector<16xi32>], vector<16xf32>,
      %scan3A_157 = arith.constant 1 : i32
      %scan3A_158 = arith.addi %scan3A_107, %scan3A_157 : i32
      %mul3A_159 = arith.constant 16 : i32
      %mul3A_160 = arith.muli %scan3A_158, %mul3A_159 : i32
      %get3A_161 = arith.index_cast %mul3A_160 : i32 to index
      %get3A_162 = tpu.vector_load %arg6[%get3A_161] {strides = array<i32>} : memref<400xi32, #tpu.memory_space<vmem>>, vector<16xi32>,
      %mul3A_163 = arith.constant 8 : i32
      %mul3A_164 = vector.broadcast %mul3A_163 : i32 to vector<16xi32>
      %mul3A_165 = arith.muli %get3A_162, %mul3A_164 : vector<16xi32>
      %mul3A_166 = arith.constant 16 : i32
      %mul3A_167 = arith.muli %scan3A_158, %mul3A_166 : i32
      %add3A_168 = vector.broadcast %mul3A_167 : i32 to vector<16xi32>
      %add3A_169 = arith.addi %iota3A, %add3A_168 : vector<16xi32>
      %ge3A_170 = arith.constant 200 : i32
      %ge3A_171 = vector.broadcast %ge3A_170 : i32 to vector<16xi32>
      %ge3A_172 = arith.cmpi sge, %add3A_169, %ge3A_171 : vector<16xi32>
      %jit3A_173 = arith.constant 1 : i32
      %jit3A_174 = arith.constant 0 : i32
      %broadcast_in_dim3A_175 = vector.broadcast %jit3A_173 : i32 to vector<16xi32>
      %broadcast_in_dim3A_176 = vector.broadcast %jit3A_174 : i32 to vector<16xi32>
      %select_n3A_177 = arith.select %ge3A_172, %broadcast_in_dim3A_175, %broadcast_in_dim3A_176 : vector<16xi1>, vector<16xi32>
      %mul3A_178 = arith.constant 200 : i32
      %mul3A_179 = vector.broadcast %mul3A_178 : i32 to vector<16xi32>
      %mul3A_180 = arith.muli %select_n3A_177, %mul3A_179 : vector<16xi32>
      %sub3A_181 = arith.subi %add3A_169, %mul3A_180 : vector<16xi32>
      %add3A_182 = arith.constant 0 : i32
      %add3A_183 = vector.broadcast %add3A_182 : i32 to vector<16xi32>
      %add3A_184 = arith.addi %mul3A_165, %add3A_183 : vector<16xi32>
      %gather3A_185 = tpu.vector_load_idx %arg5[%add3A_184] : memref<800xf32, #tpu.memory_space<vmem>>[vector<16xi32>], vector<16xf32>,
      tpu.vector_store_idx %arg8[%select_n3A_177, %sub3A_181, %broadcast_in_dim3A_1], %gather3A_185 : memref<2x200x8xf32, #tpu.memory_space<vmem>>[vector<16xi32>, vector<16xi32>, vector<16xi32>], vector<16xf32>,
      %add3A_186 = arith.constant 1 : i32
      %add3A_187 = vector.broadcast %add3A_186 : i32 to vector<16xi32>
      %add3A_188 = arith.addi %mul3A_165, %add3A_187 : vector<16xi32>
      %gather3A_189 = tpu.vector_load_idx %arg5[%add3A_188] : memref<800xf32, #tpu.memory_space<vmem>>[vector<16xi32>], vector<16xf32>,
      tpu.vector_store_idx %arg8[%select_n3A_177, %sub3A_181, %broadcast_in_dim3A_3], %gather3A_189 : memref<2x200x8xf32, #tpu.memory_space<vmem>>[vector<16xi32>, vector<16xi32>, vector<16xi32>], vector<16xf32>,
      %add3A_190 = arith.constant 2 : i32
      %add3A_191 = vector.broadcast %add3A_190 : i32 to vector<16xi32>
      %add3A_192 = arith.addi %mul3A_165, %add3A_191 : vector<16xi32>
      %gather3A_193 = tpu.vector_load_idx %arg5[%add3A_192] : memref<800xf32, #tpu.memory_space<vmem>>[vector<16xi32>], vector<16xf32>,
      tpu.vector_store_idx %arg8[%select_n3A_177, %sub3A_181, %broadcast_in_dim3A_5], %gather3A_193 : memref<2x200x8xf32, #tpu.memory_space<vmem>>[vector<16xi32>, vector<16xi32>, vector<16xi32>], vector<16xf32>,
      %add3A_194 = arith.constant 3 : i32
      %add3A_195 = vector.broadcast %add3A_194 : i32 to vector<16xi32>
      %add3A_196 = arith.addi %mul3A_165, %add3A_195 : vector<16xi32>
      %gather3A_197 = tpu.vector_load_idx %arg5[%add3A_196] : memref<800xf32, #tpu.memory_space<vmem>>[vector<16xi32>], vector<16xf32>,
      tpu.vector_store_idx %arg8[%select_n3A_177, %sub3A_181, %broadcast_in_dim3A_7], %gather3A_197 : memref<2x200x8xf32, #tpu.memory_space<vmem>>[vector<16xi32>, vector<16xi32>, vector<16xi32>], vector<16xf32>,
      %add3A_198 = arith.constant 4 : i32
      %add3A_199 = vector.broadcast %add3A_198 : i32 to vector<16xi32>
      %add3A_200 = arith.addi %mul3A_165, %add3A_199 : vector<16xi32>
      %gather3A_201 = tpu.vector_load_idx %arg5[%add3A_200] : memref<800xf32, #tpu.memory_space<vmem>>[vector<16xi32>], vector<16xf32>,
      tpu.vector_store_idx %arg8[%select_n3A_177, %sub3A_181, %broadcast_in_dim3A_9], %gather3A_201 : memref<2x200x8xf32, #tpu.memory_space<vmem>>[vector<16xi32>, vector<16xi32>, vector<16xi32>], vector<16xf32>,
      %add3A_202 = arith.constant 5 : i32
      %add3A_203 = vector.broadcast %add3A_202 : i32 to vector<16xi32>
      %add3A_204 = arith.addi %mul3A_165, %add3A_203 : vector<16xi32>
      %gather3A_205 = tpu.vector_load_idx %arg5[%add3A_204] : memref<800xf32, #tpu.memory_space<vmem>>[vector<16xi32>], vector<16xf32>,
      tpu.vector_store_idx %arg8[%select_n3A_177, %sub3A_181, %broadcast_in_dim3A_11], %gather3A_205 : memref<2x200x8xf32, #tpu.memory_space<vmem>>[vector<16xi32>, vector<16xi32>, vector<16xi32>], vector<16xf32>,
      %add3A_206 = arith.constant 6 : i32
      %add3A_207 = vector.broadcast %add3A_206 : i32 to vector<16xi32>
      %add3A_208 = arith.addi %mul3A_165, %add3A_207 : vector<16xi32>
      %gather3A_209 = tpu.vector_load_idx %arg5[%add3A_208] : memref<800xf32, #tpu.memory_space<vmem>>[vector<16xi32>], vector<16xf32>,
      tpu.vector_store_idx %arg8[%select_n3A_177, %sub3A_181, %broadcast_in_dim3A_13], %gather3A_209 : memref<2x200x8xf32, #tpu.memory_space<vmem>>[vector<16xi32>, vector<16xi32>, vector<16xi32>], vector<16xf32>,
      %add3A_210 = arith.constant 7 : i32
      %add3A_211 = vector.broadcast %add3A_210 : i32 to vector<16xi32>
      %add3A_212 = arith.addi %mul3A_165, %add3A_211 : vector<16xi32>
      %gather3A_213 = tpu.vector_load_idx %arg5[%add3A_212] : memref<800xf32, #tpu.memory_space<vmem>>[vector<16xi32>], vector<16xf32>,
      tpu.vector_store_idx %arg8[%select_n3A_177, %sub3A_181, %broadcast_in_dim3A_15], %gather3A_213 : memref<2x200x8xf32, #tpu.memory_space<vmem>>[vector<16xi32>, vector<16xi32>, vector<16xi32>], vector<16xf32>,
      %scan3A_214 = arith.constant 2 : i32
      %scan3A_215 = arith.addi %scan3A_107, %scan3A_214 : i32
      %mul3A_216 = arith.constant 16 : i32
      %mul3A_217 = arith.muli %scan3A_215, %mul3A_216 : i32
      %get3A_218 = arith.index_cast %mul3A_217 : i32 to index
      %get3A_219 = tpu.vector_load %arg6[%get3A_218] {strides = array<i32>} : memref<400xi32, #tpu.memory_space<vmem>>, vector<16xi32>,
      %mul3A_220 = arith.constant 8 : i32
      %mul3A_221 = vector.broadcast %mul3A_220 : i32 to vector<16xi32>
      %mul3A_222 = arith.muli %get3A_219, %mul3A_221 : vector<16xi32>
      %mul3A_223 = arith.constant 16 : i32
      %mul3A_224 = arith.muli %scan3A_215, %mul3A_223 : i32
      %add3A_225 = vector.broadcast %mul3A_224 : i32 to vector<16xi32>
      %add3A_226 = arith.addi %iota3A, %add3A_225 : vector<16xi32>
      %ge3A_227 = arith.constant 200 : i32
      %ge3A_228 = vector.broadcast %ge3A_227 : i32 to vector<16xi32>
      %ge3A_229 = arith.cmpi sge, %add3A_226, %ge3A_228 : vector<16xi32>
      %jit3A_230 = arith.constant 1 : i32
      %jit3A_231 = arith.constant 0 : i32
      %broadcast_in_dim3A_232 = vector.broadcast %jit3A_230 : i32 to vector<16xi32>
      %broadcast_in_dim3A_233 = vector.broadcast %jit3A_231 : i32 to vector<16xi32>
      %select_n3A_234 = arith.select %ge3A_229, %broadcast_in_dim3A_232, %broadcast_in_dim3A_233 : vector<16xi1>, vector<16xi32>
      %mul3A_235 = arith.constant 200 : i32
      %mul3A_236 = vector.broadcast %mul3A_235 : i32 to vector<16xi32>
      %mul3A_237 = arith.muli %select_n3A_234, %mul3A_236 : vector<16xi32>
      %sub3A_238 = arith.subi %add3A_226, %mul3A_237 : vector<16xi32>
      %add3A_239 = arith.constant 0 : i32
      %add3A_240 = vector.broadcast %add3A_239 : i32 to vector<16xi32>
      %add3A_241 = arith.addi %mul3A_222, %add3A_240 : vector<16xi32>
      %gather3A_242 = tpu.vector_load_idx %arg5[%add3A_241] : memref<800xf32, #tpu.memory_space<vmem>>[vector<16xi32>], vector<16xf32>,
      tpu.vector_store_idx %arg8[%select_n3A_234, %sub3A_238, %broadcast_in_dim3A_1], %gather3A_242 : memref<2x200x8xf32, #tpu.memory_space<vmem>>[vector<16xi32>, vector<16xi32>, vector<16xi32>], vector<16xf32>,
      %add3A_243 = arith.constant 1 : i32
      %add3A_244 = vector.broadcast %add3A_243 : i32 to vector<16xi32>
      %add3A_245 = arith.addi %mul3A_222, %add3A_244 : vector<16xi32>
      %gather3A_246 = tpu.vector_load_idx %arg5[%add3A_245] : memref<800xf32, #tpu.memory_space<vmem>>[vector<16xi32>], vector<16xf32>,
      tpu.vector_store_idx %arg8[%select_n3A_234, %sub3A_238, %broadcast_in_dim3A_3], %gather3A_246 : memref<2x200x8xf32, #tpu.memory_space<vmem>>[vector<16xi32>, vector<16xi32>, vector<16xi32>], vector<16xf32>,
      %add3A_247 = arith.constant 2 : i32
      %add3A_248 = vector.broadcast %add3A_247 : i32 to vector<16xi32>
      %add3A_249 = arith.addi %mul3A_222, %add3A_248 : vector<16xi32>
      %gather3A_250 = tpu.vector_load_idx %arg5[%add3A_249] : memref<800xf32, #tpu.memory_space<vmem>>[vector<16xi32>], vector<16xf32>,
      tpu.vector_store_idx %arg8[%select_n3A_234, %sub3A_238, %broadcast_in_dim3A_5], %gather3A_250 : memref<2x200x8xf32, #tpu.memory_space<vmem>>[vector<16xi32>, vector<16xi32>, vector<16xi32>], vector<16xf32>,
      %add3A_251 = arith.constant 3 : i32
      %add3A_252 = vector.broadcast %add3A_251 : i32 to vector<16xi32>
      %add3A_253 = arith.addi %mul3A_222, %add3A_252 : vector<16xi32>
      %gather3A_254 = tpu.vector_load_idx %arg5[%add3A_253] : memref<800xf32, #tpu.memory_space<vmem>>[vector<16xi32>], vector<16xf32>,
      tpu.vector_store_idx %arg8[%select_n3A_234, %sub3A_238, %broadcast_in_dim3A_7], %gather3A_254 : memref<2x200x8xf32, #tpu.memory_space<vmem>>[vector<16xi32>, vector<16xi32>, vector<16xi32>], vector<16xf32>,
      %add3A_255 = arith.constant 4 : i32
      %add3A_256 = vector.broadcast %add3A_255 : i32 to vector<16xi32>
      %add3A_257 = arith.addi %mul3A_222, %add3A_256 : vector<16xi32>
      %gather3A_258 = tpu.vector_load_idx %arg5[%add3A_257] : memref<800xf32, #tpu.memory_space<vmem>>[vector<16xi32>], vector<16xf32>,
      tpu.vector_store_idx %arg8[%select_n3A_234, %sub3A_238, %broadcast_in_dim3A_9], %gather3A_258 : memref<2x200x8xf32, #tpu.memory_space<vmem>>[vector<16xi32>, vector<16xi32>, vector<16xi32>], vector<16xf32>,
      %add3A_259 = arith.constant 5 : i32
      %add3A_260 = vector.broadcast %add3A_259 : i32 to vector<16xi32>
      %add3A_261 = arith.addi %mul3A_222, %add3A_260 : vector<16xi32>
      %gather3A_262 = tpu.vector_load_idx %arg5[%add3A_261] : memref<800xf32, #tpu.memory_space<vmem>>[vector<16xi32>], vector<16xf32>,
      tpu.vector_store_idx %arg8[%select_n3A_234, %sub3A_238, %broadcast_in_dim3A_11], %gather3A_262 : memref<2x200x8xf32, #tpu.memory_space<vmem>>[vector<16xi32>, vector<16xi32>, vector<16xi32>], vector<16xf32>,
      %add3A_263 = arith.constant 6 : i32
      %add3A_264 = vector.broadcast %add3A_263 : i32 to vector<16xi32>
      %add3A_265 = arith.addi %mul3A_222, %add3A_264 : vector<16xi32>
      %gather3A_266 = tpu.vector_load_idx %arg5[%add3A_265] : memref<800xf32, #tpu.memory_space<vmem>>[vector<16xi32>], vector<16xf32>,
      tpu.vector_store_idx %arg8[%select_n3A_234, %sub3A_238, %broadcast_in_dim3A_13], %gather3A_266 : memref<2x200x8xf32, #tpu.memory_space<vmem>>[vector<16xi32>, vector<16xi32>, vector<16xi32>], vector<16xf32>,
      %add3A_267 = arith.constant 7 : i32
      %add3A_268 = vector.broadcast %add3A_267 : i32 to vector<16xi32>
      %add3A_269 = arith.addi %mul3A_222, %add3A_268 : vector<16xi32>
      %gather3A_270 = tpu.vector_load_idx %arg5[%add3A_269] : memref<800xf32, #tpu.memory_space<vmem>>[vector<16xi32>], vector<16xf32>,
      tpu.vector_store_idx %arg8[%select_n3A_234, %sub3A_238, %broadcast_in_dim3A_15], %gather3A_270 : memref<2x200x8xf32, #tpu.memory_space<vmem>>[vector<16xi32>, vector<16xi32>, vector<16xi32>], vector<16xf32>,
      %scan3A_271 = arith.constant 3 : i32
      %scan3A_272 = arith.addi %scan3A_107, %scan3A_271 : i32
      %mul3A_273 = arith.constant 16 : i32
      %mul3A_274 = arith.muli %scan3A_272, %mul3A_273 : i32
      %get3A_275 = arith.index_cast %mul3A_274 : i32 to index
      %get3A_276 = tpu.vector_load %arg6[%get3A_275] {strides = array<i32>} : memref<400xi32, #tpu.memory_space<vmem>>, vector<16xi32>,
      %mul3A_277 = arith.constant 8 : i32
      %mul3A_278 = vector.broadcast %mul3A_277 : i32 to vector<16xi32>
      %mul3A_279 = arith.muli %get3A_276, %mul3A_278 : vector<16xi32>
      %mul3A_280 = arith.constant 16 : i32
      %mul3A_281 = arith.muli %scan3A_272, %mul3A_280 : i32
      %add3A_282 = vector.broadcast %mul3A_281 : i32 to vector<16xi32>
      %add3A_283 = arith.addi %iota3A, %add3A_282 : vector<16xi32>
      %ge3A_284 = arith.constant 200 : i32
      %ge3A_285 = vector.broadcast %ge3A_284 : i32 to vector<16xi32>
      %ge3A_286 = arith.cmpi sge, %add3A_283, %ge3A_285 : vector<16xi32>
      %jit3A_287 = arith.constant 1 : i32
      %jit3A_288 = arith.constant 0 : i32
      %broadcast_in_dim3A_289 = vector.broadcast %jit3A_287 : i32 to vector<16xi32>
      %broadcast_in_dim3A_290 = vector.broadcast %jit3A_288 : i32 to vector<16xi32>
      %select_n3A_291 = arith.select %ge3A_286, %broadcast_in_dim3A_289, %broadcast_in_dim3A_290 : vector<16xi1>, vector<16xi32>
      %mul3A_292 = arith.constant 200 : i32
      %mul3A_293 = vector.broadcast %mul3A_292 : i32 to vector<16xi32>
      %mul3A_294 = arith.muli %select_n3A_291, %mul3A_293 : vector<16xi32>
      %sub3A_295 = arith.subi %add3A_283, %mul3A_294 : vector<16xi32>
      %add3A_296 = arith.constant 0 : i32
      %add3A_297 = vector.broadcast %add3A_296 : i32 to vector<16xi32>
      %add3A_298 = arith.addi %mul3A_279, %add3A_297 : vector<16xi32>
      %gather3A_299 = tpu.vector_load_idx %arg5[%add3A_298] : memref<800xf32, #tpu.memory_space<vmem>>[vector<16xi32>], vector<16xf32>,
      tpu.vector_store_idx %arg8[%select_n3A_291, %sub3A_295, %broadcast_in_dim3A_1], %gather3A_299 : memref<2x200x8xf32, #tpu.memory_space<vmem>>[vector<16xi32>, vector<16xi32>, vector<16xi32>], vector<16xf32>,
      %add3A_300 = arith.constant 1 : i32
      %add3A_301 = vector.broadcast %add3A_300 : i32 to vector<16xi32>
      %add3A_302 = arith.addi %mul3A_279, %add3A_301 : vector<16xi32>
      %gather3A_303 = tpu.vector_load_idx %arg5[%add3A_302] : memref<800xf32, #tpu.memory_space<vmem>>[vector<16xi32>], vector<16xf32>,
      tpu.vector_store_idx %arg8[%select_n3A_291, %sub3A_295, %broadcast_in_dim3A_3], %gather3A_303 : memref<2x200x8xf32, #tpu.memory_space<vmem>>[vector<16xi32>, vector<16xi32>, vector<16xi32>], vector<16xf32>,
      %add3A_304 = arith.constant 2 : i32
      %add3A_305 = vector.broadcast %add3A_304 : i32 to vector<16xi32>
      %add3A_306 = arith.addi %mul3A_279, %add3A_305 : vector<16xi32>
      %gather3A_307 = tpu.vector_load_idx %arg5[%add3A_306] : memref<800xf32, #tpu.memory_space<vmem>>[vector<16xi32>], vector<16xf32>,
      tpu.vector_store_idx %arg8[%select_n3A_291, %sub3A_295, %broadcast_in_dim3A_5], %gather3A_307 : memref<2x200x8xf32, #tpu.memory_space<vmem>>[vector<16xi32>, vector<16xi32>, vector<16xi32>], vector<16xf32>,
      %add3A_308 = arith.constant 3 : i32
      %add3A_309 = vector.broadcast %add3A_308 : i32 to vector<16xi32>
      %add3A_310 = arith.addi %mul3A_279, %add3A_309 : vector<16xi32>
      %gather3A_311 = tpu.vector_load_idx %arg5[%add3A_310] : memref<800xf32, #tpu.memory_space<vmem>>[vector<16xi32>], vector<16xf32>,
      tpu.vector_store_idx %arg8[%select_n3A_291, %sub3A_295, %broadcast_in_dim3A_7], %gather3A_311 : memref<2x200x8xf32, #tpu.memory_space<vmem>>[vector<16xi32>, vector<16xi32>, vector<16xi32>], vector<16xf32>,
      %add3A_312 = arith.constant 4 : i32
      %add3A_313 = vector.broadcast %add3A_312 : i32 to vector<16xi32>
      %add3A_314 = arith.addi %mul3A_279, %add3A_313 : vector<16xi32>
      %gather3A_315 = tpu.vector_load_idx %arg5[%add3A_314] : memref<800xf32, #tpu.memory_space<vmem>>[vector<16xi32>], vector<16xf32>,
      tpu.vector_store_idx %arg8[%select_n3A_291, %sub3A_295, %broadcast_in_dim3A_9], %gather3A_315 : memref<2x200x8xf32, #tpu.memory_space<vmem>>[vector<16xi32>, vector<16xi32>, vector<16xi32>], vector<16xf32>,
      %add3A_316 = arith.constant 5 : i32
      %add3A_317 = vector.broadcast %add3A_316 : i32 to vector<16xi32>
      %add3A_318 = arith.addi %mul3A_279, %add3A_317 : vector<16xi32>
      %gather3A_319 = tpu.vector_load_idx %arg5[%add3A_318] : memref<800xf32, #tpu.memory_space<vmem>>[vector<16xi32>], vector<16xf32>,
      tpu.vector_store_idx %arg8[%select_n3A_291, %sub3A_295, %broadcast_in_dim3A_11], %gather3A_319 : memref<2x200x8xf32, #tpu.memory_space<vmem>>[vector<16xi32>, vector<16xi32>, vector<16xi32>], vector<16xf32>,
      %add3A_320 = arith.constant 6 : i32
      %add3A_321 = vector.broadcast %add3A_320 : i32 to vector<16xi32>
      %add3A_322 = arith.addi %mul3A_279, %add3A_321 : vector<16xi32>
      %gather3A_323 = tpu.vector_load_idx %arg5[%add3A_322] : memref<800xf32, #tpu.memory_space<vmem>>[vector<16xi32>], vector<16xf32>,
      tpu.vector_store_idx %arg8[%select_n3A_291, %sub3A_295, %broadcast_in_dim3A_13], %gather3A_323 : memref<2x200x8xf32, #tpu.memory_space<vmem>>[vector<16xi32>, vector<16xi32>, vector<16xi32>], vector<16xf32>,
      %add3A_324 = arith.constant 7 : i32
      %add3A_325 = vector.broadcast %add3A_324 : i32 to vector<16xi32>
      %add3A_326 = arith.addi %mul3A_279, %add3A_325 : vector<16xi32>
      %gather3A_327 = tpu.vector_load_idx %arg5[%add3A_326] : memref<800xf32, #tpu.memory_space<vmem>>[vector<16xi32>], vector<16xf32>,
      tpu.vector_store_idx %arg8[%select_n3A_291, %sub3A_295, %broadcast_in_dim3A_15], %gather3A_327 : memref<2x200x8xf32, #tpu.memory_space<vmem>>[vector<16xi32>, vector<16xi32>, vector<16xi32>], vector<16xf32>,
      %scan3A_328 = arith.constant 4 : i32
      %scan3A_329 = arith.addi %scan3A_107, %scan3A_328 : i32
      %mul3A_330 = arith.constant 16 : i32
      %mul3A_331 = arith.muli %scan3A_329, %mul3A_330 : i32
      %get3A_332 = arith.index_cast %mul3A_331 : i32 to index
      %get3A_333 = tpu.vector_load %arg6[%get3A_332] {strides = array<i32>} : memref<400xi32, #tpu.memory_space<vmem>>, vector<16xi32>,
      %mul3A_334 = arith.constant 8 : i32
      %mul3A_335 = vector.broadcast %mul3A_334 : i32 to vector<16xi32>
      %mul3A_336 = arith.muli %get3A_333, %mul3A_335 : vector<16xi32>
      %mul3A_337 = arith.constant 16 : i32
      %mul3A_338 = arith.muli %scan3A_329, %mul3A_337 : i32
      %add3A_339 = vector.broadcast %mul3A_338 : i32 to vector<16xi32>
      %add3A_340 = arith.addi %iota3A, %add3A_339 : vector<16xi32>
      %ge3A_341 = arith.constant 200 : i32
      %ge3A_342 = vector.broadcast %ge3A_341 : i32 to vector<16xi32>
      %ge3A_343 = arith.cmpi sge, %add3A_340, %ge3A_342 : vector<16xi32>
      %jit3A_344 = arith.constant 1 : i32
      %jit3A_345 = arith.constant 0 : i32
      %broadcast_in_dim3A_346 = vector.broadcast %jit3A_344 : i32 to vector<16xi32>
      %broadcast_in_dim3A_347 = vector.broadcast %jit3A_345 : i32 to vector<16xi32>
      %select_n3A_348 = arith.select %ge3A_343, %broadcast_in_dim3A_346, %broadcast_in_dim3A_347 : vector<16xi1>, vector<16xi32>
      %mul3A_349 = arith.constant 200 : i32
      %mul3A_350 = vector.broadcast %mul3A_349 : i32 to vector<16xi32>
      %mul3A_351 = arith.muli %select_n3A_348, %mul3A_350 : vector<16xi32>
      %sub3A_352 = arith.subi %add3A_340, %mul3A_351 : vector<16xi32>
      %add3A_353 = arith.constant 0 : i32
      %add3A_354 = vector.broadcast %add3A_353 : i32 to vector<16xi32>
      %add3A_355 = arith.addi %mul3A_336, %add3A_354 : vector<16xi32>
      %gather3A_356 = tpu.vector_load_idx %arg5[%add3A_355] : memref<800xf32, #tpu.memory_space<vmem>>[vector<16xi32>], vector<16xf32>,
      tpu.vector_store_idx %arg8[%select_n3A_348, %sub3A_352, %broadcast_in_dim3A_1], %gather3A_356 : memref<2x200x8xf32, #tpu.memory_space<vmem>>[vector<16xi32>, vector<16xi32>, vector<16xi32>], vector<16xf32>,
      %add3A_357 = arith.constant 1 : i32
      %add3A_358 = vector.broadcast %add3A_357 : i32 to vector<16xi32>
      %add3A_359 = arith.addi %mul3A_336, %add3A_358 : vector<16xi32>
      %gather3A_360 = tpu.vector_load_idx %arg5[%add3A_359] : memref<800xf32, #tpu.memory_space<vmem>>[vector<16xi32>], vector<16xf32>,
      tpu.vector_store_idx %arg8[%select_n3A_348, %sub3A_352, %broadcast_in_dim3A_3], %gather3A_360 : memref<2x200x8xf32, #tpu.memory_space<vmem>>[vector<16xi32>, vector<16xi32>, vector<16xi32>], vector<16xf32>,
      %add3A_361 = arith.constant 2 : i32
      %add3A_362 = vector.broadcast %add3A_361 : i32 to vector<16xi32>
      %add3A_363 = arith.addi %mul3A_336, %add3A_362 : vector<16xi32>
      %gather3A_364 = tpu.vector_load_idx %arg5[%add3A_363] : memref<800xf32, #tpu.memory_space<vmem>>[vector<16xi32>], vector<16xf32>,
      tpu.vector_store_idx %arg8[%select_n3A_348, %sub3A_352, %broadcast_in_dim3A_5], %gather3A_364 : memref<2x200x8xf32, #tpu.memory_space<vmem>>[vector<16xi32>, vector<16xi32>, vector<16xi32>], vector<16xf32>,
      %add3A_365 = arith.constant 3 : i32
      %add3A_366 = vector.broadcast %add3A_365 : i32 to vector<16xi32>
      %add3A_367 = arith.addi %mul3A_336, %add3A_366 : vector<16xi32>
      %gather3A_368 = tpu.vector_load_idx %arg5[%add3A_367] : memref<800xf32, #tpu.memory_space<vmem>>[vector<16xi32>], vector<16xf32>,
      tpu.vector_store_idx %arg8[%select_n3A_348, %sub3A_352, %broadcast_in_dim3A_7], %gather3A_368 : memref<2x200x8xf32, #tpu.memory_space<vmem>>[vector<16xi32>, vector<16xi32>, vector<16xi32>], vector<16xf32>,
      %add3A_369 = arith.constant 4 : i32
      %add3A_370 = vector.broadcast %add3A_369 : i32 to vector<16xi32>
      %add3A_371 = arith.addi %mul3A_336, %add3A_370 : vector<16xi32>
      %gather3A_372 = tpu.vector_load_idx %arg5[%add3A_371] : memref<800xf32, #tpu.memory_space<vmem>>[vector<16xi32>], vector<16xf32>,
      tpu.vector_store_idx %arg8[%select_n3A_348, %sub3A_352, %broadcast_in_dim3A_9], %gather3A_372 : memref<2x200x8xf32, #tpu.memory_space<vmem>>[vector<16xi32>, vector<16xi32>, vector<16xi32>], vector<16xf32>,
      %add3A_373 = arith.constant 5 : i32
      %add3A_374 = vector.broadcast %add3A_373 : i32 to vector<16xi32>
      %add3A_375 = arith.addi %mul3A_336, %add3A_374 : vector<16xi32>
      %gather3A_376 = tpu.vector_load_idx %arg5[%add3A_375] : memref<800xf32, #tpu.memory_space<vmem>>[vector<16xi32>], vector<16xf32>,
      tpu.vector_store_idx %arg8[%select_n3A_348, %sub3A_352, %broadcast_in_dim3A_11], %gather3A_376 : memref<2x200x8xf32, #tpu.memory_space<vmem>>[vector<16xi32>, vector<16xi32>, vector<16xi32>], vector<16xf32>,
      %add3A_377 = arith.constant 6 : i32
      %add3A_378 = vector.broadcast %add3A_377 : i32 to vector<16xi32>
      %add3A_379 = arith.addi %mul3A_336, %add3A_378 : vector<16xi32>
      %gather3A_380 = tpu.vector_load_idx %arg5[%add3A_379] : memref<800xf32, #tpu.memory_space<vmem>>[vector<16xi32>], vector<16xf32>,
      tpu.vector_store_idx %arg8[%select_n3A_348, %sub3A_352, %broadcast_in_dim3A_13], %gather3A_380 : memref<2x200x8xf32, #tpu.memory_space<vmem>>[vector<16xi32>, vector<16xi32>, vector<16xi32>], vector<16xf32>,
      %add3A_381 = arith.constant 7 : i32
      %add3A_382 = vector.broadcast %add3A_381 : i32 to vector<16xi32>
      %add3A_383 = arith.addi %mul3A_336, %add3A_382 : vector<16xi32>
      %gather3A_384 = tpu.vector_load_idx %arg5[%add3A_383] : memref<800xf32, #tpu.memory_space<vmem>>[vector<16xi32>], vector<16xf32>,
      tpu.vector_store_idx %arg8[%select_n3A_348, %sub3A_352, %broadcast_in_dim3A_15], %gather3A_384 : memref<2x200x8xf32, #tpu.memory_space<vmem>>[vector<16xi32>, vector<16xi32>, vector<16xi32>], vector<16xf32>,
    }
    %scan3A_34 = arith.constant 25 : i32
    %add3A_35 = arith.constant 0 : i32
    %add3A_36 = arith.addi %mul3A_0, %add3A_35 : i32
    %dma_start3A_37 = arith.constant 0 : i32
    %dma_start3A_38 = arith.constant 0 : i32
    %dma_start3A_39 = tpu.memref_slice %arg4[%add3A_36, %dma_start3A_37, %dma_start3A_38] : memref<8192x200x8xf32, #tpu.memory_space<hbm>> -> memref<2x200x8xf32, #tpu.memory_space<hbm>>
    %dma_start3A_40 = arith.constant 0 : i32
    %dma_start3A_41 = arith.constant 0 : i32
    %dma_start3A_42 = tpu.memref_slice %arg4[%add3A_36, %dma_start3A_40, %dma_start3A_41] : memref<8192x200x8xf32, #tpu.memory_space<hbm>> -> memref<2x200x8xf32, #tpu.memory_space<hbm>>
    tpu.enqueue_dma source(%arg8 : memref<2x200x8xf32, #tpu.memory_space<vmem>>) target(%dma_start3A_42 : memref<2x200x8xf32, #tpu.memory_space<hbm>>) target_semaphore(%arg10 : memref<!tpu.dma_semaphore, #tpu.memory_space<semaphore_mem>>)
    %add3A_43 = arith.constant 4 : i32
    %add3A_44 = arith.addi %mul3A_0, %add3A_43 : i32
    %mul3A_45 = arith.constant 200 : i32
    %mul3A_46 = arith.muli %add3A_44, %mul3A_45 : i32
    %dma_start3A_47 = tpu.memref_slice %arg3[%mul3A_46] : memref<1638400xi32, #tpu.memory_space<hbm>> -> memref<400xi32, #tpu.memory_space<hbm>>
    %dma_start3A_48 = tpu.memref_slice %arg3[%mul3A_46] : memref<1638400xi32, #tpu.memory_space<hbm>> -> memref<400xi32, #tpu.memory_space<hbm>>
    tpu.enqueue_dma source(%dma_start3A_48 : memref<400xi32, #tpu.memory_space<hbm>>) target(%arg6 : memref<400xi32, #tpu.memory_space<vmem>>) target_semaphore(%arg12 : memref<!tpu.dma_semaphore, #tpu.memory_space<semaphore_mem>>)
    %add3A_49 = arith.constant 2 : i32
    %add3A_50 = arith.addi %mul3A_0, %add3A_49 : i32
    %mul3A_51 = arith.constant 200 : i32
    %mul3A_52 = arith.muli %add3A_50, %mul3A_51 : i32
    %dma_wait3A_53 = tpu.memref_slice %arg3[%mul3A_52] : memref<1638400xi32, #tpu.memory_space<hbm>> -> memref<400xi32, #tpu.memory_space<hbm>>
    %dma_wait3A_54 = tpu.memref_slice %arg3[%mul3A_52] : memref<1638400xi32, #tpu.memory_space<hbm>> -> memref<400xi32, #tpu.memory_space<hbm>>
    tpu.wait_dma2 semaphore(%arg13 : memref<!tpu.dma_semaphore, #tpu.memory_space<semaphore_mem>>) src(%dma_wait3A_54 : memref<400xi32, #tpu.memory_space<hbm>>) dst(%arg7 : memref<400xi32, #tpu.memory_space<vmem>>)
    %scan3A_55 = arith.constant 0 : i32
    %scan3A_56 = arith.constant 25 : i32
    %scan3A_57 = arith.addi %scan3A_55, %scan3A_56 : i32
    %scan3A_58 = arith.constant 5 : i32
    scf.for %scan3A_107 = %scan3A_55 to %scan3A_57 step %scan3A_58  : i32 {
      %mul3A_108 = arith.constant 16 : i32
      %mul3A_109 = arith.muli %scan3A_107, %mul3A_108 : i32
      %get3A = arith.index_cast %mul3A_109 : i32 to index
      %get3A_110 = tpu.vector_load %arg7[%get3A] {strides = array<i32>} : memref<400xi32, #tpu.memory_space<vmem>>, vector<16xi32>,
      %mul3A_111 = arith.constant 8 : i32
      %mul3A_112 = vector.broadcast %mul3A_111 : i32 to vector<16xi32>
      %mul3A_113 = arith.muli %get3A_110, %mul3A_112 : vector<16xi32>
      %mul3A_114 = arith.constant 16 : i32
      %mul3A_115 = arith.muli %scan3A_107, %mul3A_114 : i32
      %add3A_116 = vector.broadcast %mul3A_115 : i32 to vector<16xi32>
      %add3A_117 = arith.addi %iota3A, %add3A_116 : vector<16xi32>
      %ge3A = arith.constant 200 : i32
      %ge3A_118 = vector.broadcast %ge3A : i32 to vector<16xi32>
      %ge3A_119 = arith.cmpi sge, %add3A_117, %ge3A_118 : vector<16xi32>
      %jit3A = arith.constant 1 : i32
      %jit3A_120 = arith.constant 0 : i32
      %broadcast_in_dim3A_121 = vector.broadcast %jit3A : i32 to vector<16xi32>
      %broadcast_in_dim3A_122 = vector.broadcast %jit3A_120 : i32 to vector<16xi32>
      %select_n3A = arith.select %ge3A_119, %broadcast_in_dim3A_121, %broadcast_in_dim3A_122 : vector<16xi1>, vector<16xi32>
      %mul3A_123 = arith.constant 200 : i32
      %mul3A_124 = vector.broadcast %mul3A_123 : i32 to vector<16xi32>
      %mul3A_125 = arith.muli %select_n3A, %mul3A_124 : vector<16xi32>
      %sub3A = arith.subi %add3A_117, %mul3A_125 : vector<16xi32>
      %add3A_126 = arith.constant 0 : i32
      %add3A_127 = vector.broadcast %add3A_126 : i32 to vector<16xi32>
      %add3A_128 = arith.addi %mul3A_113, %add3A_127 : vector<16xi32>
      %gather3A = tpu.vector_load_idx %arg5[%add3A_128] : memref<800xf32, #tpu.memory_space<vmem>>[vector<16xi32>], vector<16xf32>,
      tpu.vector_store_idx %arg9[%select_n3A, %sub3A, %broadcast_in_dim3A_1], %gather3A : memref<2x200x8xf32, #tpu.memory_space<vmem>>[vector<16xi32>, vector<16xi32>, vector<16xi32>], vector<16xf32>,
      %add3A_129 = arith.constant 1 : i32
      %add3A_130 = vector.broadcast %add3A_129 : i32 to vector<16xi32>
      %add3A_131 = arith.addi %mul3A_113, %add3A_130 : vector<16xi32>
      %gather3A_132 = tpu.vector_load_idx %arg5[%add3A_131] : memref<800xf32, #tpu.memory_space<vmem>>[vector<16xi32>], vector<16xf32>,
      tpu.vector_store_idx %arg9[%select_n3A, %sub3A, %broadcast_in_dim3A_3], %gather3A_132 : memref<2x200x8xf32, #tpu.memory_space<vmem>>[vector<16xi32>, vector<16xi32>, vector<16xi32>], vector<16xf32>,
      %add3A_133 = arith.constant 2 : i32
      %add3A_134 = vector.broadcast %add3A_133 : i32 to vector<16xi32>
      %add3A_135 = arith.addi %mul3A_113, %add3A_134 : vector<16xi32>
      %gather3A_136 = tpu.vector_load_idx %arg5[%add3A_135] : memref<800xf32, #tpu.memory_space<vmem>>[vector<16xi32>], vector<16xf32>,
      tpu.vector_store_idx %arg9[%select_n3A, %sub3A, %broadcast_in_dim3A_5], %gather3A_136 : memref<2x200x8xf32, #tpu.memory_space<vmem>>[vector<16xi32>, vector<16xi32>, vector<16xi32>], vector<16xf32>,
      %add3A_137 = arith.constant 3 : i32
      %add3A_138 = vector.broadcast %add3A_137 : i32 to vector<16xi32>
      %add3A_139 = arith.addi %mul3A_113, %add3A_138 : vector<16xi32>
      %gather3A_140 = tpu.vector_load_idx %arg5[%add3A_139] : memref<800xf32, #tpu.memory_space<vmem>>[vector<16xi32>], vector<16xf32>,
      tpu.vector_store_idx %arg9[%select_n3A, %sub3A, %broadcast_in_dim3A_7], %gather3A_140 : memref<2x200x8xf32, #tpu.memory_space<vmem>>[vector<16xi32>, vector<16xi32>, vector<16xi32>], vector<16xf32>,
      %add3A_141 = arith.constant 4 : i32
      %add3A_142 = vector.broadcast %add3A_141 : i32 to vector<16xi32>
      %add3A_143 = arith.addi %mul3A_113, %add3A_142 : vector<16xi32>
      %gather3A_144 = tpu.vector_load_idx %arg5[%add3A_143] : memref<800xf32, #tpu.memory_space<vmem>>[vector<16xi32>], vector<16xf32>,
      tpu.vector_store_idx %arg9[%select_n3A, %sub3A, %broadcast_in_dim3A_9], %gather3A_144 : memref<2x200x8xf32, #tpu.memory_space<vmem>>[vector<16xi32>, vector<16xi32>, vector<16xi32>], vector<16xf32>,
      %add3A_145 = arith.constant 5 : i32
      %add3A_146 = vector.broadcast %add3A_145 : i32 to vector<16xi32>
      %add3A_147 = arith.addi %mul3A_113, %add3A_146 : vector<16xi32>
      %gather3A_148 = tpu.vector_load_idx %arg5[%add3A_147] : memref<800xf32, #tpu.memory_space<vmem>>[vector<16xi32>], vector<16xf32>,
      tpu.vector_store_idx %arg9[%select_n3A, %sub3A, %broadcast_in_dim3A_11], %gather3A_148 : memref<2x200x8xf32, #tpu.memory_space<vmem>>[vector<16xi32>, vector<16xi32>, vector<16xi32>], vector<16xf32>,
      %add3A_149 = arith.constant 6 : i32
      %add3A_150 = vector.broadcast %add3A_149 : i32 to vector<16xi32>
      %add3A_151 = arith.addi %mul3A_113, %add3A_150 : vector<16xi32>
      %gather3A_152 = tpu.vector_load_idx %arg5[%add3A_151] : memref<800xf32, #tpu.memory_space<vmem>>[vector<16xi32>], vector<16xf32>,
      tpu.vector_store_idx %arg9[%select_n3A, %sub3A, %broadcast_in_dim3A_13], %gather3A_152 : memref<2x200x8xf32, #tpu.memory_space<vmem>>[vector<16xi32>, vector<16xi32>, vector<16xi32>], vector<16xf32>,
      %add3A_153 = arith.constant 7 : i32
      %add3A_154 = vector.broadcast %add3A_153 : i32 to vector<16xi32>
      %add3A_155 = arith.addi %mul3A_113, %add3A_154 : vector<16xi32>
      %gather3A_156 = tpu.vector_load_idx %arg5[%add3A_155] : memref<800xf32, #tpu.memory_space<vmem>>[vector<16xi32>], vector<16xf32>,
      tpu.vector_store_idx %arg9[%select_n3A, %sub3A, %broadcast_in_dim3A_15], %gather3A_156 : memref<2x200x8xf32, #tpu.memory_space<vmem>>[vector<16xi32>, vector<16xi32>, vector<16xi32>], vector<16xf32>,
      %scan3A_157 = arith.constant 1 : i32
      %scan3A_158 = arith.addi %scan3A_107, %scan3A_157 : i32
      %mul3A_159 = arith.constant 16 : i32
      %mul3A_160 = arith.muli %scan3A_158, %mul3A_159 : i32
      %get3A_161 = arith.index_cast %mul3A_160 : i32 to index
      %get3A_162 = tpu.vector_load %arg7[%get3A_161] {strides = array<i32>} : memref<400xi32, #tpu.memory_space<vmem>>, vector<16xi32>,
      %mul3A_163 = arith.constant 8 : i32
      %mul3A_164 = vector.broadcast %mul3A_163 : i32 to vector<16xi32>
      %mul3A_165 = arith.muli %get3A_162, %mul3A_164 : vector<16xi32>
      %mul3A_166 = arith.constant 16 : i32
      %mul3A_167 = arith.muli %scan3A_158, %mul3A_166 : i32
      %add3A_168 = vector.broadcast %mul3A_167 : i32 to vector<16xi32>
      %add3A_169 = arith.addi %iota3A, %add3A_168 : vector<16xi32>
      %ge3A_170 = arith.constant 200 : i32
      %ge3A_171 = vector.broadcast %ge3A_170 : i32 to vector<16xi32>
      %ge3A_172 = arith.cmpi sge, %add3A_169, %ge3A_171 : vector<16xi32>
      %jit3A_173 = arith.constant 1 : i32
      %jit3A_174 = arith.constant 0 : i32
      %broadcast_in_dim3A_175 = vector.broadcast %jit3A_173 : i32 to vector<16xi32>
      %broadcast_in_dim3A_176 = vector.broadcast %jit3A_174 : i32 to vector<16xi32>
      %select_n3A_177 = arith.select %ge3A_172, %broadcast_in_dim3A_175, %broadcast_in_dim3A_176 : vector<16xi1>, vector<16xi32>
      %mul3A_178 = arith.constant 200 : i32
      %mul3A_179 = vector.broadcast %mul3A_178 : i32 to vector<16xi32>
      %mul3A_180 = arith.muli %select_n3A_177, %mul3A_179 : vector<16xi32>
      %sub3A_181 = arith.subi %add3A_169, %mul3A_180 : vector<16xi32>
      %add3A_182 = arith.constant 0 : i32
      %add3A_183 = vector.broadcast %add3A_182 : i32 to vector<16xi32>
      %add3A_184 = arith.addi %mul3A_165, %add3A_183 : vector<16xi32>
      %gather3A_185 = tpu.vector_load_idx %arg5[%add3A_184] : memref<800xf32, #tpu.memory_space<vmem>>[vector<16xi32>], vector<16xf32>,
      tpu.vector_store_idx %arg9[%select_n3A_177, %sub3A_181, %broadcast_in_dim3A_1], %gather3A_185 : memref<2x200x8xf32, #tpu.memory_space<vmem>>[vector<16xi32>, vector<16xi32>, vector<16xi32>], vector<16xf32>,
      %add3A_186 = arith.constant 1 : i32
      %add3A_187 = vector.broadcast %add3A_186 : i32 to vector<16xi32>
      %add3A_188 = arith.addi %mul3A_165, %add3A_187 : vector<16xi32>
      %gather3A_189 = tpu.vector_load_idx %arg5[%add3A_188] : memref<800xf32, #tpu.memory_space<vmem>>[vector<16xi32>], vector<16xf32>,
      tpu.vector_store_idx %arg9[%select_n3A_177, %sub3A_181, %broadcast_in_dim3A_3], %gather3A_189 : memref<2x200x8xf32, #tpu.memory_space<vmem>>[vector<16xi32>, vector<16xi32>, vector<16xi32>], vector<16xf32>,
      %add3A_190 = arith.constant 2 : i32
      %add3A_191 = vector.broadcast %add3A_190 : i32 to vector<16xi32>
      %add3A_192 = arith.addi %mul3A_165, %add3A_191 : vector<16xi32>
      %gather3A_193 = tpu.vector_load_idx %arg5[%add3A_192] : memref<800xf32, #tpu.memory_space<vmem>>[vector<16xi32>], vector<16xf32>,
      tpu.vector_store_idx %arg9[%select_n3A_177, %sub3A_181, %broadcast_in_dim3A_5], %gather3A_193 : memref<2x200x8xf32, #tpu.memory_space<vmem>>[vector<16xi32>, vector<16xi32>, vector<16xi32>], vector<16xf32>,
      %add3A_194 = arith.constant 3 : i32
      %add3A_195 = vector.broadcast %add3A_194 : i32 to vector<16xi32>
      %add3A_196 = arith.addi %mul3A_165, %add3A_195 : vector<16xi32>
      %gather3A_197 = tpu.vector_load_idx %arg5[%add3A_196] : memref<800xf32, #tpu.memory_space<vmem>>[vector<16xi32>], vector<16xf32>,
      tpu.vector_store_idx %arg9[%select_n3A_177, %sub3A_181, %broadcast_in_dim3A_7], %gather3A_197 : memref<2x200x8xf32, #tpu.memory_space<vmem>>[vector<16xi32>, vector<16xi32>, vector<16xi32>], vector<16xf32>,
      %add3A_198 = arith.constant 4 : i32
      %add3A_199 = vector.broadcast %add3A_198 : i32 to vector<16xi32>
      %add3A_200 = arith.addi %mul3A_165, %add3A_199 : vector<16xi32>
      %gather3A_201 = tpu.vector_load_idx %arg5[%add3A_200] : memref<800xf32, #tpu.memory_space<vmem>>[vector<16xi32>], vector<16xf32>,
      tpu.vector_store_idx %arg9[%select_n3A_177, %sub3A_181, %broadcast_in_dim3A_9], %gather3A_201 : memref<2x200x8xf32, #tpu.memory_space<vmem>>[vector<16xi32>, vector<16xi32>, vector<16xi32>], vector<16xf32>,
      %add3A_202 = arith.constant 5 : i32
      %add3A_203 = vector.broadcast %add3A_202 : i32 to vector<16xi32>
      %add3A_204 = arith.addi %mul3A_165, %add3A_203 : vector<16xi32>
      %gather3A_205 = tpu.vector_load_idx %arg5[%add3A_204] : memref<800xf32, #tpu.memory_space<vmem>>[vector<16xi32>], vector<16xf32>,
      tpu.vector_store_idx %arg9[%select_n3A_177, %sub3A_181, %broadcast_in_dim3A_11], %gather3A_205 : memref<2x200x8xf32, #tpu.memory_space<vmem>>[vector<16xi32>, vector<16xi32>, vector<16xi32>], vector<16xf32>,
      %add3A_206 = arith.constant 6 : i32
      %add3A_207 = vector.broadcast %add3A_206 : i32 to vector<16xi32>
      %add3A_208 = arith.addi %mul3A_165, %add3A_207 : vector<16xi32>
      %gather3A_209 = tpu.vector_load_idx %arg5[%add3A_208] : memref<800xf32, #tpu.memory_space<vmem>>[vector<16xi32>], vector<16xf32>,
      tpu.vector_store_idx %arg9[%select_n3A_177, %sub3A_181, %broadcast_in_dim3A_13], %gather3A_209 : memref<2x200x8xf32, #tpu.memory_space<vmem>>[vector<16xi32>, vector<16xi32>, vector<16xi32>], vector<16xf32>,
      %add3A_210 = arith.constant 7 : i32
      %add3A_211 = vector.broadcast %add3A_210 : i32 to vector<16xi32>
      %add3A_212 = arith.addi %mul3A_165, %add3A_211 : vector<16xi32>
      %gather3A_213 = tpu.vector_load_idx %arg5[%add3A_212] : memref<800xf32, #tpu.memory_space<vmem>>[vector<16xi32>], vector<16xf32>,
      tpu.vector_store_idx %arg9[%select_n3A_177, %sub3A_181, %broadcast_in_dim3A_15], %gather3A_213 : memref<2x200x8xf32, #tpu.memory_space<vmem>>[vector<16xi32>, vector<16xi32>, vector<16xi32>], vector<16xf32>,
      %scan3A_214 = arith.constant 2 : i32
      %scan3A_215 = arith.addi %scan3A_107, %scan3A_214 : i32
      %mul3A_216 = arith.constant 16 : i32
      %mul3A_217 = arith.muli %scan3A_215, %mul3A_216 : i32
      %get3A_218 = arith.index_cast %mul3A_217 : i32 to index
      %get3A_219 = tpu.vector_load %arg7[%get3A_218] {strides = array<i32>} : memref<400xi32, #tpu.memory_space<vmem>>, vector<16xi32>,
      %mul3A_220 = arith.constant 8 : i32
      %mul3A_221 = vector.broadcast %mul3A_220 : i32 to vector<16xi32>
      %mul3A_222 = arith.muli %get3A_219, %mul3A_221 : vector<16xi32>
      %mul3A_223 = arith.constant 16 : i32
      %mul3A_224 = arith.muli %scan3A_215, %mul3A_223 : i32
      %add3A_225 = vector.broadcast %mul3A_224 : i32 to vector<16xi32>
      %add3A_226 = arith.addi %iota3A, %add3A_225 : vector<16xi32>
      %ge3A_227 = arith.constant 200 : i32
      %ge3A_228 = vector.broadcast %ge3A_227 : i32 to vector<16xi32>
      %ge3A_229 = arith.cmpi sge, %add3A_226, %ge3A_228 : vector<16xi32>
      %jit3A_230 = arith.constant 1 : i32
      %jit3A_231 = arith.constant 0 : i32
      %broadcast_in_dim3A_232 = vector.broadcast %jit3A_230 : i32 to vector<16xi32>
      %broadcast_in_dim3A_233 = vector.broadcast %jit3A_231 : i32 to vector<16xi32>
      %select_n3A_234 = arith.select %ge3A_229, %broadcast_in_dim3A_232, %broadcast_in_dim3A_233 : vector<16xi1>, vector<16xi32>
      %mul3A_235 = arith.constant 200 : i32
      %mul3A_236 = vector.broadcast %mul3A_235 : i32 to vector<16xi32>
      %mul3A_237 = arith.muli %select_n3A_234, %mul3A_236 : vector<16xi32>
      %sub3A_238 = arith.subi %add3A_226, %mul3A_237 : vector<16xi32>
      %add3A_239 = arith.constant 0 : i32
      %add3A_240 = vector.broadcast %add3A_239 : i32 to vector<16xi32>
      %add3A_241 = arith.addi %mul3A_222, %add3A_240 : vector<16xi32>
      %gather3A_242 = tpu.vector_load_idx %arg5[%add3A_241] : memref<800xf32, #tpu.memory_space<vmem>>[vector<16xi32>], vector<16xf32>,
      tpu.vector_store_idx %arg9[%select_n3A_234, %sub3A_238, %broadcast_in_dim3A_1], %gather3A_242 : memref<2x200x8xf32, #tpu.memory_space<vmem>>[vector<16xi32>, vector<16xi32>, vector<16xi32>], vector<16xf32>,
      %add3A_243 = arith.constant 1 : i32
      %add3A_244 = vector.broadcast %add3A_243 : i32 to vector<16xi32>
      %add3A_245 = arith.addi %mul3A_222, %add3A_244 : vector<16xi32>
      %gather3A_246 = tpu.vector_load_idx %arg5[%add3A_245] : memref<800xf32, #tpu.memory_space<vmem>>[vector<16xi32>], vector<16xf32>,
      tpu.vector_store_idx %arg9[%select_n3A_234, %sub3A_238, %broadcast_in_dim3A_3], %gather3A_246 : memref<2x200x8xf32, #tpu.memory_space<vmem>>[vector<16xi32>, vector<16xi32>, vector<16xi32>], vector<16xf32>,
      %add3A_247 = arith.constant 2 : i32
      %add3A_248 = vector.broadcast %add3A_247 : i32 to vector<16xi32>
      %add3A_249 = arith.addi %mul3A_222, %add3A_248 : vector<16xi32>
      %gather3A_250 = tpu.vector_load_idx %arg5[%add3A_249] : memref<800xf32, #tpu.memory_space<vmem>>[vector<16xi32>], vector<16xf32>,
      tpu.vector_store_idx %arg9[%select_n3A_234, %sub3A_238, %broadcast_in_dim3A_5], %gather3A_250 : memref<2x200x8xf32, #tpu.memory_space<vmem>>[vector<16xi32>, vector<16xi32>, vector<16xi32>], vector<16xf32>,
      %add3A_251 = arith.constant 3 : i32
      %add3A_252 = vector.broadcast %add3A_251 : i32 to vector<16xi32>
      %add3A_253 = arith.addi %mul3A_222, %add3A_252 : vector<16xi32>
      %gather3A_254 = tpu.vector_load_idx %arg5[%add3A_253] : memref<800xf32, #tpu.memory_space<vmem>>[vector<16xi32>], vector<16xf32>,
      tpu.vector_store_idx %arg9[%select_n3A_234, %sub3A_238, %broadcast_in_dim3A_7], %gather3A_254 : memref<2x200x8xf32, #tpu.memory_space<vmem>>[vector<16xi32>, vector<16xi32>, vector<16xi32>], vector<16xf32>,
      %add3A_255 = arith.constant 4 : i32
      %add3A_256 = vector.broadcast %add3A_255 : i32 to vector<16xi32>
      %add3A_257 = arith.addi %mul3A_222, %add3A_256 : vector<16xi32>
      %gather3A_258 = tpu.vector_load_idx %arg5[%add3A_257] : memref<800xf32, #tpu.memory_space<vmem>>[vector<16xi32>], vector<16xf32>,
      tpu.vector_store_idx %arg9[%select_n3A_234, %sub3A_238, %broadcast_in_dim3A_9], %gather3A_258 : memref<2x200x8xf32, #tpu.memory_space<vmem>>[vector<16xi32>, vector<16xi32>, vector<16xi32>], vector<16xf32>,
      %add3A_259 = arith.constant 5 : i32
      %add3A_260 = vector.broadcast %add3A_259 : i32 to vector<16xi32>
      %add3A_261 = arith.addi %mul3A_222, %add3A_260 : vector<16xi32>
      %gather3A_262 = tpu.vector_load_idx %arg5[%add3A_261] : memref<800xf32, #tpu.memory_space<vmem>>[vector<16xi32>], vector<16xf32>,
      tpu.vector_store_idx %arg9[%select_n3A_234, %sub3A_238, %broadcast_in_dim3A_11], %gather3A_262 : memref<2x200x8xf32, #tpu.memory_space<vmem>>[vector<16xi32>, vector<16xi32>, vector<16xi32>], vector<16xf32>,
      %add3A_263 = arith.constant 6 : i32
      %add3A_264 = vector.broadcast %add3A_263 : i32 to vector<16xi32>
      %add3A_265 = arith.addi %mul3A_222, %add3A_264 : vector<16xi32>
      %gather3A_266 = tpu.vector_load_idx %arg5[%add3A_265] : memref<800xf32, #tpu.memory_space<vmem>>[vector<16xi32>], vector<16xf32>,
      tpu.vector_store_idx %arg9[%select_n3A_234, %sub3A_238, %broadcast_in_dim3A_13], %gather3A_266 : memref<2x200x8xf32, #tpu.memory_space<vmem>>[vector<16xi32>, vector<16xi32>, vector<16xi32>], vector<16xf32>,
      %add3A_267 = arith.constant 7 : i32
      %add3A_268 = vector.broadcast %add3A_267 : i32 to vector<16xi32>
      %add3A_269 = arith.addi %mul3A_222, %add3A_268 : vector<16xi32>
      %gather3A_270 = tpu.vector_load_idx %arg5[%add3A_269] : memref<800xf32, #tpu.memory_space<vmem>>[vector<16xi32>], vector<16xf32>,
      tpu.vector_store_idx %arg9[%select_n3A_234, %sub3A_238, %broadcast_in_dim3A_15], %gather3A_270 : memref<2x200x8xf32, #tpu.memory_space<vmem>>[vector<16xi32>, vector<16xi32>, vector<16xi32>], vector<16xf32>,
      %scan3A_271 = arith.constant 3 : i32
      %scan3A_272 = arith.addi %scan3A_107, %scan3A_271 : i32
      %mul3A_273 = arith.constant 16 : i32
      %mul3A_274 = arith.muli %scan3A_272, %mul3A_273 : i32
      %get3A_275 = arith.index_cast %mul3A_274 : i32 to index
      %get3A_276 = tpu.vector_load %arg7[%get3A_275] {strides = array<i32>} : memref<400xi32, #tpu.memory_space<vmem>>, vector<16xi32>,
      %mul3A_277 = arith.constant 8 : i32
      %mul3A_278 = vector.broadcast %mul3A_277 : i32 to vector<16xi32>
      %mul3A_279 = arith.muli %get3A_276, %mul3A_278 : vector<16xi32>
      %mul3A_280 = arith.constant 16 : i32
      %mul3A_281 = arith.muli %scan3A_272, %mul3A_280 : i32
      %add3A_282 = vector.broadcast %mul3A_281 : i32 to vector<16xi32>
      %add3A_283 = arith.addi %iota3A, %add3A_282 : vector<16xi32>
      %ge3A_284 = arith.constant 200 : i32
      %ge3A_285 = vector.broadcast %ge3A_284 : i32 to vector<16xi32>
      %ge3A_286 = arith.cmpi sge, %add3A_283, %ge3A_285 : vector<16xi32>
      %jit3A_287 = arith.constant 1 : i32
      %jit3A_288 = arith.constant 0 : i32
      %broadcast_in_dim3A_289 = vector.broadcast %jit3A_287 : i32 to vector<16xi32>
      %broadcast_in_dim3A_290 = vector.broadcast %jit3A_288 : i32 to vector<16xi32>
      %select_n3A_291 = arith.select %ge3A_286, %broadcast_in_dim3A_289, %broadcast_in_dim3A_290 : vector<16xi1>, vector<16xi32>
      %mul3A_292 = arith.constant 200 : i32
      %mul3A_293 = vector.broadcast %mul3A_292 : i32 to vector<16xi32>
      %mul3A_294 = arith.muli %select_n3A_291, %mul3A_293 : vector<16xi32>
      %sub3A_295 = arith.subi %add3A_283, %mul3A_294 : vector<16xi32>
      %add3A_296 = arith.constant 0 : i32
      %add3A_297 = vector.broadcast %add3A_296 : i32 to vector<16xi32>
      %add3A_298 = arith.addi %mul3A_279, %add3A_297 : vector<16xi32>
      %gather3A_299 = tpu.vector_load_idx %arg5[%add3A_298] : memref<800xf32, #tpu.memory_space<vmem>>[vector<16xi32>], vector<16xf32>,
      tpu.vector_store_idx %arg9[%select_n3A_291, %sub3A_295, %broadcast_in_dim3A_1], %gather3A_299 : memref<2x200x8xf32, #tpu.memory_space<vmem>>[vector<16xi32>, vector<16xi32>, vector<16xi32>], vector<16xf32>,
      %add3A_300 = arith.constant 1 : i32
      %add3A_301 = vector.broadcast %add3A_300 : i32 to vector<16xi32>
      %add3A_302 = arith.addi %mul3A_279, %add3A_301 : vector<16xi32>
      %gather3A_303 = tpu.vector_load_idx %arg5[%add3A_302] : memref<800xf32, #tpu.memory_space<vmem>>[vector<16xi32>], vector<16xf32>,
      tpu.vector_store_idx %arg9[%select_n3A_291, %sub3A_295, %broadcast_in_dim3A_3], %gather3A_303 : memref<2x200x8xf32, #tpu.memory_space<vmem>>[vector<16xi32>, vector<16xi32>, vector<16xi32>], vector<16xf32>,
      %add3A_304 = arith.constant 2 : i32
      %add3A_305 = vector.broadcast %add3A_304 : i32 to vector<16xi32>
      %add3A_306 = arith.addi %mul3A_279, %add3A_305 : vector<16xi32>
      %gather3A_307 = tpu.vector_load_idx %arg5[%add3A_306] : memref<800xf32, #tpu.memory_space<vmem>>[vector<16xi32>], vector<16xf32>,
      tpu.vector_store_idx %arg9[%select_n3A_291, %sub3A_295, %broadcast_in_dim3A_5], %gather3A_307 : memref<2x200x8xf32, #tpu.memory_space<vmem>>[vector<16xi32>, vector<16xi32>, vector<16xi32>], vector<16xf32>,
      %add3A_308 = arith.constant 3 : i32
      %add3A_309 = vector.broadcast %add3A_308 : i32 to vector<16xi32>
      %add3A_310 = arith.addi %mul3A_279, %add3A_309 : vector<16xi32>
      %gather3A_311 = tpu.vector_load_idx %arg5[%add3A_310] : memref<800xf32, #tpu.memory_space<vmem>>[vector<16xi32>], vector<16xf32>,
      tpu.vector_store_idx %arg9[%select_n3A_291, %sub3A_295, %broadcast_in_dim3A_7], %gather3A_311 : memref<2x200x8xf32, #tpu.memory_space<vmem>>[vector<16xi32>, vector<16xi32>, vector<16xi32>], vector<16xf32>,
      %add3A_312 = arith.constant 4 : i32
      %add3A_313 = vector.broadcast %add3A_312 : i32 to vector<16xi32>
      %add3A_314 = arith.addi %mul3A_279, %add3A_313 : vector<16xi32>
      %gather3A_315 = tpu.vector_load_idx %arg5[%add3A_314] : memref<800xf32, #tpu.memory_space<vmem>>[vector<16xi32>], vector<16xf32>,
      tpu.vector_store_idx %arg9[%select_n3A_291, %sub3A_295, %broadcast_in_dim3A_9], %gather3A_315 : memref<2x200x8xf32, #tpu.memory_space<vmem>>[vector<16xi32>, vector<16xi32>, vector<16xi32>], vector<16xf32>,
      %add3A_316 = arith.constant 5 : i32
      %add3A_317 = vector.broadcast %add3A_316 : i32 to vector<16xi32>
      %add3A_318 = arith.addi %mul3A_279, %add3A_317 : vector<16xi32>
      %gather3A_319 = tpu.vector_load_idx %arg5[%add3A_318] : memref<800xf32, #tpu.memory_space<vmem>>[vector<16xi32>], vector<16xf32>,
      tpu.vector_store_idx %arg9[%select_n3A_291, %sub3A_295, %broadcast_in_dim3A_11], %gather3A_319 : memref<2x200x8xf32, #tpu.memory_space<vmem>>[vector<16xi32>, vector<16xi32>, vector<16xi32>], vector<16xf32>,
      %add3A_320 = arith.constant 6 : i32
      %add3A_321 = vector.broadcast %add3A_320 : i32 to vector<16xi32>
      %add3A_322 = arith.addi %mul3A_279, %add3A_321 : vector<16xi32>
      %gather3A_323 = tpu.vector_load_idx %arg5[%add3A_322] : memref<800xf32, #tpu.memory_space<vmem>>[vector<16xi32>], vector<16xf32>,
      tpu.vector_store_idx %arg9[%select_n3A_291, %sub3A_295, %broadcast_in_dim3A_13], %gather3A_323 : memref<2x200x8xf32, #tpu.memory_space<vmem>>[vector<16xi32>, vector<16xi32>, vector<16xi32>], vector<16xf32>,
      %add3A_324 = arith.constant 7 : i32
      %add3A_325 = vector.broadcast %add3A_324 : i32 to vector<16xi32>
      %add3A_326 = arith.addi %mul3A_279, %add3A_325 : vector<16xi32>
      %gather3A_327 = tpu.vector_load_idx %arg5[%add3A_326] : memref<800xf32, #tpu.memory_space<vmem>>[vector<16xi32>], vector<16xf32>,
      tpu.vector_store_idx %arg9[%select_n3A_291, %sub3A_295, %broadcast_in_dim3A_15], %gather3A_327 : memref<2x200x8xf32, #tpu.memory_space<vmem>>[vector<16xi32>, vector<16xi32>, vector<16xi32>], vector<16xf32>,
      %scan3A_328 = arith.constant 4 : i32
      %scan3A_329 = arith.addi %scan3A_107, %scan3A_328 : i32
      %mul3A_330 = arith.constant 16 : i32
      %mul3A_331 = arith.muli %scan3A_329, %mul3A_330 : i32
      %get3A_332 = arith.index_cast %mul3A_331 : i32 to index
      %get3A_333 = tpu.vector_load %arg7[%get3A_332] {strides = array<i32>} : memref<400xi32, #tpu.memory_space<vmem>>, vector<16xi32>,
      %mul3A_334 = arith.constant 8 : i32
      %mul3A_335 = vector.broadcast %mul3A_334 : i32 to vector<16xi32>
      %mul3A_336 = arith.muli %get3A_333, %mul3A_335 : vector<16xi32>
      %mul3A_337 = arith.constant 16 : i32
      %mul3A_338 = arith.muli %scan3A_329, %mul3A_337 : i32
      %add3A_339 = vector.broadcast %mul3A_338 : i32 to vector<16xi32>
      %add3A_340 = arith.addi %iota3A, %add3A_339 : vector<16xi32>
      %ge3A_341 = arith.constant 200 : i32
      %ge3A_342 = vector.broadcast %ge3A_341 : i32 to vector<16xi32>
      %ge3A_343 = arith.cmpi sge, %add3A_340, %ge3A_342 : vector<16xi32>
      %jit3A_344 = arith.constant 1 : i32
      %jit3A_345 = arith.constant 0 : i32
      %broadcast_in_dim3A_346 = vector.broadcast %jit3A_344 : i32 to vector<16xi32>
      %broadcast_in_dim3A_347 = vector.broadcast %jit3A_345 : i32 to vector<16xi32>
      %select_n3A_348 = arith.select %ge3A_343, %broadcast_in_dim3A_346, %broadcast_in_dim3A_347 : vector<16xi1>, vector<16xi32>
      %mul3A_349 = arith.constant 200 : i32
      %mul3A_350 = vector.broadcast %mul3A_349 : i32 to vector<16xi32>
      %mul3A_351 = arith.muli %select_n3A_348, %mul3A_350 : vector<16xi32>
      %sub3A_352 = arith.subi %add3A_340, %mul3A_351 : vector<16xi32>
      %add3A_353 = arith.constant 0 : i32
      %add3A_354 = vector.broadcast %add3A_353 : i32 to vector<16xi32>
      %add3A_355 = arith.addi %mul3A_336, %add3A_354 : vector<16xi32>
      %gather3A_356 = tpu.vector_load_idx %arg5[%add3A_355] : memref<800xf32, #tpu.memory_space<vmem>>[vector<16xi32>], vector<16xf32>,
      tpu.vector_store_idx %arg9[%select_n3A_348, %sub3A_352, %broadcast_in_dim3A_1], %gather3A_356 : memref<2x200x8xf32, #tpu.memory_space<vmem>>[vector<16xi32>, vector<16xi32>, vector<16xi32>], vector<16xf32>,
      %add3A_357 = arith.constant 1 : i32
      %add3A_358 = vector.broadcast %add3A_357 : i32 to vector<16xi32>
      %add3A_359 = arith.addi %mul3A_336, %add3A_358 : vector<16xi32>
      %gather3A_360 = tpu.vector_load_idx %arg5[%add3A_359] : memref<800xf32, #tpu.memory_space<vmem>>[vector<16xi32>], vector<16xf32>,
      tpu.vector_store_idx %arg9[%select_n3A_348, %sub3A_352, %broadcast_in_dim3A_3], %gather3A_360 : memref<2x200x8xf32, #tpu.memory_space<vmem>>[vector<16xi32>, vector<16xi32>, vector<16xi32>], vector<16xf32>,
      %add3A_361 = arith.constant 2 : i32
      %add3A_362 = vector.broadcast %add3A_361 : i32 to vector<16xi32>
      %add3A_363 = arith.addi %mul3A_336, %add3A_362 : vector<16xi32>
      %gather3A_364 = tpu.vector_load_idx %arg5[%add3A_363] : memref<800xf32, #tpu.memory_space<vmem>>[vector<16xi32>], vector<16xf32>,
      tpu.vector_store_idx %arg9[%select_n3A_348, %sub3A_352, %broadcast_in_dim3A_5], %gather3A_364 : memref<2x200x8xf32, #tpu.memory_space<vmem>>[vector<16xi32>, vector<16xi32>, vector<16xi32>], vector<16xf32>,
      %add3A_365 = arith.constant 3 : i32
      %add3A_366 = vector.broadcast %add3A_365 : i32 to vector<16xi32>
      %add3A_367 = arith.addi %mul3A_336, %add3A_366 : vector<16xi32>
      %gather3A_368 = tpu.vector_load_idx %arg5[%add3A_367] : memref<800xf32, #tpu.memory_space<vmem>>[vector<16xi32>], vector<16xf32>,
      tpu.vector_store_idx %arg9[%select_n3A_348, %sub3A_352, %broadcast_in_dim3A_7], %gather3A_368 : memref<2x200x8xf32, #tpu.memory_space<vmem>>[vector<16xi32>, vector<16xi32>, vector<16xi32>], vector<16xf32>,
      %add3A_369 = arith.constant 4 : i32
      %add3A_370 = vector.broadcast %add3A_369 : i32 to vector<16xi32>
      %add3A_371 = arith.addi %mul3A_336, %add3A_370 : vector<16xi32>
      %gather3A_372 = tpu.vector_load_idx %arg5[%add3A_371] : memref<800xf32, #tpu.memory_space<vmem>>[vector<16xi32>], vector<16xf32>,
      tpu.vector_store_idx %arg9[%select_n3A_348, %sub3A_352, %broadcast_in_dim3A_9], %gather3A_372 : memref<2x200x8xf32, #tpu.memory_space<vmem>>[vector<16xi32>, vector<16xi32>, vector<16xi32>], vector<16xf32>,
      %add3A_373 = arith.constant 5 : i32
      %add3A_374 = vector.broadcast %add3A_373 : i32 to vector<16xi32>
      %add3A_375 = arith.addi %mul3A_336, %add3A_374 : vector<16xi32>
      %gather3A_376 = tpu.vector_load_idx %arg5[%add3A_375] : memref<800xf32, #tpu.memory_space<vmem>>[vector<16xi32>], vector<16xf32>,
      tpu.vector_store_idx %arg9[%select_n3A_348, %sub3A_352, %broadcast_in_dim3A_11], %gather3A_376 : memref<2x200x8xf32, #tpu.memory_space<vmem>>[vector<16xi32>, vector<16xi32>, vector<16xi32>], vector<16xf32>,
      %add3A_377 = arith.constant 6 : i32
      %add3A_378 = vector.broadcast %add3A_377 : i32 to vector<16xi32>
      %add3A_379 = arith.addi %mul3A_336, %add3A_378 : vector<16xi32>
      %gather3A_380 = tpu.vector_load_idx %arg5[%add3A_379] : memref<800xf32, #tpu.memory_space<vmem>>[vector<16xi32>], vector<16xf32>,
      tpu.vector_store_idx %arg9[%select_n3A_348, %sub3A_352, %broadcast_in_dim3A_13], %gather3A_380 : memref<2x200x8xf32, #tpu.memory_space<vmem>>[vector<16xi32>, vector<16xi32>, vector<16xi32>], vector<16xf32>,
      %add3A_381 = arith.constant 7 : i32
      %add3A_382 = vector.broadcast %add3A_381 : i32 to vector<16xi32>
      %add3A_383 = arith.addi %mul3A_336, %add3A_382 : vector<16xi32>
      %gather3A_384 = tpu.vector_load_idx %arg5[%add3A_383] : memref<800xf32, #tpu.memory_space<vmem>>[vector<16xi32>], vector<16xf32>,
      tpu.vector_store_idx %arg9[%select_n3A_348, %sub3A_352, %broadcast_in_dim3A_15], %gather3A_384 : memref<2x200x8xf32, #tpu.memory_space<vmem>>[vector<16xi32>, vector<16xi32>, vector<16xi32>], vector<16xf32>,
    }
    %scan3A_59 = arith.constant 25 : i32
    %add3A_60 = arith.constant 2 : i32
    %add3A_61 = arith.addi %mul3A_0, %add3A_60 : i32
    %dma_start3A_62 = arith.constant 0 : i32
    %dma_start3A_63 = arith.constant 0 : i32
    %dma_start3A_64 = tpu.memref_slice %arg4[%add3A_61, %dma_start3A_62, %dma_start3A_63] : memref<8192x200x8xf32, #tpu.memory_space<hbm>> -> memref<2x200x8xf32, #tpu.memory_space<hbm>>
    %dma_start3A_65 = arith.constant 0 : i32
    %dma_start3A_66 = arith.constant 0 : i32
    %dma_start3A_67 = tpu.memref_slice %arg4[%add3A_61, %dma_start3A_65, %dma_start3A_66] : memref<8192x200x8xf32, #tpu.memory_space<hbm>> -> memref<2x200x8xf32, #tpu.memory_space<hbm>>
    tpu.enqueue_dma source(%arg9 : memref<2x200x8xf32, #tpu.memory_space<vmem>>) target(%dma_start3A_67 : memref<2x200x8xf32, #tpu.memory_space<hbm>>) target_semaphore(%arg11 : memref<!tpu.dma_semaphore, #tpu.memory_space<semaphore_mem>>)
    %add3A_68 = arith.constant 6 : i32
    %add3A_69 = arith.addi %mul3A_0, %add3A_68 : i32
    %mul3A_70 = arith.constant 200 : i32
    %mul3A_71 = arith.muli %add3A_69, %mul3A_70 : i32
    %dma_start3A_72 = tpu.memref_slice %arg3[%mul3A_71] : memref<1638400xi32, #tpu.memory_space<hbm>> -> memref<400xi32, #tpu.memory_space<hbm>>
    %dma_start3A_73 = tpu.memref_slice %arg3[%mul3A_71] : memref<1638400xi32, #tpu.memory_space<hbm>> -> memref<400xi32, #tpu.memory_space<hbm>>
    tpu.enqueue_dma source(%dma_start3A_73 : memref<400xi32, #tpu.memory_space<hbm>>) target(%arg7 : memref<400xi32, #tpu.memory_space<vmem>>) target_semaphore(%arg13 : memref<!tpu.dma_semaphore, #tpu.memory_space<semaphore_mem>>)
    %scan3A_74 = arith.constant 1 : i32
    %scan3A_75 = arith.constant 127 : i32
    %scan3A_76 = arith.addi %scan3A_74, %scan3A_75 : i32
    %scan3A_77 = arith.constant 1 : i32
    scf.for %scan3A_107 = %scan3A_74 to %scan3A_76 step %scan3A_77  : i32 {
      %mul3A_108 = arith.constant 2 : i32
      %mul3A_109 = arith.muli %mul3A_108, %scan3A_107 : i32
      %add3A_110 = arith.constant 0 : i32
      %add3A_111 = arith.addi %mul3A_109, %add3A_110 : i32
      %mul3A_112 = arith.constant 2 : i32
      %mul3A_113 = arith.muli %add3A_111, %mul3A_112 : i32
      %add3A_114 = arith.addi %mul3A_0, %mul3A_113 : i32
      %mul3A_115 = arith.constant 200 : i32
      %mul3A_116 = arith.muli %add3A_114, %mul3A_115 : i32
      %dma_wait3A_117 = tpu.memref_slice %arg3[%mul3A_116] : memref<1638400xi32, #tpu.memory_space<hbm>> -> memref<400xi32, #tpu.memory_space<hbm>>
      %dma_wait3A_118 = tpu.memref_slice %arg3[%mul3A_116] : memref<1638400xi32, #tpu.memory_space<hbm>> -> memref<400xi32, #tpu.memory_space<hbm>>
      tpu.wait_dma2 semaphore(%arg12 : memref<!tpu.dma_semaphore, #tpu.memory_space<semaphore_mem>>) src(%dma_wait3A_118 : memref<400xi32, #tpu.memory_space<hbm>>) dst(%arg6 : memref<400xi32, #tpu.memory_space<vmem>>)
      %mul3A_119 = arith.constant 2 : i32
      %mul3A_120 = arith.muli %add3A_111, %mul3A_119 : i32
      %add3A_121 = arith.addi %mul3A_0, %mul3A_120 : i32
      %dma_wait3A_122 = arith.constant 0 : i32
      %dma_wait3A_123 = arith.constant 0 : i32
      %dma_wait3A_124 = tpu.memref_slice %arg4[%add3A_121, %dma_wait3A_122, %dma_wait3A_123] : memref<8192x200x8xf32, #tpu.memory_space<hbm>> -> memref<2x200x8xf32, #tpu.memory_space<hbm>>
      %dma_wait3A_125 = arith.constant 0 : i32
      %dma_wait3A_126 = arith.constant 0 : i32
      %dma_wait3A_127 = tpu.memref_slice %arg4[%add3A_121, %dma_wait3A_125, %dma_wait3A_126] : memref<8192x200x8xf32, #tpu.memory_space<hbm>> -> memref<2x200x8xf32, #tpu.memory_space<hbm>>
      tpu.wait_dma2 semaphore(%arg10 : memref<!tpu.dma_semaphore, #tpu.memory_space<semaphore_mem>>) src(%arg8 : memref<2x200x8xf32, #tpu.memory_space<vmem>>) dst(%dma_wait3A_127 : memref<2x200x8xf32, #tpu.memory_space<hbm>>)
      %scan3A_128 = arith.constant 0 : i32
      %scan3A_129 = arith.constant 25 : i32
      %scan3A_130 = arith.addi %scan3A_128, %scan3A_129 : i32
      %scan3A_131 = arith.constant 5 : i32
      scf.for %scan3A_197 = %scan3A_128 to %scan3A_130 step %scan3A_131  : i32 {
        %mul3A_198 = arith.constant 16 : i32
        %mul3A_199 = arith.muli %scan3A_197, %mul3A_198 : i32
        %get3A = arith.index_cast %mul3A_199 : i32 to index
        %get3A_200 = tpu.vector_load %arg6[%get3A] {strides = array<i32>} : memref<400xi32, #tpu.memory_space<vmem>>, vector<16xi32>,
        %mul3A_201 = arith.constant 8 : i32
        %mul3A_202 = vector.broadcast %mul3A_201 : i32 to vector<16xi32>
        %mul3A_203 = arith.muli %get3A_200, %mul3A_202 : vector<16xi32>
        %mul3A_204 = arith.constant 16 : i32
        %mul3A_205 = arith.muli %scan3A_197, %mul3A_204 : i32
        %add3A_206 = vector.broadcast %mul3A_205 : i32 to vector<16xi32>
        %add3A_207 = arith.addi %iota3A, %add3A_206 : vector<16xi32>
        %ge3A = arith.constant 200 : i32
        %ge3A_208 = vector.broadcast %ge3A : i32 to vector<16xi32>
        %ge3A_209 = arith.cmpi sge, %add3A_207, %ge3A_208 : vector<16xi32>
        %jit3A = arith.constant 1 : i32
        %jit3A_210 = arith.constant 0 : i32
        %broadcast_in_dim3A_211 = vector.broadcast %jit3A : i32 to vector<16xi32>
        %broadcast_in_dim3A_212 = vector.broadcast %jit3A_210 : i32 to vector<16xi32>
        %select_n3A = arith.select %ge3A_209, %broadcast_in_dim3A_211, %broadcast_in_dim3A_212 : vector<16xi1>, vector<16xi32>
        %mul3A_213 = arith.constant 200 : i32
        %mul3A_214 = vector.broadcast %mul3A_213 : i32 to vector<16xi32>
        %mul3A_215 = arith.muli %select_n3A, %mul3A_214 : vector<16xi32>
        %sub3A = arith.subi %add3A_207, %mul3A_215 : vector<16xi32>
        %add3A_216 = arith.constant 0 : i32
        %add3A_217 = vector.broadcast %add3A_216 : i32 to vector<16xi32>
        %add3A_218 = arith.addi %mul3A_203, %add3A_217 : vector<16xi32>
        %gather3A = tpu.vector_load_idx %arg5[%add3A_218] : memref<800xf32, #tpu.memory_space<vmem>>[vector<16xi32>], vector<16xf32>,
        tpu.vector_store_idx %arg8[%select_n3A, %sub3A, %broadcast_in_dim3A_1], %gather3A : memref<2x200x8xf32, #tpu.memory_space<vmem>>[vector<16xi32>, vector<16xi32>, vector<16xi32>], vector<16xf32>,
        %add3A_219 = arith.constant 1 : i32
        %add3A_220 = vector.broadcast %add3A_219 : i32 to vector<16xi32>
        %add3A_221 = arith.addi %mul3A_203, %add3A_220 : vector<16xi32>
        %gather3A_222 = tpu.vector_load_idx %arg5[%add3A_221] : memref<800xf32, #tpu.memory_space<vmem>>[vector<16xi32>], vector<16xf32>,
        tpu.vector_store_idx %arg8[%select_n3A, %sub3A, %broadcast_in_dim3A_3], %gather3A_222 : memref<2x200x8xf32, #tpu.memory_space<vmem>>[vector<16xi32>, vector<16xi32>, vector<16xi32>], vector<16xf32>,
        %add3A_223 = arith.constant 2 : i32
        %add3A_224 = vector.broadcast %add3A_223 : i32 to vector<16xi32>
        %add3A_225 = arith.addi %mul3A_203, %add3A_224 : vector<16xi32>
        %gather3A_226 = tpu.vector_load_idx %arg5[%add3A_225] : memref<800xf32, #tpu.memory_space<vmem>>[vector<16xi32>], vector<16xf32>,
        tpu.vector_store_idx %arg8[%select_n3A, %sub3A, %broadcast_in_dim3A_5], %gather3A_226 : memref<2x200x8xf32, #tpu.memory_space<vmem>>[vector<16xi32>, vector<16xi32>, vector<16xi32>], vector<16xf32>,
        %add3A_227 = arith.constant 3 : i32
        %add3A_228 = vector.broadcast %add3A_227 : i32 to vector<16xi32>
        %add3A_229 = arith.addi %mul3A_203, %add3A_228 : vector<16xi32>
        %gather3A_230 = tpu.vector_load_idx %arg5[%add3A_229] : memref<800xf32, #tpu.memory_space<vmem>>[vector<16xi32>], vector<16xf32>,
        tpu.vector_store_idx %arg8[%select_n3A, %sub3A, %broadcast_in_dim3A_7], %gather3A_230 : memref<2x200x8xf32, #tpu.memory_space<vmem>>[vector<16xi32>, vector<16xi32>, vector<16xi32>], vector<16xf32>,
        %add3A_231 = arith.constant 4 : i32
        %add3A_232 = vector.broadcast %add3A_231 : i32 to vector<16xi32>
        %add3A_233 = arith.addi %mul3A_203, %add3A_232 : vector<16xi32>
        %gather3A_234 = tpu.vector_load_idx %arg5[%add3A_233] : memref<800xf32, #tpu.memory_space<vmem>>[vector<16xi32>], vector<16xf32>,
        tpu.vector_store_idx %arg8[%select_n3A, %sub3A, %broadcast_in_dim3A_9], %gather3A_234 : memref<2x200x8xf32, #tpu.memory_space<vmem>>[vector<16xi32>, vector<16xi32>, vector<16xi32>], vector<16xf32>,
        %add3A_235 = arith.constant 5 : i32
        %add3A_236 = vector.broadcast %add3A_235 : i32 to vector<16xi32>
        %add3A_237 = arith.addi %mul3A_203, %add3A_236 : vector<16xi32>
        %gather3A_238 = tpu.vector_load_idx %arg5[%add3A_237] : memref<800xf32, #tpu.memory_space<vmem>>[vector<16xi32>], vector<16xf32>,
        tpu.vector_store_idx %arg8[%select_n3A, %sub3A, %broadcast_in_dim3A_11], %gather3A_238 : memref<2x200x8xf32, #tpu.memory_space<vmem>>[vector<16xi32>, vector<16xi32>, vector<16xi32>], vector<16xf32>,
        %add3A_239 = arith.constant 6 : i32
        %add3A_240 = vector.broadcast %add3A_239 : i32 to vector<16xi32>
        %add3A_241 = arith.addi %mul3A_203, %add3A_240 : vector<16xi32>
        %gather3A_242 = tpu.vector_load_idx %arg5[%add3A_241] : memref<800xf32, #tpu.memory_space<vmem>>[vector<16xi32>], vector<16xf32>,
        tpu.vector_store_idx %arg8[%select_n3A, %sub3A, %broadcast_in_dim3A_13], %gather3A_242 : memref<2x200x8xf32, #tpu.memory_space<vmem>>[vector<16xi32>, vector<16xi32>, vector<16xi32>], vector<16xf32>,
        %add3A_243 = arith.constant 7 : i32
        %add3A_244 = vector.broadcast %add3A_243 : i32 to vector<16xi32>
        %add3A_245 = arith.addi %mul3A_203, %add3A_244 : vector<16xi32>
        %gather3A_246 = tpu.vector_load_idx %arg5[%add3A_245] : memref<800xf32, #tpu.memory_space<vmem>>[vector<16xi32>], vector<16xf32>,
        tpu.vector_store_idx %arg8[%select_n3A, %sub3A, %broadcast_in_dim3A_15], %gather3A_246 : memref<2x200x8xf32, #tpu.memory_space<vmem>>[vector<16xi32>, vector<16xi32>, vector<16xi32>], vector<16xf32>,
        %scan3A_247 = arith.constant 1 : i32
        %scan3A_248 = arith.addi %scan3A_197, %scan3A_247 : i32
        %mul3A_249 = arith.constant 16 : i32
        %mul3A_250 = arith.muli %scan3A_248, %mul3A_249 : i32
        %get3A_251 = arith.index_cast %mul3A_250 : i32 to index
        %get3A_252 = tpu.vector_load %arg6[%get3A_251] {strides = array<i32>} : memref<400xi32, #tpu.memory_space<vmem>>, vector<16xi32>,
        %mul3A_253 = arith.constant 8 : i32
        %mul3A_254 = vector.broadcast %mul3A_253 : i32 to vector<16xi32>
        %mul3A_255 = arith.muli %get3A_252, %mul3A_254 : vector<16xi32>
        %mul3A_256 = arith.constant 16 : i32
        %mul3A_257 = arith.muli %scan3A_248, %mul3A_256 : i32
        %add3A_258 = vector.broadcast %mul3A_257 : i32 to vector<16xi32>
        %add3A_259 = arith.addi %iota3A, %add3A_258 : vector<16xi32>
        %ge3A_260 = arith.constant 200 : i32
        %ge3A_261 = vector.broadcast %ge3A_260 : i32 to vector<16xi32>
        %ge3A_262 = arith.cmpi sge, %add3A_259, %ge3A_261 : vector<16xi32>
        %jit3A_263 = arith.constant 1 : i32
        %jit3A_264 = arith.constant 0 : i32
        %broadcast_in_dim3A_265 = vector.broadcast %jit3A_263 : i32 to vector<16xi32>
        %broadcast_in_dim3A_266 = vector.broadcast %jit3A_264 : i32 to vector<16xi32>
        %select_n3A_267 = arith.select %ge3A_262, %broadcast_in_dim3A_265, %broadcast_in_dim3A_266 : vector<16xi1>, vector<16xi32>
        %mul3A_268 = arith.constant 200 : i32
        %mul3A_269 = vector.broadcast %mul3A_268 : i32 to vector<16xi32>
        %mul3A_270 = arith.muli %select_n3A_267, %mul3A_269 : vector<16xi32>
        %sub3A_271 = arith.subi %add3A_259, %mul3A_270 : vector<16xi32>
        %add3A_272 = arith.constant 0 : i32
        %add3A_273 = vector.broadcast %add3A_272 : i32 to vector<16xi32>
        %add3A_274 = arith.addi %mul3A_255, %add3A_273 : vector<16xi32>
        %gather3A_275 = tpu.vector_load_idx %arg5[%add3A_274] : memref<800xf32, #tpu.memory_space<vmem>>[vector<16xi32>], vector<16xf32>,
        tpu.vector_store_idx %arg8[%select_n3A_267, %sub3A_271, %broadcast_in_dim3A_1], %gather3A_275 : memref<2x200x8xf32, #tpu.memory_space<vmem>>[vector<16xi32>, vector<16xi32>, vector<16xi32>], vector<16xf32>,
        %add3A_276 = arith.constant 1 : i32
        %add3A_277 = vector.broadcast %add3A_276 : i32 to vector<16xi32>
        %add3A_278 = arith.addi %mul3A_255, %add3A_277 : vector<16xi32>
        %gather3A_279 = tpu.vector_load_idx %arg5[%add3A_278] : memref<800xf32, #tpu.memory_space<vmem>>[vector<16xi32>], vector<16xf32>,
        tpu.vector_store_idx %arg8[%select_n3A_267, %sub3A_271, %broadcast_in_dim3A_3], %gather3A_279 : memref<2x200x8xf32, #tpu.memory_space<vmem>>[vector<16xi32>, vector<16xi32>, vector<16xi32>], vector<16xf32>,
        %add3A_280 = arith.constant 2 : i32
        %add3A_281 = vector.broadcast %add3A_280 : i32 to vector<16xi32>
        %add3A_282 = arith.addi %mul3A_255, %add3A_281 : vector<16xi32>
        %gather3A_283 = tpu.vector_load_idx %arg5[%add3A_282] : memref<800xf32, #tpu.memory_space<vmem>>[vector<16xi32>], vector<16xf32>,
        tpu.vector_store_idx %arg8[%select_n3A_267, %sub3A_271, %broadcast_in_dim3A_5], %gather3A_283 : memref<2x200x8xf32, #tpu.memory_space<vmem>>[vector<16xi32>, vector<16xi32>, vector<16xi32>], vector<16xf32>,
        %add3A_284 = arith.constant 3 : i32
        %add3A_285 = vector.broadcast %add3A_284 : i32 to vector<16xi32>
        %add3A_286 = arith.addi %mul3A_255, %add3A_285 : vector<16xi32>
        %gather3A_287 = tpu.vector_load_idx %arg5[%add3A_286] : memref<800xf32, #tpu.memory_space<vmem>>[vector<16xi32>], vector<16xf32>,
        tpu.vector_store_idx %arg8[%select_n3A_267, %sub3A_271, %broadcast_in_dim3A_7], %gather3A_287 : memref<2x200x8xf32, #tpu.memory_space<vmem>>[vector<16xi32>, vector<16xi32>, vector<16xi32>], vector<16xf32>,
        %add3A_288 = arith.constant 4 : i32
        %add3A_289 = vector.broadcast %add3A_288 : i32 to vector<16xi32>
        %add3A_290 = arith.addi %mul3A_255, %add3A_289 : vector<16xi32>
        %gather3A_291 = tpu.vector_load_idx %arg5[%add3A_290] : memref<800xf32, #tpu.memory_space<vmem>>[vector<16xi32>], vector<16xf32>,
        tpu.vector_store_idx %arg8[%select_n3A_267, %sub3A_271, %broadcast_in_dim3A_9], %gather3A_291 : memref<2x200x8xf32, #tpu.memory_space<vmem>>[vector<16xi32>, vector<16xi32>, vector<16xi32>], vector<16xf32>,
        %add3A_292 = arith.constant 5 : i32
        %add3A_293 = vector.broadcast %add3A_292 : i32 to vector<16xi32>
        %add3A_294 = arith.addi %mul3A_255, %add3A_293 : vector<16xi32>
        %gather3A_295 = tpu.vector_load_idx %arg5[%add3A_294] : memref<800xf32, #tpu.memory_space<vmem>>[vector<16xi32>], vector<16xf32>,
        tpu.vector_store_idx %arg8[%select_n3A_267, %sub3A_271, %broadcast_in_dim3A_11], %gather3A_295 : memref<2x200x8xf32, #tpu.memory_space<vmem>>[vector<16xi32>, vector<16xi32>, vector<16xi32>], vector<16xf32>,
        %add3A_296 = arith.constant 6 : i32
        %add3A_297 = vector.broadcast %add3A_296 : i32 to vector<16xi32>
        %add3A_298 = arith.addi %mul3A_255, %add3A_297 : vector<16xi32>
        %gather3A_299 = tpu.vector_load_idx %arg5[%add3A_298] : memref<800xf32, #tpu.memory_space<vmem>>[vector<16xi32>], vector<16xf32>,
        tpu.vector_store_idx %arg8[%select_n3A_267, %sub3A_271, %broadcast_in_dim3A_13], %gather3A_299 : memref<2x200x8xf32, #tpu.memory_space<vmem>>[vector<16xi32>, vector<16xi32>, vector<16xi32>], vector<16xf32>,
        %add3A_300 = arith.constant 7 : i32
        %add3A_301 = vector.broadcast %add3A_300 : i32 to vector<16xi32>
        %add3A_302 = arith.addi %mul3A_255, %add3A_301 : vector<16xi32>
        %gather3A_303 = tpu.vector_load_idx %arg5[%add3A_302] : memref<800xf32, #tpu.memory_space<vmem>>[vector<16xi32>], vector<16xf32>,
        tpu.vector_store_idx %arg8[%select_n3A_267, %sub3A_271, %broadcast_in_dim3A_15], %gather3A_303 : memref<2x200x8xf32, #tpu.memory_space<vmem>>[vector<16xi32>, vector<16xi32>, vector<16xi32>], vector<16xf32>,
        %scan3A_304 = arith.constant 2 : i32
        %scan3A_305 = arith.addi %scan3A_197, %scan3A_304 : i32
        %mul3A_306 = arith.constant 16 : i32
        %mul3A_307 = arith.muli %scan3A_305, %mul3A_306 : i32
        %get3A_308 = arith.index_cast %mul3A_307 : i32 to index
        %get3A_309 = tpu.vector_load %arg6[%get3A_308] {strides = array<i32>} : memref<400xi32, #tpu.memory_space<vmem>>, vector<16xi32>,
        %mul3A_310 = arith.constant 8 : i32
        %mul3A_311 = vector.broadcast %mul3A_310 : i32 to vector<16xi32>
        %mul3A_312 = arith.muli %get3A_309, %mul3A_311 : vector<16xi32>
        %mul3A_313 = arith.constant 16 : i32
        %mul3A_314 = arith.muli %scan3A_305, %mul3A_313 : i32
        %add3A_315 = vector.broadcast %mul3A_314 : i32 to vector<16xi32>
        %add3A_316 = arith.addi %iota3A, %add3A_315 : vector<16xi32>
        %ge3A_317 = arith.constant 200 : i32
        %ge3A_318 = vector.broadcast %ge3A_317 : i32 to vector<16xi32>
        %ge3A_319 = arith.cmpi sge, %add3A_316, %ge3A_318 : vector<16xi32>
        %jit3A_320 = arith.constant 1 : i32
        %jit3A_321 = arith.constant 0 : i32
        %broadcast_in_dim3A_322 = vector.broadcast %jit3A_320 : i32 to vector<16xi32>
        %broadcast_in_dim3A_323 = vector.broadcast %jit3A_321 : i32 to vector<16xi32>
        %select_n3A_324 = arith.select %ge3A_319, %broadcast_in_dim3A_322, %broadcast_in_dim3A_323 : vector<16xi1>, vector<16xi32>
        %mul3A_325 = arith.constant 200 : i32
        %mul3A_326 = vector.broadcast %mul3A_325 : i32 to vector<16xi32>
        %mul3A_327 = arith.muli %select_n3A_324, %mul3A_326 : vector<16xi32>
        %sub3A_328 = arith.subi %add3A_316, %mul3A_327 : vector<16xi32>
        %add3A_329 = arith.constant 0 : i32
        %add3A_330 = vector.broadcast %add3A_329 : i32 to vector<16xi32>
        %add3A_331 = arith.addi %mul3A_312, %add3A_330 : vector<16xi32>
        %gather3A_332 = tpu.vector_load_idx %arg5[%add3A_331] : memref<800xf32, #tpu.memory_space<vmem>>[vector<16xi32>], vector<16xf32>,
        tpu.vector_store_idx %arg8[%select_n3A_324, %sub3A_328, %broadcast_in_dim3A_1], %gather3A_332 : memref<2x200x8xf32, #tpu.memory_space<vmem>>[vector<16xi32>, vector<16xi32>, vector<16xi32>], vector<16xf32>,
        %add3A_333 = arith.constant 1 : i32
        %add3A_334 = vector.broadcast %add3A_333 : i32 to vector<16xi32>
        %add3A_335 = arith.addi %mul3A_312, %add3A_334 : vector<16xi32>
        %gather3A_336 = tpu.vector_load_idx %arg5[%add3A_335] : memref<800xf32, #tpu.memory_space<vmem>>[vector<16xi32>], vector<16xf32>,
        tpu.vector_store_idx %arg8[%select_n3A_324, %sub3A_328, %broadcast_in_dim3A_3], %gather3A_336 : memref<2x200x8xf32, #tpu.memory_space<vmem>>[vector<16xi32>, vector<16xi32>, vector<16xi32>], vector<16xf32>,
        %add3A_337 = arith.constant 2 : i32
        %add3A_338 = vector.broadcast %add3A_337 : i32 to vector<16xi32>
        %add3A_339 = arith.addi %mul3A_312, %add3A_338 : vector<16xi32>
        %gather3A_340 = tpu.vector_load_idx %arg5[%add3A_339] : memref<800xf32, #tpu.memory_space<vmem>>[vector<16xi32>], vector<16xf32>,
        tpu.vector_store_idx %arg8[%select_n3A_324, %sub3A_328, %broadcast_in_dim3A_5], %gather3A_340 : memref<2x200x8xf32, #tpu.memory_space<vmem>>[vector<16xi32>, vector<16xi32>, vector<16xi32>], vector<16xf32>,
        %add3A_341 = arith.constant 3 : i32
        %add3A_342 = vector.broadcast %add3A_341 : i32 to vector<16xi32>
        %add3A_343 = arith.addi %mul3A_312, %add3A_342 : vector<16xi32>
        %gather3A_344 = tpu.vector_load_idx %arg5[%add3A_343] : memref<800xf32, #tpu.memory_space<vmem>>[vector<16xi32>], vector<16xf32>,
        tpu.vector_store_idx %arg8[%select_n3A_324, %sub3A_328, %broadcast_in_dim3A_7], %gather3A_344 : memref<2x200x8xf32, #tpu.memory_space<vmem>>[vector<16xi32>, vector<16xi32>, vector<16xi32>], vector<16xf32>,
        %add3A_345 = arith.constant 4 : i32
        %add3A_346 = vector.broadcast %add3A_345 : i32 to vector<16xi32>
        %add3A_347 = arith.addi %mul3A_312, %add3A_346 : vector<16xi32>
        %gather3A_348 = tpu.vector_load_idx %arg5[%add3A_347] : memref<800xf32, #tpu.memory_space<vmem>>[vector<16xi32>], vector<16xf32>,
        tpu.vector_store_idx %arg8[%select_n3A_324, %sub3A_328, %broadcast_in_dim3A_9], %gather3A_348 : memref<2x200x8xf32, #tpu.memory_space<vmem>>[vector<16xi32>, vector<16xi32>, vector<16xi32>], vector<16xf32>,
        %add3A_349 = arith.constant 5 : i32
        %add3A_350 = vector.broadcast %add3A_349 : i32 to vector<16xi32>
        %add3A_351 = arith.addi %mul3A_312, %add3A_350 : vector<16xi32>
        %gather3A_352 = tpu.vector_load_idx %arg5[%add3A_351] : memref<800xf32, #tpu.memory_space<vmem>>[vector<16xi32>], vector<16xf32>,
        tpu.vector_store_idx %arg8[%select_n3A_324, %sub3A_328, %broadcast_in_dim3A_11], %gather3A_352 : memref<2x200x8xf32, #tpu.memory_space<vmem>>[vector<16xi32>, vector<16xi32>, vector<16xi32>], vector<16xf32>,
        %add3A_353 = arith.constant 6 : i32
        %add3A_354 = vector.broadcast %add3A_353 : i32 to vector<16xi32>
        %add3A_355 = arith.addi %mul3A_312, %add3A_354 : vector<16xi32>
        %gather3A_356 = tpu.vector_load_idx %arg5[%add3A_355] : memref<800xf32, #tpu.memory_space<vmem>>[vector<16xi32>], vector<16xf32>,
        tpu.vector_store_idx %arg8[%select_n3A_324, %sub3A_328, %broadcast_in_dim3A_13], %gather3A_356 : memref<2x200x8xf32, #tpu.memory_space<vmem>>[vector<16xi32>, vector<16xi32>, vector<16xi32>], vector<16xf32>,
        %add3A_357 = arith.constant 7 : i32
        %add3A_358 = vector.broadcast %add3A_357 : i32 to vector<16xi32>
        %add3A_359 = arith.addi %mul3A_312, %add3A_358 : vector<16xi32>
        %gather3A_360 = tpu.vector_load_idx %arg5[%add3A_359] : memref<800xf32, #tpu.memory_space<vmem>>[vector<16xi32>], vector<16xf32>,
        tpu.vector_store_idx %arg8[%select_n3A_324, %sub3A_328, %broadcast_in_dim3A_15], %gather3A_360 : memref<2x200x8xf32, #tpu.memory_space<vmem>>[vector<16xi32>, vector<16xi32>, vector<16xi32>], vector<16xf32>,
        %scan3A_361 = arith.constant 3 : i32
        %scan3A_362 = arith.addi %scan3A_197, %scan3A_361 : i32
        %mul3A_363 = arith.constant 16 : i32
        %mul3A_364 = arith.muli %scan3A_362, %mul3A_363 : i32
        %get3A_365 = arith.index_cast %mul3A_364 : i32 to index
        %get3A_366 = tpu.vector_load %arg6[%get3A_365] {strides = array<i32>} : memref<400xi32, #tpu.memory_space<vmem>>, vector<16xi32>,
        %mul3A_367 = arith.constant 8 : i32
        %mul3A_368 = vector.broadcast %mul3A_367 : i32 to vector<16xi32>
        %mul3A_369 = arith.muli %get3A_366, %mul3A_368 : vector<16xi32>
        %mul3A_370 = arith.constant 16 : i32
        %mul3A_371 = arith.muli %scan3A_362, %mul3A_370 : i32
        %add3A_372 = vector.broadcast %mul3A_371 : i32 to vector<16xi32>
        %add3A_373 = arith.addi %iota3A, %add3A_372 : vector<16xi32>
        %ge3A_374 = arith.constant 200 : i32
        %ge3A_375 = vector.broadcast %ge3A_374 : i32 to vector<16xi32>
        %ge3A_376 = arith.cmpi sge, %add3A_373, %ge3A_375 : vector<16xi32>
        %jit3A_377 = arith.constant 1 : i32
        %jit3A_378 = arith.constant 0 : i32
        %broadcast_in_dim3A_379 = vector.broadcast %jit3A_377 : i32 to vector<16xi32>
        %broadcast_in_dim3A_380 = vector.broadcast %jit3A_378 : i32 to vector<16xi32>
        %select_n3A_381 = arith.select %ge3A_376, %broadcast_in_dim3A_379, %broadcast_in_dim3A_380 : vector<16xi1>, vector<16xi32>
        %mul3A_382 = arith.constant 200 : i32
        %mul3A_383 = vector.broadcast %mul3A_382 : i32 to vector<16xi32>
        %mul3A_384 = arith.muli %select_n3A_381, %mul3A_383 : vector<16xi32>
        %sub3A_385 = arith.subi %add3A_373, %mul3A_384 : vector<16xi32>
        %add3A_386 = arith.constant 0 : i32
        %add3A_387 = vector.broadcast %add3A_386 : i32 to vector<16xi32>
        %add3A_388 = arith.addi %mul3A_369, %add3A_387 : vector<16xi32>
        %gather3A_389 = tpu.vector_load_idx %arg5[%add3A_388] : memref<800xf32, #tpu.memory_space<vmem>>[vector<16xi32>], vector<16xf32>,
        tpu.vector_store_idx %arg8[%select_n3A_381, %sub3A_385, %broadcast_in_dim3A_1], %gather3A_389 : memref<2x200x8xf32, #tpu.memory_space<vmem>>[vector<16xi32>, vector<16xi32>, vector<16xi32>], vector<16xf32>,
        %add3A_390 = arith.constant 1 : i32
        %add3A_391 = vector.broadcast %add3A_390 : i32 to vector<16xi32>
        %add3A_392 = arith.addi %mul3A_369, %add3A_391 : vector<16xi32>
        %gather3A_393 = tpu.vector_load_idx %arg5[%add3A_392] : memref<800xf32, #tpu.memory_space<vmem>>[vector<16xi32>], vector<16xf32>,
        tpu.vector_store_idx %arg8[%select_n3A_381, %sub3A_385, %broadcast_in_dim3A_3], %gather3A_393 : memref<2x200x8xf32, #tpu.memory_space<vmem>>[vector<16xi32>, vector<16xi32>, vector<16xi32>], vector<16xf32>,
        %add3A_394 = arith.constant 2 : i32
        %add3A_395 = vector.broadcast %add3A_394 : i32 to vector<16xi32>
        %add3A_396 = arith.addi %mul3A_369, %add3A_395 : vector<16xi32>
        %gather3A_397 = tpu.vector_load_idx %arg5[%add3A_396] : memref<800xf32, #tpu.memory_space<vmem>>[vector<16xi32>], vector<16xf32>,
        tpu.vector_store_idx %arg8[%select_n3A_381, %sub3A_385, %broadcast_in_dim3A_5], %gather3A_397 : memref<2x200x8xf32, #tpu.memory_space<vmem>>[vector<16xi32>, vector<16xi32>, vector<16xi32>], vector<16xf32>,
        %add3A_398 = arith.constant 3 : i32
        %add3A_399 = vector.broadcast %add3A_398 : i32 to vector<16xi32>
        %add3A_400 = arith.addi %mul3A_369, %add3A_399 : vector<16xi32>
        %gather3A_401 = tpu.vector_load_idx %arg5[%add3A_400] : memref<800xf32, #tpu.memory_space<vmem>>[vector<16xi32>], vector<16xf32>,
        tpu.vector_store_idx %arg8[%select_n3A_381, %sub3A_385, %broadcast_in_dim3A_7], %gather3A_401 : memref<2x200x8xf32, #tpu.memory_space<vmem>>[vector<16xi32>, vector<16xi32>, vector<16xi32>], vector<16xf32>,
        %add3A_402 = arith.constant 4 : i32
        %add3A_403 = vector.broadcast %add3A_402 : i32 to vector<16xi32>
        %add3A_404 = arith.addi %mul3A_369, %add3A_403 : vector<16xi32>
        %gather3A_405 = tpu.vector_load_idx %arg5[%add3A_404] : memref<800xf32, #tpu.memory_space<vmem>>[vector<16xi32>], vector<16xf32>,
        tpu.vector_store_idx %arg8[%select_n3A_381, %sub3A_385, %broadcast_in_dim3A_9], %gather3A_405 : memref<2x200x8xf32, #tpu.memory_space<vmem>>[vector<16xi32>, vector<16xi32>, vector<16xi32>], vector<16xf32>,
        %add3A_406 = arith.constant 5 : i32
        %add3A_407 = vector.broadcast %add3A_406 : i32 to vector<16xi32>
        %add3A_408 = arith.addi %mul3A_369, %add3A_407 : vector<16xi32>
        %gather3A_409 = tpu.vector_load_idx %arg5[%add3A_408] : memref<800xf32, #tpu.memory_space<vmem>>[vector<16xi32>], vector<16xf32>,
        tpu.vector_store_idx %arg8[%select_n3A_381, %sub3A_385, %broadcast_in_dim3A_11], %gather3A_409 : memref<2x200x8xf32, #tpu.memory_space<vmem>>[vector<16xi32>, vector<16xi32>, vector<16xi32>], vector<16xf32>,
        %add3A_410 = arith.constant 6 : i32
        %add3A_411 = vector.broadcast %add3A_410 : i32 to vector<16xi32>
        %add3A_412 = arith.addi %mul3A_369, %add3A_411 : vector<16xi32>
        %gather3A_413 = tpu.vector_load_idx %arg5[%add3A_412] : memref<800xf32, #tpu.memory_space<vmem>>[vector<16xi32>], vector<16xf32>,
        tpu.vector_store_idx %arg8[%select_n3A_381, %sub3A_385, %broadcast_in_dim3A_13], %gather3A_413 : memref<2x200x8xf32, #tpu.memory_space<vmem>>[vector<16xi32>, vector<16xi32>, vector<16xi32>], vector<16xf32>,
        %add3A_414 = arith.constant 7 : i32
        %add3A_415 = vector.broadcast %add3A_414 : i32 to vector<16xi32>
        %add3A_416 = arith.addi %mul3A_369, %add3A_415 : vector<16xi32>
        %gather3A_417 = tpu.vector_load_idx %arg5[%add3A_416] : memref<800xf32, #tpu.memory_space<vmem>>[vector<16xi32>], vector<16xf32>,
        tpu.vector_store_idx %arg8[%select_n3A_381, %sub3A_385, %broadcast_in_dim3A_15], %gather3A_417 : memref<2x200x8xf32, #tpu.memory_space<vmem>>[vector<16xi32>, vector<16xi32>, vector<16xi32>], vector<16xf32>,
        %scan3A_418 = arith.constant 4 : i32
        %scan3A_419 = arith.addi %scan3A_197, %scan3A_418 : i32
        %mul3A_420 = arith.constant 16 : i32
        %mul3A_421 = arith.muli %scan3A_419, %mul3A_420 : i32
        %get3A_422 = arith.index_cast %mul3A_421 : i32 to index
        %get3A_423 = tpu.vector_load %arg6[%get3A_422] {strides = array<i32>} : memref<400xi32, #tpu.memory_space<vmem>>, vector<16xi32>,
        %mul3A_424 = arith.constant 8 : i32
        %mul3A_425 = vector.broadcast %mul3A_424 : i32 to vector<16xi32>
        %mul3A_426 = arith.muli %get3A_423, %mul3A_425 : vector<16xi32>
        %mul3A_427 = arith.constant 16 : i32
        %mul3A_428 = arith.muli %scan3A_419, %mul3A_427 : i32
        %add3A_429 = vector.broadcast %mul3A_428 : i32 to vector<16xi32>
        %add3A_430 = arith.addi %iota3A, %add3A_429 : vector<16xi32>
        %ge3A_431 = arith.constant 200 : i32
        %ge3A_432 = vector.broadcast %ge3A_431 : i32 to vector<16xi32>
        %ge3A_433 = arith.cmpi sge, %add3A_430, %ge3A_432 : vector<16xi32>
        %jit3A_434 = arith.constant 1 : i32
        %jit3A_435 = arith.constant 0 : i32
        %broadcast_in_dim3A_436 = vector.broadcast %jit3A_434 : i32 to vector<16xi32>
        %broadcast_in_dim3A_437 = vector.broadcast %jit3A_435 : i32 to vector<16xi32>
        %select_n3A_438 = arith.select %ge3A_433, %broadcast_in_dim3A_436, %broadcast_in_dim3A_437 : vector<16xi1>, vector<16xi32>
        %mul3A_439 = arith.constant 200 : i32
        %mul3A_440 = vector.broadcast %mul3A_439 : i32 to vector<16xi32>
        %mul3A_441 = arith.muli %select_n3A_438, %mul3A_440 : vector<16xi32>
        %sub3A_442 = arith.subi %add3A_430, %mul3A_441 : vector<16xi32>
        %add3A_443 = arith.constant 0 : i32
        %add3A_444 = vector.broadcast %add3A_443 : i32 to vector<16xi32>
        %add3A_445 = arith.addi %mul3A_426, %add3A_444 : vector<16xi32>
        %gather3A_446 = tpu.vector_load_idx %arg5[%add3A_445] : memref<800xf32, #tpu.memory_space<vmem>>[vector<16xi32>], vector<16xf32>,
        tpu.vector_store_idx %arg8[%select_n3A_438, %sub3A_442, %broadcast_in_dim3A_1], %gather3A_446 : memref<2x200x8xf32, #tpu.memory_space<vmem>>[vector<16xi32>, vector<16xi32>, vector<16xi32>], vector<16xf32>,
        %add3A_447 = arith.constant 1 : i32
        %add3A_448 = vector.broadcast %add3A_447 : i32 to vector<16xi32>
        %add3A_449 = arith.addi %mul3A_426, %add3A_448 : vector<16xi32>
        %gather3A_450 = tpu.vector_load_idx %arg5[%add3A_449] : memref<800xf32, #tpu.memory_space<vmem>>[vector<16xi32>], vector<16xf32>,
        tpu.vector_store_idx %arg8[%select_n3A_438, %sub3A_442, %broadcast_in_dim3A_3], %gather3A_450 : memref<2x200x8xf32, #tpu.memory_space<vmem>>[vector<16xi32>, vector<16xi32>, vector<16xi32>], vector<16xf32>,
        %add3A_451 = arith.constant 2 : i32
        %add3A_452 = vector.broadcast %add3A_451 : i32 to vector<16xi32>
        %add3A_453 = arith.addi %mul3A_426, %add3A_452 : vector<16xi32>
        %gather3A_454 = tpu.vector_load_idx %arg5[%add3A_453] : memref<800xf32, #tpu.memory_space<vmem>>[vector<16xi32>], vector<16xf32>,
        tpu.vector_store_idx %arg8[%select_n3A_438, %sub3A_442, %broadcast_in_dim3A_5], %gather3A_454 : memref<2x200x8xf32, #tpu.memory_space<vmem>>[vector<16xi32>, vector<16xi32>, vector<16xi32>], vector<16xf32>,
        %add3A_455 = arith.constant 3 : i32
        %add3A_456 = vector.broadcast %add3A_455 : i32 to vector<16xi32>
        %add3A_457 = arith.addi %mul3A_426, %add3A_456 : vector<16xi32>
        %gather3A_458 = tpu.vector_load_idx %arg5[%add3A_457] : memref<800xf32, #tpu.memory_space<vmem>>[vector<16xi32>], vector<16xf32>,
        tpu.vector_store_idx %arg8[%select_n3A_438, %sub3A_442, %broadcast_in_dim3A_7], %gather3A_458 : memref<2x200x8xf32, #tpu.memory_space<vmem>>[vector<16xi32>, vector<16xi32>, vector<16xi32>], vector<16xf32>,
        %add3A_459 = arith.constant 4 : i32
        %add3A_460 = vector.broadcast %add3A_459 : i32 to vector<16xi32>
        %add3A_461 = arith.addi %mul3A_426, %add3A_460 : vector<16xi32>
        %gather3A_462 = tpu.vector_load_idx %arg5[%add3A_461] : memref<800xf32, #tpu.memory_space<vmem>>[vector<16xi32>], vector<16xf32>,
        tpu.vector_store_idx %arg8[%select_n3A_438, %sub3A_442, %broadcast_in_dim3A_9], %gather3A_462 : memref<2x200x8xf32, #tpu.memory_space<vmem>>[vector<16xi32>, vector<16xi32>, vector<16xi32>], vector<16xf32>,
        %add3A_463 = arith.constant 5 : i32
        %add3A_464 = vector.broadcast %add3A_463 : i32 to vector<16xi32>
        %add3A_465 = arith.addi %mul3A_426, %add3A_464 : vector<16xi32>
        %gather3A_466 = tpu.vector_load_idx %arg5[%add3A_465] : memref<800xf32, #tpu.memory_space<vmem>>[vector<16xi32>], vector<16xf32>,
        tpu.vector_store_idx %arg8[%select_n3A_438, %sub3A_442, %broadcast_in_dim3A_11], %gather3A_466 : memref<2x200x8xf32, #tpu.memory_space<vmem>>[vector<16xi32>, vector<16xi32>, vector<16xi32>], vector<16xf32>,
        %add3A_467 = arith.constant 6 : i32
        %add3A_468 = vector.broadcast %add3A_467 : i32 to vector<16xi32>
        %add3A_469 = arith.addi %mul3A_426, %add3A_468 : vector<16xi32>
        %gather3A_470 = tpu.vector_load_idx %arg5[%add3A_469] : memref<800xf32, #tpu.memory_space<vmem>>[vector<16xi32>], vector<16xf32>,
        tpu.vector_store_idx %arg8[%select_n3A_438, %sub3A_442, %broadcast_in_dim3A_13], %gather3A_470 : memref<2x200x8xf32, #tpu.memory_space<vmem>>[vector<16xi32>, vector<16xi32>, vector<16xi32>], vector<16xf32>,
        %add3A_471 = arith.constant 7 : i32
        %add3A_472 = vector.broadcast %add3A_471 : i32 to vector<16xi32>
        %add3A_473 = arith.addi %mul3A_426, %add3A_472 : vector<16xi32>
        %gather3A_474 = tpu.vector_load_idx %arg5[%add3A_473] : memref<800xf32, #tpu.memory_space<vmem>>[vector<16xi32>], vector<16xf32>,
        tpu.vector_store_idx %arg8[%select_n3A_438, %sub3A_442, %broadcast_in_dim3A_15], %gather3A_474 : memref<2x200x8xf32, #tpu.memory_space<vmem>>[vector<16xi32>, vector<16xi32>, vector<16xi32>], vector<16xf32>,
      }
      %scan3A_132 = arith.constant 25 : i32
      %mul3A_133 = arith.constant 2 : i32
      %mul3A_134 = arith.muli %add3A_111, %mul3A_133 : i32
      %add3A_135 = arith.addi %mul3A_0, %mul3A_134 : i32
      %dma_start3A_136 = arith.constant 0 : i32
      %dma_start3A_137 = arith.constant 0 : i32
      %dma_start3A_138 = tpu.memref_slice %arg4[%add3A_135, %dma_start3A_136, %dma_start3A_137] : memref<8192x200x8xf32, #tpu.memory_space<hbm>> -> memref<2x200x8xf32, #tpu.memory_space<hbm>>
      %dma_start3A_139 = arith.constant 0 : i32
      %dma_start3A_140 = arith.constant 0 : i32
      %dma_start3A_141 = tpu.memref_slice %arg4[%add3A_135, %dma_start3A_139, %dma_start3A_140] : memref<8192x200x8xf32, #tpu.memory_space<hbm>> -> memref<2x200x8xf32, #tpu.memory_space<hbm>>
      tpu.enqueue_dma source(%arg8 : memref<2x200x8xf32, #tpu.memory_space<vmem>>) target(%dma_start3A_141 : memref<2x200x8xf32, #tpu.memory_space<hbm>>) target_semaphore(%arg10 : memref<!tpu.dma_semaphore, #tpu.memory_space<semaphore_mem>>)
      %add3A_142 = arith.constant 2 : i32
      %add3A_143 = arith.addi %add3A_111, %add3A_142 : i32
      %min3A = arith.constant 254 : i32
      %min3A_144 = arith.minsi %add3A_143, %min3A : i32
      %mul3A_145 = arith.constant 2 : i32
      %mul3A_146 = arith.muli %min3A_144, %mul3A_145 : i32
      %add3A_147 = arith.addi %mul3A_0, %mul3A_146 : i32
      %mul3A_148 = arith.constant 200 : i32
      %mul3A_149 = arith.muli %add3A_147, %mul3A_148 : i32
      %dma_start3A_150 = tpu.memref_slice %arg3[%mul3A_149] : memref<1638400xi32, #tpu.memory_space<hbm>> -> memref<400xi32, #tpu.memory_space<hbm>>
      %dma_start3A_151 = tpu.memref_slice %arg3[%mul3A_149] : memref<1638400xi32, #tpu.memory_space<hbm>> -> memref<400xi32, #tpu.memory_space<hbm>>
      tpu.enqueue_dma source(%dma_start3A_151 : memref<400xi32, #tpu.memory_space<hbm>>) target(%arg6 : memref<400xi32, #tpu.memory_space<vmem>>) target_semaphore(%arg12 : memref<!tpu.dma_semaphore, #tpu.memory_space<semaphore_mem>>)
      %mul3A_152 = arith.constant 2 : i32
      %mul3A_153 = arith.muli %mul3A_152, %scan3A_107 : i32
      %add3A_154 = arith.constant 1 : i32
      %add3A_155 = arith.addi %mul3A_153, %add3A_154 : i32
      %mul3A_156 = arith.constant 2 : i32
      %mul3A_157 = arith.muli %add3A_155, %mul3A_156 : i32
      %add3A_158 = arith.addi %mul3A_0, %mul3A_157 : i32
      %mul3A_159 = arith.constant 200 : i32
      %mul3A_160 = arith.muli %add3A_158, %mul3A_159 : i32
      %dma_wait3A_161 = tpu.memref_slice %arg3[%mul3A_160] : memref<1638400xi32, #tpu.memory_space<hbm>> -> memref<400xi32, #tpu.memory_space<hbm>>
      %dma_wait3A_162 = tpu.memref_slice %arg3[%mul3A_160] : memref<1638400xi32, #tpu.memory_space<hbm>> -> memref<400xi32, #tpu.memory_space<hbm>>
      tpu.wait_dma2 semaphore(%arg13 : memref<!tpu.dma_semaphore, #tpu.memory_space<semaphore_mem>>) src(%dma_wait3A_162 : memref<400xi32, #tpu.memory_space<hbm>>) dst(%arg7 : memref<400xi32, #tpu.memory_space<vmem>>)
      %mul3A_163 = arith.constant 2 : i32
      %mul3A_164 = arith.muli %add3A_155, %mul3A_163 : i32
      %add3A_165 = arith.addi %mul3A_0, %mul3A_164 : i32
      %dma_wait3A_166 = arith.constant 0 : i32
      %dma_wait3A_167 = arith.constant 0 : i32
      %dma_wait3A_168 = tpu.memref_slice %arg4[%add3A_165, %dma_wait3A_166, %dma_wait3A_167] : memref<8192x200x8xf32, #tpu.memory_space<hbm>> -> memref<2x200x8xf32, #tpu.memory_space<hbm>>
      %dma_wait3A_169 = arith.constant 0 : i32
      %dma_wait3A_170 = arith.constant 0 : i32
      %dma_wait3A_171 = tpu.memref_slice %arg4[%add3A_165, %dma_wait3A_169, %dma_wait3A_170] : memref<8192x200x8xf32, #tpu.memory_space<hbm>> -> memref<2x200x8xf32, #tpu.memory_space<hbm>>
      tpu.wait_dma2 semaphore(%arg11 : memref<!tpu.dma_semaphore, #tpu.memory_space<semaphore_mem>>) src(%arg9 : memref<2x200x8xf32, #tpu.memory_space<vmem>>) dst(%dma_wait3A_171 : memref<2x200x8xf32, #tpu.memory_space<hbm>>)
      %scan3A_172 = arith.constant 0 : i32
      %scan3A_173 = arith.constant 25 : i32
      %scan3A_174 = arith.addi %scan3A_172, %scan3A_173 : i32
      %scan3A_175 = arith.constant 5 : i32
      scf.for %scan3A_197 = %scan3A_172 to %scan3A_174 step %scan3A_175  : i32 {
        %mul3A_198 = arith.constant 16 : i32
        %mul3A_199 = arith.muli %scan3A_197, %mul3A_198 : i32
        %get3A = arith.index_cast %mul3A_199 : i32 to index
        %get3A_200 = tpu.vector_load %arg7[%get3A] {strides = array<i32>} : memref<400xi32, #tpu.memory_space<vmem>>, vector<16xi32>,
        %mul3A_201 = arith.constant 8 : i32
        %mul3A_202 = vector.broadcast %mul3A_201 : i32 to vector<16xi32>
        %mul3A_203 = arith.muli %get3A_200, %mul3A_202 : vector<16xi32>
        %mul3A_204 = arith.constant 16 : i32
        %mul3A_205 = arith.muli %scan3A_197, %mul3A_204 : i32
        %add3A_206 = vector.broadcast %mul3A_205 : i32 to vector<16xi32>
        %add3A_207 = arith.addi %iota3A, %add3A_206 : vector<16xi32>
        %ge3A = arith.constant 200 : i32
        %ge3A_208 = vector.broadcast %ge3A : i32 to vector<16xi32>
        %ge3A_209 = arith.cmpi sge, %add3A_207, %ge3A_208 : vector<16xi32>
        %jit3A = arith.constant 1 : i32
        %jit3A_210 = arith.constant 0 : i32
        %broadcast_in_dim3A_211 = vector.broadcast %jit3A : i32 to vector<16xi32>
        %broadcast_in_dim3A_212 = vector.broadcast %jit3A_210 : i32 to vector<16xi32>
        %select_n3A = arith.select %ge3A_209, %broadcast_in_dim3A_211, %broadcast_in_dim3A_212 : vector<16xi1>, vector<16xi32>
        %mul3A_213 = arith.constant 200 : i32
        %mul3A_214 = vector.broadcast %mul3A_213 : i32 to vector<16xi32>
        %mul3A_215 = arith.muli %select_n3A, %mul3A_214 : vector<16xi32>
        %sub3A = arith.subi %add3A_207, %mul3A_215 : vector<16xi32>
        %add3A_216 = arith.constant 0 : i32
        %add3A_217 = vector.broadcast %add3A_216 : i32 to vector<16xi32>
        %add3A_218 = arith.addi %mul3A_203, %add3A_217 : vector<16xi32>
        %gather3A = tpu.vector_load_idx %arg5[%add3A_218] : memref<800xf32, #tpu.memory_space<vmem>>[vector<16xi32>], vector<16xf32>,
        tpu.vector_store_idx %arg9[%select_n3A, %sub3A, %broadcast_in_dim3A_1], %gather3A : memref<2x200x8xf32, #tpu.memory_space<vmem>>[vector<16xi32>, vector<16xi32>, vector<16xi32>], vector<16xf32>,
        %add3A_219 = arith.constant 1 : i32
        %add3A_220 = vector.broadcast %add3A_219 : i32 to vector<16xi32>
        %add3A_221 = arith.addi %mul3A_203, %add3A_220 : vector<16xi32>
        %gather3A_222 = tpu.vector_load_idx %arg5[%add3A_221] : memref<800xf32, #tpu.memory_space<vmem>>[vector<16xi32>], vector<16xf32>,
        tpu.vector_store_idx %arg9[%select_n3A, %sub3A, %broadcast_in_dim3A_3], %gather3A_222 : memref<2x200x8xf32, #tpu.memory_space<vmem>>[vector<16xi32>, vector<16xi32>, vector<16xi32>], vector<16xf32>,
        %add3A_223 = arith.constant 2 : i32
        %add3A_224 = vector.broadcast %add3A_223 : i32 to vector<16xi32>
        %add3A_225 = arith.addi %mul3A_203, %add3A_224 : vector<16xi32>
        %gather3A_226 = tpu.vector_load_idx %arg5[%add3A_225] : memref<800xf32, #tpu.memory_space<vmem>>[vector<16xi32>], vector<16xf32>,
        tpu.vector_store_idx %arg9[%select_n3A, %sub3A, %broadcast_in_dim3A_5], %gather3A_226 : memref<2x200x8xf32, #tpu.memory_space<vmem>>[vector<16xi32>, vector<16xi32>, vector<16xi32>], vector<16xf32>,
        %add3A_227 = arith.constant 3 : i32
        %add3A_228 = vector.broadcast %add3A_227 : i32 to vector<16xi32>
        %add3A_229 = arith.addi %mul3A_203, %add3A_228 : vector<16xi32>
        %gather3A_230 = tpu.vector_load_idx %arg5[%add3A_229] : memref<800xf32, #tpu.memory_space<vmem>>[vector<16xi32>], vector<16xf32>,
        tpu.vector_store_idx %arg9[%select_n3A, %sub3A, %broadcast_in_dim3A_7], %gather3A_230 : memref<2x200x8xf32, #tpu.memory_space<vmem>>[vector<16xi32>, vector<16xi32>, vector<16xi32>], vector<16xf32>,
        %add3A_231 = arith.constant 4 : i32
        %add3A_232 = vector.broadcast %add3A_231 : i32 to vector<16xi32>
        %add3A_233 = arith.addi %mul3A_203, %add3A_232 : vector<16xi32>
        %gather3A_234 = tpu.vector_load_idx %arg5[%add3A_233] : memref<800xf32, #tpu.memory_space<vmem>>[vector<16xi32>], vector<16xf32>,
        tpu.vector_store_idx %arg9[%select_n3A, %sub3A, %broadcast_in_dim3A_9], %gather3A_234 : memref<2x200x8xf32, #tpu.memory_space<vmem>>[vector<16xi32>, vector<16xi32>, vector<16xi32>], vector<16xf32>,
        %add3A_235 = arith.constant 5 : i32
        %add3A_236 = vector.broadcast %add3A_235 : i32 to vector<16xi32>
        %add3A_237 = arith.addi %mul3A_203, %add3A_236 : vector<16xi32>
        %gather3A_238 = tpu.vector_load_idx %arg5[%add3A_237] : memref<800xf32, #tpu.memory_space<vmem>>[vector<16xi32>], vector<16xf32>,
        tpu.vector_store_idx %arg9[%select_n3A, %sub3A, %broadcast_in_dim3A_11], %gather3A_238 : memref<2x200x8xf32, #tpu.memory_space<vmem>>[vector<16xi32>, vector<16xi32>, vector<16xi32>], vector<16xf32>,
        %add3A_239 = arith.constant 6 : i32
        %add3A_240 = vector.broadcast %add3A_239 : i32 to vector<16xi32>
        %add3A_241 = arith.addi %mul3A_203, %add3A_240 : vector<16xi32>
        %gather3A_242 = tpu.vector_load_idx %arg5[%add3A_241] : memref<800xf32, #tpu.memory_space<vmem>>[vector<16xi32>], vector<16xf32>,
        tpu.vector_store_idx %arg9[%select_n3A, %sub3A, %broadcast_in_dim3A_13], %gather3A_242 : memref<2x200x8xf32, #tpu.memory_space<vmem>>[vector<16xi32>, vector<16xi32>, vector<16xi32>], vector<16xf32>,
        %add3A_243 = arith.constant 7 : i32
        %add3A_244 = vector.broadcast %add3A_243 : i32 to vector<16xi32>
        %add3A_245 = arith.addi %mul3A_203, %add3A_244 : vector<16xi32>
        %gather3A_246 = tpu.vector_load_idx %arg5[%add3A_245] : memref<800xf32, #tpu.memory_space<vmem>>[vector<16xi32>], vector<16xf32>,
        tpu.vector_store_idx %arg9[%select_n3A, %sub3A, %broadcast_in_dim3A_15], %gather3A_246 : memref<2x200x8xf32, #tpu.memory_space<vmem>>[vector<16xi32>, vector<16xi32>, vector<16xi32>], vector<16xf32>,
        %scan3A_247 = arith.constant 1 : i32
        %scan3A_248 = arith.addi %scan3A_197, %scan3A_247 : i32
        %mul3A_249 = arith.constant 16 : i32
        %mul3A_250 = arith.muli %scan3A_248, %mul3A_249 : i32
        %get3A_251 = arith.index_cast %mul3A_250 : i32 to index
        %get3A_252 = tpu.vector_load %arg7[%get3A_251] {strides = array<i32>} : memref<400xi32, #tpu.memory_space<vmem>>, vector<16xi32>,
        %mul3A_253 = arith.constant 8 : i32
        %mul3A_254 = vector.broadcast %mul3A_253 : i32 to vector<16xi32>
        %mul3A_255 = arith.muli %get3A_252, %mul3A_254 : vector<16xi32>
        %mul3A_256 = arith.constant 16 : i32
        %mul3A_257 = arith.muli %scan3A_248, %mul3A_256 : i32
        %add3A_258 = vector.broadcast %mul3A_257 : i32 to vector<16xi32>
        %add3A_259 = arith.addi %iota3A, %add3A_258 : vector<16xi32>
        %ge3A_260 = arith.constant 200 : i32
        %ge3A_261 = vector.broadcast %ge3A_260 : i32 to vector<16xi32>
        %ge3A_262 = arith.cmpi sge, %add3A_259, %ge3A_261 : vector<16xi32>
        %jit3A_263 = arith.constant 1 : i32
        %jit3A_264 = arith.constant 0 : i32
        %broadcast_in_dim3A_265 = vector.broadcast %jit3A_263 : i32 to vector<16xi32>
        %broadcast_in_dim3A_266 = vector.broadcast %jit3A_264 : i32 to vector<16xi32>
        %select_n3A_267 = arith.select %ge3A_262, %broadcast_in_dim3A_265, %broadcast_in_dim3A_266 : vector<16xi1>, vector<16xi32>
        %mul3A_268 = arith.constant 200 : i32
        %mul3A_269 = vector.broadcast %mul3A_268 : i32 to vector<16xi32>
        %mul3A_270 = arith.muli %select_n3A_267, %mul3A_269 : vector<16xi32>
        %sub3A_271 = arith.subi %add3A_259, %mul3A_270 : vector<16xi32>
        %add3A_272 = arith.constant 0 : i32
        %add3A_273 = vector.broadcast %add3A_272 : i32 to vector<16xi32>
        %add3A_274 = arith.addi %mul3A_255, %add3A_273 : vector<16xi32>
        %gather3A_275 = tpu.vector_load_idx %arg5[%add3A_274] : memref<800xf32, #tpu.memory_space<vmem>>[vector<16xi32>], vector<16xf32>,
        tpu.vector_store_idx %arg9[%select_n3A_267, %sub3A_271, %broadcast_in_dim3A_1], %gather3A_275 : memref<2x200x8xf32, #tpu.memory_space<vmem>>[vector<16xi32>, vector<16xi32>, vector<16xi32>], vector<16xf32>,
        %add3A_276 = arith.constant 1 : i32
        %add3A_277 = vector.broadcast %add3A_276 : i32 to vector<16xi32>
        %add3A_278 = arith.addi %mul3A_255, %add3A_277 : vector<16xi32>
        %gather3A_279 = tpu.vector_load_idx %arg5[%add3A_278] : memref<800xf32, #tpu.memory_space<vmem>>[vector<16xi32>], vector<16xf32>,
        tpu.vector_store_idx %arg9[%select_n3A_267, %sub3A_271, %broadcast_in_dim3A_3], %gather3A_279 : memref<2x200x8xf32, #tpu.memory_space<vmem>>[vector<16xi32>, vector<16xi32>, vector<16xi32>], vector<16xf32>,
        %add3A_280 = arith.constant 2 : i32
        %add3A_281 = vector.broadcast %add3A_280 : i32 to vector<16xi32>
        %add3A_282 = arith.addi %mul3A_255, %add3A_281 : vector<16xi32>
        %gather3A_283 = tpu.vector_load_idx %arg5[%add3A_282] : memref<800xf32, #tpu.memory_space<vmem>>[vector<16xi32>], vector<16xf32>,
        tpu.vector_store_idx %arg9[%select_n3A_267, %sub3A_271, %broadcast_in_dim3A_5], %gather3A_283 : memref<2x200x8xf32, #tpu.memory_space<vmem>>[vector<16xi32>, vector<16xi32>, vector<16xi32>], vector<16xf32>,
        %add3A_284 = arith.constant 3 : i32
        %add3A_285 = vector.broadcast %add3A_284 : i32 to vector<16xi32>
        %add3A_286 = arith.addi %mul3A_255, %add3A_285 : vector<16xi32>
        %gather3A_287 = tpu.vector_load_idx %arg5[%add3A_286] : memref<800xf32, #tpu.memory_space<vmem>>[vector<16xi32>], vector<16xf32>,
        tpu.vector_store_idx %arg9[%select_n3A_267, %sub3A_271, %broadcast_in_dim3A_7], %gather3A_287 : memref<2x200x8xf32, #tpu.memory_space<vmem>>[vector<16xi32>, vector<16xi32>, vector<16xi32>], vector<16xf32>,
        %add3A_288 = arith.constant 4 : i32
        %add3A_289 = vector.broadcast %add3A_288 : i32 to vector<16xi32>
        %add3A_290 = arith.addi %mul3A_255, %add3A_289 : vector<16xi32>
        %gather3A_291 = tpu.vector_load_idx %arg5[%add3A_290] : memref<800xf32, #tpu.memory_space<vmem>>[vector<16xi32>], vector<16xf32>,
        tpu.vector_store_idx %arg9[%select_n3A_267, %sub3A_271, %broadcast_in_dim3A_9], %gather3A_291 : memref<2x200x8xf32, #tpu.memory_space<vmem>>[vector<16xi32>, vector<16xi32>, vector<16xi32>], vector<16xf32>,
        %add3A_292 = arith.constant 5 : i32
        %add3A_293 = vector.broadcast %add3A_292 : i32 to vector<16xi32>
        %add3A_294 = arith.addi %mul3A_255, %add3A_293 : vector<16xi32>
        %gather3A_295 = tpu.vector_load_idx %arg5[%add3A_294] : memref<800xf32, #tpu.memory_space<vmem>>[vector<16xi32>], vector<16xf32>,
        tpu.vector_store_idx %arg9[%select_n3A_267, %sub3A_271, %broadcast_in_dim3A_11], %gather3A_295 : memref<2x200x8xf32, #tpu.memory_space<vmem>>[vector<16xi32>, vector<16xi32>, vector<16xi32>], vector<16xf32>,
        %add3A_296 = arith.constant 6 : i32
        %add3A_297 = vector.broadcast %add3A_296 : i32 to vector<16xi32>
        %add3A_298 = arith.addi %mul3A_255, %add3A_297 : vector<16xi32>
        %gather3A_299 = tpu.vector_load_idx %arg5[%add3A_298] : memref<800xf32, #tpu.memory_space<vmem>>[vector<16xi32>], vector<16xf32>,
        tpu.vector_store_idx %arg9[%select_n3A_267, %sub3A_271, %broadcast_in_dim3A_13], %gather3A_299 : memref<2x200x8xf32, #tpu.memory_space<vmem>>[vector<16xi32>, vector<16xi32>, vector<16xi32>], vector<16xf32>,
        %add3A_300 = arith.constant 7 : i32
        %add3A_301 = vector.broadcast %add3A_300 : i32 to vector<16xi32>
        %add3A_302 = arith.addi %mul3A_255, %add3A_301 : vector<16xi32>
        %gather3A_303 = tpu.vector_load_idx %arg5[%add3A_302] : memref<800xf32, #tpu.memory_space<vmem>>[vector<16xi32>], vector<16xf32>,
        tpu.vector_store_idx %arg9[%select_n3A_267, %sub3A_271, %broadcast_in_dim3A_15], %gather3A_303 : memref<2x200x8xf32, #tpu.memory_space<vmem>>[vector<16xi32>, vector<16xi32>, vector<16xi32>], vector<16xf32>,
        %scan3A_304 = arith.constant 2 : i32
        %scan3A_305 = arith.addi %scan3A_197, %scan3A_304 : i32
        %mul3A_306 = arith.constant 16 : i32
        %mul3A_307 = arith.muli %scan3A_305, %mul3A_306 : i32
        %get3A_308 = arith.index_cast %mul3A_307 : i32 to index
        %get3A_309 = tpu.vector_load %arg7[%get3A_308] {strides = array<i32>} : memref<400xi32, #tpu.memory_space<vmem>>, vector<16xi32>,
        %mul3A_310 = arith.constant 8 : i32
        %mul3A_311 = vector.broadcast %mul3A_310 : i32 to vector<16xi32>
        %mul3A_312 = arith.muli %get3A_309, %mul3A_311 : vector<16xi32>
        %mul3A_313 = arith.constant 16 : i32
        %mul3A_314 = arith.muli %scan3A_305, %mul3A_313 : i32
        %add3A_315 = vector.broadcast %mul3A_314 : i32 to vector<16xi32>
        %add3A_316 = arith.addi %iota3A, %add3A_315 : vector<16xi32>
        %ge3A_317 = arith.constant 200 : i32
        %ge3A_318 = vector.broadcast %ge3A_317 : i32 to vector<16xi32>
        %ge3A_319 = arith.cmpi sge, %add3A_316, %ge3A_318 : vector<16xi32>
        %jit3A_320 = arith.constant 1 : i32
        %jit3A_321 = arith.constant 0 : i32
        %broadcast_in_dim3A_322 = vector.broadcast %jit3A_320 : i32 to vector<16xi32>
        %broadcast_in_dim3A_323 = vector.broadcast %jit3A_321 : i32 to vector<16xi32>
        %select_n3A_324 = arith.select %ge3A_319, %broadcast_in_dim3A_322, %broadcast_in_dim3A_323 : vector<16xi1>, vector<16xi32>
        %mul3A_325 = arith.constant 200 : i32
        %mul3A_326 = vector.broadcast %mul3A_325 : i32 to vector<16xi32>
        %mul3A_327 = arith.muli %select_n3A_324, %mul3A_326 : vector<16xi32>
        %sub3A_328 = arith.subi %add3A_316, %mul3A_327 : vector<16xi32>
        %add3A_329 = arith.constant 0 : i32
        %add3A_330 = vector.broadcast %add3A_329 : i32 to vector<16xi32>
        %add3A_331 = arith.addi %mul3A_312, %add3A_330 : vector<16xi32>
        %gather3A_332 = tpu.vector_load_idx %arg5[%add3A_331] : memref<800xf32, #tpu.memory_space<vmem>>[vector<16xi32>], vector<16xf32>,
        tpu.vector_store_idx %arg9[%select_n3A_324, %sub3A_328, %broadcast_in_dim3A_1], %gather3A_332 : memref<2x200x8xf32, #tpu.memory_space<vmem>>[vector<16xi32>, vector<16xi32>, vector<16xi32>], vector<16xf32>,
        %add3A_333 = arith.constant 1 : i32
        %add3A_334 = vector.broadcast %add3A_333 : i32 to vector<16xi32>
        %add3A_335 = arith.addi %mul3A_312, %add3A_334 : vector<16xi32>
        %gather3A_336 = tpu.vector_load_idx %arg5[%add3A_335] : memref<800xf32, #tpu.memory_space<vmem>>[vector<16xi32>], vector<16xf32>,
        tpu.vector_store_idx %arg9[%select_n3A_324, %sub3A_328, %broadcast_in_dim3A_3], %gather3A_336 : memref<2x200x8xf32, #tpu.memory_space<vmem>>[vector<16xi32>, vector<16xi32>, vector<16xi32>], vector<16xf32>,
        %add3A_337 = arith.constant 2 : i32
        %add3A_338 = vector.broadcast %add3A_337 : i32 to vector<16xi32>
        %add3A_339 = arith.addi %mul3A_312, %add3A_338 : vector<16xi32>
        %gather3A_340 = tpu.vector_load_idx %arg5[%add3A_339] : memref<800xf32, #tpu.memory_space<vmem>>[vector<16xi32>], vector<16xf32>,
        tpu.vector_store_idx %arg9[%select_n3A_324, %sub3A_328, %broadcast_in_dim3A_5], %gather3A_340 : memref<2x200x8xf32, #tpu.memory_space<vmem>>[vector<16xi32>, vector<16xi32>, vector<16xi32>], vector<16xf32>,
        %add3A_341 = arith.constant 3 : i32
        %add3A_342 = vector.broadcast %add3A_341 : i32 to vector<16xi32>
        %add3A_343 = arith.addi %mul3A_312, %add3A_342 : vector<16xi32>
        %gather3A_344 = tpu.vector_load_idx %arg5[%add3A_343] : memref<800xf32, #tpu.memory_space<vmem>>[vector<16xi32>], vector<16xf32>,
        tpu.vector_store_idx %arg9[%select_n3A_324, %sub3A_328, %broadcast_in_dim3A_7], %gather3A_344 : memref<2x200x8xf32, #tpu.memory_space<vmem>>[vector<16xi32>, vector<16xi32>, vector<16xi32>], vector<16xf32>,
        %add3A_345 = arith.constant 4 : i32
        %add3A_346 = vector.broadcast %add3A_345 : i32 to vector<16xi32>
        %add3A_347 = arith.addi %mul3A_312, %add3A_346 : vector<16xi32>
        %gather3A_348 = tpu.vector_load_idx %arg5[%add3A_347] : memref<800xf32, #tpu.memory_space<vmem>>[vector<16xi32>], vector<16xf32>,
        tpu.vector_store_idx %arg9[%select_n3A_324, %sub3A_328, %broadcast_in_dim3A_9], %gather3A_348 : memref<2x200x8xf32, #tpu.memory_space<vmem>>[vector<16xi32>, vector<16xi32>, vector<16xi32>], vector<16xf32>,
        %add3A_349 = arith.constant 5 : i32
        %add3A_350 = vector.broadcast %add3A_349 : i32 to vector<16xi32>
        %add3A_351 = arith.addi %mul3A_312, %add3A_350 : vector<16xi32>
        %gather3A_352 = tpu.vector_load_idx %arg5[%add3A_351] : memref<800xf32, #tpu.memory_space<vmem>>[vector<16xi32>], vector<16xf32>,
        tpu.vector_store_idx %arg9[%select_n3A_324, %sub3A_328, %broadcast_in_dim3A_11], %gather3A_352 : memref<2x200x8xf32, #tpu.memory_space<vmem>>[vector<16xi32>, vector<16xi32>, vector<16xi32>], vector<16xf32>,
        %add3A_353 = arith.constant 6 : i32
        %add3A_354 = vector.broadcast %add3A_353 : i32 to vector<16xi32>
        %add3A_355 = arith.addi %mul3A_312, %add3A_354 : vector<16xi32>
        %gather3A_356 = tpu.vector_load_idx %arg5[%add3A_355] : memref<800xf32, #tpu.memory_space<vmem>>[vector<16xi32>], vector<16xf32>,
        tpu.vector_store_idx %arg9[%select_n3A_324, %sub3A_328, %broadcast_in_dim3A_13], %gather3A_356 : memref<2x200x8xf32, #tpu.memory_space<vmem>>[vector<16xi32>, vector<16xi32>, vector<16xi32>], vector<16xf32>,
        %add3A_357 = arith.constant 7 : i32
        %add3A_358 = vector.broadcast %add3A_357 : i32 to vector<16xi32>
        %add3A_359 = arith.addi %mul3A_312, %add3A_358 : vector<16xi32>
        %gather3A_360 = tpu.vector_load_idx %arg5[%add3A_359] : memref<800xf32, #tpu.memory_space<vmem>>[vector<16xi32>], vector<16xf32>,
        tpu.vector_store_idx %arg9[%select_n3A_324, %sub3A_328, %broadcast_in_dim3A_15], %gather3A_360 : memref<2x200x8xf32, #tpu.memory_space<vmem>>[vector<16xi32>, vector<16xi32>, vector<16xi32>], vector<16xf32>,
        %scan3A_361 = arith.constant 3 : i32
        %scan3A_362 = arith.addi %scan3A_197, %scan3A_361 : i32
        %mul3A_363 = arith.constant 16 : i32
        %mul3A_364 = arith.muli %scan3A_362, %mul3A_363 : i32
        %get3A_365 = arith.index_cast %mul3A_364 : i32 to index
        %get3A_366 = tpu.vector_load %arg7[%get3A_365] {strides = array<i32>} : memref<400xi32, #tpu.memory_space<vmem>>, vector<16xi32>,
        %mul3A_367 = arith.constant 8 : i32
        %mul3A_368 = vector.broadcast %mul3A_367 : i32 to vector<16xi32>
        %mul3A_369 = arith.muli %get3A_366, %mul3A_368 : vector<16xi32>
        %mul3A_370 = arith.constant 16 : i32
        %mul3A_371 = arith.muli %scan3A_362, %mul3A_370 : i32
        %add3A_372 = vector.broadcast %mul3A_371 : i32 to vector<16xi32>
        %add3A_373 = arith.addi %iota3A, %add3A_372 : vector<16xi32>
        %ge3A_374 = arith.constant 200 : i32
        %ge3A_375 = vector.broadcast %ge3A_374 : i32 to vector<16xi32>
        %ge3A_376 = arith.cmpi sge, %add3A_373, %ge3A_375 : vector<16xi32>
        %jit3A_377 = arith.constant 1 : i32
        %jit3A_378 = arith.constant 0 : i32
        %broadcast_in_dim3A_379 = vector.broadcast %jit3A_377 : i32 to vector<16xi32>
        %broadcast_in_dim3A_380 = vector.broadcast %jit3A_378 : i32 to vector<16xi32>
        %select_n3A_381 = arith.select %ge3A_376, %broadcast_in_dim3A_379, %broadcast_in_dim3A_380 : vector<16xi1>, vector<16xi32>
        %mul3A_382 = arith.constant 200 : i32
        %mul3A_383 = vector.broadcast %mul3A_382 : i32 to vector<16xi32>
        %mul3A_384 = arith.muli %select_n3A_381, %mul3A_383 : vector<16xi32>
        %sub3A_385 = arith.subi %add3A_373, %mul3A_384 : vector<16xi32>
        %add3A_386 = arith.constant 0 : i32
        %add3A_387 = vector.broadcast %add3A_386 : i32 to vector<16xi32>
        %add3A_388 = arith.addi %mul3A_369, %add3A_387 : vector<16xi32>
        %gather3A_389 = tpu.vector_load_idx %arg5[%add3A_388] : memref<800xf32, #tpu.memory_space<vmem>>[vector<16xi32>], vector<16xf32>,
        tpu.vector_store_idx %arg9[%select_n3A_381, %sub3A_385, %broadcast_in_dim3A_1], %gather3A_389 : memref<2x200x8xf32, #tpu.memory_space<vmem>>[vector<16xi32>, vector<16xi32>, vector<16xi32>], vector<16xf32>,
        %add3A_390 = arith.constant 1 : i32
        %add3A_391 = vector.broadcast %add3A_390 : i32 to vector<16xi32>
        %add3A_392 = arith.addi %mul3A_369, %add3A_391 : vector<16xi32>
        %gather3A_393 = tpu.vector_load_idx %arg5[%add3A_392] : memref<800xf32, #tpu.memory_space<vmem>>[vector<16xi32>], vector<16xf32>,
        tpu.vector_store_idx %arg9[%select_n3A_381, %sub3A_385, %broadcast_in_dim3A_3], %gather3A_393 : memref<2x200x8xf32, #tpu.memory_space<vmem>>[vector<16xi32>, vector<16xi32>, vector<16xi32>], vector<16xf32>,
        %add3A_394 = arith.constant 2 : i32
        %add3A_395 = vector.broadcast %add3A_394 : i32 to vector<16xi32>
        %add3A_396 = arith.addi %mul3A_369, %add3A_395 : vector<16xi32>
        %gather3A_397 = tpu.vector_load_idx %arg5[%add3A_396] : memref<800xf32, #tpu.memory_space<vmem>>[vector<16xi32>], vector<16xf32>,
        tpu.vector_store_idx %arg9[%select_n3A_381, %sub3A_385, %broadcast_in_dim3A_5], %gather3A_397 : memref<2x200x8xf32, #tpu.memory_space<vmem>>[vector<16xi32>, vector<16xi32>, vector<16xi32>], vector<16xf32>,
        %add3A_398 = arith.constant 3 : i32
        %add3A_399 = vector.broadcast %add3A_398 : i32 to vector<16xi32>
        %add3A_400 = arith.addi %mul3A_369, %add3A_399 : vector<16xi32>
        %gather3A_401 = tpu.vector_load_idx %arg5[%add3A_400] : memref<800xf32, #tpu.memory_space<vmem>>[vector<16xi32>], vector<16xf32>,
        tpu.vector_store_idx %arg9[%select_n3A_381, %sub3A_385, %broadcast_in_dim3A_7], %gather3A_401 : memref<2x200x8xf32, #tpu.memory_space<vmem>>[vector<16xi32>, vector<16xi32>, vector<16xi32>], vector<16xf32>,
        %add3A_402 = arith.constant 4 : i32
        %add3A_403 = vector.broadcast %add3A_402 : i32 to vector<16xi32>
        %add3A_404 = arith.addi %mul3A_369, %add3A_403 : vector<16xi32>
        %gather3A_405 = tpu.vector_load_idx %arg5[%add3A_404] : memref<800xf32, #tpu.memory_space<vmem>>[vector<16xi32>], vector<16xf32>,
        tpu.vector_store_idx %arg9[%select_n3A_381, %sub3A_385, %broadcast_in_dim3A_9], %gather3A_405 : memref<2x200x8xf32, #tpu.memory_space<vmem>>[vector<16xi32>, vector<16xi32>, vector<16xi32>], vector<16xf32>,
        %add3A_406 = arith.constant 5 : i32
        %add3A_407 = vector.broadcast %add3A_406 : i32 to vector<16xi32>
        %add3A_408 = arith.addi %mul3A_369, %add3A_407 : vector<16xi32>
        %gather3A_409 = tpu.vector_load_idx %arg5[%add3A_408] : memref<800xf32, #tpu.memory_space<vmem>>[vector<16xi32>], vector<16xf32>,
        tpu.vector_store_idx %arg9[%select_n3A_381, %sub3A_385, %broadcast_in_dim3A_11], %gather3A_409 : memref<2x200x8xf32, #tpu.memory_space<vmem>>[vector<16xi32>, vector<16xi32>, vector<16xi32>], vector<16xf32>,
        %add3A_410 = arith.constant 6 : i32
        %add3A_411 = vector.broadcast %add3A_410 : i32 to vector<16xi32>
        %add3A_412 = arith.addi %mul3A_369, %add3A_411 : vector<16xi32>
        %gather3A_413 = tpu.vector_load_idx %arg5[%add3A_412] : memref<800xf32, #tpu.memory_space<vmem>>[vector<16xi32>], vector<16xf32>,
        tpu.vector_store_idx %arg9[%select_n3A_381, %sub3A_385, %broadcast_in_dim3A_13], %gather3A_413 : memref<2x200x8xf32, #tpu.memory_space<vmem>>[vector<16xi32>, vector<16xi32>, vector<16xi32>], vector<16xf32>,
        %add3A_414 = arith.constant 7 : i32
        %add3A_415 = vector.broadcast %add3A_414 : i32 to vector<16xi32>
        %add3A_416 = arith.addi %mul3A_369, %add3A_415 : vector<16xi32>
        %gather3A_417 = tpu.vector_load_idx %arg5[%add3A_416] : memref<800xf32, #tpu.memory_space<vmem>>[vector<16xi32>], vector<16xf32>,
        tpu.vector_store_idx %arg9[%select_n3A_381, %sub3A_385, %broadcast_in_dim3A_15], %gather3A_417 : memref<2x200x8xf32, #tpu.memory_space<vmem>>[vector<16xi32>, vector<16xi32>, vector<16xi32>], vector<16xf32>,
        %scan3A_418 = arith.constant 4 : i32
        %scan3A_419 = arith.addi %scan3A_197, %scan3A_418 : i32
        %mul3A_420 = arith.constant 16 : i32
        %mul3A_421 = arith.muli %scan3A_419, %mul3A_420 : i32
        %get3A_422 = arith.index_cast %mul3A_421 : i32 to index
        %get3A_423 = tpu.vector_load %arg7[%get3A_422] {strides = array<i32>} : memref<400xi32, #tpu.memory_space<vmem>>, vector<16xi32>,
        %mul3A_424 = arith.constant 8 : i32
        %mul3A_425 = vector.broadcast %mul3A_424 : i32 to vector<16xi32>
        %mul3A_426 = arith.muli %get3A_423, %mul3A_425 : vector<16xi32>
        %mul3A_427 = arith.constant 16 : i32
        %mul3A_428 = arith.muli %scan3A_419, %mul3A_427 : i32
        %add3A_429 = vector.broadcast %mul3A_428 : i32 to vector<16xi32>
        %add3A_430 = arith.addi %iota3A, %add3A_429 : vector<16xi32>
        %ge3A_431 = arith.constant 200 : i32
        %ge3A_432 = vector.broadcast %ge3A_431 : i32 to vector<16xi32>
        %ge3A_433 = arith.cmpi sge, %add3A_430, %ge3A_432 : vector<16xi32>
        %jit3A_434 = arith.constant 1 : i32
        %jit3A_435 = arith.constant 0 : i32
        %broadcast_in_dim3A_436 = vector.broadcast %jit3A_434 : i32 to vector<16xi32>
        %broadcast_in_dim3A_437 = vector.broadcast %jit3A_435 : i32 to vector<16xi32>
        %select_n3A_438 = arith.select %ge3A_433, %broadcast_in_dim3A_436, %broadcast_in_dim3A_437 : vector<16xi1>, vector<16xi32>
        %mul3A_439 = arith.constant 200 : i32
        %mul3A_440 = vector.broadcast %mul3A_439 : i32 to vector<16xi32>
        %mul3A_441 = arith.muli %select_n3A_438, %mul3A_440 : vector<16xi32>
        %sub3A_442 = arith.subi %add3A_430, %mul3A_441 : vector<16xi32>
        %add3A_443 = arith.constant 0 : i32
        %add3A_444 = vector.broadcast %add3A_443 : i32 to vector<16xi32>
        %add3A_445 = arith.addi %mul3A_426, %add3A_444 : vector<16xi32>
        %gather3A_446 = tpu.vector_load_idx %arg5[%add3A_445] : memref<800xf32, #tpu.memory_space<vmem>>[vector<16xi32>], vector<16xf32>,
        tpu.vector_store_idx %arg9[%select_n3A_438, %sub3A_442, %broadcast_in_dim3A_1], %gather3A_446 : memref<2x200x8xf32, #tpu.memory_space<vmem>>[vector<16xi32>, vector<16xi32>, vector<16xi32>], vector<16xf32>,
        %add3A_447 = arith.constant 1 : i32
        %add3A_448 = vector.broadcast %add3A_447 : i32 to vector<16xi32>
        %add3A_449 = arith.addi %mul3A_426, %add3A_448 : vector<16xi32>
        %gather3A_450 = tpu.vector_load_idx %arg5[%add3A_449] : memref<800xf32, #tpu.memory_space<vmem>>[vector<16xi32>], vector<16xf32>,
        tpu.vector_store_idx %arg9[%select_n3A_438, %sub3A_442, %broadcast_in_dim3A_3], %gather3A_450 : memref<2x200x8xf32, #tpu.memory_space<vmem>>[vector<16xi32>, vector<16xi32>, vector<16xi32>], vector<16xf32>,
        %add3A_451 = arith.constant 2 : i32
        %add3A_452 = vector.broadcast %add3A_451 : i32 to vector<16xi32>
        %add3A_453 = arith.addi %mul3A_426, %add3A_452 : vector<16xi32>
        %gather3A_454 = tpu.vector_load_idx %arg5[%add3A_453] : memref<800xf32, #tpu.memory_space<vmem>>[vector<16xi32>], vector<16xf32>,
        tpu.vector_store_idx %arg9[%select_n3A_438, %sub3A_442, %broadcast_in_dim3A_5], %gather3A_454 : memref<2x200x8xf32, #tpu.memory_space<vmem>>[vector<16xi32>, vector<16xi32>, vector<16xi32>], vector<16xf32>,
        %add3A_455 = arith.constant 3 : i32
        %add3A_456 = vector.broadcast %add3A_455 : i32 to vector<16xi32>
        %add3A_457 = arith.addi %mul3A_426, %add3A_456 : vector<16xi32>
        %gather3A_458 = tpu.vector_load_idx %arg5[%add3A_457] : memref<800xf32, #tpu.memory_space<vmem>>[vector<16xi32>], vector<16xf32>,
        tpu.vector_store_idx %arg9[%select_n3A_438, %sub3A_442, %broadcast_in_dim3A_7], %gather3A_458 : memref<2x200x8xf32, #tpu.memory_space<vmem>>[vector<16xi32>, vector<16xi32>, vector<16xi32>], vector<16xf32>,
        %add3A_459 = arith.constant 4 : i32
        %add3A_460 = vector.broadcast %add3A_459 : i32 to vector<16xi32>
        %add3A_461 = arith.addi %mul3A_426, %add3A_460 : vector<16xi32>
        %gather3A_462 = tpu.vector_load_idx %arg5[%add3A_461] : memref<800xf32, #tpu.memory_space<vmem>>[vector<16xi32>], vector<16xf32>,
        tpu.vector_store_idx %arg9[%select_n3A_438, %sub3A_442, %broadcast_in_dim3A_9], %gather3A_462 : memref<2x200x8xf32, #tpu.memory_space<vmem>>[vector<16xi32>, vector<16xi32>, vector<16xi32>], vector<16xf32>,
        %add3A_463 = arith.constant 5 : i32
        %add3A_464 = vector.broadcast %add3A_463 : i32 to vector<16xi32>
        %add3A_465 = arith.addi %mul3A_426, %add3A_464 : vector<16xi32>
        %gather3A_466 = tpu.vector_load_idx %arg5[%add3A_465] : memref<800xf32, #tpu.memory_space<vmem>>[vector<16xi32>], vector<16xf32>,
        tpu.vector_store_idx %arg9[%select_n3A_438, %sub3A_442, %broadcast_in_dim3A_11], %gather3A_466 : memref<2x200x8xf32, #tpu.memory_space<vmem>>[vector<16xi32>, vector<16xi32>, vector<16xi32>], vector<16xf32>,
        %add3A_467 = arith.constant 6 : i32
        %add3A_468 = vector.broadcast %add3A_467 : i32 to vector<16xi32>
        %add3A_469 = arith.addi %mul3A_426, %add3A_468 : vector<16xi32>
        %gather3A_470 = tpu.vector_load_idx %arg5[%add3A_469] : memref<800xf32, #tpu.memory_space<vmem>>[vector<16xi32>], vector<16xf32>,
        tpu.vector_store_idx %arg9[%select_n3A_438, %sub3A_442, %broadcast_in_dim3A_13], %gather3A_470 : memref<2x200x8xf32, #tpu.memory_space<vmem>>[vector<16xi32>, vector<16xi32>, vector<16xi32>], vector<16xf32>,
        %add3A_471 = arith.constant 7 : i32
        %add3A_472 = vector.broadcast %add3A_471 : i32 to vector<16xi32>
        %add3A_473 = arith.addi %mul3A_426, %add3A_472 : vector<16xi32>
        %gather3A_474 = tpu.vector_load_idx %arg5[%add3A_473] : memref<800xf32, #tpu.memory_space<vmem>>[vector<16xi32>], vector<16xf32>,
        tpu.vector_store_idx %arg9[%select_n3A_438, %sub3A_442, %broadcast_in_dim3A_15], %gather3A_474 : memref<2x200x8xf32, #tpu.memory_space<vmem>>[vector<16xi32>, vector<16xi32>, vector<16xi32>], vector<16xf32>,
      }
      %scan3A_176 = arith.constant 25 : i32
      %mul3A_177 = arith.constant 2 : i32
      %mul3A_178 = arith.muli %add3A_155, %mul3A_177 : i32
      %add3A_179 = arith.addi %mul3A_0, %mul3A_178 : i32
      %dma_start3A_180 = arith.constant 0 : i32
      %dma_start3A_181 = arith.constant 0 : i32
      %dma_start3A_182 = tpu.memref_slice %arg4[%add3A_179, %dma_start3A_180, %dma_start3A_181] : memref<8192x200x8xf32, #tpu.memory_space<hbm>> -> memref<2x200x8xf32, #tpu.memory_space<hbm>>
      %dma_start3A_183 = arith.constant 0 : i32
      %dma_start3A_184 = arith.constant 0 : i32
      %dma_start3A_185 = tpu.memref_slice %arg4[%add3A_179, %dma_start3A_183, %dma_start3A_184] : memref<8192x200x8xf32, #tpu.memory_space<hbm>> -> memref<2x200x8xf32, #tpu.memory_space<hbm>>
      tpu.enqueue_dma source(%arg9 : memref<2x200x8xf32, #tpu.memory_space<vmem>>) target(%dma_start3A_185 : memref<2x200x8xf32, #tpu.memory_space<hbm>>) target_semaphore(%arg11 : memref<!tpu.dma_semaphore, #tpu.memory_space<semaphore_mem>>)
      %add3A_186 = arith.constant 2 : i32
      %add3A_187 = arith.addi %add3A_155, %add3A_186 : i32
      %min3A_188 = arith.constant 255 : i32
      %min3A_189 = arith.minsi %add3A_187, %min3A_188 : i32
      %mul3A_190 = arith.constant 2 : i32
      %mul3A_191 = arith.muli %min3A_189, %mul3A_190 : i32
      %add3A_192 = arith.addi %mul3A_0, %mul3A_191 : i32
      %mul3A_193 = arith.constant 200 : i32
      %mul3A_194 = arith.muli %add3A_192, %mul3A_193 : i32
      %dma_start3A_195 = tpu.memref_slice %arg3[%mul3A_194] : memref<1638400xi32, #tpu.memory_space<hbm>> -> memref<400xi32, #tpu.memory_space<hbm>>
      %dma_start3A_196 = tpu.memref_slice %arg3[%mul3A_194] : memref<1638400xi32, #tpu.memory_space<hbm>> -> memref<400xi32, #tpu.memory_space<hbm>>
      tpu.enqueue_dma source(%dma_start3A_196 : memref<400xi32, #tpu.memory_space<hbm>>) target(%arg7 : memref<400xi32, #tpu.memory_space<vmem>>) target_semaphore(%arg13 : memref<!tpu.dma_semaphore, #tpu.memory_space<semaphore_mem>>)
    }
    %scan3A_78 = arith.constant 127 : i32
    %add3A_79 = arith.constant 508 : i32
    %add3A_80 = arith.addi %mul3A_0, %add3A_79 : i32
    %dma_wait3A_81 = arith.constant 0 : i32
    %dma_wait3A_82 = arith.constant 0 : i32
    %dma_wait3A_83 = tpu.memref_slice %arg4[%add3A_80, %dma_wait3A_81, %dma_wait3A_82] : memref<8192x200x8xf32, #tpu.memory_space<hbm>> -> memref<2x200x8xf32, #tpu.memory_space<hbm>>
    %dma_wait3A_84 = arith.constant 0 : i32
    %dma_wait3A_85 = arith.constant 0 : i32
    %dma_wait3A_86 = tpu.memref_slice %arg4[%add3A_80, %dma_wait3A_84, %dma_wait3A_85] : memref<8192x200x8xf32, #tpu.memory_space<hbm>> -> memref<2x200x8xf32, #tpu.memory_space<hbm>>
    tpu.wait_dma2 semaphore(%arg10 : memref<!tpu.dma_semaphore, #tpu.memory_space<semaphore_mem>>) src(%arg8 : memref<2x200x8xf32, #tpu.memory_space<vmem>>) dst(%dma_wait3A_86 : memref<2x200x8xf32, #tpu.memory_space<hbm>>)
    %add3A_87 = arith.constant 0 : i32
    %add3A_88 = arith.addi %mul3A_0, %add3A_87 : i32
    %mul3A_89 = arith.constant 200 : i32
    %mul3A_90 = arith.muli %add3A_88, %mul3A_89 : i32
    %dma_wait3A_91 = tpu.memref_slice %arg3[%mul3A_90] : memref<1638400xi32, #tpu.memory_space<hbm>> -> memref<400xi32, #tpu.memory_space<hbm>>
    %dma_wait3A_92 = tpu.memref_slice %arg3[%mul3A_90] : memref<1638400xi32, #tpu.memory_space<hbm>> -> memref<400xi32, #tpu.memory_space<hbm>>
    tpu.wait_dma2 semaphore(%arg12 : memref<!tpu.dma_semaphore, #tpu.memory_space<semaphore_mem>>) src(%dma_wait3A_92 : memref<400xi32, #tpu.memory_space<hbm>>) dst(%arg6 : memref<400xi32, #tpu.memory_space<vmem>>)
    %add3A_93 = arith.constant 510 : i32
    %add3A_94 = arith.addi %mul3A_0, %add3A_93 : i32
    %dma_wait3A_95 = arith.constant 0 : i32
    %dma_wait3A_96 = arith.constant 0 : i32
    %dma_wait3A_97 = tpu.memref_slice %arg4[%add3A_94, %dma_wait3A_95, %dma_wait3A_96] : memref<8192x200x8xf32, #tpu.memory_space<hbm>> -> memref<2x200x8xf32, #tpu.memory_space<hbm>>
    %dma_wait3A_98 = arith.constant 0 : i32
    %dma_wait3A_99 = arith.constant 0 : i32
    %dma_wait3A_100 = tpu.memref_slice %arg4[%add3A_94, %dma_wait3A_98, %dma_wait3A_99] : memref<8192x200x8xf32, #tpu.memory_space<hbm>> -> memref<2x200x8xf32, #tpu.memory_space<hbm>>
    tpu.wait_dma2 semaphore(%arg11 : memref<!tpu.dma_semaphore, #tpu.memory_space<semaphore_mem>>) src(%arg9 : memref<2x200x8xf32, #tpu.memory_space<vmem>>) dst(%dma_wait3A_100 : memref<2x200x8xf32, #tpu.memory_space<hbm>>)
    %add3A_101 = arith.constant 2 : i32
    %add3A_102 = arith.addi %mul3A_0, %add3A_101 : i32
    %mul3A_103 = arith.constant 200 : i32
    %mul3A_104 = arith.muli %add3A_102, %mul3A_103 : i32
    %dma_wait3A_105 = tpu.memref_slice %arg3[%mul3A_104] : memref<1638400xi32, #tpu.memory_space<hbm>> -> memref<400xi32, #tpu.memory_space<hbm>>
    %dma_wait3A_106 = tpu.memref_slice %arg3[%mul3A_104] : memref<1638400xi32, #tpu.memory_space<hbm>> -> memref<400xi32, #tpu.memory_space<hbm>>
    tpu.wait_dma2 semaphore(%arg13 : memref<!tpu.dma_semaphore, #tpu.memory_space<semaphore_mem>>) src(%dma_wait3A_106 : memref<400xi32, #tpu.memory_space<hbm>>) dst(%arg7 : memref<400xi32, #tpu.memory_space<vmem>>)
    return
  }
}

module attributes {stable_mosaic.version = 14 : i64} {
  func.func @_fuse_table_body(%arg0: memref<100x8xf32, #tpu.memory_space<vmem>>, %arg1: memref<8x8xf32, #tpu.memory_space<vmem>>, %arg2: memref<1x8xf32, #tpu.memory_space<vmem>>, %arg3: memref<100x8xf32, #tpu.memory_space<vmem>>) attributes {dimension_semantics = [], scalar_prefetch = 0 : i64, scratch_operands = 0 : i64, tpu.core_type = #tpu.core_type<tc>} {
    %get3A = arith.constant 0 : index
    %get3A_0 = arith.constant 0 : index
    %get3A_1 = vector.load %arg0[%get3A, %get3A_0] : memref<100x8xf32, #tpu.memory_space<vmem>>, vector<100x8xf32>
    %get3A_2 = arith.constant 0 : index
    %get3A_3 = arith.constant 0 : index
    %get3A_4 = vector.load %arg1[%get3A_2, %get3A_3] : memref<8x8xf32, #tpu.memory_space<vmem>>, vector<8x8xf32>
    %dot_general3A = arith.constant dense<0.000000e+00> : vector<100x8xf32>
    %dot_general3A_5 = tpu.matmul %get3A_1, %get3A_4, %dot_general3A {dimension_numbers = #tpu.dot_dimension_numbers<[1], [1], [0], [0], [0, 0, 1, 0], [], []>, transpose_lhs_hint = false} : vector<100x8xf32>, vector<8x8xf32>, vector<100x8xf32> -> vector<100x8xf32>
    %get3A_6 = arith.constant 0 : index
    %get3A_7 = arith.constant 0 : index
    %get3A_8 = vector.load %arg2[%get3A_6, %get3A_7] : memref<1x8xf32, #tpu.memory_space<vmem>>, vector<1x8xf32>
    %add3A = vector.broadcast %get3A_8 : vector<1x8xf32> to vector<100x8xf32>
    %add3A_9 = arith.addf %dot_general3A_5, %add3A : vector<100x8xf32>
    %swap3A = arith.constant 0 : index
    %swap3A_10 = arith.constant 0 : index
    %swap3A_11 = vector.load %arg3[%swap3A, %swap3A_10] : memref<100x8xf32, #tpu.memory_space<vmem>>, vector<100x8xf32>
    tpu.vector_store %arg3[%swap3A, %swap3A_10], %add3A_9 {strides = array<i32>} : memref<100x8xf32, #tpu.memory_space<vmem>>, vector<100x8xf32>,
    return
  }
}

</mosaic_0001>

<sc_bundles>
// kernel: kernel.5.cloned.1.call-start
scs
__scs_entry_jumppad:
0x0: {  	(pc) =	sbr.rel $0x88, $3  }
0x1: {  	(tag) =	ssettag $0x0;
	lr =	simm.s32 $0x1  }
0x2: {  	[smem:$0x3F9D] =	sst lr;
	_ =	strace $0xD0000000  }
0x3: {  	_ = 	snop  }
0x4: {  	_ = 	snop  }
0x5: {  	_ = 	snop  }
0x6: {  	_ = 	snop  }
0x7: {  	_ = 	snop  }
__scs_overlays_trampoline_lowered:
0x8: {  	[smem:$0x3FAC] =	sst s0  }
0x9: {  	[smem:$0x3FAD] =	sst s1  }
0xa: {  	[smem:$0x3FAE] =	sst s2  }
0xb: {  	[smem:$0x3FAF] =	sst s3  }
0xc: {  	[smem:$0x3FB0] =	sst s4  }
0xd: {  	[smem:$0x3FB1] =	sst s5  }
0xe: {  	[smem:$0x3FB2] =	sst s6  }
0xf: {  	[smem:$0x3FB3] =	sst s7  }
0x10: {  	[smem:$0x3FB4] =	sst s8  }
0x11: {  	[smem:$0x3FB5] =	sst s9;
	s0 =	simm.s32 @!p0 $0x0  }
0x12: {  	s1 =	sld [smem:$0x3F9B];
	s0 =	simm.s32 @p0 $0x1  }
0x13: {  	[smem:$0x3FB6] =	sst s0;
	s0 =	simm.s32 @!p1 $0x0  }
0x14: {  	s2 =	sld [smem:$0x3F9A];
	s0 =	simm.s32 @p1 $0x1  }
0x15: {  	[smem:$0x3FB7] =	sst s0;
	s0 =	simm.s32 @!p2 $0x0  }
0x16: {  	s3 =	sld [smem:$0x3FDB];
	s0 =	simm.s32 @p2 $0x1  }
0x17: {  	s4 =	simm.s32 $0x1BF5;
	[smem:$0x3FB9] =	sst s0  }
0x18: {  	s0 =	sld [smem:$0x3F9C];
	_ =	swait.ge [sflag:s4], $0x0  }
0x19: {  	s7 =	sld [smem:$0x3F9D]  }
0x1a: {  	s8 =	sadd.s32 $0xFFFFE003, lr  }
0x1b: {  	s9 =	sadd.s32 $0xFFFFFEF7, lr;
	s5 =	simm.s32 $0xFFFFFFFF;
	p2 =	slt.u32 s8, $0xFFFFF086  }
0x1c: {  	p1 =	slt.u32 s9, $0xF7A;
	s5 =	simm.s32 @!p2 $0x0  }
0x1d: {  	s5 =	simm.s32 @p1 $0x1;
	p0 =	seq.s32 s7, s2  }
0x1e: {  	s7 =	smul.u32 @!p0 $0xF7A, s2;
	p2 =	seq.s32 @!p0 s5, $0x0  }
0x1f: {  	s9 =	smul.u32 $0xF7A, s1;
	s8 =	simm.s32 @!p0 $0x1BF5;
	p2 =	por !p2, p0  }
0x20: {  	[sflag:s8] =	ssyncset.s32 @!p0 $0xFFFFF086;
	s6 =	sadd.s32 @!p0 s3, s7;
	s7 =	simm.s32 @!p0 $0x108  }
0x21: {  	s3 =	sadd.s32 s3, s9;
	s6 =	sadd.s32 @!p0 $0x88, s6;
	s7 =	simm.s32 @p2 $0x1082  }
0x22: {  	[simem:s7], [sflag:s8] =	dma.local @!p0 [hbm:s6], $0xF7A  }
0x23: {  	s9 =	sor.u32 $0xD0000000, s2;
	s6 =	simm.s32 $0x108;
	_ =	swait.ge @!p0 [sflag:s8], $0x0  }
0x24: {  	s3 =	sadd.s32 $0x88, s3;
	s6 =	simm.s32 @!p1 $0x1082;
	[sflag:s4] =	ssyncset.s32 $0xFFFFF086  }
0x25: {  	[simem:s6], [sflag:s4] =	dma.local [hbm:s3], $0xF7A  }
0x26: {  	[smem:$0x3F9D] =	sst s1;
	(tag) =	ssettag s2;
	_ =	strace s9  }
0x27: {  	s1 =	sld [smem:$0x3FAD]  }
0x28: {  	s2 =	sld [smem:$0x3FAE]  }
0x29: {  	s4 =	sld [smem:$0x3FB0]  }
0x2a: {  	p0 =	seq.s32 s5, $0x0;
	s5 =	sld [smem:$0x3FB1]  }
0x2b: {  	s6 =	sld [smem:$0x3FB2]  }
0x2c: {  	s7 =	sld [smem:$0x3FB3]  }
0x2d: {  	s3 =	simm.s32 $0x108;
	s8 =	sld [smem:$0x3FB4]  }
0x2e: {  	s3 =	simm.s32 @!p0 $0x1082;
	s9 =	sld [smem:$0x3FB5]  }
0x2f: {  	lr =	sadd.s32 s0, s3;
	s0 =	sld [smem:$0x3FAC]  }
0x30: {  	s3 =	sld [smem:$0x3FAF]  }
0x31: {  	[smem:$0x3FB8] =	sst s10  }
0x32: {  	s10 =	sld [smem:$0x3FB6];
	_ =	sdelay $0x3  }
0x33: {  	p0 =	seq.s32 s10, $0x1;
	s10 =	sld [smem:$0x3FB8];
	_ =	sdelay $0x3  }
0x34: {  	[smem:$0x3FB8] =	sst s10  }
0x35: {  	s10 =	sld [smem:$0x3FB7];
	_ =	sdelay $0x3  }
0x36: {  	p1 =	seq.s32 s10, $0x1;
	s10 =	sld [smem:$0x3FB8];
	_ =	sdelay $0x3  }
0x37: {  	[smem:$0x3FB8] =	sst s10  }
0x38: {  	s10 =	sld [smem:$0x3FB9]  }
0x39: {  	_ = 	snop;
	(pc) =	sbr.ind lr, $3  }
0x3a: {  	_ = 	snop  }
0x3b: {  	_ = 	snop  }
0x3c: {  	p2 =	seq.s32 s10, $0x1;
	s10 =	sld [smem:$0x3FB8]  }
0x3d: {  	_ =	shalt  }
0x3e: {  	_ =	shalt  }
0x3f: {  	_ =	shalt  }
0x40: {  	_ =	shalt  }
0x41: {  	_ =	shalt  }
0x42: {  	_ =	shalt  }
0x43: {  	_ =	shalt  }
0x44: {  	_ =	shalt  }
0x45: {  	_ =	shalt  }
0x46: {  	_ =	shalt  }
0x47: {  	_ =	shalt  }
0x48: {  	_ =	shalt  }
0x49: {  	_ =	shalt  }
0x4a: {  	_ =	shalt  }
0x4b: {  	_ =	shalt  }
0x4c: {  	_ =	shalt  }
0x4d: {  	_ =	shalt  }
0x4e: {  	_ =	shalt  }
0x4f: {  	_ =	shalt  }
0x50: {  	_ =	shalt  }
0x51: {  	_ =	shalt  }
0x52: {  	_ =	shalt  }
0x53: {  	_ =	shalt  }
0x54: {  	_ =	shalt  }
0x55: {  	_ =	shalt  }
0x56: {  	_ =	shalt  }
0x57: {  	_ =	shalt  }
0x58: {  	_ =	shalt  }
0x59: {  	_ =	shalt  }
0x5a: {  	_ =	shalt  }
0x5b: {  	_ =	shalt  }
0x5c: {  	_ =	shalt  }
0x5d: {  	_ =	shalt  }
0x5e: {  	_ =	shalt  }
0x5f: {  	_ =	shalt  }
0x60: {  	_ =	shalt  }
0x61: {  	_ =	shalt  }
0x62: {  	_ =	shalt  }
0x63: {  	_ =	shalt  }
0x64: {  	_ =	shalt  }
0x65: {  	_ =	shalt  }
0x66: {  	_ =	shalt  }
0x67: {  	_ =	shalt  }
0x68: {  	_ =	shalt  }
0x69: {  	_ =	shalt  }
0x6a: {  	_ =	shalt  }
0x6b: {  	_ =	shalt  }
0x6c: {  	_ =	shalt  }
0x6d: {  	_ =	shalt  }
0x6e: {  	_ =	shalt  }
0x6f: {  	_ =	shalt  }
0x70: {  	_ =	shalt  }
0x71: {  	_ =	shalt  }
0x72: {  	_ =	shalt  }
0x73: {  	_ =	shalt  }
0x74: {  	_ =	shalt  }
0x75: {  	_ =	shalt  }
0x76: {  	_ =	shalt  }
0x77: {  	_ =	shalt  }
0x78: {  	_ =	shalt  }
0x79: {  	_ =	shalt  }
0x7a: {  	_ =	shalt  }
0x7b: {  	_ =	shalt  }
0x7c: {  	_ =	shalt  }
0x7d: {  	_ =	shalt  }
0x7e: {  	_ =	shalt  }
0x7f: {  	_ =	shalt  }
0x80: {  	_ =	shalt  }
0x81: {  	_ =	shalt  }
0x82: {  	_ =	shalt  }
0x83: {  	_ =	shalt  }
0x84: {  	_ =	shalt  }
0x85: {  	_ =	shalt  }
0x86: {  	_ =	shalt  }
0x87: {  	_ =	shalt  }
.Lfunc_end0:
.L_simem_size_0:
called_computation_lowered:
.L_overlay_start_0:
0x88: {  	s0 =	sld [smem:$0x3FD9]  }
0x89: {  	s1 =	sld [smem:$0x3FFE];
	_ =	sdelay $0x3  }
0x8a: {  	s0 =	sadd.s32 s1, s0  }
0x8b: {  	[smem:$0x3FC4] =	sst s0  }
0x8c: {  	_ = 	snop  }
0x8d: {  	(tm) =	ssettm $0x1  }
0x8e: {  	s15 =	sld [smem:$0x3FFB];
	_ =	sdelay $0x3  }
0x8f: {  	_ =	strace s15  }
0x90: {  	s0 =	sld [smem:$0x3FFC];
	_ =	sdelay $0x3  }
0x91: {  	_ =	strace s0  }
0x92: {  	s0 =	sld [smem:$0x3FFD];
	_ =	sdelay $0x3  }
0x93: {  	_ =	strace s0  }
0x94: {  	_ =	strace $0x8FFFFFFF  }
0x95: {  	s16 =	sld [smem:$0x3FDB];
	_ =	sdelay $0x1  }
0x96: {  	s17 =	simm.s32 $_scs_section_size  }
0x97: {  	s2 =	simm.s32 $_size__tile_overlayer_lowered;
	s3 =	simm.s32 $_tile_overlayer_lowered  }
0x98: {  	s20 =	simm.s32 $0x1BFF;
	s19 =	sshll.u32 s3, $0x1;
	s0 =	sadd.s32 s17, s16  }
0x99: {  	s4 =	simm.s32 $0x0;
	s18 =	sshll.u32 s2, $0x1;
	s2 =	sadd.s32 s19, s0  }
0x9a: {  	[timem:s4], [sflag:s20] =	dma.local [hbm:s2], s18  }
0x9b: {  	_ =	swait.ge [sflag:s20], s18  }
0x9c: {  	s1 =	ssub.s32 $0x0, s18;
	[sflag:s20] =	ssyncset.done $0x0  }
0x9d: {  	[sflag:s20] =	ssyncadd.s32 s1;
	_ =	sdelay $0x1  }
0x9e: {  	s21 =	simm.s32 $0x1B8B  }
0x9f: {  	_ =	swait.ge [sflag:s21], $0x1  }
0xa0: {  	[sflag:s21] =	ssyncset.done $0x0  }
0xa1: {  	s23 =	simm.s32 $0x1B8E;
	s22 =	sld [smem:$0x3FFE];
	[sflag:s21] =	ssyncadd.s32 $0xFFFFFFFF  }
0xa2: {  	s24 =	simm.s32 $execute0_lowered;
	[smem:$0x3FD2] =	sst s23  }
0xa3: {  	s2 =	sshll.u32 s24, $0x1;
	_ =	strace $0x80000049;
	[dreg:$0x1] =	wrdreg $0xFFFFFFFF  }
0xa4: {  	s25 =	simm.s32 $_size_execute0_lowered;
	s0 =	sadd.s32 s0, s2;
	[dreg:$0x0] =	wrdreg $0x0  }
0xa5: {  	s2 =	sshll.u32 s25, $0x1;
	[dreg:$0x2] =	wrdreg s0  }
0xa6: {  	[dreg:$0x3] =	wrdreg s2  }
0xa7: {  	[dreg:$0x4] =	wrdreg $0xC0  }
0xa8: {  	_ =	task [dreg:s4], $0x5FFFF  }
0xa9: {  	[dreg:$0x1] =	wrdreg $0xFFFFFFFF  }
0xaa: {  	[dreg:$0x0] =	wrdreg $0x60  }
0xab: {  	[dreg:$0x2] =	wrdreg s22  }
0xac: {  	[dreg:$0x3] =	wrdreg $0x9  }
0xad: {  	_ =	task.clear_ibuf [dreg:s4], $0x4FFFF;
	_ =	strace $0x90000049  }
0xae: {  	s26 =	simm.s32 $0x9;
	_ =	strace $0x8000004B  }
0xaf: {  	_ =	swait.ge [sflag:s26], $0x1  }
0xb0: {  	[sflag:s26] =	ssyncadd.s32 $0xFFFFFFFF  }
0xb1: {  	_ =	strace $0x9000004B  }
0xb2: {  	_ =	sfence  }
0xb3: {  	s28 =	sld [smem:$0x0];
	_ =	sdelay $0x1  }
0xb4: {  	s29 =	srdreg.scid  }
0xb5: {  	s30 =	sshll.u32 s29, $0xD;
	s31 =	sshrl.u32 s29, $0x2  }
0xb6: {  	s1 =	sand.u32 $0x1, s29;
	s2 =	sand.u32 $0x4000, s30;
	s0 =	sadd.s32 s31, s28  }
0xb7: {  	s1 =	sor.u32 s2, s1;
	s0 =	sshll.u32 s0, $0x11  }
0xb8: {  	s0 =	sor.u32 s0, s1  }
0xb9: {  	s0 =	sadd.s32 $0x8F2B, s0  }
0xba: {  	[sflag:s0] =	ssyncadd.remote.s32 $0x1  }
0xbb: {  	_ =	sfence.sel $0xFFFF  }
0xbc: {  	[dreg:$0x0] =	wrdreg $0xFFFFFFFF;
	(pc) =	sbr.abs _section_cstart, $3  }
0xbd: {  	[dreg:$0x1] =	wrdreg $0xFFFFFFFF  }
0xbe: {  	_ =	task.clear_ibuf [dreg:s4], $0x2FFFF;
	_ =	strace $0x9FFFFFFF  }
0xbf: {  	(tm) =	ssettm $0x7FFFFFFF  }
tec
execute0_lowered:
.L_overlay_start_1:
0x0: {  	(tag) =	ssettag $0x1  }
0x1: {  	s4 =	rddreg [dreg:$0x0]  }
0x2: {  	s0 =	rddreg [dreg:$0x1];
	s6 =	simm.s32 $0x0  }
0x3: {  	s1 =	stileid.u32;
	s8 =	simm.s32 $0x5;
	[smem:$0x7FF] =	sst s6  }
0x4: {  	s28 =	simm.s32 $0x380;
	s2 =	sadd.s32 $0x1000, s4;
	_ =	strace $0x8000004A  }
0x5: {  	[tilespmem:s6], [sflag:$0x5] =	stream.linear.gather [hbm4b:s2+s6], $0x380, $0x38;
	[tilespmem:$0x19780] =	vst v63  }
0x6: {  	s7 =	smul.u32 $0x3200, s1;
	s3 =	sshll.u32 s1, $0x9;
	_ =	swait.ge [sflag:s8], $0x380  }
0x7: {  	s5 =	sor.u32 $0x2, s3;
	s2 =	sadd.s32 $0x1901200, s4;
	[sflag:s8] =	ssyncset.done $0x0  }
0x8: {  	s10 =	smul.u32 $0x19, s5;
	s9 =	sadd.s32 s2, s7;
	[sflag:s8] =	ssyncadd.s32 $0xFFFFFC80  }
0x9: {  	[tilespmem:s28], [sflag:$0x3] =	stream.linear.gather [hbm4b:s9+s6], $0x190, $0x38;
	[tilespmem:$0x19780] =	vst v63  }
0xa: {  	s30 =	simm.s32 $0x580;
	s31 =	simm.s32 $0x3;
	s29 =	sadd.s32 s2, s10  }
0xb: {  	[tilespmem:s30], [sflag:$0x4] =	stream.linear.gather [hbm4b:s29+s6], $0x190, $0x38;
	[tilespmem:$0x19780] =	vst v63  }
0xc: {  	s11 =	simm.s32 $0x0;
	_ =	swait.ge [sflag:s31], $0x190  }
0xd: {  	s4 =	sadd.s32 $0x1933200, s4;
	s10 =	simm.s32 $0x780;
	[sflag:s31] =	ssyncset.done $0x0  }
0xe: {  	v0 =	vlaneseq.u32;
	v1 =	vimm.s32 $0x0;
	s8 =	simm.s32 $0xFFFFFFFB;
	s9 =	simm.s32 $0x3A0;
	[sflag:s31] =	ssyncadd.s32 $0xFFFFFE70  }
.LBB2_1:
0xf: {  	v2 =	vld [tilespmem:s9+$0xFFFFFFE0];
	_ =	sdelay $0x4  }
0x10: {  	v3 =	vor.u32 s11, v0;
	v2 =	vshll.u32 v2, $0x3  }
0x11: {  	vm0 =	vgt.u32 v3, $0xC7  }
0x12: {  	v4 =	vsel vm0, $0x1FFFF38, v1  }
0x13: {  	v3 =	vadd.s32 v3, v4  }
0x14: {  	v52 =	vsel vm0, $0x6400, v1;
	v3 =	vshll.u32 v3, $0x7  }
0x15: {  	v3 =	vadd.s32 v52, v3;
	v5 =	vld.idx.msk [tilespmem:v2+s6+$0x0], $0xffff  }
0x16: {  	v53 =	vor.u32 $0x1, v2;
	_ =	sdelay $0x3  }
0x17: {  	[tilespmem:v3+s10+$0x0] =	vst.idx.msk $0xffff, v5  }
0x18: {  	v54 =	vor.u32 $0x1, v3;
	v4 =	vld.idx.msk [tilespmem:v53+s6+$0x0], $0xffff  }
0x19: {  	v6 =	vor.u32 $0x2, v2;
	_ =	sdelay $0x3  }
0x1a: {  	[tilespmem:v54+s10+$0x0] =	vst.idx.msk $0xffff, v4  }
0x1b: {  	v55 =	vor.u32 $0x2, v3;
	v4 =	vld.idx.msk [tilespmem:v6+s6+$0x0], $0xffff  }
0x1c: {  	v56 =	vor.u32 $0x3, v2;
	_ =	sdelay $0x3  }
0x1d: {  	[tilespmem:v55+s10+$0x0] =	vst.idx.msk $0xffff, v4  }
0x1e: {  	v57 =	vor.u32 $0x3, v3;
	v4 =	vld.idx.msk [tilespmem:v56+s6+$0x0], $0xffff  }
0x1f: {  	v58 =	vor.u32 $0x4, v2;
	_ =	sdelay $0x3  }
0x20: {  	[tilespmem:v57+s10+$0x0] =	vst.idx.msk $0xffff, v4  }
0x21: {  	v59 =	vor.u32 $0x4, v3;
	v4 =	vld.idx.msk [tilespmem:v58+s6+$0x0], $0xffff  }
0x22: {  	v60 =	vor.u32 $0x5, v2;
	_ =	sdelay $0x3  }
0x23: {  	[tilespmem:v59+s10+$0x0] =	vst.idx.msk $0xffff, v4  }
0x24: {  	v61 =	vor.u32 $0x5, v3;
	v4 =	vld.idx.msk [tilespmem:v60+s6+$0x0], $0xffff  }
0x25: {  	v62 =	vor.u32 $0x6, v2;
	_ =	sdelay $0x3  }
0x26: {  	[tilespmem:v61+s10+$0x0] =	vst.idx.msk $0xffff, v4  }
0x27: {  	v63 =	vor.u32 $0x6, v3;
	v4 =	vld.idx.msk [tilespmem:v62+s6+$0x0], $0xffff  }
0x28: {  	v2 =	vor.u32 $0x7, v2;
	_ =	sdelay $0x3  }
0x29: {  	[tilespmem:v63+s10+$0x0] =	vst.idx.msk $0xffff, v4  }
0x2a: {  	v3 =	vor.u32 $0x7, v3;
	v2 =	vld.idx.msk [tilespmem:v2+s6+$0x0], $0xffff;
	_ =	sdelay $0x4  }
0x2b: {  	[tilespmem:v3+s10+$0x0] =	vst.idx.msk $0xffff, v2  }
0x2c: {  	v2 =	vld [tilespmem:s9+$0xFFFFFFF0];
	_ =	sdelay $0x3  }
0x2d: {  	s12 =	sadd.s32 $0x10, s11  }
0x2e: {  	v3 =	vor.u32 s12, v0;
	v2 =	vshll.u32 v2, $0x3  }
0x2f: {  	vm12 =	vgt.u32 v3, $0xC7  }
0x30: {  	v8 =	vsel vm12, $0x1FFFF38, v1  }
0x31: {  	v3 =	vadd.s32 v3, v8  }
0x32: {  	v9 =	vsel vm12, $0x6400, v1;
	v3 =	vshll.u32 v3, $0x7  }
0x33: {  	v3 =	vadd.s32 v9, v3;
	v5 =	vld.idx.msk [tilespmem:v2+s6+$0x0], $0xffff  }
0x34: {  	v10 =	vor.u32 $0x1, v2;
	_ =	sdelay $0x3  }
0x35: {  	[tilespmem:v3+s10+$0x0] =	vst.idx.msk $0xffff, v5  }
0x36: {  	v11 =	vor.u32 $0x1, v3;
	v4 =	vld.idx.msk [tilespmem:v10+s6+$0x0], $0xffff  }
0x37: {  	v12 =	vor.u32 $0x2, v2;
	_ =	sdelay $0x3  }
0x38: {  	[tilespmem:v11+s10+$0x0] =	vst.idx.msk $0xffff, v4  }
0x39: {  	v13 =	vor.u32 $0x2, v3;
	v4 =	vld.idx.msk [tilespmem:v12+s6+$0x0], $0xffff  }
0x3a: {  	v14 =	vor.u32 $0x3, v2;
	_ =	sdelay $0x3  }
0x3b: {  	[tilespmem:v13+s10+$0x0] =	vst.idx.msk $0xffff, v4  }
0x3c: {  	v15 =	vor.u32 $0x3, v3;
	v4 =	vld.idx.msk [tilespmem:v14+s6+$0x0], $0xffff  }
0x3d: {  	v16 =	vor.u32 $0x4, v2;
	_ =	sdelay $0x3  }
0x3e: {  	[tilespmem:v15+s10+$0x0] =	vst.idx.msk $0xffff, v4  }
0x3f: {  	v17 =	vor.u32 $0x4, v3;
	v4 =	vld.idx.msk [tilespmem:v16+s6+$0x0], $0xffff  }
0x40: {  	v18 =	vor.u32 $0x5, v2;
	_ =	sdelay $0x3  }
0x41: {  	[tilespmem:v17+s10+$0x0] =	vst.idx.msk $0xffff, v4  }
0x42: {  	v19 =	vor.u32 $0x5, v3;
	v4 =	vld.idx.msk [tilespmem:v18+s6+$0x0], $0xffff  }
0x43: {  	v20 =	vor.u32 $0x6, v2;
	_ =	sdelay $0x3  }
0x44: {  	[tilespmem:v19+s10+$0x0] =	vst.idx.msk $0xffff, v4  }
0x45: {  	v21 =	vor.u32 $0x6, v3;
	v4 =	vld.idx.msk [tilespmem:v20+s6+$0x0], $0xffff  }
0x46: {  	v2 =	vor.u32 $0x7, v2;
	_ =	sdelay $0x3  }
0x47: {  	[tilespmem:v21+s10+$0x0] =	vst.idx.msk $0xffff, v4  }
0x48: {  	v3 =	vor.u32 $0x7, v3;
	v2 =	vld.idx.msk [tilespmem:v2+s6+$0x0], $0xffff;
	_ =	sdelay $0x4  }
0x49: {  	[tilespmem:v3+s10+$0x0] =	vst.idx.msk $0xffff, v2  }
0x4a: {  	v2 =	vld [tilespmem:s9+$0x0];
	_ =	sdelay $0x3  }
0x4b: {  	s29 =	sadd.s32 $0x20, s11  }
0x4c: {  	v3 =	vor.u32 s29, v0;
	v2 =	vshll.u32 v2, $0x3  }
0x4d: {  	vm13 =	vgt.u32 v3, $0xC7  }
0x4e: {  	v22 =	vsel vm13, $0x1FFFF38, v1  }
0x4f: {  	v3 =	vadd.s32 v3, v22  }
0x50: {  	v23 =	vsel vm13, $0x6400, v1;
	v3 =	vshll.u32 v3, $0x7  }
0x51: {  	v3 =	vadd.s32 v23, v3;
	v5 =	vld.idx.msk [tilespmem:v2+s6+$0x0], $0xffff  }
0x52: {  	v24 =	vor.u32 $0x1, v2;
	_ =	sdelay $0x3  }
0x53: {  	[tilespmem:v3+s10+$0x0] =	vst.idx.msk $0xffff, v5  }
0x54: {  	v25 =	vor.u32 $0x1, v3;
	v4 =	vld.idx.msk [tilespmem:v24+s6+$0x0], $0xffff  }
0x55: {  	v26 =	vor.u32 $0x2, v2;
	_ =	sdelay $0x3  }
0x56: {  	[tilespmem:v25+s10+$0x0] =	vst.idx.msk $0xffff, v4  }
0x57: {  	v27 =	vor.u32 $0x2, v3;
	v4 =	vld.idx.msk [tilespmem:v26+s6+$0x0], $0xffff  }
0x58: {  	v28 =	vor.u32 $0x3, v2;
	_ =	sdelay $0x3  }
0x59: {  	[tilespmem:v27+s10+$0x0] =	vst.idx.msk $0xffff, v4  }
0x5a: {  	v29 =	vor.u32 $0x3, v3;
	v4 =	vld.idx.msk [tilespmem:v28+s6+$0x0], $0xffff  }
0x5b: {  	v30 =	vor.u32 $0x4, v2;
	_ =	sdelay $0x3  }
0x5c: {  	[tilespmem:v29+s10+$0x0] =	vst.idx.msk $0xffff, v4  }
0x5d: {  	v31 =	vor.u32 $0x4, v3;
	v4 =	vld.idx.msk [tilespmem:v30+s6+$0x0], $0xffff  }
0x5e: {  	v32 =	vor.u32 $0x5, v2;
	_ =	sdelay $0x3  }
0x5f: {  	[tilespmem:v31+s10+$0x0] =	vst.idx.msk $0xffff, v4  }
0x60: {  	v33 =	vor.u32 $0x5, v3;
	v4 =	vld.idx.msk [tilespmem:v32+s6+$0x0], $0xffff  }
0x61: {  	v34 =	vor.u32 $0x6, v2;
	_ =	sdelay $0x3  }
0x62: {  	[tilespmem:v33+s10+$0x0] =	vst.idx.msk $0xffff, v4  }
0x63: {  	v35 =	vor.u32 $0x6, v3;
	v4 =	vld.idx.msk [tilespmem:v34+s6+$0x0], $0xffff  }
0x64: {  	v2 =	vor.u32 $0x7, v2;
	_ =	sdelay $0x3  }
0x65: {  	[tilespmem:v35+s10+$0x0] =	vst.idx.msk $0xffff, v4  }
0x66: {  	v3 =	vor.u32 $0x7, v3;
	v2 =	vld.idx.msk [tilespmem:v2+s6+$0x0], $0xffff;
	_ =	sdelay $0x4  }
0x67: {  	[tilespmem:v3+s10+$0x0] =	vst.idx.msk $0xffff, v2  }
0x68: {  	v2 =	vld [tilespmem:s9+$0x10];
	_ =	sdelay $0x3  }
0x69: {  	s30 =	sadd.s32 $0x30, s11  }
0x6a: {  	v3 =	vor.u32 s30, v0;
	v2 =	vshll.u32 v2, $0x3  }
0x6b: {  	vm14 =	vgt.u32 v3, $0xC7  }
0x6c: {  	v36 =	vsel vm14, $0x1FFFF38, v1  }
0x6d: {  	v3 =	vadd.s32 v3, v36  }
0x6e: {  	v37 =	vsel vm14, $0x6400, v1;
	v3 =	vshll.u32 v3, $0x7  }
0x6f: {  	v3 =	vadd.s32 v37, v3;
	v5 =	vld.idx.msk [tilespmem:v2+s6+$0x0], $0xffff  }
0x70: {  	v38 =	vor.u32 $0x1, v2;
	_ =	sdelay $0x3  }
0x71: {  	[tilespmem:v3+s10+$0x0] =	vst.idx.msk $0xffff, v5  }
0x72: {  	v39 =	vor.u32 $0x1, v3;
	v4 =	vld.idx.msk [tilespmem:v38+s6+$0x0], $0xffff  }
0x73: {  	v40 =	vor.u32 $0x2, v2;
	_ =	sdelay $0x3  }
0x74: {  	[tilespmem:v39+s10+$0x0] =	vst.idx.msk $0xffff, v4  }
0x75: {  	v41 =	vor.u32 $0x2, v3;
	v4 =	vld.idx.msk [tilespmem:v40+s6+$0x0], $0xffff  }
0x76: {  	v42 =	vor.u32 $0x3, v2;
	_ =	sdelay $0x3  }
0x77: {  	[tilespmem:v41+s10+$0x0] =	vst.idx.msk $0xffff, v4  }
0x78: {  	v43 =	vor.u32 $0x3, v3;
	v4 =	vld.idx.msk [tilespmem:v42+s6+$0x0], $0xffff  }
0x79: {  	v44 =	vor.u32 $0x4, v2;
	_ =	sdelay $0x3  }
0x7a: {  	[tilespmem:v43+s10+$0x0] =	vst.idx.msk $0xffff, v4  }
0x7b: {  	v45 =	vor.u32 $0x4, v3;
	v4 =	vld.idx.msk [tilespmem:v44+s6+$0x0], $0xffff  }
0x7c: {  	v46 =	vor.u32 $0x5, v2;
	_ =	sdelay $0x3  }
0x7d: {  	[tilespmem:v45+s10+$0x0] =	vst.idx.msk $0xffff, v4  }
0x7e: {  	v47 =	vor.u32 $0x5, v3;
	v4 =	vld.idx.msk [tilespmem:v46+s6+$0x0], $0xffff  }
0x7f: {  	v48 =	vor.u32 $0x6, v2;
	_ =	sdelay $0x3  }
0x80: {  	[tilespmem:v47+s10+$0x0] =	vst.idx.msk $0xffff, v4  }
0x81: {  	v49 =	vor.u32 $0x6, v3;
	v4 =	vld.idx.msk [tilespmem:v48+s6+$0x0], $0xffff  }
0x82: {  	v2 =	vor.u32 $0x7, v2;
	_ =	sdelay $0x3  }
0x83: {  	[tilespmem:v49+s10+$0x0] =	vst.idx.msk $0xffff, v4  }
0x84: {  	v3 =	vor.u32 $0x7, v3;
	v2 =	vld.idx.msk [tilespmem:v2+s6+$0x0], $0xffff;
	_ =	sdelay $0x4  }
0x85: {  	[tilespmem:v3+s10+$0x0] =	vst.idx.msk $0xffff, v2  }
0x86: {  	v2 =	vld [tilespmem:s9+$0x20];
	_ =	sdelay $0x3  }
0x87: {  	s31 =	sadd.s32 $0x40, s11  }
0x88: {  	v3 =	vor.u32 s31, v0;
	v2 =	vshll.u32 v2, $0x3  }
0x89: {  	vm15 =	vgt.u32 v3, $0xC7  }
0x8a: {  	v50 =	vsel vm15, $0x1FFFF38, v1  }
0x8b: {  	v3 =	vadd.s32 v3, v50  }
0x8c: {  	v51 =	vsel vm15, $0x6400, v1;
	v3 =	vshll.u32 v3, $0x7  }
0x8d: {  	v3 =	vadd.s32 v51, v3;
	v5 =	vld.idx.msk [tilespmem:v2+s6+$0x0], $0xffff  }
0x8e: {  	v52 =	vor.u32 $0x1, v2;
	_ =	sdelay $0x3  }
0x8f: {  	[tilespmem:v3+s10+$0x0] =	vst.idx.msk $0xffff, v5  }
0x90: {  	v53 =	vor.u32 $0x1, v3;
	v4 =	vld.idx.msk [tilespmem:v52+s6+$0x0], $0xffff  }
0x91: {  	v54 =	vor.u32 $0x2, v2;
	_ =	sdelay $0x3  }
0x92: {  	[tilespmem:v53+s10+$0x0] =	vst.idx.msk $0xffff, v4  }
0x93: {  	v55 =	vor.u32 $0x2, v3;
	v4 =	vld.idx.msk [tilespmem:v54+s6+$0x0], $0xffff  }
0x94: {  	v56 =	vor.u32 $0x3, v2;
	_ =	sdelay $0x3  }
0x95: {  	[tilespmem:v55+s10+$0x0] =	vst.idx.msk $0xffff, v4  }
0x96: {  	v57 =	vor.u32 $0x3, v3;
	v4 =	vld.idx.msk [tilespmem:v56+s6+$0x0], $0xffff  }
0x97: {  	v58 =	vor.u32 $0x4, v2;
	_ =	sdelay $0x3  }
0x98: {  	[tilespmem:v57+s10+$0x0] =	vst.idx.msk $0xffff, v4  }
0x99: {  	v59 =	vor.u32 $0x4, v3;
	v4 =	vld.idx.msk [tilespmem:v58+s6+$0x0], $0xffff  }
0x9a: {  	v60 =	vor.u32 $0x5, v2;
	_ =	sdelay $0x3  }
0x9b: {  	[tilespmem:v59+s10+$0x0] =	vst.idx.msk $0xffff, v4  }
0x9c: {  	v61 =	vor.u32 $0x5, v3;
	v4 =	vld.idx.msk [tilespmem:v60+s6+$0x0], $0xffff  }
0x9d: {  	v62 =	vor.u32 $0x6, v2;
	_ =	sdelay $0x3  }
0x9e: {  	[tilespmem:v61+s10+$0x0] =	vst.idx.msk $0xffff, v4  }
0x9f: {  	v63 =	vor.u32 $0x6, v3;
	v4 =	vld.idx.msk [tilespmem:v62+s6+$0x0], $0xffff  }
0xa0: {  	v2 =	vor.u32 $0x7, v2;
	_ =	sdelay $0x3  }
0xa1: {  	s8 =	sadd.s32 $0x5, s8;
	[tilespmem:v63+s10+$0x0] =	vst.idx.msk $0xffff, v4  }
0xa2: {  	p0 =	slt.u32 s8, $0x14;
	v3 =	vor.u32 $0x7, v3;
	v2 =	vld.idx.msk [tilespmem:v2+s6+$0x0], $0xffff  }
.Ltmp0:
0xa3: {  	_ = 	snop;
	(pc) =	sbr.rel @p0 .LBB2_1-.Ltmp0, $2  }
0xa4: {  	_ =	sdelay $0x2  }
0xa5: {  	s11 =	sadd.s32 $0x50, s11;
	s9 =	sadd.s32 $0x50, s9;
	[tilespmem:v3+s10+$0x0] =	vst.idx.msk $0xffff, v2  }
0xa6: {  	s6 =	smul.u32 $0x190000, s1  }
0xa7: {  	s7 =	sadd.s32 s7, s2  }
0xa8: {  	s9 =	simm.s32 $0x780;
	s8 =	sadd.s32 s4, s6;
	s6 =	simm.s32 $0x0  }
0xa9: {  	[hbm4b:s8+s6] =	stream.linear.scatter [tilespmem:s9], [sflag:$0x1], $0xC800, $0x38;
	[tilespmem:$0x19780] =	vst v63  }
0xaa: {  	s30 =	simm.s32 $0x380;
	s31 =	simm.s32 $0x4;
	s29 =	sadd.s32 $0x64, s7  }
0xab: {  	[tilespmem:s30], [sflag:$0x3] =	stream.linear.gather [hbm4b:s29+s6], $0x190, $0x38;
	[tilespmem:$0x19780] =	vst v63  }
0xac: {  	_ =	swait.ge [sflag:s31], $0x190  }
0xad: {  	s10 =	simm.s32 $0xCF80;
	s11 =	simm.s32 $0x0;
	[sflag:s31] =	ssyncset.done $0x0  }
0xae: {  	v0 =	vlaneseq.u32;
	v1 =	vimm.s32 $0x0;
	s8 =	simm.s32 $0xFFFFFFFB;
	s9 =	simm.s32 $0x5A0;
	[sflag:s31] =	ssyncadd.s32 $0xFFFFFE70  }
.LBB2_3:
0xaf: {  	v2 =	vld [tilespmem:s9+$0xFFFFFFE0];
	_ =	sdelay $0x4  }
0xb0: {  	v3 =	vor.u32 s11, v0;
	v2 =	vshll.u32 v2, $0x3  }
0xb1: {  	vm0 =	vgt.u32 v3, $0xC7  }
0xb2: {  	v4 =	vsel vm0, $0x1FFFF38, v1  }
0xb3: {  	v3 =	vadd.s32 v3, v4  }
0xb4: {  	v52 =	vsel vm0, $0x6400, v1;
	v3 =	vshll.u32 v3, $0x7  }
0xb5: {  	v3 =	vadd.s32 v52, v3;
	v5 =	vld.idx.msk [tilespmem:v2+s6+$0x0], $0xffff  }
0xb6: {  	v53 =	vor.u32 $0x1, v2;
	_ =	sdelay $0x3  }
0xb7: {  	[tilespmem:v3+s10+$0x0] =	vst.idx.msk $0xffff, v5  }
0xb8: {  	v54 =	vor.u32 $0x1, v3;
	v4 =	vld.idx.msk [tilespmem:v53+s6+$0x0], $0xffff  }
0xb9: {  	v6 =	vor.u32 $0x2, v2;
	_ =	sdelay $0x3  }
0xba: {  	[tilespmem:v54+s10+$0x0] =	vst.idx.msk $0xffff, v4  }
0xbb: {  	v55 =	vor.u32 $0x2, v3;
	v4 =	vld.idx.msk [tilespmem:v6+s6+$0x0], $0xffff  }
0xbc: {  	v56 =	vor.u32 $0x3, v2;
	_ =	sdelay $0x3  }
0xbd: {  	[tilespmem:v55+s10+$0x0] =	vst.idx.msk $0xffff, v4  }
0xbe: {  	v57 =	vor.u32 $0x3, v3;
	v4 =	vld.idx.msk [tilespmem:v56+s6+$0x0], $0xffff  }
0xbf: {  	v58 =	vor.u32 $0x4, v2;
	_ =	sdelay $0x3  }
0xc0: {  	[tilespmem:v57+s10+$0x0] =	vst.idx.msk $0xffff, v4  }
0xc1: {  	v59 =	vor.u32 $0x4, v3;
	v4 =	vld.idx.msk [tilespmem:v58+s6+$0x0], $0xffff  }
0xc2: {  	v60 =	vor.u32 $0x5, v2;
	_ =	sdelay $0x3  }
0xc3: {  	[tilespmem:v59+s10+$0x0] =	vst.idx.msk $0xffff, v4  }
0xc4: {  	v61 =	vor.u32 $0x5, v3;
	v4 =	vld.idx.msk [tilespmem:v60+s6+$0x0], $0xffff  }
0xc5: {  	v62 =	vor.u32 $0x6, v2;
	_ =	sdelay $0x3  }
0xc6: {  	[tilespmem:v61+s10+$0x0] =	vst.idx.msk $0xffff, v4  }
0xc7: {  	v63 =	vor.u32 $0x6, v3;
	v4 =	vld.idx.msk [tilespmem:v62+s6+$0x0], $0xffff  }
0xc8: {  	v2 =	vor.u32 $0x7, v2;
	_ =	sdelay $0x3  }
0xc9: {  	[tilespmem:v63+s10+$0x0] =	vst.idx.msk $0xffff, v4  }
0xca: {  	v3 =	vor.u32 $0x7, v3;
	v2 =	vld.idx.msk [tilespmem:v2+s6+$0x0], $0xffff;
	_ =	sdelay $0x4  }
0xcb: {  	[tilespmem:v3+s10+$0x0] =	vst.idx.msk $0xffff, v2  }
0xcc: {  	v2 =	vld [tilespmem:s9+$0xFFFFFFF0];
	_ =	sdelay $0x3  }
0xcd: {  	s12 =	sadd.s32 $0x10, s11  }
0xce: {  	v3 =	vor.u32 s12, v0;
	v2 =	vshll.u32 v2, $0x3  }
0xcf: {  	vm12 =	vgt.u32 v3, $0xC7  }
0xd0: {  	v8 =	vsel vm12, $0x1FFFF38, v1  }
0xd1: {  	v3 =	vadd.s32 v3, v8  }
0xd2: {  	v9 =	vsel vm12, $0x6400, v1;
	v3 =	vshll.u32 v3, $0x7  }
0xd3: {  	v3 =	vadd.s32 v9, v3;
	v5 =	vld.idx.msk [tilespmem:v2+s6+$0x0], $0xffff  }
0xd4: {  	v10 =	vor.u32 $0x1, v2;
	_ =	sdelay $0x3  }
0xd5: {  	[tilespmem:v3+s10+$0x0] =	vst.idx.msk $0xffff, v5  }
0xd6: {  	v11 =	vor.u32 $0x1, v3;
	v4 =	vld.idx.msk [tilespmem:v10+s6+$0x0], $0xffff  }
0xd7: {  	v12 =	vor.u32 $0x2, v2;
	_ =	sdelay $0x3  }
0xd8: {  	[tilespmem:v11+s10+$0x0] =	vst.idx.msk $0xffff, v4  }
0xd9: {  	v13 =	vor.u32 $0x2, v3;
	v4 =	vld.idx.msk [tilespmem:v12+s6+$0x0], $0xffff  }
0xda: {  	v14 =	vor.u32 $0x3, v2;
	_ =	sdelay $0x3  }
0xdb: {  	[tilespmem:v13+s10+$0x0] =	vst.idx.msk $0xffff, v4  }
0xdc: {  	v15 =	vor.u32 $0x3, v3;
	v4 =	vld.idx.msk [tilespmem:v14+s6+$0x0], $0xffff  }
0xdd: {  	v16 =	vor.u32 $0x4, v2;
	_ =	sdelay $0x3  }
0xde: {  	[tilespmem:v15+s10+$0x0] =	vst.idx.msk $0xffff, v4  }
0xdf: {  	v17 =	vor.u32 $0x4, v3;
	v4 =	vld.idx.msk [tilespmem:v16+s6+$0x0], $0xffff  }
0xe0: {  	v18 =	vor.u32 $0x5, v2;
	_ =	sdelay $0x3  }
0xe1: {  	[tilespmem:v17+s10+$0x0] =	vst.idx.msk $0xffff, v4  }
0xe2: {  	v19 =	vor.u32 $0x5, v3;
	v4 =	vld.idx.msk [tilespmem:v18+s6+$0x0], $0xffff  }
0xe3: {  	v20 =	vor.u32 $0x6, v2;
	_ =	sdelay $0x3  }
0xe4: {  	[tilespmem:v19+s10+$0x0] =	vst.idx.msk $0xffff, v4  }
0xe5: {  	v21 =	vor.u32 $0x6, v3;
	v4 =	vld.idx.msk [tilespmem:v20+s6+$0x0], $0xffff  }
0xe6: {  	v2 =	vor.u32 $0x7, v2;
	_ =	sdelay $0x3  }
0xe7: {  	[tilespmem:v21+s10+$0x0] =	vst.idx.msk $0xffff, v4  }
0xe8: {  	v3 =	vor.u32 $0x7, v3;
	v2 =	vld.idx.msk [tilespmem:v2+s6+$0x0], $0xffff;
	_ =	sdelay $0x4  }
0xe9: {  	[tilespmem:v3+s10+$0x0] =	vst.idx.msk $0xffff, v2  }
0xea: {  	v2 =	vld [tilespmem:s9+$0x0];
	_ =	sdelay $0x3  }
0xeb: {  	s29 =	sadd.s32 $0x20, s11  }
0xec: {  	v3 =	vor.u32 s29, v0;
	v2 =	vshll.u32 v2, $0x3  }
0xed: {  	vm13 =	vgt.u32 v3, $0xC7  }
0xee: {  	v22 =	vsel vm13, $0x1FFFF38, v1  }
0xef: {  	v3 =	vadd.s32 v3, v22  }
0xf0: {  	v23 =	vsel vm13, $0x6400, v1;
	v3 =	vshll.u32 v3, $0x7  }
0xf1: {  	v3 =	vadd.s32 v23, v3;
	v5 =	vld.idx.msk [tilespmem:v2+s6+$0x0], $0xffff  }
0xf2: {  	v24 =	vor.u32 $0x1, v2;
	_ =	sdelay $0x3  }
0xf3: {  	[tilespmem:v3+s10+$0x0] =	vst.idx.msk $0xffff, v5  }
0xf4: {  	v25 =	vor.u32 $0x1, v3;
	v4 =	vld.idx.msk [tilespmem:v24+s6+$0x0], $0xffff  }
0xf5: {  	v26 =	vor.u32 $0x2, v2;
	_ =	sdelay $0x3  }
0xf6: {  	[tilespmem:v25+s10+$0x0] =	vst.idx.msk $0xffff, v4  }
0xf7: {  	v27 =	vor.u32 $0x2, v3;
	v4 =	vld.idx.msk [tilespmem:v26+s6+$0x0], $0xffff  }
0xf8: {  	v28 =	vor.u32 $0x3, v2;
	_ =	sdelay $0x3  }
0xf9: {  	[tilespmem:v27+s10+$0x0] =	vst.idx.msk $0xffff, v4  }
0xfa: {  	v29 =	vor.u32 $0x3, v3;
	v4 =	vld.idx.msk [tilespmem:v28+s6+$0x0], $0xffff  }
0xfb: {  	v30 =	vor.u32 $0x4, v2;
	_ =	sdelay $0x3  }
0xfc: {  	[tilespmem:v29+s10+$0x0] =	vst.idx.msk $0xffff, v4  }
0xfd: {  	v31 =	vor.u32 $0x4, v3;
	v4 =	vld.idx.msk [tilespmem:v30+s6+$0x0], $0xffff  }
0xfe: {  	v32 =	vor.u32 $0x5, v2;
	_ =	sdelay $0x3  }
0xff: {  	[tilespmem:v31+s10+$0x0] =	vst.idx.msk $0xffff, v4  }
0x100: {  	v33 =	vor.u32 $0x5, v3;
	v4 =	vld.idx.msk [tilespmem:v32+s6+$0x0], $0xffff  }
0x101: {  	v34 =	vor.u32 $0x6, v2;
	_ =	sdelay $0x3  }
0x102: {  	[tilespmem:v33+s10+$0x0] =	vst.idx.msk $0xffff, v4  }
0x103: {  	v35 =	vor.u32 $0x6, v3;
	v4 =	vld.idx.msk [tilespmem:v34+s6+$0x0], $0xffff  }
0x104: {  	v2 =	vor.u32 $0x7, v2;
	_ =	sdelay $0x3  }
0x105: {  	[tilespmem:v35+s10+$0x0] =	vst.idx.msk $0xffff, v4  }
0x106: {  	v3 =	vor.u32 $0x7, v3;
	v2 =	vld.idx.msk [tilespmem:v2+s6+$0x0], $0xffff;
	_ =	sdelay $0x4  }
0x107: {  	[tilespmem:v3+s10+$0x0] =	vst.idx.msk $0xffff, v2  }
0x108: {  	v2 =	vld [tilespmem:s9+$0x10];
	_ =	sdelay $0x3  }
0x109: {  	s30 =	sadd.s32 $0x30, s11  }
0x10a: {  	v3 =	vor.u32 s30, v0;
	v2 =	vshll.u32 v2, $0x3  }
0x10b: {  	vm14 =	vgt.u32 v3, $0xC7  }
0x10c: {  	v36 =	vsel vm14, $0x1FFFF38, v1  }
0x10d: {  	v3 =	vadd.s32 v3, v36  }
0x10e: {  	v37 =	vsel vm14, $0x6400, v1;
	v3 =	vshll.u32 v3, $0x7  }
0x10f: {  	v3 =	vadd.s32 v37, v3;
	v5 =	vld.idx.msk [tilespmem:v2+s6+$0x0], $0xffff  }
0x110: {  	v38 =	vor.u32 $0x1, v2;
	_ =	sdelay $0x3  }
0x111: {  	[tilespmem:v3+s10+$0x0] =	vst.idx.msk $0xffff, v5  }
0x112: {  	v39 =	vor.u32 $0x1, v3;
	v4 =	vld.idx.msk [tilespmem:v38+s6+$0x0], $0xffff  }
0x113: {  	v40 =	vor.u32 $0x2, v2;
	_ =	sdelay $0x3  }
0x114: {  	[tilespmem:v39+s10+$0x0] =	vst.idx.msk $0xffff, v4  }
0x115: {  	v41 =	vor.u32 $0x2, v3;
	v4 =	vld.idx.msk [tilespmem:v40+s6+$0x0], $0xffff  }
0x116: {  	v42 =	vor.u32 $0x3, v2;
	_ =	sdelay $0x3  }
0x117: {  	[tilespmem:v41+s10+$0x0] =	vst.idx.msk $0xffff, v4  }
0x118: {  	v43 =	vor.u32 $0x3, v3;
	v4 =	vld.idx.msk [tilespmem:v42+s6+$0x0], $0xffff  }
0x119: {  	v44 =	vor.u32 $0x4, v2;
	_ =	sdelay $0x3  }
0x11a: {  	[tilespmem:v43+s10+$0x0] =	vst.idx.msk $0xffff, v4  }
0x11b: {  	v45 =	vor.u32 $0x4, v3;
	v4 =	vld.idx.msk [tilespmem:v44+s6+$0x0], $0xffff  }
0x11c: {  	v46 =	vor.u32 $0x5, v2;
	_ =	sdelay $0x3  }
0x11d: {  	[tilespmem:v45+s10+$0x0] =	vst.idx.msk $0xffff, v4  }
0x11e: {  	v47 =	vor.u32 $0x5, v3;
	v4 =	vld.idx.msk [tilespmem:v46+s6+$0x0], $0xffff  }
0x11f: {  	v48 =	vor.u32 $0x6, v2;
	_ =	sdelay $0x3  }
0x120: {  	[tilespmem:v47+s10+$0x0] =	vst.idx.msk $0xffff, v4  }
0x121: {  	v49 =	vor.u32 $0x6, v3;
	v4 =	vld.idx.msk [tilespmem:v48+s6+$0x0], $0xffff  }
0x122: {  	v2 =	vor.u32 $0x7, v2;
	_ =	sdelay $0x3  }
0x123: {  	[tilespmem:v49+s10+$0x0] =	vst.idx.msk $0xffff, v4  }
0x124: {  	v3 =	vor.u32 $0x7, v3;
	v2 =	vld.idx.msk [tilespmem:v2+s6+$0x0], $0xffff;
	_ =	sdelay $0x4  }
0x125: {  	[tilespmem:v3+s10+$0x0] =	vst.idx.msk $0xffff, v2  }
0x126: {  	v2 =	vld [tilespmem:s9+$0x20];
	_ =	sdelay $0x3  }
0x127: {  	s31 =	sadd.s32 $0x40, s11  }
0x128: {  	v3 =	vor.u32 s31, v0;
	v2 =	vshll.u32 v2, $0x3  }
0x129: {  	vm15 =	vgt.u32 v3, $0xC7  }
0x12a: {  	v50 =	vsel vm15, $0x1FFFF38, v1  }
0x12b: {  	v3 =	vadd.s32 v3, v50  }
0x12c: {  	v51 =	vsel vm15, $0x6400, v1;
	v3 =	vshll.u32 v3, $0x7  }
0x12d: {  	v3 =	vadd.s32 v51, v3;
	v5 =	vld.idx.msk [tilespmem:v2+s6+$0x0], $0xffff  }
0x12e: {  	v52 =	vor.u32 $0x1, v2;
	_ =	sdelay $0x3  }
0x12f: {  	[tilespmem:v3+s10+$0x0] =	vst.idx.msk $0xffff, v5  }
0x130: {  	v53 =	vor.u32 $0x1, v3;
	v4 =	vld.idx.msk [tilespmem:v52+s6+$0x0], $0xffff  }
0x131: {  	v54 =	vor.u32 $0x2, v2;
	_ =	sdelay $0x3  }
0x132: {  	[tilespmem:v53+s10+$0x0] =	vst.idx.msk $0xffff, v4  }
0x133: {  	v55 =	vor.u32 $0x2, v3;
	v4 =	vld.idx.msk [tilespmem:v54+s6+$0x0], $0xffff  }
0x134: {  	v56 =	vor.u32 $0x3, v2;
	_ =	sdelay $0x3  }
0x135: {  	[tilespmem:v55+s10+$0x0] =	vst.idx.msk $0xffff, v4  }
0x136: {  	v57 =	vor.u32 $0x3, v3;
	v4 =	vld.idx.msk [tilespmem:v56+s6+$0x0], $0xffff  }
0x137: {  	v58 =	vor.u32 $0x4, v2;
	_ =	sdelay $0x3  }
0x138: {  	[tilespmem:v57+s10+$0x0] =	vst.idx.msk $0xffff, v4  }
0x139: {  	v59 =	vor.u32 $0x4, v3;
	v4 =	vld.idx.msk [tilespmem:v58+s6+$0x0], $0xffff  }
0x13a: {  	v60 =	vor.u32 $0x5, v2;
	_ =	sdelay $0x3  }
0x13b: {  	[tilespmem:v59+s10+$0x0] =	vst.idx.msk $0xffff, v4  }
0x13c: {  	v61 =	vor.u32 $0x5, v3;
	v4 =	vld.idx.msk [tilespmem:v60+s6+$0x0], $0xffff  }
0x13d: {  	v62 =	vor.u32 $0x6, v2;
	_ =	sdelay $0x3  }
0x13e: {  	[tilespmem:v61+s10+$0x0] =	vst.idx.msk $0xffff, v4  }
0x13f: {  	v63 =	vor.u32 $0x6, v3;
	v4 =	vld.idx.msk [tilespmem:v62+s6+$0x0], $0xffff  }
0x140: {  	v2 =	vor.u32 $0x7, v2;
	_ =	sdelay $0x3  }
0x141: {  	s8 =	sadd.s32 $0x5, s8;
	[tilespmem:v63+s10+$0x0] =	vst.idx.msk $0xffff, v4  }
0x142: {  	p0 =	slt.u32 s8, $0x14;
	v3 =	vor.u32 $0x7, v3;
	v2 =	vld.idx.msk [tilespmem:v2+s6+$0x0], $0xffff  }
.Ltmp1:
0x143: {  	_ = 	snop;
	(pc) =	sbr.rel @p0 .LBB2_3-.Ltmp1, $2  }
0x144: {  	_ =	sdelay $0x2  }
0x145: {  	s11 =	sadd.s32 $0x50, s11;
	s9 =	sadd.s32 $0x50, s9;
	[tilespmem:v3+s10+$0x0] =	vst.idx.msk $0xffff, v2  }
0x146: {  	s5 =	smul.u32 $0xC80, s5;
	s6 =	simm.s32 $0xCF80;
	s31 =	sadd.s32 $0x96, s7  }
0x147: {  	s7 =	simm.s32 $0x580;
	s9 =	sor.u32 $0x6, s3;
	s10 =	simm.s32 $0x1  }
0x148: {  	s11 =	simm.s32 $0x3;
	s12 =	simm.s32 $0x780;
	s13 =	simm.s32 $0x380  }
0x149: {  	s14 =	simm.s32 $0x4;
	s8 =	sadd.s32 s4, s5;
	s5 =	simm.s32 $0x0  }
0x14a: {  	[hbm4b:s8+s5] =	stream.linear.scatter [tilespmem:s6], [sflag:$0x2], $0xC800, $0x38;
	[tilespmem:$0x19780] =	vst v63  }
0x14b: {  	s15 =	simm.s32 $0x2;
	s16 =	simm.s32 $0x1;
	s8 =	sor.u32 $0x4, s3  }
0x14c: {  	v0 =	vlaneseq.u32;
	v1 =	vimm.s32 $0x0;
	[tilespmem:s7], [sflag:$0x4] =	stream.linear.gather [hbm4b:s31+s5], $0x190, $0x38;
	[tilespmem:$0x19780] =	vst v63  }
.LBB2_5:
0x14d: {  	_ =	swait.ge [sflag:s11], $0x190  }
0x14e: {  	[sflag:s11] =	ssyncset.done $0x0  }
0x14f: {  	[sflag:s11] =	ssyncadd.s32 $0xFFFFFE70  }
0x150: {  	_ =	swait.ge [sflag:s10], $0xC800  }
0x151: {  	s17 =	simm.s32 $0xFFFFFFFB;
	[sflag:s10] =	ssyncset.done $0x0  }
0x152: {  	s18 =	simm.s32 $0x3A0;
	s19 =	simm.s32 $0x0;
	[sflag:s10] =	ssyncadd.s32 $0xFFFF3800  }
.LBB2_6:
0x153: {  	v2 =	vld [tilespmem:s18+$0xFFFFFFE0];
	_ =	sdelay $0x4  }
0x154: {  	v3 =	vor.u32 s19, v0;
	v2 =	vshll.u32 v2, $0x3  }
0x155: {  	vm0 =	vgt.u32 v3, $0xC7  }
0x156: {  	v4 =	vsel vm0, $0x1FFFF38, v1  }
0x157: {  	v3 =	vadd.s32 v3, v4  }
0x158: {  	v52 =	vsel vm0, $0x6400, v1;
	v3 =	vshll.u32 v3, $0x7  }
0x159: {  	v3 =	vadd.s32 v52, v3;
	v5 =	vld.idx.msk [tilespmem:v2+s5+$0x0], $0xffff  }
0x15a: {  	v53 =	vor.u32 $0x1, v2;
	_ =	sdelay $0x3  }
0x15b: {  	[tilespmem:v3+s12+$0x0] =	vst.idx.msk $0xffff, v5  }
0x15c: {  	v54 =	vor.u32 $0x1, v3;
	v4 =	vld.idx.msk [tilespmem:v53+s5+$0x0], $0xffff  }
0x15d: {  	v6 =	vor.u32 $0x2, v2;
	_ =	sdelay $0x3  }
0x15e: {  	[tilespmem:v54+s12+$0x0] =	vst.idx.msk $0xffff, v4  }
0x15f: {  	v55 =	vor.u32 $0x2, v3;
	v4 =	vld.idx.msk [tilespmem:v6+s5+$0x0], $0xffff  }
0x160: {  	v56 =	vor.u32 $0x3, v2;
	_ =	sdelay $0x3  }
0x161: {  	[tilespmem:v55+s12+$0x0] =	vst.idx.msk $0xffff, v4  }
0x162: {  	v57 =	vor.u32 $0x3, v3;
	v4 =	vld.idx.msk [tilespmem:v56+s5+$0x0], $0xffff  }
0x163: {  	v58 =	vor.u32 $0x4, v2;
	_ =	sdelay $0x3  }
0x164: {  	[tilespmem:v57+s12+$0x0] =	vst.idx.msk $0xffff, v4  }
0x165: {  	v59 =	vor.u32 $0x4, v3;
	v4 =	vld.idx.msk [tilespmem:v58+s5+$0x0], $0xffff  }
0x166: {  	v60 =	vor.u32 $0x5, v2;
	_ =	sdelay $0x3  }
0x167: {  	[tilespmem:v59+s12+$0x0] =	vst.idx.msk $0xffff, v4  }
0x168: {  	v61 =	vor.u32 $0x5, v3;
	v4 =	vld.idx.msk [tilespmem:v60+s5+$0x0], $0xffff  }
0x169: {  	v62 =	vor.u32 $0x6, v2;
	_ =	sdelay $0x3  }
0x16a: {  	[tilespmem:v61+s12+$0x0] =	vst.idx.msk $0xffff, v4  }
0x16b: {  	v63 =	vor.u32 $0x6, v3;
	v4 =	vld.idx.msk [tilespmem:v62+s5+$0x0], $0xffff  }
0x16c: {  	v2 =	vor.u32 $0x7, v2;
	_ =	sdelay $0x3  }
0x16d: {  	[tilespmem:v63+s12+$0x0] =	vst.idx.msk $0xffff, v4  }
0x16e: {  	v3 =	vor.u32 $0x7, v3;
	v2 =	vld.idx.msk [tilespmem:v2+s5+$0x0], $0xffff;
	_ =	sdelay $0x4  }
0x16f: {  	[tilespmem:v3+s12+$0x0] =	vst.idx.msk $0xffff, v2  }
0x170: {  	v2 =	vld [tilespmem:s18+$0xFFFFFFF0];
	_ =	sdelay $0x3  }
0x171: {  	s20 =	sadd.s32 $0x10, s19  }
0x172: {  	v3 =	vor.u32 s20, v0;
	v2 =	vshll.u32 v2, $0x3  }
0x173: {  	vm12 =	vgt.u32 v3, $0xC7  }
0x174: {  	v8 =	vsel vm12, $0x1FFFF38, v1  }
0x175: {  	v3 =	vadd.s32 v3, v8  }
0x176: {  	v9 =	vsel vm12, $0x6400, v1;
	v3 =	vshll.u32 v3, $0x7  }
0x177: {  	v3 =	vadd.s32 v9, v3;
	v5 =	vld.idx.msk [tilespmem:v2+s5+$0x0], $0xffff  }
0x178: {  	v10 =	vor.u32 $0x1, v2;
	_ =	sdelay $0x3  }
0x179: {  	[tilespmem:v3+s12+$0x0] =	vst.idx.msk $0xffff, v5  }
0x17a: {  	v11 =	vor.u32 $0x1, v3;
	v4 =	vld.idx.msk [tilespmem:v10+s5+$0x0], $0xffff  }
0x17b: {  	v12 =	vor.u32 $0x2, v2;
	_ =	sdelay $0x3  }
0x17c: {  	[tilespmem:v11+s12+$0x0] =	vst.idx.msk $0xffff, v4  }
0x17d: {  	v13 =	vor.u32 $0x2, v3;
	v4 =	vld.idx.msk [tilespmem:v12+s5+$0x0], $0xffff  }
0x17e: {  	v14 =	vor.u32 $0x3, v2;
	_ =	sdelay $0x3  }
0x17f: {  	[tilespmem:v13+s12+$0x0] =	vst.idx.msk $0xffff, v4  }
0x180: {  	v15 =	vor.u32 $0x3, v3;
	v4 =	vld.idx.msk [tilespmem:v14+s5+$0x0], $0xffff  }
0x181: {  	v16 =	vor.u32 $0x4, v2;
	_ =	sdelay $0x3  }
0x182: {  	[tilespmem:v15+s12+$0x0] =	vst.idx.msk $0xffff, v4  }
0x183: {  	v17 =	vor.u32 $0x4, v3;
	v4 =	vld.idx.msk [tilespmem:v16+s5+$0x0], $0xffff  }
0x184: {  	v18 =	vor.u32 $0x5, v2;
	_ =	sdelay $0x3  }
0x185: {  	[tilespmem:v17+s12+$0x0] =	vst.idx.msk $0xffff, v4  }
0x186: {  	v19 =	vor.u32 $0x5, v3;
	v4 =	vld.idx.msk [tilespmem:v18+s5+$0x0], $0xffff  }
0x187: {  	v20 =	vor.u32 $0x6, v2;
	_ =	sdelay $0x3  }
0x188: {  	[tilespmem:v19+s12+$0x0] =	vst.idx.msk $0xffff, v4  }
0x189: {  	v21 =	vor.u32 $0x6, v3;
	v4 =	vld.idx.msk [tilespmem:v20+s5+$0x0], $0xffff  }
0x18a: {  	v2 =	vor.u32 $0x7, v2;
	_ =	sdelay $0x3  }
0x18b: {  	[tilespmem:v21+s12+$0x0] =	vst.idx.msk $0xffff, v4  }
0x18c: {  	v3 =	vor.u32 $0x7, v3;
	v2 =	vld.idx.msk [tilespmem:v2+s5+$0x0], $0xffff;
	_ =	sdelay $0x4  }
0x18d: {  	[tilespmem:v3+s12+$0x0] =	vst.idx.msk $0xffff, v2  }
0x18e: {  	v2 =	vld [tilespmem:s18+$0x0];
	_ =	sdelay $0x3  }
0x18f: {  	s29 =	sadd.s32 $0x20, s19  }
0x190: {  	v3 =	vor.u32 s29, v0;
	v2 =	vshll.u32 v2, $0x3  }
0x191: {  	vm13 =	vgt.u32 v3, $0xC7  }
0x192: {  	v22 =	vsel vm13, $0x1FFFF38, v1  }
0x193: {  	v3 =	vadd.s32 v3, v22  }
0x194: {  	v23 =	vsel vm13, $0x6400, v1;
	v3 =	vshll.u32 v3, $0x7  }
0x195: {  	v3 =	vadd.s32 v23, v3;
	v5 =	vld.idx.msk [tilespmem:v2+s5+$0x0], $0xffff  }
0x196: {  	v24 =	vor.u32 $0x1, v2;
	_ =	sdelay $0x3  }
0x197: {  	[tilespmem:v3+s12+$0x0] =	vst.idx.msk $0xffff, v5  }
0x198: {  	v25 =	vor.u32 $0x1, v3;
	v4 =	vld.idx.msk [tilespmem:v24+s5+$0x0], $0xffff  }
0x199: {  	v26 =	vor.u32 $0x2, v2;
	_ =	sdelay $0x3  }
0x19a: {  	[tilespmem:v25+s12+$0x0] =	vst.idx.msk $0xffff, v4  }
0x19b: {  	v27 =	vor.u32 $0x2, v3;
	v4 =	vld.idx.msk [tilespmem:v26+s5+$0x0], $0xffff  }
0x19c: {  	v28 =	vor.u32 $0x3, v2;
	_ =	sdelay $0x3  }
0x19d: {  	[tilespmem:v27+s12+$0x0] =	vst.idx.msk $0xffff, v4  }
0x19e: {  	v29 =	vor.u32 $0x3, v3;
	v4 =	vld.idx.msk [tilespmem:v28+s5+$0x0], $0xffff  }
0x19f: {  	v30 =	vor.u32 $0x4, v2;
	_ =	sdelay $0x3  }
0x1a0: {  	[tilespmem:v29+s12+$0x0] =	vst.idx.msk $0xffff, v4  }
0x1a1: {  	v31 =	vor.u32 $0x4, v3;
	v4 =	vld.idx.msk [tilespmem:v30+s5+$0x0], $0xffff  }
0x1a2: {  	v32 =	vor.u32 $0x5, v2;
	_ =	sdelay $0x3  }
0x1a3: {  	[tilespmem:v31+s12+$0x0] =	vst.idx.msk $0xffff, v4  }
0x1a4: {  	v33 =	vor.u32 $0x5, v3;
	v4 =	vld.idx.msk [tilespmem:v32+s5+$0x0], $0xffff  }
0x1a5: {  	v34 =	vor.u32 $0x6, v2;
	_ =	sdelay $0x3  }
0x1a6: {  	[tilespmem:v33+s12+$0x0] =	vst.idx.msk $0xffff, v4  }
0x1a7: {  	v35 =	vor.u32 $0x6, v3;
	v4 =	vld.idx.msk [tilespmem:v34+s5+$0x0], $0xffff  }
0x1a8: {  	v2 =	vor.u32 $0x7, v2;
	_ =	sdelay $0x3  }
0x1a9: {  	[tilespmem:v35+s12+$0x0] =	vst.idx.msk $0xffff, v4  }
0x1aa: {  	v3 =	vor.u32 $0x7, v3;
	v2 =	vld.idx.msk [tilespmem:v2+s5+$0x0], $0xffff;
	_ =	sdelay $0x4  }
0x1ab: {  	[tilespmem:v3+s12+$0x0] =	vst.idx.msk $0xffff, v2  }
0x1ac: {  	v2 =	vld [tilespmem:s18+$0x10];
	_ =	sdelay $0x3  }
0x1ad: {  	s30 =	sadd.s32 $0x30, s19  }
0x1ae: {  	v3 =	vor.u32 s30, v0;
	v2 =	vshll.u32 v2, $0x3  }
0x1af: {  	vm14 =	vgt.u32 v3, $0xC7  }
0x1b0: {  	v36 =	vsel vm14, $0x1FFFF38, v1  }
0x1b1: {  	v3 =	vadd.s32 v3, v36  }
0x1b2: {  	v37 =	vsel vm14, $0x6400, v1;
	v3 =	vshll.u32 v3, $0x7  }
0x1b3: {  	v3 =	vadd.s32 v37, v3;
	v5 =	vld.idx.msk [tilespmem:v2+s5+$0x0], $0xffff  }
0x1b4: {  	v38 =	vor.u32 $0x1, v2;
	_ =	sdelay $0x3  }
0x1b5: {  	[tilespmem:v3+s12+$0x0] =	vst.idx.msk $0xffff, v5  }
0x1b6: {  	v39 =	vor.u32 $0x1, v3;
	v4 =	vld.idx.msk [tilespmem:v38+s5+$0x0], $0xffff  }
0x1b7: {  	v40 =	vor.u32 $0x2, v2;
	_ =	sdelay $0x3  }
0x1b8: {  	[tilespmem:v39+s12+$0x0] =	vst.idx.msk $0xffff, v4  }
0x1b9: {  	v41 =	vor.u32 $0x2, v3;
	v4 =	vld.idx.msk [tilespmem:v40+s5+$0x0], $0xffff  }
0x1ba: {  	v42 =	vor.u32 $0x3, v2;
	_ =	sdelay $0x3  }
0x1bb: {  	[tilespmem:v41+s12+$0x0] =	vst.idx.msk $0xffff, v4  }
0x1bc: {  	v43 =	vor.u32 $0x3, v3;
	v4 =	vld.idx.msk [tilespmem:v42+s5+$0x0], $0xffff  }
0x1bd: {  	v44 =	vor.u32 $0x4, v2;
	_ =	sdelay $0x3  }
0x1be: {  	[tilespmem:v43+s12+$0x0] =	vst.idx.msk $0xffff, v4  }
0x1bf: {  	v45 =	vor.u32 $0x4, v3;
	v4 =	vld.idx.msk [tilespmem:v44+s5+$0x0], $0xffff  }
0x1c0: {  	v46 =	vor.u32 $0x5, v2;
	_ =	sdelay $0x3  }
0x1c1: {  	[tilespmem:v45+s12+$0x0] =	vst.idx.msk $0xffff, v4  }
0x1c2: {  	v47 =	vor.u32 $0x5, v3;
	v4 =	vld.idx.msk [tilespmem:v46+s5+$0x0], $0xffff  }
0x1c3: {  	v48 =	vor.u32 $0x6, v2;
	_ =	sdelay $0x3  }
0x1c4: {  	[tilespmem:v47+s12+$0x0] =	vst.idx.msk $0xffff, v4  }
0x1c5: {  	v49 =	vor.u32 $0x6, v3;
	v4 =	vld.idx.msk [tilespmem:v48+s5+$0x0], $0xffff  }
0x1c6: {  	v2 =	vor.u32 $0x7, v2;
	_ =	sdelay $0x3  }
0x1c7: {  	[tilespmem:v49+s12+$0x0] =	vst.idx.msk $0xffff, v4  }
0x1c8: {  	v3 =	vor.u32 $0x7, v3;
	v2 =	vld.idx.msk [tilespmem:v2+s5+$0x0], $0xffff;
	_ =	sdelay $0x4  }
0x1c9: {  	[tilespmem:v3+s12+$0x0] =	vst.idx.msk $0xffff, v2  }
0x1ca: {  	v2 =	vld [tilespmem:s18+$0x20];
	_ =	sdelay $0x3  }
0x1cb: {  	s31 =	sadd.s32 $0x40, s19  }
0x1cc: {  	v3 =	vor.u32 s31, v0;
	v2 =	vshll.u32 v2, $0x3  }
0x1cd: {  	vm15 =	vgt.u32 v3, $0xC7  }
0x1ce: {  	v50 =	vsel vm15, $0x1FFFF38, v1  }
0x1cf: {  	v3 =	vadd.s32 v3, v50  }
0x1d0: {  	v51 =	vsel vm15, $0x6400, v1;
	v3 =	vshll.u32 v3, $0x7  }
0x1d1: {  	v3 =	vadd.s32 v51, v3;
	v5 =	vld.idx.msk [tilespmem:v2+s5+$0x0], $0xffff  }
0x1d2: {  	v52 =	vor.u32 $0x1, v2;
	_ =	sdelay $0x3  }
0x1d3: {  	[tilespmem:v3+s12+$0x0] =	vst.idx.msk $0xffff, v5  }
0x1d4: {  	v53 =	vor.u32 $0x1, v3;
	v4 =	vld.idx.msk [tilespmem:v52+s5+$0x0], $0xffff  }
0x1d5: {  	v54 =	vor.u32 $0x2, v2;
	_ =	sdelay $0x3  }
0x1d6: {  	[tilespmem:v53+s12+$0x0] =	vst.idx.msk $0xffff, v4  }
0x1d7: {  	v55 =	vor.u32 $0x2, v3;
	v4 =	vld.idx.msk [tilespmem:v54+s5+$0x0], $0xffff  }
0x1d8: {  	v56 =	vor.u32 $0x3, v2;
	_ =	sdelay $0x3  }
0x1d9: {  	[tilespmem:v55+s12+$0x0] =	vst.idx.msk $0xffff, v4  }
0x1da: {  	v57 =	vor.u32 $0x3, v3;
	v4 =	vld.idx.msk [tilespmem:v56+s5+$0x0], $0xffff  }
0x1db: {  	v58 =	vor.u32 $0x4, v2;
	_ =	sdelay $0x3  }
0x1dc: {  	[tilespmem:v57+s12+$0x0] =	vst.idx.msk $0xffff, v4  }
0x1dd: {  	v59 =	vor.u32 $0x4, v3;
	v4 =	vld.idx.msk [tilespmem:v58+s5+$0x0], $0xffff  }
0x1de: {  	v60 =	vor.u32 $0x5, v2;
	_ =	sdelay $0x3  }
0x1df: {  	[tilespmem:v59+s12+$0x0] =	vst.idx.msk $0xffff, v4  }
0x1e0: {  	v61 =	vor.u32 $0x5, v3;
	v4 =	vld.idx.msk [tilespmem:v60+s5+$0x0], $0xffff  }
0x1e1: {  	v62 =	vor.u32 $0x6, v2;
	_ =	sdelay $0x3  }
0x1e2: {  	[tilespmem:v61+s12+$0x0] =	vst.idx.msk $0xffff, v4  }
0x1e3: {  	v63 =	vor.u32 $0x6, v3;
	v4 =	vld.idx.msk [tilespmem:v62+s5+$0x0], $0xffff  }
0x1e4: {  	v2 =	vor.u32 $0x7, v2;
	_ =	sdelay $0x3  }
0x1e5: {  	s17 =	sadd.s32 $0x5, s17;
	[tilespmem:v63+s12+$0x0] =	vst.idx.msk $0xffff, v4  }
0x1e6: {  	p0 =	slt.u32 s17, $0x14;
	v3 =	vor.u32 $0x7, v3;
	v2 =	vld.idx.msk [tilespmem:v2+s5+$0x0], $0xffff  }
.Ltmp2:
0x1e7: {  	_ = 	snop;
	(pc) =	sbr.rel @p0 .LBB2_6-.Ltmp2, $2  }
0x1e8: {  	_ =	sdelay $0x2  }
0x1e9: {  	s19 =	sadd.s32 $0x50, s19;
	s18 =	sadd.s32 $0x50, s18;
	[tilespmem:v3+s12+$0x0] =	vst.idx.msk $0xffff, v2  }
0x1ea: {  	s18 =	sshll.u32 s16, $0x1;
	s17 =	sshll.u32 s16, $0x2  }
0x1eb: {  	s19 =	sadd.s32 s3, s17;
	s18 =	smin.u32 s18, $0xFC  }
0x1ec: {  	s19 =	smul.u32 $0xC80, s19;
	s18 =	sshll.u32 s18, $0x1  }
0x1ed: {  	s20 =	sadd.s32 s18, s8  }
0x1ee: {  	s21 =	sadd.s32 s4, s19;
	s19 =	simm.s32 $0x0;
	s20 =	smul.u32 $0x19, s20  }
0x1ef: {  	[hbm4b:s21+s19] =	stream.linear.scatter [tilespmem:s12], [sflag:$0x1], $0xC800, $0x38;
	[tilespmem:$0x19780] =	vst v63  }
0x1f0: {  	s20 =	sadd.s32 s2, s20  }
0x1f1: {  	[tilespmem:s13], [sflag:$0x3] =	stream.linear.gather [hbm4b:s20+s19], $0x190, $0x38;
	[tilespmem:$0x19780] =	vst v63  }
0x1f2: {  	_ =	swait.ge [sflag:s14], $0x190  }
0x1f3: {  	[sflag:s14] =	ssyncset.done $0x0  }
0x1f4: {  	[sflag:s14] =	ssyncadd.s32 $0xFFFFFE70  }
0x1f5: {  	_ =	swait.ge [sflag:s15], $0xC800  }
0x1f6: {  	[sflag:s15] =	ssyncset.done $0x0  }
0x1f7: {  	s21 =	simm.s32 $0x5A0;
	s20 =	simm.s32 $0xFFFFFFFB;
	[sflag:s15] =	ssyncadd.s32 $0xFFFF3800  }
.LBB2_8:
0x1f8: {  	v2 =	vld [tilespmem:s21+$0xFFFFFFE0];
	_ =	sdelay $0x4  }
0x1f9: {  	v3 =	vor.u32 s19, v0;
	v2 =	vshll.u32 v2, $0x3  }
0x1fa: {  	vm0 =	vgt.u32 v3, $0xC7  }
0x1fb: {  	v4 =	vsel vm0, $0x1FFFF38, v1  }
0x1fc: {  	v3 =	vadd.s32 v3, v4  }
0x1fd: {  	v52 =	vsel vm0, $0x6400, v1;
	v3 =	vshll.u32 v3, $0x7  }
0x1fe: {  	v3 =	vadd.s32 v52, v3;
	v5 =	vld.idx.msk [tilespmem:v2+s5+$0x0], $0xffff  }
0x1ff: {  	v53 =	vor.u32 $0x1, v2;
	_ =	sdelay $0x3  }
0x200: {  	[tilespmem:v3+s6+$0x0] =	vst.idx.msk $0xffff, v5  }
0x201: {  	v54 =	vor.u32 $0x1, v3;
	v4 =	vld.idx.msk [tilespmem:v53+s5+$0x0], $0xffff  }
0x202: {  	v6 =	vor.u32 $0x2, v2;
	_ =	sdelay $0x3  }
0x203: {  	[tilespmem:v54+s6+$0x0] =	vst.idx.msk $0xffff, v4  }
0x204: {  	v55 =	vor.u32 $0x2, v3;
	v4 =	vld.idx.msk [tilespmem:v6+s5+$0x0], $0xffff  }
0x205: {  	v56 =	vor.u32 $0x3, v2;
	_ =	sdelay $0x3  }
0x206: {  	[tilespmem:v55+s6+$0x0] =	vst.idx.msk $0xffff, v4  }
0x207: {  	v57 =	vor.u32 $0x3, v3;
	v4 =	vld.idx.msk [tilespmem:v56+s5+$0x0], $0xffff  }
0x208: {  	v58 =	vor.u32 $0x4, v2;
	_ =	sdelay $0x3  }
0x209: {  	[tilespmem:v57+s6+$0x0] =	vst.idx.msk $0xffff, v4  }
0x20a: {  	v59 =	vor.u32 $0x4, v3;
	v4 =	vld.idx.msk [tilespmem:v58+s5+$0x0], $0xffff  }
0x20b: {  	v60 =	vor.u32 $0x5, v2;
	_ =	sdelay $0x3  }
0x20c: {  	[tilespmem:v59+s6+$0x0] =	vst.idx.msk $0xffff, v4  }
0x20d: {  	v61 =	vor.u32 $0x5, v3;
	v4 =	vld.idx.msk [tilespmem:v60+s5+$0x0], $0xffff  }
0x20e: {  	v62 =	vor.u32 $0x6, v2;
	_ =	sdelay $0x3  }
0x20f: {  	[tilespmem:v61+s6+$0x0] =	vst.idx.msk $0xffff, v4  }
0x210: {  	v63 =	vor.u32 $0x6, v3;
	v4 =	vld.idx.msk [tilespmem:v62+s5+$0x0], $0xffff  }
0x211: {  	v2 =	vor.u32 $0x7, v2;
	_ =	sdelay $0x3  }
0x212: {  	[tilespmem:v63+s6+$0x0] =	vst.idx.msk $0xffff, v4  }
0x213: {  	v3 =	vor.u32 $0x7, v3;
	v2 =	vld.idx.msk [tilespmem:v2+s5+$0x0], $0xffff;
	_ =	sdelay $0x4  }
0x214: {  	[tilespmem:v3+s6+$0x0] =	vst.idx.msk $0xffff, v2  }
0x215: {  	v2 =	vld [tilespmem:s21+$0xFFFFFFF0];
	_ =	sdelay $0x3  }
0x216: {  	s22 =	sadd.s32 $0x10, s19  }
0x217: {  	v3 =	vor.u32 s22, v0;
	v2 =	vshll.u32 v2, $0x3  }
0x218: {  	vm12 =	vgt.u32 v3, $0xC7  }
0x219: {  	v8 =	vsel vm12, $0x1FFFF38, v1  }
0x21a: {  	v3 =	vadd.s32 v3, v8  }
0x21b: {  	v9 =	vsel vm12, $0x6400, v1;
	v3 =	vshll.u32 v3, $0x7  }
0x21c: {  	v3 =	vadd.s32 v9, v3;
	v5 =	vld.idx.msk [tilespmem:v2+s5+$0x0], $0xffff  }
0x21d: {  	v10 =	vor.u32 $0x1, v2;
	_ =	sdelay $0x3  }
0x21e: {  	[tilespmem:v3+s6+$0x0] =	vst.idx.msk $0xffff, v5  }
0x21f: {  	v11 =	vor.u32 $0x1, v3;
	v4 =	vld.idx.msk [tilespmem:v10+s5+$0x0], $0xffff  }
0x220: {  	v12 =	vor.u32 $0x2, v2;
	_ =	sdelay $0x3  }
0x221: {  	[tilespmem:v11+s6+$0x0] =	vst.idx.msk $0xffff, v4  }
0x222: {  	v13 =	vor.u32 $0x2, v3;
	v4 =	vld.idx.msk [tilespmem:v12+s5+$0x0], $0xffff  }
0x223: {  	v14 =	vor.u32 $0x3, v2;
	_ =	sdelay $0x3  }
0x224: {  	[tilespmem:v13+s6+$0x0] =	vst.idx.msk $0xffff, v4  }
0x225: {  	v15 =	vor.u32 $0x3, v3;
	v4 =	vld.idx.msk [tilespmem:v14+s5+$0x0], $0xffff  }
0x226: {  	v16 =	vor.u32 $0x4, v2;
	_ =	sdelay $0x3  }
0x227: {  	[tilespmem:v15+s6+$0x0] =	vst.idx.msk $0xffff, v4  }
0x228: {  	v17 =	vor.u32 $0x4, v3;
	v4 =	vld.idx.msk [tilespmem:v16+s5+$0x0], $0xffff  }
0x229: {  	v18 =	vor.u32 $0x5, v2;
	_ =	sdelay $0x3  }
0x22a: {  	[tilespmem:v17+s6+$0x0] =	vst.idx.msk $0xffff, v4  }
0x22b: {  	v19 =	vor.u32 $0x5, v3;
	v4 =	vld.idx.msk [tilespmem:v18+s5+$0x0], $0xffff  }
0x22c: {  	v20 =	vor.u32 $0x6, v2;
	_ =	sdelay $0x3  }
0x22d: {  	[tilespmem:v19+s6+$0x0] =	vst.idx.msk $0xffff, v4  }
0x22e: {  	v21 =	vor.u32 $0x6, v3;
	v4 =	vld.idx.msk [tilespmem:v20+s5+$0x0], $0xffff  }
0x22f: {  	v2 =	vor.u32 $0x7, v2;
	_ =	sdelay $0x3  }
0x230: {  	[tilespmem:v21+s6+$0x0] =	vst.idx.msk $0xffff, v4  }
0x231: {  	v3 =	vor.u32 $0x7, v3;
	v2 =	vld.idx.msk [tilespmem:v2+s5+$0x0], $0xffff;
	_ =	sdelay $0x4  }
0x232: {  	[tilespmem:v3+s6+$0x0] =	vst.idx.msk $0xffff, v2  }
0x233: {  	v2 =	vld [tilespmem:s21+$0x0];
	_ =	sdelay $0x3  }
0x234: {  	s29 =	sadd.s32 $0x20, s19  }
0x235: {  	v3 =	vor.u32 s29, v0;
	v2 =	vshll.u32 v2, $0x3  }
0x236: {  	vm13 =	vgt.u32 v3, $0xC7  }
0x237: {  	v22 =	vsel vm13, $0x1FFFF38, v1  }
0x238: {  	v3 =	vadd.s32 v3, v22  }
0x239: {  	v23 =	vsel vm13, $0x6400, v1;
	v3 =	vshll.u32 v3, $0x7  }
0x23a: {  	v3 =	vadd.s32 v23, v3;
	v5 =	vld.idx.msk [tilespmem:v2+s5+$0x0], $0xffff  }
0x23b: {  	v24 =	vor.u32 $0x1, v2;
	_ =	sdelay $0x3  }
0x23c: {  	[tilespmem:v3+s6+$0x0] =	vst.idx.msk $0xffff, v5  }
0x23d: {  	v25 =	vor.u32 $0x1, v3;
	v4 =	vld.idx.msk [tilespmem:v24+s5+$0x0], $0xffff  }
0x23e: {  	v26 =	vor.u32 $0x2, v2;
	_ =	sdelay $0x3  }
0x23f: {  	[tilespmem:v25+s6+$0x0] =	vst.idx.msk $0xffff, v4  }
0x240: {  	v27 =	vor.u32 $0x2, v3;
	v4 =	vld.idx.msk [tilespmem:v26+s5+$0x0], $0xffff  }
0x241: {  	v28 =	vor.u32 $0x3, v2;
	_ =	sdelay $0x3  }
0x242: {  	[tilespmem:v27+s6+$0x0] =	vst.idx.msk $0xffff, v4  }
0x243: {  	v29 =	vor.u32 $0x3, v3;
	v4 =	vld.idx.msk [tilespmem:v28+s5+$0x0], $0xffff  }
0x244: {  	v30 =	vor.u32 $0x4, v2;
	_ =	sdelay $0x3  }
0x245: {  	[tilespmem:v29+s6+$0x0] =	vst.idx.msk $0xffff, v4  }
0x246: {  	v31 =	vor.u32 $0x4, v3;
	v4 =	vld.idx.msk [tilespmem:v30+s5+$0x0], $0xffff  }
0x247: {  	v32 =	vor.u32 $0x5, v2;
	_ =	sdelay $0x3  }
0x248: {  	[tilespmem:v31+s6+$0x0] =	vst.idx.msk $0xffff, v4  }
0x249: {  	v33 =	vor.u32 $0x5, v3;
	v4 =	vld.idx.msk [tilespmem:v32+s5+$0x0], $0xffff  }
0x24a: {  	v34 =	vor.u32 $0x6, v2;
	_ =	sdelay $0x3  }
0x24b: {  	[tilespmem:v33+s6+$0x0] =	vst.idx.msk $0xffff, v4  }
0x24c: {  	v35 =	vor.u32 $0x6, v3;
	v4 =	vld.idx.msk [tilespmem:v34+s5+$0x0], $0xffff  }
0x24d: {  	v2 =	vor.u32 $0x7, v2;
	_ =	sdelay $0x3  }
0x24e: {  	[tilespmem:v35+s6+$0x0] =	vst.idx.msk $0xffff, v4  }
0x24f: {  	v3 =	vor.u32 $0x7, v3;
	v2 =	vld.idx.msk [tilespmem:v2+s5+$0x0], $0xffff;
	_ =	sdelay $0x4  }
0x250: {  	[tilespmem:v3+s6+$0x0] =	vst.idx.msk $0xffff, v2  }
0x251: {  	v2 =	vld [tilespmem:s21+$0x10];
	_ =	sdelay $0x3  }
0x252: {  	s30 =	sadd.s32 $0x30, s19  }
0x253: {  	v3 =	vor.u32 s30, v0;
	v2 =	vshll.u32 v2, $0x3  }
0x254: {  	vm14 =	vgt.u32 v3, $0xC7  }
0x255: {  	v36 =	vsel vm14, $0x1FFFF38, v1  }
0x256: {  	v3 =	vadd.s32 v3, v36  }
0x257: {  	v37 =	vsel vm14, $0x6400, v1;
	v3 =	vshll.u32 v3, $0x7  }
0x258: {  	v3 =	vadd.s32 v37, v3;
	v5 =	vld.idx.msk [tilespmem:v2+s5+$0x0], $0xffff  }
0x259: {  	v38 =	vor.u32 $0x1, v2;
	_ =	sdelay $0x3  }
0x25a: {  	[tilespmem:v3+s6+$0x0] =	vst.idx.msk $0xffff, v5  }
0x25b: {  	v39 =	vor.u32 $0x1, v3;
	v4 =	vld.idx.msk [tilespmem:v38+s5+$0x0], $0xffff  }
0x25c: {  	v40 =	vor.u32 $0x2, v2;
	_ =	sdelay $0x3  }
0x25d: {  	[tilespmem:v39+s6+$0x0] =	vst.idx.msk $0xffff, v4  }
0x25e: {  	v41 =	vor.u32 $0x2, v3;
	v4 =	vld.idx.msk [tilespmem:v40+s5+$0x0], $0xffff  }
0x25f: {  	v42 =	vor.u32 $0x3, v2;
	_ =	sdelay $0x3  }
0x260: {  	[tilespmem:v41+s6+$0x0] =	vst.idx.msk $0xffff, v4  }
0x261: {  	v43 =	vor.u32 $0x3, v3;
	v4 =	vld.idx.msk [tilespmem:v42+s5+$0x0], $0xffff  }
0x262: {  	v44 =	vor.u32 $0x4, v2;
	_ =	sdelay $0x3  }
0x263: {  	[tilespmem:v43+s6+$0x0] =	vst.idx.msk $0xffff, v4  }
0x264: {  	v45 =	vor.u32 $0x4, v3;
	v4 =	vld.idx.msk [tilespmem:v44+s5+$0x0], $0xffff  }
0x265: {  	v46 =	vor.u32 $0x5, v2;
	_ =	sdelay $0x3  }
0x266: {  	[tilespmem:v45+s6+$0x0] =	vst.idx.msk $0xffff, v4  }
0x267: {  	v47 =	vor.u32 $0x5, v3;
	v4 =	vld.idx.msk [tilespmem:v46+s5+$0x0], $0xffff  }
0x268: {  	v48 =	vor.u32 $0x6, v2;
	_ =	sdelay $0x3  }
0x269: {  	[tilespmem:v47+s6+$0x0] =	vst.idx.msk $0xffff, v4  }
0x26a: {  	v49 =	vor.u32 $0x6, v3;
	v4 =	vld.idx.msk [tilespmem:v48+s5+$0x0], $0xffff  }
0x26b: {  	v2 =	vor.u32 $0x7, v2;
	_ =	sdelay $0x3  }
0x26c: {  	[tilespmem:v49+s6+$0x0] =	vst.idx.msk $0xffff, v4  }
0x26d: {  	v3 =	vor.u32 $0x7, v3;
	v2 =	vld.idx.msk [tilespmem:v2+s5+$0x0], $0xffff;
	_ =	sdelay $0x4  }
0x26e: {  	[tilespmem:v3+s6+$0x0] =	vst.idx.msk $0xffff, v2  }
0x26f: {  	v2 =	vld [tilespmem:s21+$0x20];
	_ =	sdelay $0x3  }
0x270: {  	s31 =	sadd.s32 $0x40, s19  }
0x271: {  	v3 =	vor.u32 s31, v0;
	v2 =	vshll.u32 v2, $0x3  }
0x272: {  	vm15 =	vgt.u32 v3, $0xC7  }
0x273: {  	v50 =	vsel vm15, $0x1FFFF38, v1  }
0x274: {  	v3 =	vadd.s32 v3, v50  }
0x275: {  	v51 =	vsel vm15, $0x6400, v1;
	v3 =	vshll.u32 v3, $0x7  }
0x276: {  	v3 =	vadd.s32 v51, v3;
	v5 =	vld.idx.msk [tilespmem:v2+s5+$0x0], $0xffff  }
0x277: {  	v52 =	vor.u32 $0x1, v2;
	_ =	sdelay $0x3  }
0x278: {  	[tilespmem:v3+s6+$0x0] =	vst.idx.msk $0xffff, v5  }
0x279: {  	v53 =	vor.u32 $0x1, v3;
	v4 =	vld.idx.msk [tilespmem:v52+s5+$0x0], $0xffff  }
0x27a: {  	v54 =	vor.u32 $0x2, v2;
	_ =	sdelay $0x3  }
0x27b: {  	[tilespmem:v53+s6+$0x0] =	vst.idx.msk $0xffff, v4  }
0x27c: {  	v55 =	vor.u32 $0x2, v3;
	v4 =	vld.idx.msk [tilespmem:v54+s5+$0x0], $0xffff  }
0x27d: {  	v56 =	vor.u32 $0x3, v2;
	_ =	sdelay $0x3  }
0x27e: {  	[tilespmem:v55+s6+$0x0] =	vst.idx.msk $0xffff, v4  }
0x27f: {  	v57 =	vor.u32 $0x3, v3;
	v4 =	vld.idx.msk [tilespmem:v56+s5+$0x0], $0xffff  }
0x280: {  	v58 =	vor.u32 $0x4, v2;
	_ =	sdelay $0x3  }
0x281: {  	[tilespmem:v57+s6+$0x0] =	vst.idx.msk $0xffff, v4  }
0x282: {  	v59 =	vor.u32 $0x4, v3;
	v4 =	vld.idx.msk [tilespmem:v58+s5+$0x0], $0xffff  }
0x283: {  	v60 =	vor.u32 $0x5, v2;
	_ =	sdelay $0x3  }
0x284: {  	[tilespmem:v59+s6+$0x0] =	vst.idx.msk $0xffff, v4  }
0x285: {  	v61 =	vor.u32 $0x5, v3;
	v4 =	vld.idx.msk [tilespmem:v60+s5+$0x0], $0xffff  }
0x286: {  	v62 =	vor.u32 $0x6, v2;
	_ =	sdelay $0x3  }
0x287: {  	[tilespmem:v61+s6+$0x0] =	vst.idx.msk $0xffff, v4  }
0x288: {  	v63 =	vor.u32 $0x6, v3;
	v4 =	vld.idx.msk [tilespmem:v62+s5+$0x0], $0xffff  }
0x289: {  	v2 =	vor.u32 $0x7, v2;
	_ =	sdelay $0x3  }
0x28a: {  	s20 =	sadd.s32 $0x5, s20;
	[tilespmem:v63+s6+$0x0] =	vst.idx.msk $0xffff, v4  }
0x28b: {  	p0 =	slt.u32 s20, $0x14;
	v3 =	vor.u32 $0x7, v3;
	v2 =	vld.idx.msk [tilespmem:v2+s5+$0x0], $0xffff  }
.Ltmp3:
0x28c: {  	_ = 	snop;
	(pc) =	sbr.rel @p0 .LBB2_8-.Ltmp3, $2  }
0x28d: {  	_ =	sdelay $0x2  }
0x28e: {  	s19 =	sadd.s32 $0x50, s19;
	s21 =	sadd.s32 $0x50, s21;
	[tilespmem:v3+s6+$0x0] =	vst.idx.msk $0xffff, v2  }
0x28f: {  	s17 =	sadd.s32 s17, s3  }
0x290: {  	s16 =	sadd.s32 $0x1, s16;
	s17 =	smul.u32 $0xC80, s17  }
0x291: {  	p0 =	sne.s32 s16, $0x80  }
.Ltmp4:
0x292: {  	s18 =	sadd.s32 s18, s9;
	s17 =	sadd.s32 s4, s17;
	(pc) =	sbr.rel @p0 .LBB2_5-.Ltmp4, $4  }
0x293: {  	s18 =	smul.u32 $0x19, s18;
	s17 =	sadd.s32 $0x1900, s17  }
0x294: {  	[hbm4b:s17+s5] =	stream.linear.scatter [tilespmem:s6], [sflag:$0x2], $0xC800, $0x38;
	[tilespmem:$0x19780] =	vst v63  }
0x295: {  	s31 =	sadd.s32 s2, s18  }
0x296: {  	[tilespmem:s7], [sflag:$0x4] =	stream.linear.gather [hbm4b:s31+s5], $0x190, $0x38;
	[tilespmem:$0x19780] =	vst v63  }
0x297: {  	s2 =	simm.s32 $0x1  }
0x298: {  	_ =	swait.ge [sflag:s2], $0xC800  }
0x299: {  	[sflag:s2] =	ssyncset.done $0x0  }
0x29a: {  	s29 =	simm.s32 $0x3;
	[sflag:s2] =	ssyncadd.s32 $0xFFFF3800  }
0x29b: {  	_ =	swait.ge [sflag:s29], $0x190  }
0x29c: {  	[sflag:s29] =	ssyncset.done $0x0  }
0x29d: {  	s30 =	simm.s32 $0x2;
	[sflag:s29] =	ssyncadd.s32 $0xFFFFFE70  }
0x29e: {  	_ =	swait.ge [sflag:s30], $0xC800  }
0x29f: {  	[sflag:s30] =	ssyncset.done $0x0  }
0x2a0: {  	s31 =	simm.s32 $0x4;
	[sflag:s30] =	ssyncadd.s32 $0xFFFF3800  }
0x2a1: {  	_ =	swait.ge [sflag:s31], $0x190  }
0x2a2: {  	[sflag:s31] =	ssyncset.done $0x0  }
0x2a3: {  	[sflag:s31] =	ssyncadd.s32 $0xFFFFFE70  }
0x2a4: {  	_ =	sfence.sel $0x180000  }
0x2a5: {  	[bflag:$0x0] =	sbarrier.arrive $0xFFFF  }
0x2a6: {  	p0 =	sne.s32 s1, $0x0;
	_ =	strace $0x9000004A  }
0x2a7: {  	s0 =	sadd.s32 @!p0 $0x100000, s0;
	[bflag:$0x2] =	sbarrier.arrive $0xFFFF  }
0x2a8: {  	[sflag:s0] =	ssyncadd.tile.s32 @!p0 $0x1;
	_ =	shalt  }
.Lfunc_end2:
_tile_overlayer_lowered:
.L_overlay_start_2:
0x2a9: {  	(tag) =	ssettag $0x2  }
0x2aa: {  	s0 =	rddreg [dreg:$0x0];
	s2 =	stileid.u32  }
0x2ab: {  	s1 =	rddreg [dreg:$0x1];
	p0 =	sne.s32 s2, $0x0  }
0x2ac: {  	s3 =	rddreg [dreg:$0x2];
	[bflag:$0x3] =	sbarrier.arrive $0xFFFF;
	s2 =	simm.s32 @!p0 $0x1C05  }
0x2ad: {  	[timem:s3], [sflag:s2] =	dma.local @!p0 [hbm:s0], s1  }
0x2ae: {  	s0 =	simm.s32 @!p0 $0x5  }
0x2af: {  	_ =	swait.ge @!p0 [sflag:s0], s1  }
0x2b0: {  	s1 =	ssub.s32 @!p0 $0x0, s1;
	[sflag:s0] =	ssyncset.done @!p0 $0x0  }
0x2b1: {  	[sflag:s0] =	ssyncadd.s32 @!p0 s1  }
0x2b2: {  	[bflag:$0x3] =	sbarrier.arrive $0xFFFF  }
0x2b3: {  	_ =	shalt  }

// kernel: kernel.8.cloned.1.call-start
scs
__scs_entry_jumppad:
0x0: {  	(pc) =	sbr.rel $0x88, $3  }
0x1: {  	(tag) =	ssettag $0x0;
	lr =	simm.s32 $0x1  }
0x2: {  	[smem:$0x3F9D] =	sst lr;
	_ =	strace $0xD0000000  }
0x3: {  	_ = 	snop  }
0x4: {  	_ = 	snop  }
0x5: {  	_ = 	snop  }
0x6: {  	_ = 	snop  }
0x7: {  	_ = 	snop  }
__scs_overlays_trampoline_lowered:
0x8: {  	[smem:$0x3FAC] =	sst s0  }
0x9: {  	[smem:$0x3FAD] =	sst s1  }
0xa: {  	[smem:$0x3FAE] =	sst s2  }
0xb: {  	[smem:$0x3FAF] =	sst s3  }
0xc: {  	[smem:$0x3FB0] =	sst s4  }
0xd: {  	[smem:$0x3FB1] =	sst s5  }
0xe: {  	[smem:$0x3FB2] =	sst s6  }
0xf: {  	[smem:$0x3FB3] =	sst s7  }
0x10: {  	[smem:$0x3FB4] =	sst s8  }
0x11: {  	[smem:$0x3FB5] =	sst s9;
	s0 =	simm.s32 @!p0 $0x0  }
0x12: {  	s1 =	sld [smem:$0x3F9B];
	s0 =	simm.s32 @p0 $0x1  }
0x13: {  	[smem:$0x3FB6] =	sst s0;
	s0 =	simm.s32 @!p1 $0x0  }
0x14: {  	s2 =	sld [smem:$0x3F9A];
	s0 =	simm.s32 @p1 $0x1  }
0x15: {  	[smem:$0x3FB7] =	sst s0;
	s0 =	simm.s32 @!p2 $0x0  }
0x16: {  	s3 =	sld [smem:$0x3FDB];
	s0 =	simm.s32 @p2 $0x1  }
0x17: {  	s4 =	simm.s32 $0x1BF5;
	[smem:$0x3FB9] =	sst s0  }
0x18: {  	s0 =	sld [smem:$0x3F9C];
	_ =	swait.ge [sflag:s4], $0x0  }
0x19: {  	s7 =	sld [smem:$0x3F9D]  }
0x1a: {  	s8 =	sadd.s32 $0xFFFFE003, lr  }
0x1b: {  	s9 =	sadd.s32 $0xFFFFFEF7, lr;
	s5 =	simm.s32 $0xFFFFFFFF;
	p2 =	slt.u32 s8, $0xFFFFF086  }
0x1c: {  	p1 =	slt.u32 s9, $0xF7A;
	s5 =	simm.s32 @!p2 $0x0  }
0x1d: {  	s5 =	simm.s32 @p1 $0x1;
	p0 =	seq.s32 s7, s2  }
0x1e: {  	s7 =	smul.u32 @!p0 $0xF7A, s2;
	p2 =	seq.s32 @!p0 s5, $0x0  }
0x1f: {  	s9 =	smul.u32 $0xF7A, s1;
	s8 =	simm.s32 @!p0 $0x1BF5;
	p2 =	por !p2, p0  }
0x20: {  	[sflag:s8] =	ssyncset.s32 @!p0 $0xFFFFF086;
	s6 =	sadd.s32 @!p0 s3, s7;
	s7 =	simm.s32 @!p0 $0x108  }
0x21: {  	s3 =	sadd.s32 s3, s9;
	s6 =	sadd.s32 @!p0 $0x88, s6;
	s7 =	simm.s32 @p2 $0x1082  }
0x22: {  	[simem:s7], [sflag:s8] =	dma.local @!p0 [hbm:s6], $0xF7A  }
0x23: {  	s9 =	sor.u32 $0xD0000000, s2;
	s6 =	simm.s32 $0x108;
	_ =	swait.ge @!p0 [sflag:s8], $0x0  }
0x24: {  	s3 =	sadd.s32 $0x88, s3;
	s6 =	simm.s32 @!p1 $0x1082;
	[sflag:s4] =	ssyncset.s32 $0xFFFFF086  }
0x25: {  	[simem:s6], [sflag:s4] =	dma.local [hbm:s3], $0xF7A  }
0x26: {  	[smem:$0x3F9D] =	sst s1;
	(tag) =	ssettag s2;
	_ =	strace s9  }
0x27: {  	s1 =	sld [smem:$0x3FAD]  }
0x28: {  	s2 =	sld [smem:$0x3FAE]  }
0x29: {  	s4 =	sld [smem:$0x3FB0]  }
0x2a: {  	p0 =	seq.s32 s5, $0x0;
	s5 =	sld [smem:$0x3FB1]  }
0x2b: {  	s6 =	sld [smem:$0x3FB2]  }
0x2c: {  	s7 =	sld [smem:$0x3FB3]  }
0x2d: {  	s3 =	simm.s32 $0x108;
	s8 =	sld [smem:$0x3FB4]  }
0x2e: {  	s3 =	simm.s32 @!p0 $0x1082;
	s9 =	sld [smem:$0x3FB5]  }
0x2f: {  	lr =	sadd.s32 s0, s3;
	s0 =	sld [smem:$0x3FAC]  }
0x30: {  	s3 =	sld [smem:$0x3FAF]  }
0x31: {  	[smem:$0x3FB8] =	sst s10  }
0x32: {  	s10 =	sld [smem:$0x3FB6];
	_ =	sdelay $0x3  }
0x33: {  	p0 =	seq.s32 s10, $0x1;
	s10 =	sld [smem:$0x3FB8];
	_ =	sdelay $0x3  }
0x34: {  	[smem:$0x3FB8] =	sst s10  }
0x35: {  	s10 =	sld [smem:$0x3FB7];
	_ =	sdelay $0x3  }
0x36: {  	p1 =	seq.s32 s10, $0x1;
	s10 =	sld [smem:$0x3FB8];
	_ =	sdelay $0x3  }
0x37: {  	[smem:$0x3FB8] =	sst s10  }
0x38: {  	s10 =	sld [smem:$0x3FB9]  }
0x39: {  	_ = 	snop;
	(pc) =	sbr.ind lr, $3  }
0x3a: {  	_ = 	snop  }
0x3b: {  	_ = 	snop  }
0x3c: {  	p2 =	seq.s32 s10, $0x1;
	s10 =	sld [smem:$0x3FB8]  }
0x3d: {  	_ =	shalt  }
0x3e: {  	_ =	shalt  }
0x3f: {  	_ =	shalt  }
0x40: {  	_ =	shalt  }
0x41: {  	_ =	shalt  }
0x42: {  	_ =	shalt  }
0x43: {  	_ =	shalt  }
0x44: {  	_ =	shalt  }
0x45: {  	_ =	shalt  }
0x46: {  	_ =	shalt  }
0x47: {  	_ =	shalt  }
0x48: {  	_ =	shalt  }
0x49: {  	_ =	shalt  }
0x4a: {  	_ =	shalt  }
0x4b: {  	_ =	shalt  }
0x4c: {  	_ =	shalt  }
0x4d: {  	_ =	shalt  }
0x4e: {  	_ =	shalt  }
0x4f: {  	_ =	shalt  }
0x50: {  	_ =	shalt  }
0x51: {  	_ =	shalt  }
0x52: {  	_ =	shalt  }
0x53: {  	_ =	shalt  }
0x54: {  	_ =	shalt  }
0x55: {  	_ =	shalt  }
0x56: {  	_ =	shalt  }
0x57: {  	_ =	shalt  }
0x58: {  	_ =	shalt  }
0x59: {  	_ =	shalt  }
0x5a: {  	_ =	shalt  }
0x5b: {  	_ =	shalt  }
0x5c: {  	_ =	shalt  }
0x5d: {  	_ =	shalt  }
0x5e: {  	_ =	shalt  }
0x5f: {  	_ =	shalt  }
0x60: {  	_ =	shalt  }
0x61: {  	_ =	shalt  }
0x62: {  	_ =	shalt  }
0x63: {  	_ =	shalt  }
0x64: {  	_ =	shalt  }
0x65: {  	_ =	shalt  }
0x66: {  	_ =	shalt  }
0x67: {  	_ =	shalt  }
0x68: {  	_ =	shalt  }
0x69: {  	_ =	shalt  }
0x6a: {  	_ =	shalt  }
0x6b: {  	_ =	shalt  }
0x6c: {  	_ =	shalt  }
0x6d: {  	_ =	shalt  }
0x6e: {  	_ =	shalt  }
0x6f: {  	_ =	shalt  }
0x70: {  	_ =	shalt  }
0x71: {  	_ =	shalt  }
0x72: {  	_ =	shalt  }
0x73: {  	_ =	shalt  }
0x74: {  	_ =	shalt  }
0x75: {  	_ =	shalt  }
0x76: {  	_ =	shalt  }
0x77: {  	_ =	shalt  }
0x78: {  	_ =	shalt  }
0x79: {  	_ =	shalt  }
0x7a: {  	_ =	shalt  }
0x7b: {  	_ =	shalt  }
0x7c: {  	_ =	shalt  }
0x7d: {  	_ =	shalt  }
0x7e: {  	_ =	shalt  }
0x7f: {  	_ =	shalt  }
0x80: {  	_ =	shalt  }
0x81: {  	_ =	shalt  }
0x82: {  	_ =	shalt  }
0x83: {  	_ =	shalt  }
0x84: {  	_ =	shalt  }
0x85: {  	_ =	shalt  }
0x86: {  	_ =	shalt  }
0x87: {  	_ =	shalt  }
.Lfunc_end0:
.L_simem_size_0:
called_computation.1_lowered:
.L_overlay_start_0:
0x88: {  	s0 =	sld [smem:$0x3FD9]  }
0x89: {  	s1 =	sld [smem:$0x3FFE];
	_ =	sdelay $0x3  }
0x8a: {  	s0 =	sadd.s32 s1, s0  }
0x8b: {  	[smem:$0x3FC4] =	sst s0  }
0x8c: {  	_ = 	snop  }
0x8d: {  	s0 =	sld [smem:$0x3FD0];
	(tm) =	ssettm $0x1  }
0x8e: {  	s16 =	sld [smem:$0x3FFB];
	_ =	sdelay $0x3  }
0x8f: {  	_ =	strace s16  }
0x90: {  	s1 =	sld [smem:$0x3FFC];
	_ =	sdelay $0x3  }
0x91: {  	_ =	strace s1  }
0x92: {  	s1 =	sld [smem:$0x3FFD];
	_ =	sdelay $0x3  }
0x93: {  	_ =	strace s1  }
0x94: {  	_ =	strace $0x8FFFFFFF  }
0x95: {  	s17 =	sld [smem:$0x3FDB];
	_ =	sdelay $0x1  }
0x96: {  	s2 =	simm.s32 $_scs_section_size  }
0x97: {  	s3 =	simm.s32 $_size__tile_overlayer_lowered;
	s4 =	simm.s32 $_tile_overlayer_lowered  }
0x98: {  	s20 =	simm.s32 $0x1BFF;
	s19 =	sshll.u32 s4, $0x1;
	s1 =	sadd.s32 s2, s17  }
0x99: {  	s5 =	simm.s32 $0x0;
	s18 =	sshll.u32 s3, $0x1;
	s3 =	sadd.s32 s19, s1  }
0x9a: {  	[timem:s5], [sflag:s20] =	dma.local [hbm:s3], s18  }
0x9b: {  	_ =	swait.ge [sflag:s20], s18  }
0x9c: {  	s2 =	ssub.s32 $0x0, s18;
	[sflag:s20] =	ssyncset.done $0x0  }
0x9d: {  	[sflag:s20] =	ssyncadd.s32 s2;
	_ =	sdelay $0x1  }
0x9e: {  	s21 =	simm.s32 $0x1B8B  }
0x9f: {  	_ =	swait.ge [sflag:s21], $0x1  }
0xa0: {  	[sflag:s21] =	ssyncset.done $0x0  }
0xa1: {  	s23 =	simm.s32 $0x1B8E;
	s22 =	sld [smem:$0x3FFE];
	[sflag:s21] =	ssyncadd.s32 $0xFFFFFFFF  }
0xa2: {  	s24 =	simm.s32 $execute0_lowered;
	[smem:$0x3FD2] =	sst s23  }
0xa3: {  	s3 =	sshll.u32 s24, $0x1;
	_ =	strace $0x80000046;
	[dreg:$0x1] =	wrdreg $0xFFFFFFFF  }
0xa4: {  	s25 =	simm.s32 $_size_execute0_lowered;
	s1 =	sadd.s32 s1, s3;
	[dreg:$0x0] =	wrdreg $0x0  }
0xa5: {  	s3 =	sshll.u32 s25, $0x1;
	[dreg:$0x2] =	wrdreg s1  }
0xa6: {  	[dreg:$0x3] =	wrdreg s3  }
0xa7: {  	[dreg:$0x4] =	wrdreg $0xC0  }
0xa8: {  	_ =	task [dreg:s5], $0x5FFFF  }
0xa9: {  	[dreg:$0x1] =	wrdreg $0xFFFFFFFF  }
0xaa: {  	[dreg:$0x0] =	wrdreg $0x60  }
0xab: {  	[dreg:$0x2] =	wrdreg s22  }
0xac: {  	[dreg:$0x3] =	wrdreg s0  }
0xad: {  	[dreg:$0x4] =	wrdreg $0xA  }
0xae: {  	_ =	task.clear_ibuf [dreg:s5], $0x5FFFF;
	_ =	strace $0x90000046  }
0xaf: {  	s26 =	simm.s32 $0xA;
	_ =	strace $0x80000048  }
0xb0: {  	_ =	swait.ge [sflag:s26], $0x1  }
0xb1: {  	[sflag:s26] =	ssyncadd.s32 $0xFFFFFFFF  }
0xb2: {  	_ =	strace $0x90000048  }
0xb3: {  	_ =	sfence  }
0xb4: {  	s28 =	sld [smem:$0x0];
	_ =	sdelay $0x1  }
0xb5: {  	s29 =	srdreg.scid  }
0xb6: {  	s30 =	sshll.u32 s29, $0xD;
	s31 =	sshrl.u32 s29, $0x2  }
0xb7: {  	s2 =	sand.u32 $0x4000, s30;
	s1 =	sand.u32 $0x1, s29;
	s0 =	sadd.s32 s31, s28  }
0xb8: {  	s1 =	sor.u32 s2, s1;
	s0 =	sshll.u32 s0, $0x11  }
0xb9: {  	s0 =	sor.u32 s0, s1  }
0xba: {  	s0 =	sadd.s32 $0x8F2B, s0  }
0xbb: {  	[sflag:s0] =	ssyncadd.remote.s32 $0x1  }
0xbc: {  	_ =	sfence.sel $0xFFFF  }
0xbd: {  	[dreg:$0x0] =	wrdreg $0xFFFFFFFF;
	(pc) =	sbr.abs _section_cstart, $3  }
0xbe: {  	[dreg:$0x1] =	wrdreg $0xFFFFFFFF  }
0xbf: {  	_ =	task.clear_ibuf [dreg:s5], $0x2FFFF;
	_ =	strace $0x9FFFFFFF  }
0xc0: {  	(tm) =	ssettm $0x7FFFFFFF  }
0xc1: {  	_ =	shalt  }
tec
execute0_lowered:
.L_overlay_start_1:
0x0: {  	(tag) =	ssettag $0x1  }
0x1: {  	s4 =	rddreg [dreg:$0x0]  }
0x2: {  	s2 =	rddreg [dreg:$0x1]  }
0x3: {  	s0 =	rddreg [dreg:$0x2];
	s6 =	simm.s32 $0x0  }
0x4: {  	s1 =	stileid.u32;
	[smem:$0x7FF] =	sst s6  }
0x5: {  	s8 =	simm.s32 $0x5;
	s3 =	sadd.s32 $0x1000, s4;
	_ =	strace $0x80000047  }
0x6: {  	[tilespmem:s6], [sflag:$0x5] =	stream.linear.gather [hbm4b:s3+s6], $0x380, $0x38;
	[tilespmem:$0x19780] =	vst v63  }
0x7: {  	s7 =	smul.u32 $0x3200, s1;
	s3 =	sshll.u32 s1, $0x9;
	_ =	swait.ge [sflag:s8], $0x380  }
0x8: {  	s28 =	simm.s32 $0x380;
	s5 =	sor.u32 $0x2, s3;
	[sflag:s8] =	ssyncset.done $0x0  }
0x9: {  	s9 =	sadd.s32 s2, s7;
	s10 =	smul.u32 $0x19, s5;
	[sflag:s8] =	ssyncadd.s32 $0xFFFFFC80  }
0xa: {  	[tilespmem:s28], [sflag:$0x3] =	stream.linear.gather [hbm4b:s9+s6], $0x190, $0x38;
	[tilespmem:$0x19780] =	vst v63  }
0xb: {  	s30 =	simm.s32 $0x580;
	s31 =	simm.s32 $0x3;
	s29 =	sadd.s32 s2, s10  }
0xc: {  	[tilespmem:s30], [sflag:$0x4] =	stream.linear.gather [hbm4b:s29+s6], $0x190, $0x38;
	[tilespmem:$0x19780] =	vst v63  }
0xd: {  	s11 =	simm.s32 $0x0;
	_ =	swait.ge [sflag:s31], $0x190  }
0xe: {  	s4 =	sadd.s32 $0x1200, s4;
	s8 =	simm.s32 $0xFFFFFFFB;
	[sflag:s31] =	ssyncset.done $0x0  }
0xf: {  	v0 =	vlaneseq.u32;
	v1 =	vimm.s32 $0x0;
	s9 =	simm.s32 $0x3A0;
	s10 =	simm.s32 $0x780;
	[sflag:s31] =	ssyncadd.s32 $0xFFFFFE70  }
.LBB2_1:
0x10: {  	v2 =	vld [tilespmem:s9+$0xFFFFFFE0];
	_ =	sdelay $0x4  }
0x11: {  	v3 =	vor.u32 s11, v0;
	v2 =	vshll.u32 v2, $0x3  }
0x12: {  	vm0 =	vgt.u32 v3, $0xC7  }
0x13: {  	v4 =	vsel vm0, $0x1FFFF38, v1  }
0x14: {  	v3 =	vadd.s32 v3, v4  }
0x15: {  	v52 =	vsel vm0, $0x6400, v1;
	v3 =	vshll.u32 v3, $0x7  }
0x16: {  	v3 =	vadd.s32 v52, v3;
	v5 =	vld.idx.msk [tilespmem:v2+s6+$0x0], $0xffff  }
0x17: {  	v53 =	vor.u32 $0x1, v2;
	_ =	sdelay $0x3  }
0x18: {  	[tilespmem:v3+s10+$0x0] =	vst.idx.msk $0xffff, v5  }
0x19: {  	v54 =	vor.u32 $0x1, v3;
	v4 =	vld.idx.msk [tilespmem:v53+s6+$0x0], $0xffff  }
0x1a: {  	v6 =	vor.u32 $0x2, v2;
	_ =	sdelay $0x3  }
0x1b: {  	[tilespmem:v54+s10+$0x0] =	vst.idx.msk $0xffff, v4  }
0x1c: {  	v55 =	vor.u32 $0x2, v3;
	v4 =	vld.idx.msk [tilespmem:v6+s6+$0x0], $0xffff  }
0x1d: {  	v56 =	vor.u32 $0x3, v2;
	_ =	sdelay $0x3  }
0x1e: {  	[tilespmem:v55+s10+$0x0] =	vst.idx.msk $0xffff, v4  }
0x1f: {  	v57 =	vor.u32 $0x3, v3;
	v4 =	vld.idx.msk [tilespmem:v56+s6+$0x0], $0xffff  }
0x20: {  	v58 =	vor.u32 $0x4, v2;
	_ =	sdelay $0x3  }
0x21: {  	[tilespmem:v57+s10+$0x0] =	vst.idx.msk $0xffff, v4  }
0x22: {  	v59 =	vor.u32 $0x4, v3;
	v4 =	vld.idx.msk [tilespmem:v58+s6+$0x0], $0xffff  }
0x23: {  	v60 =	vor.u32 $0x5, v2;
	_ =	sdelay $0x3  }
0x24: {  	[tilespmem:v59+s10+$0x0] =	vst.idx.msk $0xffff, v4  }
0x25: {  	v61 =	vor.u32 $0x5, v3;
	v4 =	vld.idx.msk [tilespmem:v60+s6+$0x0], $0xffff  }
0x26: {  	v62 =	vor.u32 $0x6, v2;
	_ =	sdelay $0x3  }
0x27: {  	[tilespmem:v61+s10+$0x0] =	vst.idx.msk $0xffff, v4  }
0x28: {  	v63 =	vor.u32 $0x6, v3;
	v4 =	vld.idx.msk [tilespmem:v62+s6+$0x0], $0xffff  }
0x29: {  	v2 =	vor.u32 $0x7, v2;
	_ =	sdelay $0x3  }
0x2a: {  	[tilespmem:v63+s10+$0x0] =	vst.idx.msk $0xffff, v4  }
0x2b: {  	v3 =	vor.u32 $0x7, v3;
	v2 =	vld.idx.msk [tilespmem:v2+s6+$0x0], $0xffff;
	_ =	sdelay $0x4  }
0x2c: {  	[tilespmem:v3+s10+$0x0] =	vst.idx.msk $0xffff, v2  }
0x2d: {  	v2 =	vld [tilespmem:s9+$0xFFFFFFF0];
	_ =	sdelay $0x3  }
0x2e: {  	s12 =	sadd.s32 $0x10, s11  }
0x2f: {  	v3 =	vor.u32 s12, v0;
	v2 =	vshll.u32 v2, $0x3  }
0x30: {  	vm12 =	vgt.u32 v3, $0xC7  }
0x31: {  	v8 =	vsel vm12, $0x1FFFF38, v1  }
0x32: {  	v3 =	vadd.s32 v3, v8  }
0x33: {  	v9 =	vsel vm12, $0x6400, v1;
	v3 =	vshll.u32 v3, $0x7  }
0x34: {  	v3 =	vadd.s32 v9, v3;
	v5 =	vld.idx.msk [tilespmem:v2+s6+$0x0], $0xffff  }
0x35: {  	v10 =	vor.u32 $0x1, v2;
	_ =	sdelay $0x3  }
0x36: {  	[tilespmem:v3+s10+$0x0] =	vst.idx.msk $0xffff, v5  }
0x37: {  	v11 =	vor.u32 $0x1, v3;
	v4 =	vld.idx.msk [tilespmem:v10+s6+$0x0], $0xffff  }
0x38: {  	v12 =	vor.u32 $0x2, v2;
	_ =	sdelay $0x3  }
0x39: {  	[tilespmem:v11+s10+$0x0] =	vst.idx.msk $0xffff, v4  }
0x3a: {  	v13 =	vor.u32 $0x2, v3;
	v4 =	vld.idx.msk [tilespmem:v12+s6+$0x0], $0xffff  }
0x3b: {  	v14 =	vor.u32 $0x3, v2;
	_ =	sdelay $0x3  }
0x3c: {  	[tilespmem:v13+s10+$0x0] =	vst.idx.msk $0xffff, v4  }
0x3d: {  	v15 =	vor.u32 $0x3, v3;
	v4 =	vld.idx.msk [tilespmem:v14+s6+$0x0], $0xffff  }
0x3e: {  	v16 =	vor.u32 $0x4, v2;
	_ =	sdelay $0x3  }
0x3f: {  	[tilespmem:v15+s10+$0x0] =	vst.idx.msk $0xffff, v4  }
0x40: {  	v17 =	vor.u32 $0x4, v3;
	v4 =	vld.idx.msk [tilespmem:v16+s6+$0x0], $0xffff  }
0x41: {  	v18 =	vor.u32 $0x5, v2;
	_ =	sdelay $0x3  }
0x42: {  	[tilespmem:v17+s10+$0x0] =	vst.idx.msk $0xffff, v4  }
0x43: {  	v19 =	vor.u32 $0x5, v3;
	v4 =	vld.idx.msk [tilespmem:v18+s6+$0x0], $0xffff  }
0x44: {  	v20 =	vor.u32 $0x6, v2;
	_ =	sdelay $0x3  }
0x45: {  	[tilespmem:v19+s10+$0x0] =	vst.idx.msk $0xffff, v4  }
0x46: {  	v21 =	vor.u32 $0x6, v3;
	v4 =	vld.idx.msk [tilespmem:v20+s6+$0x0], $0xffff  }
0x47: {  	v2 =	vor.u32 $0x7, v2;
	_ =	sdelay $0x3  }
0x48: {  	[tilespmem:v21+s10+$0x0] =	vst.idx.msk $0xffff, v4  }
0x49: {  	v3 =	vor.u32 $0x7, v3;
	v2 =	vld.idx.msk [tilespmem:v2+s6+$0x0], $0xffff;
	_ =	sdelay $0x4  }
0x4a: {  	[tilespmem:v3+s10+$0x0] =	vst.idx.msk $0xffff, v2  }
0x4b: {  	v2 =	vld [tilespmem:s9+$0x0];
	_ =	sdelay $0x3  }
0x4c: {  	s29 =	sadd.s32 $0x20, s11  }
0x4d: {  	v3 =	vor.u32 s29, v0;
	v2 =	vshll.u32 v2, $0x3  }
0x4e: {  	vm13 =	vgt.u32 v3, $0xC7  }
0x4f: {  	v22 =	vsel vm13, $0x1FFFF38, v1  }
0x50: {  	v3 =	vadd.s32 v3, v22  }
0x51: {  	v23 =	vsel vm13, $0x6400, v1;
	v3 =	vshll.u32 v3, $0x7  }
0x52: {  	v3 =	vadd.s32 v23, v3;
	v5 =	vld.idx.msk [tilespmem:v2+s6+$0x0], $0xffff  }
0x53: {  	v24 =	vor.u32 $0x1, v2;
	_ =	sdelay $0x3  }
0x54: {  	[tilespmem:v3+s10+$0x0] =	vst.idx.msk $0xffff, v5  }
0x55: {  	v25 =	vor.u32 $0x1, v3;
	v4 =	vld.idx.msk [tilespmem:v24+s6+$0x0], $0xffff  }
0x56: {  	v26 =	vor.u32 $0x2, v2;
	_ =	sdelay $0x3  }
0x57: {  	[tilespmem:v25+s10+$0x0] =	vst.idx.msk $0xffff, v4  }
0x58: {  	v27 =	vor.u32 $0x2, v3;
	v4 =	vld.idx.msk [tilespmem:v26+s6+$0x0], $0xffff  }
0x59: {  	v28 =	vor.u32 $0x3, v2;
	_ =	sdelay $0x3  }
0x5a: {  	[tilespmem:v27+s10+$0x0] =	vst.idx.msk $0xffff, v4  }
0x5b: {  	v29 =	vor.u32 $0x3, v3;
	v4 =	vld.idx.msk [tilespmem:v28+s6+$0x0], $0xffff  }
0x5c: {  	v30 =	vor.u32 $0x4, v2;
	_ =	sdelay $0x3  }
0x5d: {  	[tilespmem:v29+s10+$0x0] =	vst.idx.msk $0xffff, v4  }
0x5e: {  	v31 =	vor.u32 $0x4, v3;
	v4 =	vld.idx.msk [tilespmem:v30+s6+$0x0], $0xffff  }
0x5f: {  	v32 =	vor.u32 $0x5, v2;
	_ =	sdelay $0x3  }
0x60: {  	[tilespmem:v31+s10+$0x0] =	vst.idx.msk $0xffff, v4  }
0x61: {  	v33 =	vor.u32 $0x5, v3;
	v4 =	vld.idx.msk [tilespmem:v32+s6+$0x0], $0xffff  }
0x62: {  	v34 =	vor.u32 $0x6, v2;
	_ =	sdelay $0x3  }
0x63: {  	[tilespmem:v33+s10+$0x0] =	vst.idx.msk $0xffff, v4  }
0x64: {  	v35 =	vor.u32 $0x6, v3;
	v4 =	vld.idx.msk [tilespmem:v34+s6+$0x0], $0xffff  }
0x65: {  	v2 =	vor.u32 $0x7, v2;
	_ =	sdelay $0x3  }
0x66: {  	[tilespmem:v35+s10+$0x0] =	vst.idx.msk $0xffff, v4  }
0x67: {  	v3 =	vor.u32 $0x7, v3;
	v2 =	vld.idx.msk [tilespmem:v2+s6+$0x0], $0xffff;
	_ =	sdelay $0x4  }
0x68: {  	[tilespmem:v3+s10+$0x0] =	vst.idx.msk $0xffff, v2  }
0x69: {  	v2 =	vld [tilespmem:s9+$0x10];
	_ =	sdelay $0x3  }
0x6a: {  	s30 =	sadd.s32 $0x30, s11  }
0x6b: {  	v3 =	vor.u32 s30, v0;
	v2 =	vshll.u32 v2, $0x3  }
0x6c: {  	vm14 =	vgt.u32 v3, $0xC7  }
0x6d: {  	v36 =	vsel vm14, $0x1FFFF38, v1  }
0x6e: {  	v3 =	vadd.s32 v3, v36  }
0x6f: {  	v37 =	vsel vm14, $0x6400, v1;
	v3 =	vshll.u32 v3, $0x7  }
0x70: {  	v3 =	vadd.s32 v37, v3;
	v5 =	vld.idx.msk [tilespmem:v2+s6+$0x0], $0xffff  }
0x71: {  	v38 =	vor.u32 $0x1, v2;
	_ =	sdelay $0x3  }
0x72: {  	[tilespmem:v3+s10+$0x0] =	vst.idx.msk $0xffff, v5  }
0x73: {  	v39 =	vor.u32 $0x1, v3;
	v4 =	vld.idx.msk [tilespmem:v38+s6+$0x0], $0xffff  }
0x74: {  	v40 =	vor.u32 $0x2, v2;
	_ =	sdelay $0x3  }
0x75: {  	[tilespmem:v39+s10+$0x0] =	vst.idx.msk $0xffff, v4  }
0x76: {  	v41 =	vor.u32 $0x2, v3;
	v4 =	vld.idx.msk [tilespmem:v40+s6+$0x0], $0xffff  }
0x77: {  	v42 =	vor.u32 $0x3, v2;
	_ =	sdelay $0x3  }
0x78: {  	[tilespmem:v41+s10+$0x0] =	vst.idx.msk $0xffff, v4  }
0x79: {  	v43 =	vor.u32 $0x3, v3;
	v4 =	vld.idx.msk [tilespmem:v42+s6+$0x0], $0xffff  }
0x7a: {  	v44 =	vor.u32 $0x4, v2;
	_ =	sdelay $0x3  }
0x7b: {  	[tilespmem:v43+s10+$0x0] =	vst.idx.msk $0xffff, v4  }
0x7c: {  	v45 =	vor.u32 $0x4, v3;
	v4 =	vld.idx.msk [tilespmem:v44+s6+$0x0], $0xffff  }
0x7d: {  	v46 =	vor.u32 $0x5, v2;
	_ =	sdelay $0x3  }
0x7e: {  	[tilespmem:v45+s10+$0x0] =	vst.idx.msk $0xffff, v4  }
0x7f: {  	v47 =	vor.u32 $0x5, v3;
	v4 =	vld.idx.msk [tilespmem:v46+s6+$0x0], $0xffff  }
0x80: {  	v48 =	vor.u32 $0x6, v2;
	_ =	sdelay $0x3  }
0x81: {  	[tilespmem:v47+s10+$0x0] =	vst.idx.msk $0xffff, v4  }
0x82: {  	v49 =	vor.u32 $0x6, v3;
	v4 =	vld.idx.msk [tilespmem:v48+s6+$0x0], $0xffff  }
0x83: {  	v2 =	vor.u32 $0x7, v2;
	_ =	sdelay $0x3  }
0x84: {  	[tilespmem:v49+s10+$0x0] =	vst.idx.msk $0xffff, v4  }
0x85: {  	v3 =	vor.u32 $0x7, v3;
	v2 =	vld.idx.msk [tilespmem:v2+s6+$0x0], $0xffff;
	_ =	sdelay $0x4  }
0x86: {  	[tilespmem:v3+s10+$0x0] =	vst.idx.msk $0xffff, v2  }
0x87: {  	v2 =	vld [tilespmem:s9+$0x20];
	_ =	sdelay $0x3  }
0x88: {  	s31 =	sadd.s32 $0x40, s11  }
0x89: {  	v3 =	vor.u32 s31, v0;
	v2 =	vshll.u32 v2, $0x3  }
0x8a: {  	vm15 =	vgt.u32 v3, $0xC7  }
0x8b: {  	v50 =	vsel vm15, $0x1FFFF38, v1  }
0x8c: {  	v3 =	vadd.s32 v3, v50  }
0x8d: {  	v51 =	vsel vm15, $0x6400, v1;
	v3 =	vshll.u32 v3, $0x7  }
0x8e: {  	v3 =	vadd.s32 v51, v3;
	v5 =	vld.idx.msk [tilespmem:v2+s6+$0x0], $0xffff  }
0x8f: {  	v52 =	vor.u32 $0x1, v2;
	_ =	sdelay $0x3  }
0x90: {  	[tilespmem:v3+s10+$0x0] =	vst.idx.msk $0xffff, v5  }
0x91: {  	v53 =	vor.u32 $0x1, v3;
	v4 =	vld.idx.msk [tilespmem:v52+s6+$0x0], $0xffff  }
0x92: {  	v54 =	vor.u32 $0x2, v2;
	_ =	sdelay $0x3  }
0x93: {  	[tilespmem:v53+s10+$0x0] =	vst.idx.msk $0xffff, v4  }
0x94: {  	v55 =	vor.u32 $0x2, v3;
	v4 =	vld.idx.msk [tilespmem:v54+s6+$0x0], $0xffff  }
0x95: {  	v56 =	vor.u32 $0x3, v2;
	_ =	sdelay $0x3  }
0x96: {  	[tilespmem:v55+s10+$0x0] =	vst.idx.msk $0xffff, v4  }
0x97: {  	v57 =	vor.u32 $0x3, v3;
	v4 =	vld.idx.msk [tilespmem:v56+s6+$0x0], $0xffff  }
0x98: {  	v58 =	vor.u32 $0x4, v2;
	_ =	sdelay $0x3  }
0x99: {  	[tilespmem:v57+s10+$0x0] =	vst.idx.msk $0xffff, v4  }
0x9a: {  	v59 =	vor.u32 $0x4, v3;
	v4 =	vld.idx.msk [tilespmem:v58+s6+$0x0], $0xffff  }
0x9b: {  	v60 =	vor.u32 $0x5, v2;
	_ =	sdelay $0x3  }
0x9c: {  	[tilespmem:v59+s10+$0x0] =	vst.idx.msk $0xffff, v4  }
0x9d: {  	v61 =	vor.u32 $0x5, v3;
	v4 =	vld.idx.msk [tilespmem:v60+s6+$0x0], $0xffff  }
0x9e: {  	v62 =	vor.u32 $0x6, v2;
	_ =	sdelay $0x3  }
0x9f: {  	[tilespmem:v61+s10+$0x0] =	vst.idx.msk $0xffff, v4  }
0xa0: {  	v63 =	vor.u32 $0x6, v3;
	v4 =	vld.idx.msk [tilespmem:v62+s6+$0x0], $0xffff  }
0xa1: {  	v2 =	vor.u32 $0x7, v2;
	_ =	sdelay $0x3  }
0xa2: {  	s8 =	sadd.s32 $0x5, s8;
	[tilespmem:v63+s10+$0x0] =	vst.idx.msk $0xffff, v4  }
0xa3: {  	p0 =	slt.u32 s8, $0x14;
	v3 =	vor.u32 $0x7, v3;
	v2 =	vld.idx.msk [tilespmem:v2+s6+$0x0], $0xffff  }
.Ltmp0:
0xa4: {  	_ = 	snop;
	(pc) =	sbr.rel @p0 .LBB2_1-.Ltmp0, $2  }
0xa5: {  	_ =	sdelay $0x2  }
0xa6: {  	s11 =	sadd.s32 $0x50, s11;
	s9 =	sadd.s32 $0x50, s9;
	[tilespmem:v3+s10+$0x0] =	vst.idx.msk $0xffff, v2  }
0xa7: {  	s6 =	smul.u32 $0x190000, s1  }
0xa8: {  	s7 =	sadd.s32 s7, s2  }
0xa9: {  	s9 =	simm.s32 $0x780;
	s8 =	sadd.s32 s4, s6;
	s6 =	simm.s32 $0x0  }
0xaa: {  	[hbm4b:s8+s6] =	stream.linear.scatter [tilespmem:s9], [sflag:$0x1], $0xC800, $0x38;
	[tilespmem:$0x19780] =	vst v63  }
0xab: {  	s30 =	simm.s32 $0x380;
	s31 =	simm.s32 $0x4;
	s29 =	sadd.s32 $0x64, s7  }
0xac: {  	[tilespmem:s30], [sflag:$0x3] =	stream.linear.gather [hbm4b:s29+s6], $0x190, $0x38;
	[tilespmem:$0x19780] =	vst v63  }
0xad: {  	_ =	swait.ge [sflag:s31], $0x190  }
0xae: {  	s10 =	simm.s32 $0xCF80;
	s11 =	simm.s32 $0x0;
	[sflag:s31] =	ssyncset.done $0x0  }
0xaf: {  	v0 =	vlaneseq.u32;
	v1 =	vimm.s32 $0x0;
	s8 =	simm.s32 $0xFFFFFFFB;
	s9 =	simm.s32 $0x5A0;
	[sflag:s31] =	ssyncadd.s32 $0xFFFFFE70  }
.LBB2_3:
0xb0: {  	v2 =	vld [tilespmem:s9+$0xFFFFFFE0];
	_ =	sdelay $0x4  }
0xb1: {  	v3 =	vor.u32 s11, v0;
	v2 =	vshll.u32 v2, $0x3  }
0xb2: {  	vm0 =	vgt.u32 v3, $0xC7  }
0xb3: {  	v4 =	vsel vm0, $0x1FFFF38, v1  }
0xb4: {  	v3 =	vadd.s32 v3, v4  }
0xb5: {  	v52 =	vsel vm0, $0x6400, v1;
	v3 =	vshll.u32 v3, $0x7  }
0xb6: {  	v3 =	vadd.s32 v52, v3;
	v5 =	vld.idx.msk [tilespmem:v2+s6+$0x0], $0xffff  }
0xb7: {  	v53 =	vor.u32 $0x1, v2;
	_ =	sdelay $0x3  }
0xb8: {  	[tilespmem:v3+s10+$0x0] =	vst.idx.msk $0xffff, v5  }
0xb9: {  	v54 =	vor.u32 $0x1, v3;
	v4 =	vld.idx.msk [tilespmem:v53+s6+$0x0], $0xffff  }
0xba: {  	v6 =	vor.u32 $0x2, v2;
	_ =	sdelay $0x3  }
0xbb: {  	[tilespmem:v54+s10+$0x0] =	vst.idx.msk $0xffff, v4  }
0xbc: {  	v55 =	vor.u32 $0x2, v3;
	v4 =	vld.idx.msk [tilespmem:v6+s6+$0x0], $0xffff  }
0xbd: {  	v56 =	vor.u32 $0x3, v2;
	_ =	sdelay $0x3  }
0xbe: {  	[tilespmem:v55+s10+$0x0] =	vst.idx.msk $0xffff, v4  }
0xbf: {  	v57 =	vor.u32 $0x3, v3;
	v4 =	vld.idx.msk [tilespmem:v56+s6+$0x0], $0xffff  }
0xc0: {  	v58 =	vor.u32 $0x4, v2;
	_ =	sdelay $0x3  }
0xc1: {  	[tilespmem:v57+s10+$0x0] =	vst.idx.msk $0xffff, v4  }
0xc2: {  	v59 =	vor.u32 $0x4, v3;
	v4 =	vld.idx.msk [tilespmem:v58+s6+$0x0], $0xffff  }
0xc3: {  	v60 =	vor.u32 $0x5, v2;
	_ =	sdelay $0x3  }
0xc4: {  	[tilespmem:v59+s10+$0x0] =	vst.idx.msk $0xffff, v4  }
0xc5: {  	v61 =	vor.u32 $0x5, v3;
	v4 =	vld.idx.msk [tilespmem:v60+s6+$0x0], $0xffff  }
0xc6: {  	v62 =	vor.u32 $0x6, v2;
	_ =	sdelay $0x3  }
0xc7: {  	[tilespmem:v61+s10+$0x0] =	vst.idx.msk $0xffff, v4  }
0xc8: {  	v63 =	vor.u32 $0x6, v3;
	v4 =	vld.idx.msk [tilespmem:v62+s6+$0x0], $0xffff  }
0xc9: {  	v2 =	vor.u32 $0x7, v2;
	_ =	sdelay $0x3  }
0xca: {  	[tilespmem:v63+s10+$0x0] =	vst.idx.msk $0xffff, v4  }
0xcb: {  	v3 =	vor.u32 $0x7, v3;
	v2 =	vld.idx.msk [tilespmem:v2+s6+$0x0], $0xffff;
	_ =	sdelay $0x4  }
0xcc: {  	[tilespmem:v3+s10+$0x0] =	vst.idx.msk $0xffff, v2  }
0xcd: {  	v2 =	vld [tilespmem:s9+$0xFFFFFFF0];
	_ =	sdelay $0x3  }
0xce: {  	s12 =	sadd.s32 $0x10, s11  }
0xcf: {  	v3 =	vor.u32 s12, v0;
	v2 =	vshll.u32 v2, $0x3  }
0xd0: {  	vm12 =	vgt.u32 v3, $0xC7  }
0xd1: {  	v8 =	vsel vm12, $0x1FFFF38, v1  }
0xd2: {  	v3 =	vadd.s32 v3, v8  }
0xd3: {  	v9 =	vsel vm12, $0x6400, v1;
	v3 =	vshll.u32 v3, $0x7  }
0xd4: {  	v3 =	vadd.s32 v9, v3;
	v5 =	vld.idx.msk [tilespmem:v2+s6+$0x0], $0xffff  }
0xd5: {  	v10 =	vor.u32 $0x1, v2;
	_ =	sdelay $0x3  }
0xd6: {  	[tilespmem:v3+s10+$0x0] =	vst.idx.msk $0xffff, v5  }
0xd7: {  	v11 =	vor.u32 $0x1, v3;
	v4 =	vld.idx.msk [tilespmem:v10+s6+$0x0], $0xffff  }
0xd8: {  	v12 =	vor.u32 $0x2, v2;
	_ =	sdelay $0x3  }
0xd9: {  	[tilespmem:v11+s10+$0x0] =	vst.idx.msk $0xffff, v4  }
0xda: {  	v13 =	vor.u32 $0x2, v3;
	v4 =	vld.idx.msk [tilespmem:v12+s6+$0x0], $0xffff  }
0xdb: {  	v14 =	vor.u32 $0x3, v2;
	_ =	sdelay $0x3  }
0xdc: {  	[tilespmem:v13+s10+$0x0] =	vst.idx.msk $0xffff, v4  }
0xdd: {  	v15 =	vor.u32 $0x3, v3;
	v4 =	vld.idx.msk [tilespmem:v14+s6+$0x0], $0xffff  }
0xde: {  	v16 =	vor.u32 $0x4, v2;
	_ =	sdelay $0x3  }
0xdf: {  	[tilespmem:v15+s10+$0x0] =	vst.idx.msk $0xffff, v4  }
0xe0: {  	v17 =	vor.u32 $0x4, v3;
	v4 =	vld.idx.msk [tilespmem:v16+s6+$0x0], $0xffff  }
0xe1: {  	v18 =	vor.u32 $0x5, v2;
	_ =	sdelay $0x3  }
0xe2: {  	[tilespmem:v17+s10+$0x0] =	vst.idx.msk $0xffff, v4  }
0xe3: {  	v19 =	vor.u32 $0x5, v3;
	v4 =	vld.idx.msk [tilespmem:v18+s6+$0x0], $0xffff  }
0xe4: {  	v20 =	vor.u32 $0x6, v2;
	_ =	sdelay $0x3  }
0xe5: {  	[tilespmem:v19+s10+$0x0] =	vst.idx.msk $0xffff, v4  }
0xe6: {  	v21 =	vor.u32 $0x6, v3;
	v4 =	vld.idx.msk [tilespmem:v20+s6+$0x0], $0xffff  }
0xe7: {  	v2 =	vor.u32 $0x7, v2;
	_ =	sdelay $0x3  }
0xe8: {  	[tilespmem:v21+s10+$0x0] =	vst.idx.msk $0xffff, v4  }
0xe9: {  	v3 =	vor.u32 $0x7, v3;
	v2 =	vld.idx.msk [tilespmem:v2+s6+$0x0], $0xffff;
	_ =	sdelay $0x4  }
0xea: {  	[tilespmem:v3+s10+$0x0] =	vst.idx.msk $0xffff, v2  }
0xeb: {  	v2 =	vld [tilespmem:s9+$0x0];
	_ =	sdelay $0x3  }
0xec: {  	s29 =	sadd.s32 $0x20, s11  }
0xed: {  	v3 =	vor.u32 s29, v0;
	v2 =	vshll.u32 v2, $0x3  }
0xee: {  	vm13 =	vgt.u32 v3, $0xC7  }
0xef: {  	v22 =	vsel vm13, $0x1FFFF38, v1  }
0xf0: {  	v3 =	vadd.s32 v3, v22  }
0xf1: {  	v23 =	vsel vm13, $0x6400, v1;
	v3 =	vshll.u32 v3, $0x7  }
0xf2: {  	v3 =	vadd.s32 v23, v3;
	v5 =	vld.idx.msk [tilespmem:v2+s6+$0x0], $0xffff  }
0xf3: {  	v24 =	vor.u32 $0x1, v2;
	_ =	sdelay $0x3  }
0xf4: {  	[tilespmem:v3+s10+$0x0] =	vst.idx.msk $0xffff, v5  }
0xf5: {  	v25 =	vor.u32 $0x1, v3;
	v4 =	vld.idx.msk [tilespmem:v24+s6+$0x0], $0xffff  }
0xf6: {  	v26 =	vor.u32 $0x2, v2;
	_ =	sdelay $0x3  }
0xf7: {  	[tilespmem:v25+s10+$0x0] =	vst.idx.msk $0xffff, v4  }
0xf8: {  	v27 =	vor.u32 $0x2, v3;
	v4 =	vld.idx.msk [tilespmem:v26+s6+$0x0], $0xffff  }
0xf9: {  	v28 =	vor.u32 $0x3, v2;
	_ =	sdelay $0x3  }
0xfa: {  	[tilespmem:v27+s10+$0x0] =	vst.idx.msk $0xffff, v4  }
0xfb: {  	v29 =	vor.u32 $0x3, v3;
	v4 =	vld.idx.msk [tilespmem:v28+s6+$0x0], $0xffff  }
0xfc: {  	v30 =	vor.u32 $0x4, v2;
	_ =	sdelay $0x3  }
0xfd: {  	[tilespmem:v29+s10+$0x0] =	vst.idx.msk $0xffff, v4  }
0xfe: {  	v31 =	vor.u32 $0x4, v3;
	v4 =	vld.idx.msk [tilespmem:v30+s6+$0x0], $0xffff  }
0xff: {  	v32 =	vor.u32 $0x5, v2;
	_ =	sdelay $0x3  }
0x100: {  	[tilespmem:v31+s10+$0x0] =	vst.idx.msk $0xffff, v4  }
0x101: {  	v33 =	vor.u32 $0x5, v3;
	v4 =	vld.idx.msk [tilespmem:v32+s6+$0x0], $0xffff  }
0x102: {  	v34 =	vor.u32 $0x6, v2;
	_ =	sdelay $0x3  }
0x103: {  	[tilespmem:v33+s10+$0x0] =	vst.idx.msk $0xffff, v4  }
0x104: {  	v35 =	vor.u32 $0x6, v3;
	v4 =	vld.idx.msk [tilespmem:v34+s6+$0x0], $0xffff  }
0x105: {  	v2 =	vor.u32 $0x7, v2;
	_ =	sdelay $0x3  }
0x106: {  	[tilespmem:v35+s10+$0x0] =	vst.idx.msk $0xffff, v4  }
0x107: {  	v3 =	vor.u32 $0x7, v3;
	v2 =	vld.idx.msk [tilespmem:v2+s6+$0x0], $0xffff;
	_ =	sdelay $0x4  }
0x108: {  	[tilespmem:v3+s10+$0x0] =	vst.idx.msk $0xffff, v2  }
0x109: {  	v2 =	vld [tilespmem:s9+$0x10];
	_ =	sdelay $0x3  }
0x10a: {  	s30 =	sadd.s32 $0x30, s11  }
0x10b: {  	v3 =	vor.u32 s30, v0;
	v2 =	vshll.u32 v2, $0x3  }
0x10c: {  	vm14 =	vgt.u32 v3, $0xC7  }
0x10d: {  	v36 =	vsel vm14, $0x1FFFF38, v1  }
0x10e: {  	v3 =	vadd.s32 v3, v36  }
0x10f: {  	v37 =	vsel vm14, $0x6400, v1;
	v3 =	vshll.u32 v3, $0x7  }
0x110: {  	v3 =	vadd.s32 v37, v3;
	v5 =	vld.idx.msk [tilespmem:v2+s6+$0x0], $0xffff  }
0x111: {  	v38 =	vor.u32 $0x1, v2;
	_ =	sdelay $0x3  }
0x112: {  	[tilespmem:v3+s10+$0x0] =	vst.idx.msk $0xffff, v5  }
0x113: {  	v39 =	vor.u32 $0x1, v3;
	v4 =	vld.idx.msk [tilespmem:v38+s6+$0x0], $0xffff  }
0x114: {  	v40 =	vor.u32 $0x2, v2;
	_ =	sdelay $0x3  }
0x115: {  	[tilespmem:v39+s10+$0x0] =	vst.idx.msk $0xffff, v4  }
0x116: {  	v41 =	vor.u32 $0x2, v3;
	v4 =	vld.idx.msk [tilespmem:v40+s6+$0x0], $0xffff  }
0x117: {  	v42 =	vor.u32 $0x3, v2;
	_ =	sdelay $0x3  }
0x118: {  	[tilespmem:v41+s10+$0x0] =	vst.idx.msk $0xffff, v4  }
0x119: {  	v43 =	vor.u32 $0x3, v3;
	v4 =	vld.idx.msk [tilespmem:v42+s6+$0x0], $0xffff  }
0x11a: {  	v44 =	vor.u32 $0x4, v2;
	_ =	sdelay $0x3  }
0x11b: {  	[tilespmem:v43+s10+$0x0] =	vst.idx.msk $0xffff, v4  }
0x11c: {  	v45 =	vor.u32 $0x4, v3;
	v4 =	vld.idx.msk [tilespmem:v44+s6+$0x0], $0xffff  }
0x11d: {  	v46 =	vor.u32 $0x5, v2;
	_ =	sdelay $0x3  }
0x11e: {  	[tilespmem:v45+s10+$0x0] =	vst.idx.msk $0xffff, v4  }
0x11f: {  	v47 =	vor.u32 $0x5, v3;
	v4 =	vld.idx.msk [tilespmem:v46+s6+$0x0], $0xffff  }
0x120: {  	v48 =	vor.u32 $0x6, v2;
	_ =	sdelay $0x3  }
0x121: {  	[tilespmem:v47+s10+$0x0] =	vst.idx.msk $0xffff, v4  }
0x122: {  	v49 =	vor.u32 $0x6, v3;
	v4 =	vld.idx.msk [tilespmem:v48+s6+$0x0], $0xffff  }
0x123: {  	v2 =	vor.u32 $0x7, v2;
	_ =	sdelay $0x3  }
0x124: {  	[tilespmem:v49+s10+$0x0] =	vst.idx.msk $0xffff, v4  }
0x125: {  	v3 =	vor.u32 $0x7, v3;
	v2 =	vld.idx.msk [tilespmem:v2+s6+$0x0], $0xffff;
	_ =	sdelay $0x4  }
0x126: {  	[tilespmem:v3+s10+$0x0] =	vst.idx.msk $0xffff, v2  }
0x127: {  	v2 =	vld [tilespmem:s9+$0x20];
	_ =	sdelay $0x3  }
0x128: {  	s31 =	sadd.s32 $0x40, s11  }
0x129: {  	v3 =	vor.u32 s31, v0;
	v2 =	vshll.u32 v2, $0x3  }
0x12a: {  	vm15 =	vgt.u32 v3, $0xC7  }
0x12b: {  	v50 =	vsel vm15, $0x1FFFF38, v1  }
0x12c: {  	v3 =	vadd.s32 v3, v50  }
0x12d: {  	v51 =	vsel vm15, $0x6400, v1;
	v3 =	vshll.u32 v3, $0x7  }
0x12e: {  	v3 =	vadd.s32 v51, v3;
	v5 =	vld.idx.msk [tilespmem:v2+s6+$0x0], $0xffff  }
0x12f: {  	v52 =	vor.u32 $0x1, v2;
	_ =	sdelay $0x3  }
0x130: {  	[tilespmem:v3+s10+$0x0] =	vst.idx.msk $0xffff, v5  }
0x131: {  	v53 =	vor.u32 $0x1, v3;
	v4 =	vld.idx.msk [tilespmem:v52+s6+$0x0], $0xffff  }
0x132: {  	v54 =	vor.u32 $0x2, v2;
	_ =	sdelay $0x3  }
0x133: {  	[tilespmem:v53+s10+$0x0] =	vst.idx.msk $0xffff, v4  }
0x134: {  	v55 =	vor.u32 $0x2, v3;
	v4 =	vld.idx.msk [tilespmem:v54+s6+$0x0], $0xffff  }
0x135: {  	v56 =	vor.u32 $0x3, v2;
	_ =	sdelay $0x3  }
0x136: {  	[tilespmem:v55+s10+$0x0] =	vst.idx.msk $0xffff, v4  }
0x137: {  	v57 =	vor.u32 $0x3, v3;
	v4 =	vld.idx.msk [tilespmem:v56+s6+$0x0], $0xffff  }
0x138: {  	v58 =	vor.u32 $0x4, v2;
	_ =	sdelay $0x3  }
0x139: {  	[tilespmem:v57+s10+$0x0] =	vst.idx.msk $0xffff, v4  }
0x13a: {  	v59 =	vor.u32 $0x4, v3;
	v4 =	vld.idx.msk [tilespmem:v58+s6+$0x0], $0xffff  }
0x13b: {  	v60 =	vor.u32 $0x5, v2;
	_ =	sdelay $0x3  }
0x13c: {  	[tilespmem:v59+s10+$0x0] =	vst.idx.msk $0xffff, v4  }
0x13d: {  	v61 =	vor.u32 $0x5, v3;
	v4 =	vld.idx.msk [tilespmem:v60+s6+$0x0], $0xffff  }
0x13e: {  	v62 =	vor.u32 $0x6, v2;
	_ =	sdelay $0x3  }
0x13f: {  	[tilespmem:v61+s10+$0x0] =	vst.idx.msk $0xffff, v4  }
0x140: {  	v63 =	vor.u32 $0x6, v3;
	v4 =	vld.idx.msk [tilespmem:v62+s6+$0x0], $0xffff  }
0x141: {  	v2 =	vor.u32 $0x7, v2;
	_ =	sdelay $0x3  }
0x142: {  	s8 =	sadd.s32 $0x5, s8;
	[tilespmem:v63+s10+$0x0] =	vst.idx.msk $0xffff, v4  }
0x143: {  	p0 =	slt.u32 s8, $0x14;
	v3 =	vor.u32 $0x7, v3;
	v2 =	vld.idx.msk [tilespmem:v2+s6+$0x0], $0xffff  }
.Ltmp1:
0x144: {  	_ = 	snop;
	(pc) =	sbr.rel @p0 .LBB2_3-.Ltmp1, $2  }
0x145: {  	_ =	sdelay $0x2  }
0x146: {  	s11 =	sadd.s32 $0x50, s11;
	s9 =	sadd.s32 $0x50, s9;
	[tilespmem:v3+s10+$0x0] =	vst.idx.msk $0xffff, v2  }
0x147: {  	s5 =	smul.u32 $0xC80, s5;
	s6 =	simm.s32 $0xCF80;
	s31 =	sadd.s32 $0x96, s7  }
0x148: {  	s7 =	simm.s32 $0x580;
	s9 =	sor.u32 $0x6, s3;
	s10 =	simm.s32 $0x1  }
0x149: {  	s11 =	simm.s32 $0x3;
	s12 =	simm.s32 $0x780;
	s13 =	simm.s32 $0x380  }
0x14a: {  	s14 =	simm.s32 $0x4;
	s8 =	sadd.s32 s4, s5;
	s5 =	simm.s32 $0x0  }
0x14b: {  	[hbm4b:s8+s5] =	stream.linear.scatter [tilespmem:s6], [sflag:$0x2], $0xC800, $0x38;
	[tilespmem:$0x19780] =	vst v63  }
0x14c: {  	s15 =	simm.s32 $0x2;
	s16 =	simm.s32 $0x1;
	s8 =	sor.u32 $0x4, s3  }
0x14d: {  	v0 =	vlaneseq.u32;
	v1 =	vimm.s32 $0x0;
	[tilespmem:s7], [sflag:$0x4] =	stream.linear.gather [hbm4b:s31+s5], $0x190, $0x38;
	[tilespmem:$0x19780] =	vst v63  }
.LBB2_5:
0x14e: {  	_ =	swait.ge [sflag:s11], $0x190  }
0x14f: {  	[sflag:s11] =	ssyncset.done $0x0  }
0x150: {  	[sflag:s11] =	ssyncadd.s32 $0xFFFFFE70  }
0x151: {  	_ =	swait.ge [sflag:s10], $0xC800  }
0x152: {  	s17 =	simm.s32 $0xFFFFFFFB;
	[sflag:s10] =	ssyncset.done $0x0  }
0x153: {  	s18 =	simm.s32 $0x3A0;
	s19 =	simm.s32 $0x0;
	[sflag:s10] =	ssyncadd.s32 $0xFFFF3800  }
.LBB2_6:
0x154: {  	v2 =	vld [tilespmem:s18+$0xFFFFFFE0];
	_ =	sdelay $0x4  }
0x155: {  	v3 =	vor.u32 s19, v0;
	v2 =	vshll.u32 v2, $0x3  }
0x156: {  	vm0 =	vgt.u32 v3, $0xC7  }
0x157: {  	v4 =	vsel vm0, $0x1FFFF38, v1  }
0x158: {  	v3 =	vadd.s32 v3, v4  }
0x159: {  	v52 =	vsel vm0, $0x6400, v1;
	v3 =	vshll.u32 v3, $0x7  }
0x15a: {  	v3 =	vadd.s32 v52, v3;
	v5 =	vld.idx.msk [tilespmem:v2+s5+$0x0], $0xffff  }
0x15b: {  	v53 =	vor.u32 $0x1, v2;
	_ =	sdelay $0x3  }
0x15c: {  	[tilespmem:v3+s12+$0x0] =	vst.idx.msk $0xffff, v5  }
0x15d: {  	v54 =	vor.u32 $0x1, v3;
	v4 =	vld.idx.msk [tilespmem:v53+s5+$0x0], $0xffff  }
0x15e: {  	v6 =	vor.u32 $0x2, v2;
	_ =	sdelay $0x3  }
0x15f: {  	[tilespmem:v54+s12+$0x0] =	vst.idx.msk $0xffff, v4  }
0x160: {  	v55 =	vor.u32 $0x2, v3;
	v4 =	vld.idx.msk [tilespmem:v6+s5+$0x0], $0xffff  }
0x161: {  	v56 =	vor.u32 $0x3, v2;
	_ =	sdelay $0x3  }
0x162: {  	[tilespmem:v55+s12+$0x0] =	vst.idx.msk $0xffff, v4  }
0x163: {  	v57 =	vor.u32 $0x3, v3;
	v4 =	vld.idx.msk [tilespmem:v56+s5+$0x0], $0xffff  }
0x164: {  	v58 =	vor.u32 $0x4, v2;
	_ =	sdelay $0x3  }
0x165: {  	[tilespmem:v57+s12+$0x0] =	vst.idx.msk $0xffff, v4  }
0x166: {  	v59 =	vor.u32 $0x4, v3;
	v4 =	vld.idx.msk [tilespmem:v58+s5+$0x0], $0xffff  }
0x167: {  	v60 =	vor.u32 $0x5, v2;
	_ =	sdelay $0x3  }
0x168: {  	[tilespmem:v59+s12+$0x0] =	vst.idx.msk $0xffff, v4  }
0x169: {  	v61 =	vor.u32 $0x5, v3;
	v4 =	vld.idx.msk [tilespmem:v60+s5+$0x0], $0xffff  }
0x16a: {  	v62 =	vor.u32 $0x6, v2;
	_ =	sdelay $0x3  }
0x16b: {  	[tilespmem:v61+s12+$0x0] =	vst.idx.msk $0xffff, v4  }
0x16c: {  	v63 =	vor.u32 $0x6, v3;
	v4 =	vld.idx.msk [tilespmem:v62+s5+$0x0], $0xffff  }
0x16d: {  	v2 =	vor.u32 $0x7, v2;
	_ =	sdelay $0x3  }
0x16e: {  	[tilespmem:v63+s12+$0x0] =	vst.idx.msk $0xffff, v4  }
0x16f: {  	v3 =	vor.u32 $0x7, v3;
	v2 =	vld.idx.msk [tilespmem:v2+s5+$0x0], $0xffff;
	_ =	sdelay $0x4  }
0x170: {  	[tilespmem:v3+s12+$0x0] =	vst.idx.msk $0xffff, v2  }
0x171: {  	v2 =	vld [tilespmem:s18+$0xFFFFFFF0];
	_ =	sdelay $0x3  }
0x172: {  	s20 =	sadd.s32 $0x10, s19  }
0x173: {  	v3 =	vor.u32 s20, v0;
	v2 =	vshll.u32 v2, $0x3  }
0x174: {  	vm12 =	vgt.u32 v3, $0xC7  }
0x175: {  	v8 =	vsel vm12, $0x1FFFF38, v1  }
0x176: {  	v3 =	vadd.s32 v3, v8  }
0x177: {  	v9 =	vsel vm12, $0x6400, v1;
	v3 =	vshll.u32 v3, $0x7  }
0x178: {  	v3 =	vadd.s32 v9, v3;
	v5 =	vld.idx.msk [tilespmem:v2+s5+$0x0], $0xffff  }
0x179: {  	v10 =	vor.u32 $0x1, v2;
	_ =	sdelay $0x3  }
0x17a: {  	[tilespmem:v3+s12+$0x0] =	vst.idx.msk $0xffff, v5  }
0x17b: {  	v11 =	vor.u32 $0x1, v3;
	v4 =	vld.idx.msk [tilespmem:v10+s5+$0x0], $0xffff  }
0x17c: {  	v12 =	vor.u32 $0x2, v2;
	_ =	sdelay $0x3  }
0x17d: {  	[tilespmem:v11+s12+$0x0] =	vst.idx.msk $0xffff, v4  }
0x17e: {  	v13 =	vor.u32 $0x2, v3;
	v4 =	vld.idx.msk [tilespmem:v12+s5+$0x0], $0xffff  }
0x17f: {  	v14 =	vor.u32 $0x3, v2;
	_ =	sdelay $0x3  }
0x180: {  	[tilespmem:v13+s12+$0x0] =	vst.idx.msk $0xffff, v4  }
0x181: {  	v15 =	vor.u32 $0x3, v3;
	v4 =	vld.idx.msk [tilespmem:v14+s5+$0x0], $0xffff  }
0x182: {  	v16 =	vor.u32 $0x4, v2;
	_ =	sdelay $0x3  }
0x183: {  	[tilespmem:v15+s12+$0x0] =	vst.idx.msk $0xffff, v4  }
0x184: {  	v17 =	vor.u32 $0x4, v3;
	v4 =	vld.idx.msk [tilespmem:v16+s5+$0x0], $0xffff  }
0x185: {  	v18 =	vor.u32 $0x5, v2;
	_ =	sdelay $0x3  }
0x186: {  	[tilespmem:v17+s12+$0x0] =	vst.idx.msk $0xffff, v4  }
0x187: {  	v19 =	vor.u32 $0x5, v3;
	v4 =	vld.idx.msk [tilespmem:v18+s5+$0x0], $0xffff  }
0x188: {  	v20 =	vor.u32 $0x6, v2;
	_ =	sdelay $0x3  }
0x189: {  	[tilespmem:v19+s12+$0x0] =	vst.idx.msk $0xffff, v4  }
0x18a: {  	v21 =	vor.u32 $0x6, v3;
	v4 =	vld.idx.msk [tilespmem:v20+s5+$0x0], $0xffff  }
0x18b: {  	v2 =	vor.u32 $0x7, v2;
	_ =	sdelay $0x3  }
0x18c: {  	[tilespmem:v21+s12+$0x0] =	vst.idx.msk $0xffff, v4  }
0x18d: {  	v3 =	vor.u32 $0x7, v3;
	v2 =	vld.idx.msk [tilespmem:v2+s5+$0x0], $0xffff;
	_ =	sdelay $0x4  }
0x18e: {  	[tilespmem:v3+s12+$0x0] =	vst.idx.msk $0xffff, v2  }
0x18f: {  	v2 =	vld [tilespmem:s18+$0x0];
	_ =	sdelay $0x3  }
0x190: {  	s29 =	sadd.s32 $0x20, s19  }
0x191: {  	v3 =	vor.u32 s29, v0;
	v2 =	vshll.u32 v2, $0x3  }
0x192: {  	vm13 =	vgt.u32 v3, $0xC7  }
0x193: {  	v22 =	vsel vm13, $0x1FFFF38, v1  }
0x194: {  	v3 =	vadd.s32 v3, v22  }
0x195: {  	v23 =	vsel vm13, $0x6400, v1;
	v3 =	vshll.u32 v3, $0x7  }
0x196: {  	v3 =	vadd.s32 v23, v3;
	v5 =	vld.idx.msk [tilespmem:v2+s5+$0x0], $0xffff  }
0x197: {  	v24 =	vor.u32 $0x1, v2;
	_ =	sdelay $0x3  }
0x198: {  	[tilespmem:v3+s12+$0x0] =	vst.idx.msk $0xffff, v5  }
0x199: {  	v25 =	vor.u32 $0x1, v3;
	v4 =	vld.idx.msk [tilespmem:v24+s5+$0x0], $0xffff  }
0x19a: {  	v26 =	vor.u32 $0x2, v2;
	_ =	sdelay $0x3  }
0x19b: {  	[tilespmem:v25+s12+$0x0] =	vst.idx.msk $0xffff, v4  }
0x19c: {  	v27 =	vor.u32 $0x2, v3;
	v4 =	vld.idx.msk [tilespmem:v26+s5+$0x0], $0xffff  }
0x19d: {  	v28 =	vor.u32 $0x3, v2;
	_ =	sdelay $0x3  }
0x19e: {  	[tilespmem:v27+s12+$0x0] =	vst.idx.msk $0xffff, v4  }
0x19f: {  	v29 =	vor.u32 $0x3, v3;
	v4 =	vld.idx.msk [tilespmem:v28+s5+$0x0], $0xffff  }
0x1a0: {  	v30 =	vor.u32 $0x4, v2;
	_ =	sdelay $0x3  }
0x1a1: {  	[tilespmem:v29+s12+$0x0] =	vst.idx.msk $0xffff, v4  }
0x1a2: {  	v31 =	vor.u32 $0x4, v3;
	v4 =	vld.idx.msk [tilespmem:v30+s5+$0x0], $0xffff  }
0x1a3: {  	v32 =	vor.u32 $0x5, v2;
	_ =	sdelay $0x3  }
0x1a4: {  	[tilespmem:v31+s12+$0x0] =	vst.idx.msk $0xffff, v4  }
0x1a5: {  	v33 =	vor.u32 $0x5, v3;
	v4 =	vld.idx.msk [tilespmem:v32+s5+$0x0], $0xffff  }
0x1a6: {  	v34 =	vor.u32 $0x6, v2;
	_ =	sdelay $0x3  }
0x1a7: {  	[tilespmem:v33+s12+$0x0] =	vst.idx.msk $0xffff, v4  }
0x1a8: {  	v35 =	vor.u32 $0x6, v3;
	v4 =	vld.idx.msk [tilespmem:v34+s5+$0x0], $0xffff  }
0x1a9: {  	v2 =	vor.u32 $0x7, v2;
	_ =	sdelay $0x3  }
0x1aa: {  	[tilespmem:v35+s12+$0x0] =	vst.idx.msk $0xffff, v4  }
0x1ab: {  	v3 =	vor.u32 $0x7, v3;
	v2 =	vld.idx.msk [tilespmem:v2+s5+$0x0], $0xffff;
	_ =	sdelay $0x4  }
0x1ac: {  	[tilespmem:v3+s12+$0x0] =	vst.idx.msk $0xffff, v2  }
0x1ad: {  	v2 =	vld [tilespmem:s18+$0x10];
	_ =	sdelay $0x3  }
0x1ae: {  	s30 =	sadd.s32 $0x30, s19  }
0x1af: {  	v3 =	vor.u32 s30, v0;
	v2 =	vshll.u32 v2, $0x3  }
0x1b0: {  	vm14 =	vgt.u32 v3, $0xC7  }
0x1b1: {  	v36 =	vsel vm14, $0x1FFFF38, v1  }
0x1b2: {  	v3 =	vadd.s32 v3, v36  }
0x1b3: {  	v37 =	vsel vm14, $0x6400, v1;
	v3 =	vshll.u32 v3, $0x7  }
0x1b4: {  	v3 =	vadd.s32 v37, v3;
	v5 =	vld.idx.msk [tilespmem:v2+s5+$0x0], $0xffff  }
0x1b5: {  	v38 =	vor.u32 $0x1, v2;
	_ =	sdelay $0x3  }
0x1b6: {  	[tilespmem:v3+s12+$0x0] =	vst.idx.msk $0xffff, v5  }
0x1b7: {  	v39 =	vor.u32 $0x1, v3;
	v4 =	vld.idx.msk [tilespmem:v38+s5+$0x0], $0xffff  }
0x1b8: {  	v40 =	vor.u32 $0x2, v2;
	_ =	sdelay $0x3  }
0x1b9: {  	[tilespmem:v39+s12+$0x0] =	vst.idx.msk $0xffff, v4  }
0x1ba: {  	v41 =	vor.u32 $0x2, v3;
	v4 =	vld.idx.msk [tilespmem:v40+s5+$0x0], $0xffff  }
0x1bb: {  	v42 =	vor.u32 $0x3, v2;
	_ =	sdelay $0x3  }
0x1bc: {  	[tilespmem:v41+s12+$0x0] =	vst.idx.msk $0xffff, v4  }
0x1bd: {  	v43 =	vor.u32 $0x3, v3;
	v4 =	vld.idx.msk [tilespmem:v42+s5+$0x0], $0xffff  }
0x1be: {  	v44 =	vor.u32 $0x4, v2;
	_ =	sdelay $0x3  }
0x1bf: {  	[tilespmem:v43+s12+$0x0] =	vst.idx.msk $0xffff, v4  }
0x1c0: {  	v45 =	vor.u32 $0x4, v3;
	v4 =	vld.idx.msk [tilespmem:v44+s5+$0x0], $0xffff  }
0x1c1: {  	v46 =	vor.u32 $0x5, v2;
	_ =	sdelay $0x3  }
0x1c2: {  	[tilespmem:v45+s12+$0x0] =	vst.idx.msk $0xffff, v4  }
0x1c3: {  	v47 =	vor.u32 $0x5, v3;
	v4 =	vld.idx.msk [tilespmem:v46+s5+$0x0], $0xffff  }
0x1c4: {  	v48 =	vor.u32 $0x6, v2;
	_ =	sdelay $0x3  }
0x1c5: {  	[tilespmem:v47+s12+$0x0] =	vst.idx.msk $0xffff, v4  }
0x1c6: {  	v49 =	vor.u32 $0x6, v3;
	v4 =	vld.idx.msk [tilespmem:v48+s5+$0x0], $0xffff  }
0x1c7: {  	v2 =	vor.u32 $0x7, v2;
	_ =	sdelay $0x3  }
0x1c8: {  	[tilespmem:v49+s12+$0x0] =	vst.idx.msk $0xffff, v4  }
0x1c9: {  	v3 =	vor.u32 $0x7, v3;
	v2 =	vld.idx.msk [tilespmem:v2+s5+$0x0], $0xffff;
	_ =	sdelay $0x4  }
0x1ca: {  	[tilespmem:v3+s12+$0x0] =	vst.idx.msk $0xffff, v2  }
0x1cb: {  	v2 =	vld [tilespmem:s18+$0x20];
	_ =	sdelay $0x3  }
0x1cc: {  	s31 =	sadd.s32 $0x40, s19  }
0x1cd: {  	v3 =	vor.u32 s31, v0;
	v2 =	vshll.u32 v2, $0x3  }
0x1ce: {  	vm15 =	vgt.u32 v3, $0xC7  }
0x1cf: {  	v50 =	vsel vm15, $0x1FFFF38, v1  }
0x1d0: {  	v3 =	vadd.s32 v3, v50  }
0x1d1: {  	v51 =	vsel vm15, $0x6400, v1;
	v3 =	vshll.u32 v3, $0x7  }
0x1d2: {  	v3 =	vadd.s32 v51, v3;
	v5 =	vld.idx.msk [tilespmem:v2+s5+$0x0], $0xffff  }
0x1d3: {  	v52 =	vor.u32 $0x1, v2;
	_ =	sdelay $0x3  }
0x1d4: {  	[tilespmem:v3+s12+$0x0] =	vst.idx.msk $0xffff, v5  }
0x1d5: {  	v53 =	vor.u32 $0x1, v3;
	v4 =	vld.idx.msk [tilespmem:v52+s5+$0x0], $0xffff  }
0x1d6: {  	v54 =	vor.u32 $0x2, v2;
	_ =	sdelay $0x3  }
0x1d7: {  	[tilespmem:v53+s12+$0x0] =	vst.idx.msk $0xffff, v4  }
0x1d8: {  	v55 =	vor.u32 $0x2, v3;
	v4 =	vld.idx.msk [tilespmem:v54+s5+$0x0], $0xffff  }
0x1d9: {  	v56 =	vor.u32 $0x3, v2;
	_ =	sdelay $0x3  }
0x1da: {  	[tilespmem:v55+s12+$0x0] =	vst.idx.msk $0xffff, v4  }
0x1db: {  	v57 =	vor.u32 $0x3, v3;
	v4 =	vld.idx.msk [tilespmem:v56+s5+$0x0], $0xffff  }
0x1dc: {  	v58 =	vor.u32 $0x4, v2;
	_ =	sdelay $0x3  }
0x1dd: {  	[tilespmem:v57+s12+$0x0] =	vst.idx.msk $0xffff, v4  }
0x1de: {  	v59 =	vor.u32 $0x4, v3;
	v4 =	vld.idx.msk [tilespmem:v58+s5+$0x0], $0xffff  }
0x1df: {  	v60 =	vor.u32 $0x5, v2;
	_ =	sdelay $0x3  }
0x1e0: {  	[tilespmem:v59+s12+$0x0] =	vst.idx.msk $0xffff, v4  }
0x1e1: {  	v61 =	vor.u32 $0x5, v3;
	v4 =	vld.idx.msk [tilespmem:v60+s5+$0x0], $0xffff  }
0x1e2: {  	v62 =	vor.u32 $0x6, v2;
	_ =	sdelay $0x3  }
0x1e3: {  	[tilespmem:v61+s12+$0x0] =	vst.idx.msk $0xffff, v4  }
0x1e4: {  	v63 =	vor.u32 $0x6, v3;
	v4 =	vld.idx.msk [tilespmem:v62+s5+$0x0], $0xffff  }
0x1e5: {  	v2 =	vor.u32 $0x7, v2;
	_ =	sdelay $0x3  }
0x1e6: {  	s17 =	sadd.s32 $0x5, s17;
	[tilespmem:v63+s12+$0x0] =	vst.idx.msk $0xffff, v4  }
0x1e7: {  	p0 =	slt.u32 s17, $0x14;
	v3 =	vor.u32 $0x7, v3;
	v2 =	vld.idx.msk [tilespmem:v2+s5+$0x0], $0xffff  }
.Ltmp2:
0x1e8: {  	_ = 	snop;
	(pc) =	sbr.rel @p0 .LBB2_6-.Ltmp2, $2  }
0x1e9: {  	_ =	sdelay $0x2  }
0x1ea: {  	s19 =	sadd.s32 $0x50, s19;
	s18 =	sadd.s32 $0x50, s18;
	[tilespmem:v3+s12+$0x0] =	vst.idx.msk $0xffff, v2  }
0x1eb: {  	s18 =	sshll.u32 s16, $0x1;
	s17 =	sshll.u32 s16, $0x2  }
0x1ec: {  	s19 =	sadd.s32 s3, s17;
	s18 =	smin.u32 s18, $0xFC  }
0x1ed: {  	s19 =	smul.u32 $0xC80, s19;
	s18 =	sshll.u32 s18, $0x1  }
0x1ee: {  	s20 =	sadd.s32 s18, s8  }
0x1ef: {  	s21 =	sadd.s32 s4, s19;
	s19 =	simm.s32 $0x0;
	s20 =	smul.u32 $0x19, s20  }
0x1f0: {  	[hbm4b:s21+s19] =	stream.linear.scatter [tilespmem:s12], [sflag:$0x1], $0xC800, $0x38;
	[tilespmem:$0x19780] =	vst v63  }
0x1f1: {  	s20 =	sadd.s32 s2, s20  }
0x1f2: {  	[tilespmem:s13], [sflag:$0x3] =	stream.linear.gather [hbm4b:s20+s19], $0x190, $0x38;
	[tilespmem:$0x19780] =	vst v63  }
0x1f3: {  	_ =	swait.ge [sflag:s14], $0x190  }
0x1f4: {  	[sflag:s14] =	ssyncset.done $0x0  }
0x1f5: {  	[sflag:s14] =	ssyncadd.s32 $0xFFFFFE70  }
0x1f6: {  	_ =	swait.ge [sflag:s15], $0xC800  }
0x1f7: {  	[sflag:s15] =	ssyncset.done $0x0  }
0x1f8: {  	s21 =	simm.s32 $0x5A0;
	s20 =	simm.s32 $0xFFFFFFFB;
	[sflag:s15] =	ssyncadd.s32 $0xFFFF3800  }
.LBB2_8:
0x1f9: {  	v2 =	vld [tilespmem:s21+$0xFFFFFFE0];
	_ =	sdelay $0x4  }
0x1fa: {  	v3 =	vor.u32 s19, v0;
	v2 =	vshll.u32 v2, $0x3  }
0x1fb: {  	vm0 =	vgt.u32 v3, $0xC7  }
0x1fc: {  	v4 =	vsel vm0, $0x1FFFF38, v1  }
0x1fd: {  	v3 =	vadd.s32 v3, v4  }
0x1fe: {  	v52 =	vsel vm0, $0x6400, v1;
	v3 =	vshll.u32 v3, $0x7  }
0x1ff: {  	v3 =	vadd.s32 v52, v3;
	v5 =	vld.idx.msk [tilespmem:v2+s5+$0x0], $0xffff  }
0x200: {  	v53 =	vor.u32 $0x1, v2;
	_ =	sdelay $0x3  }
0x201: {  	[tilespmem:v3+s6+$0x0] =	vst.idx.msk $0xffff, v5  }
0x202: {  	v54 =	vor.u32 $0x1, v3;
	v4 =	vld.idx.msk [tilespmem:v53+s5+$0x0], $0xffff  }
0x203: {  	v6 =	vor.u32 $0x2, v2;
	_ =	sdelay $0x3  }
0x204: {  	[tilespmem:v54+s6+$0x0] =	vst.idx.msk $0xffff, v4  }
0x205: {  	v55 =	vor.u32 $0x2, v3;
	v4 =	vld.idx.msk [tilespmem:v6+s5+$0x0], $0xffff  }
0x206: {  	v56 =	vor.u32 $0x3, v2;
	_ =	sdelay $0x3  }
0x207: {  	[tilespmem:v55+s6+$0x0] =	vst.idx.msk $0xffff, v4  }
0x208: {  	v57 =	vor.u32 $0x3, v3;
	v4 =	vld.idx.msk [tilespmem:v56+s5+$0x0], $0xffff  }
0x209: {  	v58 =	vor.u32 $0x4, v2;
	_ =	sdelay $0x3  }
0x20a: {  	[tilespmem:v57+s6+$0x0] =	vst.idx.msk $0xffff, v4  }
0x20b: {  	v59 =	vor.u32 $0x4, v3;
	v4 =	vld.idx.msk [tilespmem:v58+s5+$0x0], $0xffff  }
0x20c: {  	v60 =	vor.u32 $0x5, v2;
	_ =	sdelay $0x3  }
0x20d: {  	[tilespmem:v59+s6+$0x0] =	vst.idx.msk $0xffff, v4  }
0x20e: {  	v61 =	vor.u32 $0x5, v3;
	v4 =	vld.idx.msk [tilespmem:v60+s5+$0x0], $0xffff  }
0x20f: {  	v62 =	vor.u32 $0x6, v2;
	_ =	sdelay $0x3  }
0x210: {  	[tilespmem:v61+s6+$0x0] =	vst.idx.msk $0xffff, v4  }
0x211: {  	v63 =	vor.u32 $0x6, v3;
	v4 =	vld.idx.msk [tilespmem:v62+s5+$0x0], $0xffff  }
0x212: {  	v2 =	vor.u32 $0x7, v2;
	_ =	sdelay $0x3  }
0x213: {  	[tilespmem:v63+s6+$0x0] =	vst.idx.msk $0xffff, v4  }
0x214: {  	v3 =	vor.u32 $0x7, v3;
	v2 =	vld.idx.msk [tilespmem:v2+s5+$0x0], $0xffff;
	_ =	sdelay $0x4  }
0x215: {  	[tilespmem:v3+s6+$0x0] =	vst.idx.msk $0xffff, v2  }
0x216: {  	v2 =	vld [tilespmem:s21+$0xFFFFFFF0];
	_ =	sdelay $0x3  }
0x217: {  	s22 =	sadd.s32 $0x10, s19  }
0x218: {  	v3 =	vor.u32 s22, v0;
	v2 =	vshll.u32 v2, $0x3  }
0x219: {  	vm12 =	vgt.u32 v3, $0xC7  }
0x21a: {  	v8 =	vsel vm12, $0x1FFFF38, v1  }
0x21b: {  	v3 =	vadd.s32 v3, v8  }
0x21c: {  	v9 =	vsel vm12, $0x6400, v1;
	v3 =	vshll.u32 v3, $0x7  }
0x21d: {  	v3 =	vadd.s32 v9, v3;
	v5 =	vld.idx.msk [tilespmem:v2+s5+$0x0], $0xffff  }
0x21e: {  	v10 =	vor.u32 $0x1, v2;
	_ =	sdelay $0x3  }
0x21f: {  	[tilespmem:v3+s6+$0x0] =	vst.idx.msk $0xffff, v5  }
0x220: {  	v11 =	vor.u32 $0x1, v3;
	v4 =	vld.idx.msk [tilespmem:v10+s5+$0x0], $0xffff  }
0x221: {  	v12 =	vor.u32 $0x2, v2;
	_ =	sdelay $0x3  }
0x222: {  	[tilespmem:v11+s6+$0x0] =	vst.idx.msk $0xffff, v4  }
0x223: {  	v13 =	vor.u32 $0x2, v3;
	v4 =	vld.idx.msk [tilespmem:v12+s5+$0x0], $0xffff  }
0x224: {  	v14 =	vor.u32 $0x3, v2;
	_ =	sdelay $0x3  }
0x225: {  	[tilespmem:v13+s6+$0x0] =	vst.idx.msk $0xffff, v4  }
0x226: {  	v15 =	vor.u32 $0x3, v3;
	v4 =	vld.idx.msk [tilespmem:v14+s5+$0x0], $0xffff  }
0x227: {  	v16 =	vor.u32 $0x4, v2;
	_ =	sdelay $0x3  }
0x228: {  	[tilespmem:v15+s6+$0x0] =	vst.idx.msk $0xffff, v4  }
0x229: {  	v17 =	vor.u32 $0x4, v3;
	v4 =	vld.idx.msk [tilespmem:v16+s5+$0x0], $0xffff  }
0x22a: {  	v18 =	vor.u32 $0x5, v2;
	_ =	sdelay $0x3  }
0x22b: {  	[tilespmem:v17+s6+$0x0] =	vst.idx.msk $0xffff, v4  }
0x22c: {  	v19 =	vor.u32 $0x5, v3;
	v4 =	vld.idx.msk [tilespmem:v18+s5+$0x0], $0xffff  }
0x22d: {  	v20 =	vor.u32 $0x6, v2;
	_ =	sdelay $0x3  }
0x22e: {  	[tilespmem:v19+s6+$0x0] =	vst.idx.msk $0xffff, v4  }
0x22f: {  	v21 =	vor.u32 $0x6, v3;
	v4 =	vld.idx.msk [tilespmem:v20+s5+$0x0], $0xffff  }
0x230: {  	v2 =	vor.u32 $0x7, v2;
	_ =	sdelay $0x3  }
0x231: {  	[tilespmem:v21+s6+$0x0] =	vst.idx.msk $0xffff, v4  }
0x232: {  	v3 =	vor.u32 $0x7, v3;
	v2 =	vld.idx.msk [tilespmem:v2+s5+$0x0], $0xffff;
	_ =	sdelay $0x4  }
0x233: {  	[tilespmem:v3+s6+$0x0] =	vst.idx.msk $0xffff, v2  }
0x234: {  	v2 =	vld [tilespmem:s21+$0x0];
	_ =	sdelay $0x3  }
0x235: {  	s29 =	sadd.s32 $0x20, s19  }
0x236: {  	v3 =	vor.u32 s29, v0;
	v2 =	vshll.u32 v2, $0x3  }
0x237: {  	vm13 =	vgt.u32 v3, $0xC7  }
0x238: {  	v22 =	vsel vm13, $0x1FFFF38, v1  }
0x239: {  	v3 =	vadd.s32 v3, v22  }
0x23a: {  	v23 =	vsel vm13, $0x6400, v1;
	v3 =	vshll.u32 v3, $0x7  }
0x23b: {  	v3 =	vadd.s32 v23, v3;
	v5 =	vld.idx.msk [tilespmem:v2+s5+$0x0], $0xffff  }
0x23c: {  	v24 =	vor.u32 $0x1, v2;
	_ =	sdelay $0x3  }
0x23d: {  	[tilespmem:v3+s6+$0x0] =	vst.idx.msk $0xffff, v5  }
0x23e: {  	v25 =	vor.u32 $0x1, v3;
	v4 =	vld.idx.msk [tilespmem:v24+s5+$0x0], $0xffff  }
0x23f: {  	v26 =	vor.u32 $0x2, v2;
	_ =	sdelay $0x3  }
0x240: {  	[tilespmem:v25+s6+$0x0] =	vst.idx.msk $0xffff, v4  }
0x241: {  	v27 =	vor.u32 $0x2, v3;
	v4 =	vld.idx.msk [tilespmem:v26+s5+$0x0], $0xffff  }
0x242: {  	v28 =	vor.u32 $0x3, v2;
	_ =	sdelay $0x3  }
0x243: {  	[tilespmem:v27+s6+$0x0] =	vst.idx.msk $0xffff, v4  }
0x244: {  	v29 =	vor.u32 $0x3, v3;
	v4 =	vld.idx.msk [tilespmem:v28+s5+$0x0], $0xffff  }
0x245: {  	v30 =	vor.u32 $0x4, v2;
	_ =	sdelay $0x3  }
0x246: {  	[tilespmem:v29+s6+$0x0] =	vst.idx.msk $0xffff, v4  }
0x247: {  	v31 =	vor.u32 $0x4, v3;
	v4 =	vld.idx.msk [tilespmem:v30+s5+$0x0], $0xffff  }
0x248: {  	v32 =	vor.u32 $0x5, v2;
	_ =	sdelay $0x3  }
0x249: {  	[tilespmem:v31+s6+$0x0] =	vst.idx.msk $0xffff, v4  }
0x24a: {  	v33 =	vor.u32 $0x5, v3;
	v4 =	vld.idx.msk [tilespmem:v32+s5+$0x0], $0xffff  }
0x24b: {  	v34 =	vor.u32 $0x6, v2;
	_ =	sdelay $0x3  }
0x24c: {  	[tilespmem:v33+s6+$0x0] =	vst.idx.msk $0xffff, v4  }
0x24d: {  	v35 =	vor.u32 $0x6, v3;
	v4 =	vld.idx.msk [tilespmem:v34+s5+$0x0], $0xffff  }
0x24e: {  	v2 =	vor.u32 $0x7, v2;
	_ =	sdelay $0x3  }
0x24f: {  	[tilespmem:v35+s6+$0x0] =	vst.idx.msk $0xffff, v4  }
0x250: {  	v3 =	vor.u32 $0x7, v3;
	v2 =	vld.idx.msk [tilespmem:v2+s5+$0x0], $0xffff;
	_ =	sdelay $0x4  }
0x251: {  	[tilespmem:v3+s6+$0x0] =	vst.idx.msk $0xffff, v2  }
0x252: {  	v2 =	vld [tilespmem:s21+$0x10];
	_ =	sdelay $0x3  }
0x253: {  	s30 =	sadd.s32 $0x30, s19  }
0x254: {  	v3 =	vor.u32 s30, v0;
	v2 =	vshll.u32 v2, $0x3  }
0x255: {  	vm14 =	vgt.u32 v3, $0xC7  }
0x256: {  	v36 =	vsel vm14, $0x1FFFF38, v1  }
0x257: {  	v3 =	vadd.s32 v3, v36  }
0x258: {  	v37 =	vsel vm14, $0x6400, v1;
	v3 =	vshll.u32 v3, $0x7  }
0x259: {  	v3 =	vadd.s32 v37, v3;
	v5 =	vld.idx.msk [tilespmem:v2+s5+$0x0], $0xffff  }
0x25a: {  	v38 =	vor.u32 $0x1, v2;
	_ =	sdelay $0x3  }
0x25b: {  	[tilespmem:v3+s6+$0x0] =	vst.idx.msk $0xffff, v5  }
0x25c: {  	v39 =	vor.u32 $0x1, v3;
	v4 =	vld.idx.msk [tilespmem:v38+s5+$0x0], $0xffff  }
0x25d: {  	v40 =	vor.u32 $0x2, v2;
	_ =	sdelay $0x3  }
0x25e: {  	[tilespmem:v39+s6+$0x0] =	vst.idx.msk $0xffff, v4  }
0x25f: {  	v41 =	vor.u32 $0x2, v3;
	v4 =	vld.idx.msk [tilespmem:v40+s5+$0x0], $0xffff  }
0x260: {  	v42 =	vor.u32 $0x3, v2;
	_ =	sdelay $0x3  }
0x261: {  	[tilespmem:v41+s6+$0x0] =	vst.idx.msk $0xffff, v4  }
0x262: {  	v43 =	vor.u32 $0x3, v3;
	v4 =	vld.idx.msk [tilespmem:v42+s5+$0x0], $0xffff  }
0x263: {  	v44 =	vor.u32 $0x4, v2;
	_ =	sdelay $0x3  }
0x264: {  	[tilespmem:v43+s6+$0x0] =	vst.idx.msk $0xffff, v4  }
0x265: {  	v45 =	vor.u32 $0x4, v3;
	v4 =	vld.idx.msk [tilespmem:v44+s5+$0x0], $0xffff  }
0x266: {  	v46 =	vor.u32 $0x5, v2;
	_ =	sdelay $0x3  }
0x267: {  	[tilespmem:v45+s6+$0x0] =	vst.idx.msk $0xffff, v4  }
0x268: {  	v47 =	vor.u32 $0x5, v3;
	v4 =	vld.idx.msk [tilespmem:v46+s5+$0x0], $0xffff  }
0x269: {  	v48 =	vor.u32 $0x6, v2;
	_ =	sdelay $0x3  }
0x26a: {  	[tilespmem:v47+s6+$0x0] =	vst.idx.msk $0xffff, v4  }
0x26b: {  	v49 =	vor.u32 $0x6, v3;
	v4 =	vld.idx.msk [tilespmem:v48+s5+$0x0], $0xffff  }
0x26c: {  	v2 =	vor.u32 $0x7, v2;
	_ =	sdelay $0x3  }
0x26d: {  	[tilespmem:v49+s6+$0x0] =	vst.idx.msk $0xffff, v4  }
0x26e: {  	v3 =	vor.u32 $0x7, v3;
	v2 =	vld.idx.msk [tilespmem:v2+s5+$0x0], $0xffff;
	_ =	sdelay $0x4  }
0x26f: {  	[tilespmem:v3+s6+$0x0] =	vst.idx.msk $0xffff, v2  }
0x270: {  	v2 =	vld [tilespmem:s21+$0x20];
	_ =	sdelay $0x3  }
0x271: {  	s31 =	sadd.s32 $0x40, s19  }
0x272: {  	v3 =	vor.u32 s31, v0;
	v2 =	vshll.u32 v2, $0x3  }
0x273: {  	vm15 =	vgt.u32 v3, $0xC7  }
0x274: {  	v50 =	vsel vm15, $0x1FFFF38, v1  }
0x275: {  	v3 =	vadd.s32 v3, v50  }
0x276: {  	v51 =	vsel vm15, $0x6400, v1;
	v3 =	vshll.u32 v3, $0x7  }
0x277: {  	v3 =	vadd.s32 v51, v3;
	v5 =	vld.idx.msk [tilespmem:v2+s5+$0x0], $0xffff  }
0x278: {  	v52 =	vor.u32 $0x1, v2;
	_ =	sdelay $0x3  }
0x279: {  	[tilespmem:v3+s6+$0x0] =	vst.idx.msk $0xffff, v5  }
0x27a: {  	v53 =	vor.u32 $0x1, v3;
	v4 =	vld.idx.msk [tilespmem:v52+s5+$0x0], $0xffff  }
0x27b: {  	v54 =	vor.u32 $0x2, v2;
	_ =	sdelay $0x3  }
0x27c: {  	[tilespmem:v53+s6+$0x0] =	vst.idx.msk $0xffff, v4  }
0x27d: {  	v55 =	vor.u32 $0x2, v3;
	v4 =	vld.idx.msk [tilespmem:v54+s5+$0x0], $0xffff  }
0x27e: {  	v56 =	vor.u32 $0x3, v2;
	_ =	sdelay $0x3  }
0x27f: {  	[tilespmem:v55+s6+$0x0] =	vst.idx.msk $0xffff, v4  }
0x280: {  	v57 =	vor.u32 $0x3, v3;
	v4 =	vld.idx.msk [tilespmem:v56+s5+$0x0], $0xffff  }
0x281: {  	v58 =	vor.u32 $0x4, v2;
	_ =	sdelay $0x3  }
0x282: {  	[tilespmem:v57+s6+$0x0] =	vst.idx.msk $0xffff, v4  }
0x283: {  	v59 =	vor.u32 $0x4, v3;
	v4 =	vld.idx.msk [tilespmem:v58+s5+$0x0], $0xffff  }
0x284: {  	v60 =	vor.u32 $0x5, v2;
	_ =	sdelay $0x3  }
0x285: {  	[tilespmem:v59+s6+$0x0] =	vst.idx.msk $0xffff, v4  }
0x286: {  	v61 =	vor.u32 $0x5, v3;
	v4 =	vld.idx.msk [tilespmem:v60+s5+$0x0], $0xffff  }
0x287: {  	v62 =	vor.u32 $0x6, v2;
	_ =	sdelay $0x3  }
0x288: {  	[tilespmem:v61+s6+$0x0] =	vst.idx.msk $0xffff, v4  }
0x289: {  	v63 =	vor.u32 $0x6, v3;
	v4 =	vld.idx.msk [tilespmem:v62+s5+$0x0], $0xffff  }
0x28a: {  	v2 =	vor.u32 $0x7, v2;
	_ =	sdelay $0x3  }
0x28b: {  	s20 =	sadd.s32 $0x5, s20;
	[tilespmem:v63+s6+$0x0] =	vst.idx.msk $0xffff, v4  }
0x28c: {  	p0 =	slt.u32 s20, $0x14;
	v3 =	vor.u32 $0x7, v3;
	v2 =	vld.idx.msk [tilespmem:v2+s5+$0x0], $0xffff  }
.Ltmp3:
0x28d: {  	_ = 	snop;
	(pc) =	sbr.rel @p0 .LBB2_8-.Ltmp3, $2  }
0x28e: {  	_ =	sdelay $0x2  }
0x28f: {  	s19 =	sadd.s32 $0x50, s19;
	s21 =	sadd.s32 $0x50, s21;
	[tilespmem:v3+s6+$0x0] =	vst.idx.msk $0xffff, v2  }
0x290: {  	s17 =	sadd.s32 s17, s3  }
0x291: {  	s16 =	sadd.s32 $0x1, s16;
	s17 =	smul.u32 $0xC80, s17  }
0x292: {  	p0 =	sne.s32 s16, $0x80  }
.Ltmp4:
0x293: {  	s18 =	sadd.s32 s18, s9;
	s17 =	sadd.s32 s4, s17;
	(pc) =	sbr.rel @p0 .LBB2_5-.Ltmp4, $4  }
0x294: {  	s18 =	smul.u32 $0x19, s18;
	s17 =	sadd.s32 $0x1900, s17  }
0x295: {  	[hbm4b:s17+s5] =	stream.linear.scatter [tilespmem:s6], [sflag:$0x2], $0xC800, $0x38;
	[tilespmem:$0x19780] =	vst v63  }
0x296: {  	s31 =	sadd.s32 s2, s18  }
0x297: {  	[tilespmem:s7], [sflag:$0x4] =	stream.linear.gather [hbm4b:s31+s5], $0x190, $0x38;
	[tilespmem:$0x19780] =	vst v63  }
0x298: {  	s2 =	simm.s32 $0x1  }
0x299: {  	_ =	swait.ge [sflag:s2], $0xC800  }
0x29a: {  	[sflag:s2] =	ssyncset.done $0x0  }
0x29b: {  	s29 =	simm.s32 $0x3;
	[sflag:s2] =	ssyncadd.s32 $0xFFFF3800  }
0x29c: {  	_ =	swait.ge [sflag:s29], $0x190  }
0x29d: {  	[sflag:s29] =	ssyncset.done $0x0  }
0x29e: {  	s30 =	simm.s32 $0x2;
	[sflag:s29] =	ssyncadd.s32 $0xFFFFFE70  }
0x29f: {  	_ =	swait.ge [sflag:s30], $0xC800  }
0x2a0: {  	[sflag:s30] =	ssyncset.done $0x0  }
0x2a1: {  	s31 =	simm.s32 $0x4;
	[sflag:s30] =	ssyncadd.s32 $0xFFFF3800  }
0x2a2: {  	_ =	swait.ge [sflag:s31], $0x190  }
0x2a3: {  	[sflag:s31] =	ssyncset.done $0x0  }
0x2a4: {  	[sflag:s31] =	ssyncadd.s32 $0xFFFFFE70  }
0x2a5: {  	_ =	sfence.sel $0x180000  }
0x2a6: {  	[bflag:$0x0] =	sbarrier.arrive $0xFFFF  }
0x2a7: {  	p0 =	sne.s32 s1, $0x0;
	_ =	strace $0x90000047  }
0x2a8: {  	s0 =	sadd.s32 @!p0 $0x100000, s0;
	[bflag:$0x2] =	sbarrier.arrive $0xFFFF  }
0x2a9: {  	[sflag:s0] =	ssyncadd.tile.s32 @!p0 $0x1;
	_ =	shalt  }
.Lfunc_end2:
_tile_overlayer_lowered:
.L_overlay_start_2:
0x2aa: {  	(tag) =	ssettag $0x2  }
0x2ab: {  	s0 =	rddreg [dreg:$0x0];
	s2 =	stileid.u32  }
0x2ac: {  	s1 =	rddreg [dreg:$0x1];
	p0 =	sne.s32 s2, $0x0  }
0x2ad: {  	s3 =	rddreg [dreg:$0x2];
	[bflag:$0x3] =	sbarrier.arrive $0xFFFF;
	s2 =	simm.s32 @!p0 $0x1C05  }
0x2ae: {  	[timem:s3], [sflag:s2] =	dma.local @!p0 [hbm:s0], s1  }
0x2af: {  	s0 =	simm.s32 @!p0 $0x5  }
0x2b0: {  	_ =	swait.ge @!p0 [sflag:s0], s1  }
0x2b1: {  	s1 =	ssub.s32 @!p0 $0x0, s1;
	[sflag:s0] =	ssyncset.done @!p0 $0x0  }
0x2b2: {  	[sflag:s0] =	ssyncadd.s32 @!p0 s1  }
0x2b3: {  	[bflag:$0x3] =	sbarrier.arrive $0xFFFF  }
0x2b4: {  	_ =	shalt  }

</sc_bundles>
